<compile_context>
chip_gen: v7x
topology: tpu7x:2x2x1
jax: 0.10.2.dev20260603
libtpu: 0.0.44.dev20260713+nightly
codegen_flags: <defaults>
</compile_context>

<pallas_src>
import functools
import jax
import jax.numpy as jnp
from jax import lax
from jax.experimental import pallas as pl
from jax.experimental.pallas import tpu as pltpu
from jax.experimental.pallas import tpu_sc as plsc

N = 10000
E = 320000
IN_CH = 128
OUT_CH = 4
HID = 2 * OUT_CH

NC = 2
NS = 16
NW = NC * NS
EPW = E // NW
B = 1000
J = EPW // B
PAD_N = 10112
RPT = PAD_N // NS

_mesh = lambda: plsc.VectorSubcoreMesh(core_axis_name="c", subcore_axis_name="s")


def _load_indices(edge_hbm, e0, src_v, dst_v, sem):
    for j in range(J):
        pltpu.async_copy(edge_hbm.at[0, pl.ds(e0 + j * B, B)], src_v.at[j], sem)
        pltpu.async_copy(edge_hbm.at[1, pl.ds(e0 + j * B, B)], dst_v.at[j], sem)
    for j in range(J):
        pltpu.make_async_copy(edge_hbm.at[0, pl.ds(e0, B)], src_v.at[j], sem).wait()
        pltpu.make_async_copy(edge_hbm.at[0, pl.ds(e0, B)], dst_v.at[j], sem).wait()


def _make_deg_pass():

    @functools.partial(
        pl.kernel,
        out_type=jax.ShapeDtypeStruct((NC, PAD_N, HID), jnp.float32),
        mesh=_mesh(),
        compiler_params=pltpu.CompilerParams(use_tc_tiling_on_sc=False),
        scratch_types=[
            pltpu.VMEM((J, B), jnp.int32),
            pltpu.VMEM((J, B), jnp.int32),
            pltpu.VMEM((B, HID), jnp.float32),
            pltpu.VMEM_SHARED((PAD_N, HID), jnp.float32),
            pltpu.SemaphoreType.DMA,
        ],
    )
    def deg_pass(edge_hbm, ones_hbm, zero_hbm, out_hbm,
                 src_v, dst_v, ones_v, acc_sh, sem):
        cid = lax.axis_index("c")
        sid = lax.axis_index("s")
        wid = sid * NC + cid
        row0 = sid * RPT

        pltpu.sync_copy(zero_hbm.at[pl.ds(row0, RPT)],
                        acc_sh.at[pl.ds(row0, RPT)])
        _load_indices(edge_hbm, wid * EPW, src_v, dst_v, sem)
        pltpu.sync_copy(ones_hbm, ones_v)
        plsc.subcore_barrier()

        def body(j, carry):
            pltpu.sync_copy(ones_v, acc_sh.at[dst_v.at[j]], add=True)
            return carry

        lax.fori_loop(0, J, body, 0)
        plsc.subcore_barrier()
        pltpu.sync_copy(acc_sh.at[pl.ds(row0, RPT)],
                        out_hbm.at[cid, pl.ds(row0, RPT)])

    return deg_pass


def _make_edge_pass(C):

    @functools.partial(
        pl.kernel,
        out_type=jax.ShapeDtypeStruct((NC, PAD_N, C), jnp.float32),
        mesh=_mesh(),
        compiler_params=pltpu.CompilerParams(use_tc_tiling_on_sc=False),
        scratch_types=[
            pltpu.VMEM((J, B), jnp.int32),
            pltpu.VMEM((J, B), jnp.int32),
            pltpu.VMEM((B, C), jnp.float32),
            pltpu.VMEM((B, C), jnp.float32),
            pltpu.VMEM_SHARED((PAD_N, C), jnp.float32),
            pltpu.SemaphoreType.DMA,
            pltpu.SemaphoreType.DMA,
            pltpu.SemaphoreType.DMA,
        ],
    )
    def edge_pass(g_hbm, edge_hbm, zero_hbm, out_hbm,
                  src_v, dst_v, msg0, msg1, acc_sh, sem0, sem1, semi):
        cid = lax.axis_index("c")
        sid = lax.axis_index("s")
        wid = sid * NC + cid
        row0 = sid * RPT

        pltpu.sync_copy(zero_hbm.at[pl.ds(row0, RPT)],
                        acc_sh.at[pl.ds(row0, RPT)])
        _load_indices(edge_hbm, wid * EPW, src_v, dst_v, semi)
        plsc.subcore_barrier()

        pltpu.async_copy(g_hbm.at[src_v.at[0]], msg0, sem0)

        def body(k, carry):
            j0 = 2 * k
            pltpu.async_copy(g_hbm.at[src_v.at[j0 + 1]], msg1, sem1)
            pltpu.make_async_copy(g_hbm.at[src_v.at[j0]], msg0, sem0).wait()
            pltpu.sync_copy(msg0, acc_sh.at[dst_v.at[j0]], add=True)

            @pl.when(j0 + 2 < J)
            def _():
                pltpu.async_copy(g_hbm.at[src_v.at[j0 + 2]], msg0, sem0)

            pltpu.make_async_copy(g_hbm.at[src_v.at[j0 + 1]], msg1,
                                  sem1).wait()
            pltpu.sync_copy(msg1, acc_sh.at[dst_v.at[j0 + 1]], add=True)
            return carry

        lax.fori_loop(0, J // 2, body, 0)
        plsc.subcore_barrier()
        pltpu.sync_copy(acc_sh.at[pl.ds(row0, RPT)],
                        out_hbm.at[cid, pl.ds(row0, RPT)])

    return edge_pass


_deg_pass = _make_deg_pass()
_edge_pass_h = _make_edge_pass(HID)


NV = N * HID // 128
NVP = PAD_N * HID // 128


def _tc1(x_ref, w1_ref, degp_ref, g1_ref, dinv_ref):
    deg = degp_ref[0, 0:NV] + degp_ref[1, 0:NV] + 1.0
    dinv = lax.rsqrt(deg)
    h1 = jnp.dot(x_ref[...], w1_ref[...],
                 preferred_element_type=jnp.float32)
    g1_ref[...] = h1 * dinv
    dinv_ref[...] = dinv


def _tc2(dinv_ref, g1_ref, a1_ref, w2_ref, b1_ref, g2_ref):
    dinv = dinv_ref[...]
    out1 = (dinv * (a1_ref[0, 0:NV] + a1_ref[1, 0:NV] + g1_ref[...])
            + b1_ref[...])
    h2 = jnp.dot(jnp.maximum(out1, 0.0), w2_ref[...],
                 preferred_element_type=jnp.float32)
    g2_ref[...] = h2 * dinv


def _tc3(dinv_ref, g2_ref, a2_ref, b2_ref, out_ref):
    out_ref[...] = (dinv_ref[...]
                    * (a2_ref[0, 0:NV] + a2_ref[1, 0:NV] + g2_ref[...])
                    + b2_ref[...])


def kernel(x, edge_index, W1, b1, W2, b2):
    f32 = jnp.float32
    edges = edge_index.astype(jnp.int32)
    ones_b = jnp.ones((B, HID), f32)
    zeros_h = jnp.zeros((PAD_N, HID), f32)
    W2p = jnp.zeros((HID, HID), f32).at[:, :OUT_CH].set(W2)
    eye16 = jnp.eye(16, dtype=f32)
    W1big = jnp.kron(eye16, W1)
    W2big = jnp.kron(eye16, W2p)
    b1t = jnp.tile(b1, 16).reshape(1, 128)
    b2t = jnp.tile(jnp.zeros((HID,), f32).at[:OUT_CH].set(b2),
                   16).reshape(1, 128)

    degp = _deg_pass(edges, ones_b, zeros_h)

    g1v, dinvv = pl.pallas_call(
        _tc1,
        out_shape=[jax.ShapeDtypeStruct((NV, 128), f32),
                   jax.ShapeDtypeStruct((NV, 128), f32)],
    )(x.reshape(NV, 16 * IN_CH), W1big, degp.reshape(NC, NVP, 128))

    a1 = _edge_pass_h(g1v.reshape(N, HID), edges, zeros_h)

    g2v = pl.pallas_call(
        _tc2,
        out_shape=jax.ShapeDtypeStruct((NV, 128), f32),
    )(dinvv, g1v, a1.reshape(NC, NVP, 128), W2big, b1t)

    a2 = _edge_pass_h(g2v.reshape(N, HID), edges, zeros_h)

    outv = pl.pallas_call(
        _tc3,
        out_shape=jax.ShapeDtypeStruct((NV, 128), f32),
    )(dinvv, g2v, a2.reshape(NC, NVP, 128), b2t)

    return outv.reshape(N, HID)[:, :OUT_CH]

# --- scband reference (transcript-rebuilt; emitter-appended) ---
"""Pipeline reference for scband-pfae-68539088110349 (READ-ONLY COPY).

The authoritative reference and input builder live on the scoring server;
editing this copy changes nothing except your own understanding.
"""

import jax, jax.numpy as jnp
import numpy as np

N = 10000
E = 320000
IN_CH = 128
OUT_CH = 4
HID = 2 * OUT_CH


def _glorot(key, shape):
    fan_in, fan_out = shape[0], shape[1]
    limit = np.sqrt(6.0 / (fan_in + fan_out))
    return jax.random.uniform(key, shape, dtype=jnp.float32, minval=-limit, maxval=limit)


def setup_inputs(seed: int = 0) -> dict:
    key = jax.random.key(seed)
    k1, k2, k3, k4 = jax.random.split(key, 4)
    x = jax.random.normal(k1, (N, IN_CH), dtype=jnp.float32)
    edge_index = jax.random.randint(k2, (2, E), 0, N, dtype=jnp.int32)
    W1 = _glorot(k3, (IN_CH, HID))
    b1 = jnp.zeros((HID,), dtype=jnp.float32)
    W2 = _glorot(k4, (HID, OUT_CH))
    b2 = jnp.zeros((OUT_CH,), dtype=jnp.float32)
    return {"x": x, "edge_index": edge_index, "W1": W1, "b1": b1, "W2": W2, "b2": b2}


def _gcn_conv(x, edge_index, W, b, num_nodes):
    # Faithful GCNConv: add self-loops, symmetric normalization, linear, scatter-add aggregate, bias.
    loop = jnp.arange(num_nodes, dtype=edge_index.dtype)
    src = jnp.concatenate([edge_index[0], loop])
    dst = jnp.concatenate([edge_index[1], loop])
    deg = jnp.zeros((num_nodes,), dtype=x.dtype).at[dst].add(1.0)
    deg_inv_sqrt = jnp.where(deg > 0, deg ** -0.5, 0.0)
    norm = deg_inv_sqrt[src] * deg_inv_sqrt[dst]
    h = x @ W
    msg = h[src] * norm[:, None]
    out = jnp.zeros((num_nodes, W.shape[1]), dtype=x.dtype).at[dst].add(msg)
    return out + b


def reference(x, edge_index, W1, b1, W2, b2):
    h = _gcn_conv(x, edge_index, W1, b1, N)
    h = jax.nn.relu(h)
    return _gcn_conv(h, edge_index, W2, b2, N)

if __name__ == "__main__":
    import jax
    _d = setup_inputs()
    print(jax.jit(kernel)(*tuple(_d.values())))

</pallas_src>

<mosaic_0001>
#map = affine_map<(d0, d1) -> (0, 0)>
#map1 = affine_map<(d0, d1) -> (0, 0, 0)>
module attributes {stable_mosaic.version = 14 : i64} {
  func.func @edge_pass(%arg0: i32, %arg1: i32, %arg2: memref<10000x8xf32, #tpu.memory_space<hbm>>, %arg3: memref<2x320000xi32, #tpu.memory_space<hbm>>, %arg4: memref<10112x8xf32, #tpu.memory_space<hbm>>, %arg5: memref<2x10112x8xf32, #tpu.memory_space<hbm>>, %arg6: memref<10x1000xi32, #tpu.memory_space<vmem>>, %arg7: memref<10x1000xi32, #tpu.memory_space<vmem>>, %arg8: memref<1000x8xf32, #tpu.memory_space<vmem>>, %arg9: memref<1000x8xf32, #tpu.memory_space<vmem>>, %arg10: memref<10112x8xf32, #tpu.memory_space<vmem_shared>>, %arg11: memref<!tpu.dma_semaphore, #tpu.memory_space<semaphore_mem>>, %arg12: memref<!tpu.dma_semaphore, #tpu.memory_space<semaphore_mem>>, %arg13: memref<!tpu.dma_semaphore, #tpu.memory_space<semaphore_mem>>) attributes {dimension_semantics = [#tpu.dimension_semantics<core_parallel>, #tpu.dimension_semantics<subcore_parallel>], iteration_bounds = array<i64: 2, 16>, scalar_prefetch = 0 : i64, scratch_operands = 8 : i64, tpu.core_type = #tpu.core_type<sc_vector_subcore>, window_params = [{transform_indices = #map}, {transform_indices = #map}, {transform_indices = #map}, {transform_indices = #map1}]} {
    %mul3A = arith.constant 2 : i32
    %mul3A_0 = arith.muli %arg1, %mul3A : i32
    %add3A = arith.addi %mul3A_0, %arg0 : i32
    %mul3A_1 = arith.constant 632 : i32
    %mul3A_2 = arith.muli %arg1, %mul3A_1 : i32
    "tpu.region"() ({
      %run_scoped3A = tpu.sem_alloc : memref<!tpu.dma_semaphore, #tpu.memory_space<semaphore_mem>>
      %dma_start3A_536 = arith.constant 0 : i32
      %dma_start3A_537 = tpu.memref_slice %arg10[%mul3A_2, %dma_start3A_536] : memref<10112x8xf32, #tpu.memory_space<vmem_shared>> -> memref<632x8xf32, #tpu.memory_space<vmem_shared>>
      %dma_start3A_538 = arith.constant 0 : i32
      %dma_start3A_539 = tpu.memref_slice %arg4[%mul3A_2, %dma_start3A_538] : memref<10112x8xf32, #tpu.memory_space<hbm>> -> memref<632x8xf32, #tpu.memory_space<hbm>>
      tpu.enqueue_dma source(%dma_start3A_539 : memref<632x8xf32, #tpu.memory_space<hbm>>) target(%dma_start3A_537 : memref<632x8xf32, #tpu.memory_space<vmem_shared>>) target_semaphore(%run_scoped3A : memref<!tpu.dma_semaphore, #tpu.memory_space<semaphore_mem>>)
      %dma_wait3A_540 = arith.constant 0 : i32
      %dma_wait3A_541 = tpu.memref_slice %arg10[%mul3A_2, %dma_wait3A_540] : memref<10112x8xf32, #tpu.memory_space<vmem_shared>> -> memref<632x8xf32, #tpu.memory_space<vmem_shared>>
      %dma_wait3A_542 = arith.constant 0 : i32
      %dma_wait3A_543 = tpu.memref_slice %arg4[%mul3A_2, %dma_wait3A_542] : memref<10112x8xf32, #tpu.memory_space<hbm>> -> memref<632x8xf32, #tpu.memory_space<hbm>>
      tpu.wait_dma2 semaphore(%run_scoped3A : memref<!tpu.dma_semaphore, #tpu.memory_space<semaphore_mem>>) src(%dma_wait3A_543 : memref<632x8xf32, #tpu.memory_space<hbm>>) dst(%dma_wait3A_541 : memref<632x8xf32, #tpu.memory_space<vmem_shared>>)
      tpu.yield
    }) : () -> ()
    %mul3A_3 = arith.constant 10000 : i32
    %mul3A_4 = arith.muli %add3A, %mul3A_3 : i32
    %add3A_5 = arith.constant 0 : i32
    %add3A_6 = arith.addi %mul3A_4, %add3A_5 : i32
    %dma_start3A = arith.constant 0 : i32
    %dma_start3A_7 = arith.constant 0 : i32
    %dma_start3A_8 = arith.constant 0 : i32
    %dma_start3A_9 = tpu.memref_slice %arg6[%dma_start3A_7, %dma_start3A_8] : memref<10x1000xi32, #tpu.memory_space<vmem>> -> memref<1x1000xi32, #tpu.memory_space<vmem>>
    %dma_start3A_10 = tpu.memref_squeeze %dma_start3A_9 : memref<1x1000xi32, #tpu.memory_space<vmem>> -> memref<1000xi32, #tpu.memory_space<vmem>>
    %dma_start3A_11 = tpu.memref_slice %arg3[%dma_start3A, %add3A_6] : memref<2x320000xi32, #tpu.memory_space<hbm>> -> memref<1x1000xi32, #tpu.memory_space<hbm>>
    %dma_start3A_12 = tpu.memref_squeeze %dma_start3A_11 : memref<1x1000xi32, #tpu.memory_space<hbm>> -> memref<1000xi32, #tpu.memory_space<hbm>>
    %dma_start3A_13 = arith.constant 0 : i32
    %dma_start3A_14 = tpu.memref_slice %arg6[%dma_start3A_7, %dma_start3A_13] : memref<10x1000xi32, #tpu.memory_space<vmem>> -> memref<1x1000xi32, #tpu.memory_space<vmem>>
    %dma_start3A_15 = tpu.memref_squeeze %dma_start3A_14 : memref<1x1000xi32, #tpu.memory_space<vmem>> -> memref<1000xi32, #tpu.memory_space<vmem>>
    %dma_start3A_16 = tpu.memref_slice %arg3[%dma_start3A, %add3A_6] : memref<2x320000xi32, #tpu.memory_space<hbm>> -> memref<1x1000xi32, #tpu.memory_space<hbm>>
    %dma_start3A_17 = tpu.memref_squeeze %dma_start3A_16 : memref<1x1000xi32, #tpu.memory_space<hbm>> -> memref<1000xi32, #tpu.memory_space<hbm>>
    tpu.enqueue_dma source(%dma_start3A_17 : memref<1000xi32, #tpu.memory_space<hbm>>) target(%dma_start3A_15 : memref<1000xi32, #tpu.memory_space<vmem>>) target_semaphore(%arg13 : memref<!tpu.dma_semaphore, #tpu.memory_space<semaphore_mem>>)
    %add3A_18 = arith.constant 0 : i32
    %add3A_19 = arith.addi %mul3A_4, %add3A_18 : i32
    %dma_start3A_20 = arith.constant 1 : i32
    %dma_start3A_21 = arith.constant 0 : i32
    %dma_start3A_22 = arith.constant 0 : i32
    %dma_start3A_23 = tpu.memref_slice %arg7[%dma_start3A_21, %dma_start3A_22] : memref<10x1000xi32, #tpu.memory_space<vmem>> -> memref<1x1000xi32, #tpu.memory_space<vmem>>
    %dma_start3A_24 = tpu.memref_squeeze %dma_start3A_23 : memref<1x1000xi32, #tpu.memory_space<vmem>> -> memref<1000xi32, #tpu.memory_space<vmem>>
    %dma_start3A_25 = tpu.memref_slice %arg3[%dma_start3A_20, %add3A_19] : memref<2x320000xi32, #tpu.memory_space<hbm>> -> memref<1x1000xi32, #tpu.memory_space<hbm>>
    %dma_start3A_26 = tpu.memref_squeeze %dma_start3A_25 : memref<1x1000xi32, #tpu.memory_space<hbm>> -> memref<1000xi32, #tpu.memory_space<hbm>>
    %dma_start3A_27 = arith.constant 0 : i32
    %dma_start3A_28 = tpu.memref_slice %arg7[%dma_start3A_21, %dma_start3A_27] : memref<10x1000xi32, #tpu.memory_space<vmem>> -> memref<1x1000xi32, #tpu.memory_space<vmem>>
    %dma_start3A_29 = tpu.memref_squeeze %dma_start3A_28 : memref<1x1000xi32, #tpu.memory_space<vmem>> -> memref<1000xi32, #tpu.memory_space<vmem>>
    %dma_start3A_30 = tpu.memref_slice %arg3[%dma_start3A_20, %add3A_19] : memref<2x320000xi32, #tpu.memory_space<hbm>> -> memref<1x1000xi32, #tpu.memory_space<hbm>>
    %dma_start3A_31 = tpu.memref_squeeze %dma_start3A_30 : memref<1x1000xi32, #tpu.memory_space<hbm>> -> memref<1000xi32, #tpu.memory_space<hbm>>
    tpu.enqueue_dma source(%dma_start3A_31 : memref<1000xi32, #tpu.memory_space<hbm>>) target(%dma_start3A_29 : memref<1000xi32, #tpu.memory_space<vmem>>) target_semaphore(%arg13 : memref<!tpu.dma_semaphore, #tpu.memory_space<semaphore_mem>>)
    %add3A_32 = arith.constant 1000 : i32
    %add3A_33 = arith.addi %mul3A_4, %add3A_32 : i32
    %dma_start3A_34 = arith.constant 0 : i32
    %dma_start3A_35 = arith.constant 1 : i32
    %dma_start3A_36 = arith.constant 0 : i32
    %dma_start3A_37 = tpu.memref_slice %arg6[%dma_start3A_35, %dma_start3A_36] : memref<10x1000xi32, #tpu.memory_space<vmem>> -> memref<1x1000xi32, #tpu.memory_space<vmem>>
    %dma_start3A_38 = tpu.memref_squeeze %dma_start3A_37 : memref<1x1000xi32, #tpu.memory_space<vmem>> -> memref<1000xi32, #tpu.memory_space<vmem>>
    %dma_start3A_39 = tpu.memref_slice %arg3[%dma_start3A_34, %add3A_33] : memref<2x320000xi32, #tpu.memory_space<hbm>> -> memref<1x1000xi32, #tpu.memory_space<hbm>>
    %dma_start3A_40 = tpu.memref_squeeze %dma_start3A_39 : memref<1x1000xi32, #tpu.memory_space<hbm>> -> memref<1000xi32, #tpu.memory_space<hbm>>
    %dma_start3A_41 = arith.constant 0 : i32
    %dma_start3A_42 = tpu.memref_slice %arg6[%dma_start3A_35, %dma_start3A_41] : memref<10x1000xi32, #tpu.memory_space<vmem>> -> memref<1x1000xi32, #tpu.memory_space<vmem>>
    %dma_start3A_43 = tpu.memref_squeeze %dma_start3A_42 : memref<1x1000xi32, #tpu.memory_space<vmem>> -> memref<1000xi32, #tpu.memory_space<vmem>>
    %dma_start3A_44 = tpu.memref_slice %arg3[%dma_start3A_34, %add3A_33] : memref<2x320000xi32, #tpu.memory_space<hbm>> -> memref<1x1000xi32, #tpu.memory_space<hbm>>
    %dma_start3A_45 = tpu.memref_squeeze %dma_start3A_44 : memref<1x1000xi32, #tpu.memory_space<hbm>> -> memref<1000xi32, #tpu.memory_space<hbm>>
    tpu.enqueue_dma source(%dma_start3A_45 : memref<1000xi32, #tpu.memory_space<hbm>>) target(%dma_start3A_43 : memref<1000xi32, #tpu.memory_space<vmem>>) target_semaphore(%arg13 : memref<!tpu.dma_semaphore, #tpu.memory_space<semaphore_mem>>)
    %add3A_46 = arith.constant 1000 : i32
    %add3A_47 = arith.addi %mul3A_4, %add3A_46 : i32
    %dma_start3A_48 = arith.constant 1 : i32
    %dma_start3A_49 = arith.constant 1 : i32
    %dma_start3A_50 = arith.constant 0 : i32
    %dma_start3A_51 = tpu.memref_slice %arg7[%dma_start3A_49, %dma_start3A_50] : memref<10x1000xi32, #tpu.memory_space<vmem>> -> memref<1x1000xi32, #tpu.memory_space<vmem>>
    %dma_start3A_52 = tpu.memref_squeeze %dma_start3A_51 : memref<1x1000xi32, #tpu.memory_space<vmem>> -> memref<1000xi32, #tpu.memory_space<vmem>>
    %dma_start3A_53 = tpu.memref_slice %arg3[%dma_start3A_48, %add3A_47] : memref<2x320000xi32, #tpu.memory_space<hbm>> -> memref<1x1000xi32, #tpu.memory_space<hbm>>
    %dma_start3A_54 = tpu.memref_squeeze %dma_start3A_53 : memref<1x1000xi32, #tpu.memory_space<hbm>> -> memref<1000xi32, #tpu.memory_space<hbm>>
    %dma_start3A_55 = arith.constant 0 : i32
    %dma_start3A_56 = tpu.memref_slice %arg7[%dma_start3A_49, %dma_start3A_55] : memref<10x1000xi32, #tpu.memory_space<vmem>> -> memref<1x1000xi32, #tpu.memory_space<vmem>>
    %dma_start3A_57 = tpu.memref_squeeze %dma_start3A_56 : memref<1x1000xi32, #tpu.memory_space<vmem>> -> memref<1000xi32, #tpu.memory_space<vmem>>
    %dma_start3A_58 = tpu.memref_slice %arg3[%dma_start3A_48, %add3A_47] : memref<2x320000xi32, #tpu.memory_space<hbm>> -> memref<1x1000xi32, #tpu.memory_space<hbm>>
    %dma_start3A_59 = tpu.memref_squeeze %dma_start3A_58 : memref<1x1000xi32, #tpu.memory_space<hbm>> -> memref<1000xi32, #tpu.memory_space<hbm>>
    tpu.enqueue_dma source(%dma_start3A_59 : memref<1000xi32, #tpu.memory_space<hbm>>) target(%dma_start3A_57 : memref<1000xi32, #tpu.memory_space<vmem>>) target_semaphore(%arg13 : memref<!tpu.dma_semaphore, #tpu.memory_space<semaphore_mem>>)
    %add3A_60 = arith.constant 2000 : i32
    %add3A_61 = arith.addi %mul3A_4, %add3A_60 : i32
    %dma_start3A_62 = arith.constant 0 : i32
    %dma_start3A_63 = arith.constant 2 : i32
    %dma_start3A_64 = arith.constant 0 : i32
    %dma_start3A_65 = tpu.memref_slice %arg6[%dma_start3A_63, %dma_start3A_64] : memref<10x1000xi32, #tpu.memory_space<vmem>> -> memref<1x1000xi32, #tpu.memory_space<vmem>>
    %dma_start3A_66 = tpu.memref_squeeze %dma_start3A_65 : memref<1x1000xi32, #tpu.memory_space<vmem>> -> memref<1000xi32, #tpu.memory_space<vmem>>
    %dma_start3A_67 = tpu.memref_slice %arg3[%dma_start3A_62, %add3A_61] : memref<2x320000xi32, #tpu.memory_space<hbm>> -> memref<1x1000xi32, #tpu.memory_space<hbm>>
    %dma_start3A_68 = tpu.memref_squeeze %dma_start3A_67 : memref<1x1000xi32, #tpu.memory_space<hbm>> -> memref<1000xi32, #tpu.memory_space<hbm>>
    %dma_start3A_69 = arith.constant 0 : i32
    %dma_start3A_70 = tpu.memref_slice %arg6[%dma_start3A_63, %dma_start3A_69] : memref<10x1000xi32, #tpu.memory_space<vmem>> -> memref<1x1000xi32, #tpu.memory_space<vmem>>
    %dma_start3A_71 = tpu.memref_squeeze %dma_start3A_70 : memref<1x1000xi32, #tpu.memory_space<vmem>> -> memref<1000xi32, #tpu.memory_space<vmem>>
    %dma_start3A_72 = tpu.memref_slice %arg3[%dma_start3A_62, %add3A_61] : memref<2x320000xi32, #tpu.memory_space<hbm>> -> memref<1x1000xi32, #tpu.memory_space<hbm>>
    %dma_start3A_73 = tpu.memref_squeeze %dma_start3A_72 : memref<1x1000xi32, #tpu.memory_space<hbm>> -> memref<1000xi32, #tpu.memory_space<hbm>>
    tpu.enqueue_dma source(%dma_start3A_73 : memref<1000xi32, #tpu.memory_space<hbm>>) target(%dma_start3A_71 : memref<1000xi32, #tpu.memory_space<vmem>>) target_semaphore(%arg13 : memref<!tpu.dma_semaphore, #tpu.memory_space<semaphore_mem>>)
    %add3A_74 = arith.constant 2000 : i32
    %add3A_75 = arith.addi %mul3A_4, %add3A_74 : i32
    %dma_start3A_76 = arith.constant 1 : i32
    %dma_start3A_77 = arith.constant 2 : i32
    %dma_start3A_78 = arith.constant 0 : i32
    %dma_start3A_79 = tpu.memref_slice %arg7[%dma_start3A_77, %dma_start3A_78] : memref<10x1000xi32, #tpu.memory_space<vmem>> -> memref<1x1000xi32, #tpu.memory_space<vmem>>
    %dma_start3A_80 = tpu.memref_squeeze %dma_start3A_79 : memref<1x1000xi32, #tpu.memory_space<vmem>> -> memref<1000xi32, #tpu.memory_space<vmem>>
    %dma_start3A_81 = tpu.memref_slice %arg3[%dma_start3A_76, %add3A_75] : memref<2x320000xi32, #tpu.memory_space<hbm>> -> memref<1x1000xi32, #tpu.memory_space<hbm>>
    %dma_start3A_82 = tpu.memref_squeeze %dma_start3A_81 : memref<1x1000xi32, #tpu.memory_space<hbm>> -> memref<1000xi32, #tpu.memory_space<hbm>>
    %dma_start3A_83 = arith.constant 0 : i32
    %dma_start3A_84 = tpu.memref_slice %arg7[%dma_start3A_77, %dma_start3A_83] : memref<10x1000xi32, #tpu.memory_space<vmem>> -> memref<1x1000xi32, #tpu.memory_space<vmem>>
    %dma_start3A_85 = tpu.memref_squeeze %dma_start3A_84 : memref<1x1000xi32, #tpu.memory_space<vmem>> -> memref<1000xi32, #tpu.memory_space<vmem>>
    %dma_start3A_86 = tpu.memref_slice %arg3[%dma_start3A_76, %add3A_75] : memref<2x320000xi32, #tpu.memory_space<hbm>> -> memref<1x1000xi32, #tpu.memory_space<hbm>>
    %dma_start3A_87 = tpu.memref_squeeze %dma_start3A_86 : memref<1x1000xi32, #tpu.memory_space<hbm>> -> memref<1000xi32, #tpu.memory_space<hbm>>
    tpu.enqueue_dma source(%dma_start3A_87 : memref<1000xi32, #tpu.memory_space<hbm>>) target(%dma_start3A_85 : memref<1000xi32, #tpu.memory_space<vmem>>) target_semaphore(%arg13 : memref<!tpu.dma_semaphore, #tpu.memory_space<semaphore_mem>>)
    %add3A_88 = arith.constant 3000 : i32
    %add3A_89 = arith.addi %mul3A_4, %add3A_88 : i32
    %dma_start3A_90 = arith.constant 0 : i32
    %dma_start3A_91 = arith.constant 3 : i32
    %dma_start3A_92 = arith.constant 0 : i32
    %dma_start3A_93 = tpu.memref_slice %arg6[%dma_start3A_91, %dma_start3A_92] : memref<10x1000xi32, #tpu.memory_space<vmem>> -> memref<1x1000xi32, #tpu.memory_space<vmem>>
    %dma_start3A_94 = tpu.memref_squeeze %dma_start3A_93 : memref<1x1000xi32, #tpu.memory_space<vmem>> -> memref<1000xi32, #tpu.memory_space<vmem>>
    %dma_start3A_95 = tpu.memref_slice %arg3[%dma_start3A_90, %add3A_89] : memref<2x320000xi32, #tpu.memory_space<hbm>> -> memref<1x1000xi32, #tpu.memory_space<hbm>>
    %dma_start3A_96 = tpu.memref_squeeze %dma_start3A_95 : memref<1x1000xi32, #tpu.memory_space<hbm>> -> memref<1000xi32, #tpu.memory_space<hbm>>
    %dma_start3A_97 = arith.constant 0 : i32
    %dma_start3A_98 = tpu.memref_slice %arg6[%dma_start3A_91, %dma_start3A_97] : memref<10x1000xi32, #tpu.memory_space<vmem>> -> memref<1x1000xi32, #tpu.memory_space<vmem>>
    %dma_start3A_99 = tpu.memref_squeeze %dma_start3A_98 : memref<1x1000xi32, #tpu.memory_space<vmem>> -> memref<1000xi32, #tpu.memory_space<vmem>>
    %dma_start3A_100 = tpu.memref_slice %arg3[%dma_start3A_90, %add3A_89] : memref<2x320000xi32, #tpu.memory_space<hbm>> -> memref<1x1000xi32, #tpu.memory_space<hbm>>
    %dma_start3A_101 = tpu.memref_squeeze %dma_start3A_100 : memref<1x1000xi32, #tpu.memory_space<hbm>> -> memref<1000xi32, #tpu.memory_space<hbm>>
    tpu.enqueue_dma source(%dma_start3A_101 : memref<1000xi32, #tpu.memory_space<hbm>>) target(%dma_start3A_99 : memref<1000xi32, #tpu.memory_space<vmem>>) target_semaphore(%arg13 : memref<!tpu.dma_semaphore, #tpu.memory_space<semaphore_mem>>)
    %add3A_102 = arith.constant 3000 : i32
    %add3A_103 = arith.addi %mul3A_4, %add3A_102 : i32
    %dma_start3A_104 = arith.constant 1 : i32
    %dma_start3A_105 = arith.constant 3 : i32
    %dma_start3A_106 = arith.constant 0 : i32
    %dma_start3A_107 = tpu.memref_slice %arg7[%dma_start3A_105, %dma_start3A_106] : memref<10x1000xi32, #tpu.memory_space<vmem>> -> memref<1x1000xi32, #tpu.memory_space<vmem>>
    %dma_start3A_108 = tpu.memref_squeeze %dma_start3A_107 : memref<1x1000xi32, #tpu.memory_space<vmem>> -> memref<1000xi32, #tpu.memory_space<vmem>>
    %dma_start3A_109 = tpu.memref_slice %arg3[%dma_start3A_104, %add3A_103] : memref<2x320000xi32, #tpu.memory_space<hbm>> -> memref<1x1000xi32, #tpu.memory_space<hbm>>
    %dma_start3A_110 = tpu.memref_squeeze %dma_start3A_109 : memref<1x1000xi32, #tpu.memory_space<hbm>> -> memref<1000xi32, #tpu.memory_space<hbm>>
    %dma_start3A_111 = arith.constant 0 : i32
    %dma_start3A_112 = tpu.memref_slice %arg7[%dma_start3A_105, %dma_start3A_111] : memref<10x1000xi32, #tpu.memory_space<vmem>> -> memref<1x1000xi32, #tpu.memory_space<vmem>>
    %dma_start3A_113 = tpu.memref_squeeze %dma_start3A_112 : memref<1x1000xi32, #tpu.memory_space<vmem>> -> memref<1000xi32, #tpu.memory_space<vmem>>
    %dma_start3A_114 = tpu.memref_slice %arg3[%dma_start3A_104, %add3A_103] : memref<2x320000xi32, #tpu.memory_space<hbm>> -> memref<1x1000xi32, #tpu.memory_space<hbm>>
    %dma_start3A_115 = tpu.memref_squeeze %dma_start3A_114 : memref<1x1000xi32, #tpu.memory_space<hbm>> -> memref<1000xi32, #tpu.memory_space<hbm>>
    tpu.enqueue_dma source(%dma_start3A_115 : memref<1000xi32, #tpu.memory_space<hbm>>) target(%dma_start3A_113 : memref<1000xi32, #tpu.memory_space<vmem>>) target_semaphore(%arg13 : memref<!tpu.dma_semaphore, #tpu.memory_space<semaphore_mem>>)
    %add3A_116 = arith.constant 4000 : i32
    %add3A_117 = arith.addi %mul3A_4, %add3A_116 : i32
    %dma_start3A_118 = arith.constant 0 : i32
    %dma_start3A_119 = arith.constant 4 : i32
    %dma_start3A_120 = arith.constant 0 : i32
    %dma_start3A_121 = tpu.memref_slice %arg6[%dma_start3A_119, %dma_start3A_120] : memref<10x1000xi32, #tpu.memory_space<vmem>> -> memref<1x1000xi32, #tpu.memory_space<vmem>>
    %dma_start3A_122 = tpu.memref_squeeze %dma_start3A_121 : memref<1x1000xi32, #tpu.memory_space<vmem>> -> memref<1000xi32, #tpu.memory_space<vmem>>
    %dma_start3A_123 = tpu.memref_slice %arg3[%dma_start3A_118, %add3A_117] : memref<2x320000xi32, #tpu.memory_space<hbm>> -> memref<1x1000xi32, #tpu.memory_space<hbm>>
    %dma_start3A_124 = tpu.memref_squeeze %dma_start3A_123 : memref<1x1000xi32, #tpu.memory_space<hbm>> -> memref<1000xi32, #tpu.memory_space<hbm>>
    %dma_start3A_125 = arith.constant 0 : i32
    %dma_start3A_126 = tpu.memref_slice %arg6[%dma_start3A_119, %dma_start3A_125] : memref<10x1000xi32, #tpu.memory_space<vmem>> -> memref<1x1000xi32, #tpu.memory_space<vmem>>
    %dma_start3A_127 = tpu.memref_squeeze %dma_start3A_126 : memref<1x1000xi32, #tpu.memory_space<vmem>> -> memref<1000xi32, #tpu.memory_space<vmem>>
    %dma_start3A_128 = tpu.memref_slice %arg3[%dma_start3A_118, %add3A_117] : memref<2x320000xi32, #tpu.memory_space<hbm>> -> memref<1x1000xi32, #tpu.memory_space<hbm>>
    %dma_start3A_129 = tpu.memref_squeeze %dma_start3A_128 : memref<1x1000xi32, #tpu.memory_space<hbm>> -> memref<1000xi32, #tpu.memory_space<hbm>>
    tpu.enqueue_dma source(%dma_start3A_129 : memref<1000xi32, #tpu.memory_space<hbm>>) target(%dma_start3A_127 : memref<1000xi32, #tpu.memory_space<vmem>>) target_semaphore(%arg13 : memref<!tpu.dma_semaphore, #tpu.memory_space<semaphore_mem>>)
    %add3A_130 = arith.constant 4000 : i32
    %add3A_131 = arith.addi %mul3A_4, %add3A_130 : i32
    %dma_start3A_132 = arith.constant 1 : i32
    %dma_start3A_133 = arith.constant 4 : i32
    %dma_start3A_134 = arith.constant 0 : i32
    %dma_start3A_135 = tpu.memref_slice %arg7[%dma_start3A_133, %dma_start3A_134] : memref<10x1000xi32, #tpu.memory_space<vmem>> -> memref<1x1000xi32, #tpu.memory_space<vmem>>
    %dma_start3A_136 = tpu.memref_squeeze %dma_start3A_135 : memref<1x1000xi32, #tpu.memory_space<vmem>> -> memref<1000xi32, #tpu.memory_space<vmem>>
    %dma_start3A_137 = tpu.memref_slice %arg3[%dma_start3A_132, %add3A_131] : memref<2x320000xi32, #tpu.memory_space<hbm>> -> memref<1x1000xi32, #tpu.memory_space<hbm>>
    %dma_start3A_138 = tpu.memref_squeeze %dma_start3A_137 : memref<1x1000xi32, #tpu.memory_space<hbm>> -> memref<1000xi32, #tpu.memory_space<hbm>>
    %dma_start3A_139 = arith.constant 0 : i32
    %dma_start3A_140 = tpu.memref_slice %arg7[%dma_start3A_133, %dma_start3A_139] : memref<10x1000xi32, #tpu.memory_space<vmem>> -> memref<1x1000xi32, #tpu.memory_space<vmem>>
    %dma_start3A_141 = tpu.memref_squeeze %dma_start3A_140 : memref<1x1000xi32, #tpu.memory_space<vmem>> -> memref<1000xi32, #tpu.memory_space<vmem>>
    %dma_start3A_142 = tpu.memref_slice %arg3[%dma_start3A_132, %add3A_131] : memref<2x320000xi32, #tpu.memory_space<hbm>> -> memref<1x1000xi32, #tpu.memory_space<hbm>>
    %dma_start3A_143 = tpu.memref_squeeze %dma_start3A_142 : memref<1x1000xi32, #tpu.memory_space<hbm>> -> memref<1000xi32, #tpu.memory_space<hbm>>
    tpu.enqueue_dma source(%dma_start3A_143 : memref<1000xi32, #tpu.memory_space<hbm>>) target(%dma_start3A_141 : memref<1000xi32, #tpu.memory_space<vmem>>) target_semaphore(%arg13 : memref<!tpu.dma_semaphore, #tpu.memory_space<semaphore_mem>>)
    %add3A_144 = arith.constant 5000 : i32
    %add3A_145 = arith.addi %mul3A_4, %add3A_144 : i32
    %dma_start3A_146 = arith.constant 0 : i32
    %dma_start3A_147 = arith.constant 5 : i32
    %dma_start3A_148 = arith.constant 0 : i32
    %dma_start3A_149 = tpu.memref_slice %arg6[%dma_start3A_147, %dma_start3A_148] : memref<10x1000xi32, #tpu.memory_space<vmem>> -> memref<1x1000xi32, #tpu.memory_space<vmem>>
    %dma_start3A_150 = tpu.memref_squeeze %dma_start3A_149 : memref<1x1000xi32, #tpu.memory_space<vmem>> -> memref<1000xi32, #tpu.memory_space<vmem>>
    %dma_start3A_151 = tpu.memref_slice %arg3[%dma_start3A_146, %add3A_145] : memref<2x320000xi32, #tpu.memory_space<hbm>> -> memref<1x1000xi32, #tpu.memory_space<hbm>>
    %dma_start3A_152 = tpu.memref_squeeze %dma_start3A_151 : memref<1x1000xi32, #tpu.memory_space<hbm>> -> memref<1000xi32, #tpu.memory_space<hbm>>
    %dma_start3A_153 = arith.constant 0 : i32
    %dma_start3A_154 = tpu.memref_slice %arg6[%dma_start3A_147, %dma_start3A_153] : memref<10x1000xi32, #tpu.memory_space<vmem>> -> memref<1x1000xi32, #tpu.memory_space<vmem>>
    %dma_start3A_155 = tpu.memref_squeeze %dma_start3A_154 : memref<1x1000xi32, #tpu.memory_space<vmem>> -> memref<1000xi32, #tpu.memory_space<vmem>>
    %dma_start3A_156 = tpu.memref_slice %arg3[%dma_start3A_146, %add3A_145] : memref<2x320000xi32, #tpu.memory_space<hbm>> -> memref<1x1000xi32, #tpu.memory_space<hbm>>
    %dma_start3A_157 = tpu.memref_squeeze %dma_start3A_156 : memref<1x1000xi32, #tpu.memory_space<hbm>> -> memref<1000xi32, #tpu.memory_space<hbm>>
    tpu.enqueue_dma source(%dma_start3A_157 : memref<1000xi32, #tpu.memory_space<hbm>>) target(%dma_start3A_155 : memref<1000xi32, #tpu.memory_space<vmem>>) target_semaphore(%arg13 : memref<!tpu.dma_semaphore, #tpu.memory_space<semaphore_mem>>)
    %add3A_158 = arith.constant 5000 : i32
    %add3A_159 = arith.addi %mul3A_4, %add3A_158 : i32
    %dma_start3A_160 = arith.constant 1 : i32
    %dma_start3A_161 = arith.constant 5 : i32
    %dma_start3A_162 = arith.constant 0 : i32
    %dma_start3A_163 = tpu.memref_slice %arg7[%dma_start3A_161, %dma_start3A_162] : memref<10x1000xi32, #tpu.memory_space<vmem>> -> memref<1x1000xi32, #tpu.memory_space<vmem>>
    %dma_start3A_164 = tpu.memref_squeeze %dma_start3A_163 : memref<1x1000xi32, #tpu.memory_space<vmem>> -> memref<1000xi32, #tpu.memory_space<vmem>>
    %dma_start3A_165 = tpu.memref_slice %arg3[%dma_start3A_160, %add3A_159] : memref<2x320000xi32, #tpu.memory_space<hbm>> -> memref<1x1000xi32, #tpu.memory_space<hbm>>
    %dma_start3A_166 = tpu.memref_squeeze %dma_start3A_165 : memref<1x1000xi32, #tpu.memory_space<hbm>> -> memref<1000xi32, #tpu.memory_space<hbm>>
    %dma_start3A_167 = arith.constant 0 : i32
    %dma_start3A_168 = tpu.memref_slice %arg7[%dma_start3A_161, %dma_start3A_167] : memref<10x1000xi32, #tpu.memory_space<vmem>> -> memref<1x1000xi32, #tpu.memory_space<vmem>>
    %dma_start3A_169 = tpu.memref_squeeze %dma_start3A_168 : memref<1x1000xi32, #tpu.memory_space<vmem>> -> memref<1000xi32, #tpu.memory_space<vmem>>
    %dma_start3A_170 = tpu.memref_slice %arg3[%dma_start3A_160, %add3A_159] : memref<2x320000xi32, #tpu.memory_space<hbm>> -> memref<1x1000xi32, #tpu.memory_space<hbm>>
    %dma_start3A_171 = tpu.memref_squeeze %dma_start3A_170 : memref<1x1000xi32, #tpu.memory_space<hbm>> -> memref<1000xi32, #tpu.memory_space<hbm>>
    tpu.enqueue_dma source(%dma_start3A_171 : memref<1000xi32, #tpu.memory_space<hbm>>) target(%dma_start3A_169 : memref<1000xi32, #tpu.memory_space<vmem>>) target_semaphore(%arg13 : memref<!tpu.dma_semaphore, #tpu.memory_space<semaphore_mem>>)
    %add3A_172 = arith.constant 6000 : i32
    %add3A_173 = arith.addi %mul3A_4, %add3A_172 : i32
    %dma_start3A_174 = arith.constant 0 : i32
    %dma_start3A_175 = arith.constant 6 : i32
    %dma_start3A_176 = arith.constant 0 : i32
    %dma_start3A_177 = tpu.memref_slice %arg6[%dma_start3A_175, %dma_start3A_176] : memref<10x1000xi32, #tpu.memory_space<vmem>> -> memref<1x1000xi32, #tpu.memory_space<vmem>>
    %dma_start3A_178 = tpu.memref_squeeze %dma_start3A_177 : memref<1x1000xi32, #tpu.memory_space<vmem>> -> memref<1000xi32, #tpu.memory_space<vmem>>
    %dma_start3A_179 = tpu.memref_slice %arg3[%dma_start3A_174, %add3A_173] : memref<2x320000xi32, #tpu.memory_space<hbm>> -> memref<1x1000xi32, #tpu.memory_space<hbm>>
    %dma_start3A_180 = tpu.memref_squeeze %dma_start3A_179 : memref<1x1000xi32, #tpu.memory_space<hbm>> -> memref<1000xi32, #tpu.memory_space<hbm>>
    %dma_start3A_181 = arith.constant 0 : i32
    %dma_start3A_182 = tpu.memref_slice %arg6[%dma_start3A_175, %dma_start3A_181] : memref<10x1000xi32, #tpu.memory_space<vmem>> -> memref<1x1000xi32, #tpu.memory_space<vmem>>
    %dma_start3A_183 = tpu.memref_squeeze %dma_start3A_182 : memref<1x1000xi32, #tpu.memory_space<vmem>> -> memref<1000xi32, #tpu.memory_space<vmem>>
    %dma_start3A_184 = tpu.memref_slice %arg3[%dma_start3A_174, %add3A_173] : memref<2x320000xi32, #tpu.memory_space<hbm>> -> memref<1x1000xi32, #tpu.memory_space<hbm>>
    %dma_start3A_185 = tpu.memref_squeeze %dma_start3A_184 : memref<1x1000xi32, #tpu.memory_space<hbm>> -> memref<1000xi32, #tpu.memory_space<hbm>>
    tpu.enqueue_dma source(%dma_start3A_185 : memref<1000xi32, #tpu.memory_space<hbm>>) target(%dma_start3A_183 : memref<1000xi32, #tpu.memory_space<vmem>>) target_semaphore(%arg13 : memref<!tpu.dma_semaphore, #tpu.memory_space<semaphore_mem>>)
    %add3A_186 = arith.constant 6000 : i32
    %add3A_187 = arith.addi %mul3A_4, %add3A_186 : i32
    %dma_start3A_188 = arith.constant 1 : i32
    %dma_start3A_189 = arith.constant 6 : i32
    %dma_start3A_190 = arith.constant 0 : i32
    %dma_start3A_191 = tpu.memref_slice %arg7[%dma_start3A_189, %dma_start3A_190] : memref<10x1000xi32, #tpu.memory_space<vmem>> -> memref<1x1000xi32, #tpu.memory_space<vmem>>
    %dma_start3A_192 = tpu.memref_squeeze %dma_start3A_191 : memref<1x1000xi32, #tpu.memory_space<vmem>> -> memref<1000xi32, #tpu.memory_space<vmem>>
    %dma_start3A_193 = tpu.memref_slice %arg3[%dma_start3A_188, %add3A_187] : memref<2x320000xi32, #tpu.memory_space<hbm>> -> memref<1x1000xi32, #tpu.memory_space<hbm>>
    %dma_start3A_194 = tpu.memref_squeeze %dma_start3A_193 : memref<1x1000xi32, #tpu.memory_space<hbm>> -> memref<1000xi32, #tpu.memory_space<hbm>>
    %dma_start3A_195 = arith.constant 0 : i32
    %dma_start3A_196 = tpu.memref_slice %arg7[%dma_start3A_189, %dma_start3A_195] : memref<10x1000xi32, #tpu.memory_space<vmem>> -> memref<1x1000xi32, #tpu.memory_space<vmem>>
    %dma_start3A_197 = tpu.memref_squeeze %dma_start3A_196 : memref<1x1000xi32, #tpu.memory_space<vmem>> -> memref<1000xi32, #tpu.memory_space<vmem>>
    %dma_start3A_198 = tpu.memref_slice %arg3[%dma_start3A_188, %add3A_187] : memref<2x320000xi32, #tpu.memory_space<hbm>> -> memref<1x1000xi32, #tpu.memory_space<hbm>>
    %dma_start3A_199 = tpu.memref_squeeze %dma_start3A_198 : memref<1x1000xi32, #tpu.memory_space<hbm>> -> memref<1000xi32, #tpu.memory_space<hbm>>
    tpu.enqueue_dma source(%dma_start3A_199 : memref<1000xi32, #tpu.memory_space<hbm>>) target(%dma_start3A_197 : memref<1000xi32, #tpu.memory_space<vmem>>) target_semaphore(%arg13 : memref<!tpu.dma_semaphore, #tpu.memory_space<semaphore_mem>>)
    %add3A_200 = arith.constant 7000 : i32
    %add3A_201 = arith.addi %mul3A_4, %add3A_200 : i32
    %dma_start3A_202 = arith.constant 0 : i32
    %dma_start3A_203 = arith.constant 7 : i32
    %dma_start3A_204 = arith.constant 0 : i32
    %dma_start3A_205 = tpu.memref_slice %arg6[%dma_start3A_203, %dma_start3A_204] : memref<10x1000xi32, #tpu.memory_space<vmem>> -> memref<1x1000xi32, #tpu.memory_space<vmem>>
    %dma_start3A_206 = tpu.memref_squeeze %dma_start3A_205 : memref<1x1000xi32, #tpu.memory_space<vmem>> -> memref<1000xi32, #tpu.memory_space<vmem>>
    %dma_start3A_207 = tpu.memref_slice %arg3[%dma_start3A_202, %add3A_201] : memref<2x320000xi32, #tpu.memory_space<hbm>> -> memref<1x1000xi32, #tpu.memory_space<hbm>>
    %dma_start3A_208 = tpu.memref_squeeze %dma_start3A_207 : memref<1x1000xi32, #tpu.memory_space<hbm>> -> memref<1000xi32, #tpu.memory_space<hbm>>
    %dma_start3A_209 = arith.constant 0 : i32
    %dma_start3A_210 = tpu.memref_slice %arg6[%dma_start3A_203, %dma_start3A_209] : memref<10x1000xi32, #tpu.memory_space<vmem>> -> memref<1x1000xi32, #tpu.memory_space<vmem>>
    %dma_start3A_211 = tpu.memref_squeeze %dma_start3A_210 : memref<1x1000xi32, #tpu.memory_space<vmem>> -> memref<1000xi32, #tpu.memory_space<vmem>>
    %dma_start3A_212 = tpu.memref_slice %arg3[%dma_start3A_202, %add3A_201] : memref<2x320000xi32, #tpu.memory_space<hbm>> -> memref<1x1000xi32, #tpu.memory_space<hbm>>
    %dma_start3A_213 = tpu.memref_squeeze %dma_start3A_212 : memref<1x1000xi32, #tpu.memory_space<hbm>> -> memref<1000xi32, #tpu.memory_space<hbm>>
    tpu.enqueue_dma source(%dma_start3A_213 : memref<1000xi32, #tpu.memory_space<hbm>>) target(%dma_start3A_211 : memref<1000xi32, #tpu.memory_space<vmem>>) target_semaphore(%arg13 : memref<!tpu.dma_semaphore, #tpu.memory_space<semaphore_mem>>)
    %add3A_214 = arith.constant 7000 : i32
    %add3A_215 = arith.addi %mul3A_4, %add3A_214 : i32
    %dma_start3A_216 = arith.constant 1 : i32
    %dma_start3A_217 = arith.constant 7 : i32
    %dma_start3A_218 = arith.constant 0 : i32
    %dma_start3A_219 = tpu.memref_slice %arg7[%dma_start3A_217, %dma_start3A_218] : memref<10x1000xi32, #tpu.memory_space<vmem>> -> memref<1x1000xi32, #tpu.memory_space<vmem>>
    %dma_start3A_220 = tpu.memref_squeeze %dma_start3A_219 : memref<1x1000xi32, #tpu.memory_space<vmem>> -> memref<1000xi32, #tpu.memory_space<vmem>>
    %dma_start3A_221 = tpu.memref_slice %arg3[%dma_start3A_216, %add3A_215] : memref<2x320000xi32, #tpu.memory_space<hbm>> -> memref<1x1000xi32, #tpu.memory_space<hbm>>
    %dma_start3A_222 = tpu.memref_squeeze %dma_start3A_221 : memref<1x1000xi32, #tpu.memory_space<hbm>> -> memref<1000xi32, #tpu.memory_space<hbm>>
    %dma_start3A_223 = arith.constant 0 : i32
    %dma_start3A_224 = tpu.memref_slice %arg7[%dma_start3A_217, %dma_start3A_223] : memref<10x1000xi32, #tpu.memory_space<vmem>> -> memref<1x1000xi32, #tpu.memory_space<vmem>>
    %dma_start3A_225 = tpu.memref_squeeze %dma_start3A_224 : memref<1x1000xi32, #tpu.memory_space<vmem>> -> memref<1000xi32, #tpu.memory_space<vmem>>
    %dma_start3A_226 = tpu.memref_slice %arg3[%dma_start3A_216, %add3A_215] : memref<2x320000xi32, #tpu.memory_space<hbm>> -> memref<1x1000xi32, #tpu.memory_space<hbm>>
    %dma_start3A_227 = tpu.memref_squeeze %dma_start3A_226 : memref<1x1000xi32, #tpu.memory_space<hbm>> -> memref<1000xi32, #tpu.memory_space<hbm>>
    tpu.enqueue_dma source(%dma_start3A_227 : memref<1000xi32, #tpu.memory_space<hbm>>) target(%dma_start3A_225 : memref<1000xi32, #tpu.memory_space<vmem>>) target_semaphore(%arg13 : memref<!tpu.dma_semaphore, #tpu.memory_space<semaphore_mem>>)
    %add3A_228 = arith.constant 8000 : i32
    %add3A_229 = arith.addi %mul3A_4, %add3A_228 : i32
    %dma_start3A_230 = arith.constant 0 : i32
    %dma_start3A_231 = arith.constant 8 : i32
    %dma_start3A_232 = arith.constant 0 : i32
    %dma_start3A_233 = tpu.memref_slice %arg6[%dma_start3A_231, %dma_start3A_232] : memref<10x1000xi32, #tpu.memory_space<vmem>> -> memref<1x1000xi32, #tpu.memory_space<vmem>>
    %dma_start3A_234 = tpu.memref_squeeze %dma_start3A_233 : memref<1x1000xi32, #tpu.memory_space<vmem>> -> memref<1000xi32, #tpu.memory_space<vmem>>
    %dma_start3A_235 = tpu.memref_slice %arg3[%dma_start3A_230, %add3A_229] : memref<2x320000xi32, #tpu.memory_space<hbm>> -> memref<1x1000xi32, #tpu.memory_space<hbm>>
    %dma_start3A_236 = tpu.memref_squeeze %dma_start3A_235 : memref<1x1000xi32, #tpu.memory_space<hbm>> -> memref<1000xi32, #tpu.memory_space<hbm>>
    %dma_start3A_237 = arith.constant 0 : i32
    %dma_start3A_238 = tpu.memref_slice %arg6[%dma_start3A_231, %dma_start3A_237] : memref<10x1000xi32, #tpu.memory_space<vmem>> -> memref<1x1000xi32, #tpu.memory_space<vmem>>
    %dma_start3A_239 = tpu.memref_squeeze %dma_start3A_238 : memref<1x1000xi32, #tpu.memory_space<vmem>> -> memref<1000xi32, #tpu.memory_space<vmem>>
    %dma_start3A_240 = tpu.memref_slice %arg3[%dma_start3A_230, %add3A_229] : memref<2x320000xi32, #tpu.memory_space<hbm>> -> memref<1x1000xi32, #tpu.memory_space<hbm>>
    %dma_start3A_241 = tpu.memref_squeeze %dma_start3A_240 : memref<1x1000xi32, #tpu.memory_space<hbm>> -> memref<1000xi32, #tpu.memory_space<hbm>>
    tpu.enqueue_dma source(%dma_start3A_241 : memref<1000xi32, #tpu.memory_space<hbm>>) target(%dma_start3A_239 : memref<1000xi32, #tpu.memory_space<vmem>>) target_semaphore(%arg13 : memref<!tpu.dma_semaphore, #tpu.memory_space<semaphore_mem>>)
    %add3A_242 = arith.constant 8000 : i32
    %add3A_243 = arith.addi %mul3A_4, %add3A_242 : i32
    %dma_start3A_244 = arith.constant 1 : i32
    %dma_start3A_245 = arith.constant 8 : i32
    %dma_start3A_246 = arith.constant 0 : i32
    %dma_start3A_247 = tpu.memref_slice %arg7[%dma_start3A_245, %dma_start3A_246] : memref<10x1000xi32, #tpu.memory_space<vmem>> -> memref<1x1000xi32, #tpu.memory_space<vmem>>
    %dma_start3A_248 = tpu.memref_squeeze %dma_start3A_247 : memref<1x1000xi32, #tpu.memory_space<vmem>> -> memref<1000xi32, #tpu.memory_space<vmem>>
    %dma_start3A_249 = tpu.memref_slice %arg3[%dma_start3A_244, %add3A_243] : memref<2x320000xi32, #tpu.memory_space<hbm>> -> memref<1x1000xi32, #tpu.memory_space<hbm>>
    %dma_start3A_250 = tpu.memref_squeeze %dma_start3A_249 : memref<1x1000xi32, #tpu.memory_space<hbm>> -> memref<1000xi32, #tpu.memory_space<hbm>>
    %dma_start3A_251 = arith.constant 0 : i32
    %dma_start3A_252 = tpu.memref_slice %arg7[%dma_start3A_245, %dma_start3A_251] : memref<10x1000xi32, #tpu.memory_space<vmem>> -> memref<1x1000xi32, #tpu.memory_space<vmem>>
    %dma_start3A_253 = tpu.memref_squeeze %dma_start3A_252 : memref<1x1000xi32, #tpu.memory_space<vmem>> -> memref<1000xi32, #tpu.memory_space<vmem>>
    %dma_start3A_254 = tpu.memref_slice %arg3[%dma_start3A_244, %add3A_243] : memref<2x320000xi32, #tpu.memory_space<hbm>> -> memref<1x1000xi32, #tpu.memory_space<hbm>>
    %dma_start3A_255 = tpu.memref_squeeze %dma_start3A_254 : memref<1x1000xi32, #tpu.memory_space<hbm>> -> memref<1000xi32, #tpu.memory_space<hbm>>
    tpu.enqueue_dma source(%dma_start3A_255 : memref<1000xi32, #tpu.memory_space<hbm>>) target(%dma_start3A_253 : memref<1000xi32, #tpu.memory_space<vmem>>) target_semaphore(%arg13 : memref<!tpu.dma_semaphore, #tpu.memory_space<semaphore_mem>>)
    %add3A_256 = arith.constant 9000 : i32
    %add3A_257 = arith.addi %mul3A_4, %add3A_256 : i32
    %dma_start3A_258 = arith.constant 0 : i32
    %dma_start3A_259 = arith.constant 9 : i32
    %dma_start3A_260 = arith.constant 0 : i32
    %dma_start3A_261 = tpu.memref_slice %arg6[%dma_start3A_259, %dma_start3A_260] : memref<10x1000xi32, #tpu.memory_space<vmem>> -> memref<1x1000xi32, #tpu.memory_space<vmem>>
    %dma_start3A_262 = tpu.memref_squeeze %dma_start3A_261 : memref<1x1000xi32, #tpu.memory_space<vmem>> -> memref<1000xi32, #tpu.memory_space<vmem>>
    %dma_start3A_263 = tpu.memref_slice %arg3[%dma_start3A_258, %add3A_257] : memref<2x320000xi32, #tpu.memory_space<hbm>> -> memref<1x1000xi32, #tpu.memory_space<hbm>>
    %dma_start3A_264 = tpu.memref_squeeze %dma_start3A_263 : memref<1x1000xi32, #tpu.memory_space<hbm>> -> memref<1000xi32, #tpu.memory_space<hbm>>
    %dma_start3A_265 = arith.constant 0 : i32
    %dma_start3A_266 = tpu.memref_slice %arg6[%dma_start3A_259, %dma_start3A_265] : memref<10x1000xi32, #tpu.memory_space<vmem>> -> memref<1x1000xi32, #tpu.memory_space<vmem>>
    %dma_start3A_267 = tpu.memref_squeeze %dma_start3A_266 : memref<1x1000xi32, #tpu.memory_space<vmem>> -> memref<1000xi32, #tpu.memory_space<vmem>>
    %dma_start3A_268 = tpu.memref_slice %arg3[%dma_start3A_258, %add3A_257] : memref<2x320000xi32, #tpu.memory_space<hbm>> -> memref<1x1000xi32, #tpu.memory_space<hbm>>
    %dma_start3A_269 = tpu.memref_squeeze %dma_start3A_268 : memref<1x1000xi32, #tpu.memory_space<hbm>> -> memref<1000xi32, #tpu.memory_space<hbm>>
    tpu.enqueue_dma source(%dma_start3A_269 : memref<1000xi32, #tpu.memory_space<hbm>>) target(%dma_start3A_267 : memref<1000xi32, #tpu.memory_space<vmem>>) target_semaphore(%arg13 : memref<!tpu.dma_semaphore, #tpu.memory_space<semaphore_mem>>)
    %add3A_270 = arith.constant 9000 : i32
    %add3A_271 = arith.addi %mul3A_4, %add3A_270 : i32
    %dma_start3A_272 = arith.constant 1 : i32
    %dma_start3A_273 = arith.constant 9 : i32
    %dma_start3A_274 = arith.constant 0 : i32
    %dma_start3A_275 = tpu.memref_slice %arg7[%dma_start3A_273, %dma_start3A_274] : memref<10x1000xi32, #tpu.memory_space<vmem>> -> memref<1x1000xi32, #tpu.memory_space<vmem>>
    %dma_start3A_276 = tpu.memref_squeeze %dma_start3A_275 : memref<1x1000xi32, #tpu.memory_space<vmem>> -> memref<1000xi32, #tpu.memory_space<vmem>>
    %dma_start3A_277 = tpu.memref_slice %arg3[%dma_start3A_272, %add3A_271] : memref<2x320000xi32, #tpu.memory_space<hbm>> -> memref<1x1000xi32, #tpu.memory_space<hbm>>
    %dma_start3A_278 = tpu.memref_squeeze %dma_start3A_277 : memref<1x1000xi32, #tpu.memory_space<hbm>> -> memref<1000xi32, #tpu.memory_space<hbm>>
    %dma_start3A_279 = arith.constant 0 : i32
    %dma_start3A_280 = tpu.memref_slice %arg7[%dma_start3A_273, %dma_start3A_279] : memref<10x1000xi32, #tpu.memory_space<vmem>> -> memref<1x1000xi32, #tpu.memory_space<vmem>>
    %dma_start3A_281 = tpu.memref_squeeze %dma_start3A_280 : memref<1x1000xi32, #tpu.memory_space<vmem>> -> memref<1000xi32, #tpu.memory_space<vmem>>
    %dma_start3A_282 = tpu.memref_slice %arg3[%dma_start3A_272, %add3A_271] : memref<2x320000xi32, #tpu.memory_space<hbm>> -> memref<1x1000xi32, #tpu.memory_space<hbm>>
    %dma_start3A_283 = tpu.memref_squeeze %dma_start3A_282 : memref<1x1000xi32, #tpu.memory_space<hbm>> -> memref<1000xi32, #tpu.memory_space<hbm>>
    tpu.enqueue_dma source(%dma_start3A_283 : memref<1000xi32, #tpu.memory_space<hbm>>) target(%dma_start3A_281 : memref<1000xi32, #tpu.memory_space<vmem>>) target_semaphore(%arg13 : memref<!tpu.dma_semaphore, #tpu.memory_space<semaphore_mem>>)
    %dma_wait3A = arith.constant 0 : i32
    %dma_wait3A_284 = arith.constant 0 : i32
    %dma_wait3A_285 = arith.constant 0 : i32
    %dma_wait3A_286 = tpu.memref_slice %arg6[%dma_wait3A_284, %dma_wait3A_285] : memref<10x1000xi32, #tpu.memory_space<vmem>> -> memref<1x1000xi32, #tpu.memory_space<vmem>>
    %dma_wait3A_287 = tpu.memref_squeeze %dma_wait3A_286 : memref<1x1000xi32, #tpu.memory_space<vmem>> -> memref<1000xi32, #tpu.memory_space<vmem>>
    %dma_wait3A_288 = tpu.memref_slice %arg3[%dma_wait3A, %mul3A_4] : memref<2x320000xi32, #tpu.memory_space<hbm>> -> memref<1x1000xi32, #tpu.memory_space<hbm>>
    %dma_wait3A_289 = tpu.memref_squeeze %dma_wait3A_288 : memref<1x1000xi32, #tpu.memory_space<hbm>> -> memref<1000xi32, #tpu.memory_space<hbm>>
    %dma_wait3A_290 = arith.constant 0 : i32
    %dma_wait3A_291 = tpu.memref_slice %arg6[%dma_wait3A_284, %dma_wait3A_290] : memref<10x1000xi32, #tpu.memory_space<vmem>> -> memref<1x1000xi32, #tpu.memory_space<vmem>>
    %dma_wait3A_292 = tpu.memref_squeeze %dma_wait3A_291 : memref<1x1000xi32, #tpu.memory_space<vmem>> -> memref<1000xi32, #tpu.memory_space<vmem>>
    %dma_wait3A_293 = tpu.memref_slice %arg3[%dma_wait3A, %mul3A_4] : memref<2x320000xi32, #tpu.memory_space<hbm>> -> memref<1x1000xi32, #tpu.memory_space<hbm>>
    %dma_wait3A_294 = tpu.memref_squeeze %dma_wait3A_293 : memref<1x1000xi32, #tpu.memory_space<hbm>> -> memref<1000xi32, #tpu.memory_space<hbm>>
    tpu.wait_dma2 semaphore(%arg13 : memref<!tpu.dma_semaphore, #tpu.memory_space<semaphore_mem>>) src(%dma_wait3A_294 : memref<1000xi32, #tpu.memory_space<hbm>>) dst(%dma_wait3A_292 : memref<1000xi32, #tpu.memory_space<vmem>>)
    %dma_wait3A_295 = arith.constant 0 : i32
    %dma_wait3A_296 = arith.constant 0 : i32
    %dma_wait3A_297 = arith.constant 0 : i32
    %dma_wait3A_298 = tpu.memref_slice %arg7[%dma_wait3A_296, %dma_wait3A_297] : memref<10x1000xi32, #tpu.memory_space<vmem>> -> memref<1x1000xi32, #tpu.memory_space<vmem>>
    %dma_wait3A_299 = tpu.memref_squeeze %dma_wait3A_298 : memref<1x1000xi32, #tpu.memory_space<vmem>> -> memref<1000xi32, #tpu.memory_space<vmem>>
    %dma_wait3A_300 = tpu.memref_slice %arg3[%dma_wait3A_295, %mul3A_4] : memref<2x320000xi32, #tpu.memory_space<hbm>> -> memref<1x1000xi32, #tpu.memory_space<hbm>>
    %dma_wait3A_301 = tpu.memref_squeeze %dma_wait3A_300 : memref<1x1000xi32, #tpu.memory_space<hbm>> -> memref<1000xi32, #tpu.memory_space<hbm>>
    %dma_wait3A_302 = arith.constant 0 : i32
    %dma_wait3A_303 = tpu.memref_slice %arg7[%dma_wait3A_296, %dma_wait3A_302] : memref<10x1000xi32, #tpu.memory_space<vmem>> -> memref<1x1000xi32, #tpu.memory_space<vmem>>
    %dma_wait3A_304 = tpu.memref_squeeze %dma_wait3A_303 : memref<1x1000xi32, #tpu.memory_space<vmem>> -> memref<1000xi32, #tpu.memory_space<vmem>>
    %dma_wait3A_305 = tpu.memref_slice %arg3[%dma_wait3A_295, %mul3A_4] : memref<2x320000xi32, #tpu.memory_space<hbm>> -> memref<1x1000xi32, #tpu.memory_space<hbm>>
    %dma_wait3A_306 = tpu.memref_squeeze %dma_wait3A_305 : memref<1x1000xi32, #tpu.memory_space<hbm>> -> memref<1000xi32, #tpu.memory_space<hbm>>
    tpu.wait_dma2 semaphore(%arg13 : memref<!tpu.dma_semaphore, #tpu.memory_space<semaphore_mem>>) src(%dma_wait3A_306 : memref<1000xi32, #tpu.memory_space<hbm>>) dst(%dma_wait3A_304 : memref<1000xi32, #tpu.memory_space<vmem>>)
    %dma_wait3A_307 = arith.constant 0 : i32
    %dma_wait3A_308 = arith.constant 1 : i32
    %dma_wait3A_309 = arith.constant 0 : i32
    %dma_wait3A_310 = tpu.memref_slice %arg6[%dma_wait3A_308, %dma_wait3A_309] : memref<10x1000xi32, #tpu.memory_space<vmem>> -> memref<1x1000xi32, #tpu.memory_space<vmem>>
    %dma_wait3A_311 = tpu.memref_squeeze %dma_wait3A_310 : memref<1x1000xi32, #tpu.memory_space<vmem>> -> memref<1000xi32, #tpu.memory_space<vmem>>
    %dma_wait3A_312 = tpu.memref_slice %arg3[%dma_wait3A_307, %mul3A_4] : memref<2x320000xi32, #tpu.memory_space<hbm>> -> memref<1x1000xi32, #tpu.memory_space<hbm>>
    %dma_wait3A_313 = tpu.memref_squeeze %dma_wait3A_312 : memref<1x1000xi32, #tpu.memory_space<hbm>> -> memref<1000xi32, #tpu.memory_space<hbm>>
    %dma_wait3A_314 = arith.constant 0 : i32
    %dma_wait3A_315 = tpu.memref_slice %arg6[%dma_wait3A_308, %dma_wait3A_314] : memref<10x1000xi32, #tpu.memory_space<vmem>> -> memref<1x1000xi32, #tpu.memory_space<vmem>>
    %dma_wait3A_316 = tpu.memref_squeeze %dma_wait3A_315 : memref<1x1000xi32, #tpu.memory_space<vmem>> -> memref<1000xi32, #tpu.memory_space<vmem>>
    %dma_wait3A_317 = tpu.memref_slice %arg3[%dma_wait3A_307, %mul3A_4] : memref<2x320000xi32, #tpu.memory_space<hbm>> -> memref<1x1000xi32, #tpu.memory_space<hbm>>
    %dma_wait3A_318 = tpu.memref_squeeze %dma_wait3A_317 : memref<1x1000xi32, #tpu.memory_space<hbm>> -> memref<1000xi32, #tpu.memory_space<hbm>>
    tpu.wait_dma2 semaphore(%arg13 : memref<!tpu.dma_semaphore, #tpu.memory_space<semaphore_mem>>) src(%dma_wait3A_318 : memref<1000xi32, #tpu.memory_space<hbm>>) dst(%dma_wait3A_316 : memref<1000xi32, #tpu.memory_space<vmem>>)
    %dma_wait3A_319 = arith.constant 0 : i32
    %dma_wait3A_320 = arith.constant 1 : i32
    %dma_wait3A_321 = arith.constant 0 : i32
    %dma_wait3A_322 = tpu.memref_slice %arg7[%dma_wait3A_320, %dma_wait3A_321] : memref<10x1000xi32, #tpu.memory_space<vmem>> -> memref<1x1000xi32, #tpu.memory_space<vmem>>
    %dma_wait3A_323 = tpu.memref_squeeze %dma_wait3A_322 : memref<1x1000xi32, #tpu.memory_space<vmem>> -> memref<1000xi32, #tpu.memory_space<vmem>>
    %dma_wait3A_324 = tpu.memref_slice %arg3[%dma_wait3A_319, %mul3A_4] : memref<2x320000xi32, #tpu.memory_space<hbm>> -> memref<1x1000xi32, #tpu.memory_space<hbm>>
    %dma_wait3A_325 = tpu.memref_squeeze %dma_wait3A_324 : memref<1x1000xi32, #tpu.memory_space<hbm>> -> memref<1000xi32, #tpu.memory_space<hbm>>
    %dma_wait3A_326 = arith.constant 0 : i32
    %dma_wait3A_327 = tpu.memref_slice %arg7[%dma_wait3A_320, %dma_wait3A_326] : memref<10x1000xi32, #tpu.memory_space<vmem>> -> memref<1x1000xi32, #tpu.memory_space<vmem>>
    %dma_wait3A_328 = tpu.memref_squeeze %dma_wait3A_327 : memref<1x1000xi32, #tpu.memory_space<vmem>> -> memref<1000xi32, #tpu.memory_space<vmem>>
    %dma_wait3A_329 = tpu.memref_slice %arg3[%dma_wait3A_319, %mul3A_4] : memref<2x320000xi32, #tpu.memory_space<hbm>> -> memref<1x1000xi32, #tpu.memory_space<hbm>>
    %dma_wait3A_330 = tpu.memref_squeeze %dma_wait3A_329 : memref<1x1000xi32, #tpu.memory_space<hbm>> -> memref<1000xi32, #tpu.memory_space<hbm>>
    tpu.wait_dma2 semaphore(%arg13 : memref<!tpu.dma_semaphore, #tpu.memory_space<semaphore_mem>>) src(%dma_wait3A_330 : memref<1000xi32, #tpu.memory_space<hbm>>) dst(%dma_wait3A_328 : memref<1000xi32, #tpu.memory_space<vmem>>)
    %dma_wait3A_331 = arith.constant 0 : i32
    %dma_wait3A_332 = arith.constant 2 : i32
    %dma_wait3A_333 = arith.constant 0 : i32
    %dma_wait3A_334 = tpu.memref_slice %arg6[%dma_wait3A_332, %dma_wait3A_333] : memref<10x1000xi32, #tpu.memory_space<vmem>> -> memref<1x1000xi32, #tpu.memory_space<vmem>>
    %dma_wait3A_335 = tpu.memref_squeeze %dma_wait3A_334 : memref<1x1000xi32, #tpu.memory_space<vmem>> -> memref<1000xi32, #tpu.memory_space<vmem>>
    %dma_wait3A_336 = tpu.memref_slice %arg3[%dma_wait3A_331, %mul3A_4] : memref<2x320000xi32, #tpu.memory_space<hbm>> -> memref<1x1000xi32, #tpu.memory_space<hbm>>
    %dma_wait3A_337 = tpu.memref_squeeze %dma_wait3A_336 : memref<1x1000xi32, #tpu.memory_space<hbm>> -> memref<1000xi32, #tpu.memory_space<hbm>>
    %dma_wait3A_338 = arith.constant 0 : i32
    %dma_wait3A_339 = tpu.memref_slice %arg6[%dma_wait3A_332, %dma_wait3A_338] : memref<10x1000xi32, #tpu.memory_space<vmem>> -> memref<1x1000xi32, #tpu.memory_space<vmem>>
    %dma_wait3A_340 = tpu.memref_squeeze %dma_wait3A_339 : memref<1x1000xi32, #tpu.memory_space<vmem>> -> memref<1000xi32, #tpu.memory_space<vmem>>
    %dma_wait3A_341 = tpu.memref_slice %arg3[%dma_wait3A_331, %mul3A_4] : memref<2x320000xi32, #tpu.memory_space<hbm>> -> memref<1x1000xi32, #tpu.memory_space<hbm>>
    %dma_wait3A_342 = tpu.memref_squeeze %dma_wait3A_341 : memref<1x1000xi32, #tpu.memory_space<hbm>> -> memref<1000xi32, #tpu.memory_space<hbm>>
    tpu.wait_dma2 semaphore(%arg13 : memref<!tpu.dma_semaphore, #tpu.memory_space<semaphore_mem>>) src(%dma_wait3A_342 : memref<1000xi32, #tpu.memory_space<hbm>>) dst(%dma_wait3A_340 : memref<1000xi32, #tpu.memory_space<vmem>>)
    %dma_wait3A_343 = arith.constant 0 : i32
    %dma_wait3A_344 = arith.constant 2 : i32
    %dma_wait3A_345 = arith.constant 0 : i32
    %dma_wait3A_346 = tpu.memref_slice %arg7[%dma_wait3A_344, %dma_wait3A_345] : memref<10x1000xi32, #tpu.memory_space<vmem>> -> memref<1x1000xi32, #tpu.memory_space<vmem>>
    %dma_wait3A_347 = tpu.memref_squeeze %dma_wait3A_346 : memref<1x1000xi32, #tpu.memory_space<vmem>> -> memref<1000xi32, #tpu.memory_space<vmem>>
    %dma_wait3A_348 = tpu.memref_slice %arg3[%dma_wait3A_343, %mul3A_4] : memref<2x320000xi32, #tpu.memory_space<hbm>> -> memref<1x1000xi32, #tpu.memory_space<hbm>>
    %dma_wait3A_349 = tpu.memref_squeeze %dma_wait3A_348 : memref<1x1000xi32, #tpu.memory_space<hbm>> -> memref<1000xi32, #tpu.memory_space<hbm>>
    %dma_wait3A_350 = arith.constant 0 : i32
    %dma_wait3A_351 = tpu.memref_slice %arg7[%dma_wait3A_344, %dma_wait3A_350] : memref<10x1000xi32, #tpu.memory_space<vmem>> -> memref<1x1000xi32, #tpu.memory_space<vmem>>
    %dma_wait3A_352 = tpu.memref_squeeze %dma_wait3A_351 : memref<1x1000xi32, #tpu.memory_space<vmem>> -> memref<1000xi32, #tpu.memory_space<vmem>>
    %dma_wait3A_353 = tpu.memref_slice %arg3[%dma_wait3A_343, %mul3A_4] : memref<2x320000xi32, #tpu.memory_space<hbm>> -> memref<1x1000xi32, #tpu.memory_space<hbm>>
    %dma_wait3A_354 = tpu.memref_squeeze %dma_wait3A_353 : memref<1x1000xi32, #tpu.memory_space<hbm>> -> memref<1000xi32, #tpu.memory_space<hbm>>
    tpu.wait_dma2 semaphore(%arg13 : memref<!tpu.dma_semaphore, #tpu.memory_space<semaphore_mem>>) src(%dma_wait3A_354 : memref<1000xi32, #tpu.memory_space<hbm>>) dst(%dma_wait3A_352 : memref<1000xi32, #tpu.memory_space<vmem>>)
    %dma_wait3A_355 = arith.constant 0 : i32
    %dma_wait3A_356 = arith.constant 3 : i32
    %dma_wait3A_357 = arith.constant 0 : i32
    %dma_wait3A_358 = tpu.memref_slice %arg6[%dma_wait3A_356, %dma_wait3A_357] : memref<10x1000xi32, #tpu.memory_space<vmem>> -> memref<1x1000xi32, #tpu.memory_space<vmem>>
    %dma_wait3A_359 = tpu.memref_squeeze %dma_wait3A_358 : memref<1x1000xi32, #tpu.memory_space<vmem>> -> memref<1000xi32, #tpu.memory_space<vmem>>
    %dma_wait3A_360 = tpu.memref_slice %arg3[%dma_wait3A_355, %mul3A_4] : memref<2x320000xi32, #tpu.memory_space<hbm>> -> memref<1x1000xi32, #tpu.memory_space<hbm>>
    %dma_wait3A_361 = tpu.memref_squeeze %dma_wait3A_360 : memref<1x1000xi32, #tpu.memory_space<hbm>> -> memref<1000xi32, #tpu.memory_space<hbm>>
    %dma_wait3A_362 = arith.constant 0 : i32
    %dma_wait3A_363 = tpu.memref_slice %arg6[%dma_wait3A_356, %dma_wait3A_362] : memref<10x1000xi32, #tpu.memory_space<vmem>> -> memref<1x1000xi32, #tpu.memory_space<vmem>>
    %dma_wait3A_364 = tpu.memref_squeeze %dma_wait3A_363 : memref<1x1000xi32, #tpu.memory_space<vmem>> -> memref<1000xi32, #tpu.memory_space<vmem>>
    %dma_wait3A_365 = tpu.memref_slice %arg3[%dma_wait3A_355, %mul3A_4] : memref<2x320000xi32, #tpu.memory_space<hbm>> -> memref<1x1000xi32, #tpu.memory_space<hbm>>
    %dma_wait3A_366 = tpu.memref_squeeze %dma_wait3A_365 : memref<1x1000xi32, #tpu.memory_space<hbm>> -> memref<1000xi32, #tpu.memory_space<hbm>>
    tpu.wait_dma2 semaphore(%arg13 : memref<!tpu.dma_semaphore, #tpu.memory_space<semaphore_mem>>) src(%dma_wait3A_366 : memref<1000xi32, #tpu.memory_space<hbm>>) dst(%dma_wait3A_364 : memref<1000xi32, #tpu.memory_space<vmem>>)
    %dma_wait3A_367 = arith.constant 0 : i32
    %dma_wait3A_368 = arith.constant 3 : i32
    %dma_wait3A_369 = arith.constant 0 : i32
    %dma_wait3A_370 = tpu.memref_slice %arg7[%dma_wait3A_368, %dma_wait3A_369] : memref<10x1000xi32, #tpu.memory_space<vmem>> -> memref<1x1000xi32, #tpu.memory_space<vmem>>
    %dma_wait3A_371 = tpu.memref_squeeze %dma_wait3A_370 : memref<1x1000xi32, #tpu.memory_space<vmem>> -> memref<1000xi32, #tpu.memory_space<vmem>>
    %dma_wait3A_372 = tpu.memref_slice %arg3[%dma_wait3A_367, %mul3A_4] : memref<2x320000xi32, #tpu.memory_space<hbm>> -> memref<1x1000xi32, #tpu.memory_space<hbm>>
    %dma_wait3A_373 = tpu.memref_squeeze %dma_wait3A_372 : memref<1x1000xi32, #tpu.memory_space<hbm>> -> memref<1000xi32, #tpu.memory_space<hbm>>
    %dma_wait3A_374 = arith.constant 0 : i32
    %dma_wait3A_375 = tpu.memref_slice %arg7[%dma_wait3A_368, %dma_wait3A_374] : memref<10x1000xi32, #tpu.memory_space<vmem>> -> memref<1x1000xi32, #tpu.memory_space<vmem>>
    %dma_wait3A_376 = tpu.memref_squeeze %dma_wait3A_375 : memref<1x1000xi32, #tpu.memory_space<vmem>> -> memref<1000xi32, #tpu.memory_space<vmem>>
    %dma_wait3A_377 = tpu.memref_slice %arg3[%dma_wait3A_367, %mul3A_4] : memref<2x320000xi32, #tpu.memory_space<hbm>> -> memref<1x1000xi32, #tpu.memory_space<hbm>>
    %dma_wait3A_378 = tpu.memref_squeeze %dma_wait3A_377 : memref<1x1000xi32, #tpu.memory_space<hbm>> -> memref<1000xi32, #tpu.memory_space<hbm>>
    tpu.wait_dma2 semaphore(%arg13 : memref<!tpu.dma_semaphore, #tpu.memory_space<semaphore_mem>>) src(%dma_wait3A_378 : memref<1000xi32, #tpu.memory_space<hbm>>) dst(%dma_wait3A_376 : memref<1000xi32, #tpu.memory_space<vmem>>)
    %dma_wait3A_379 = arith.constant 0 : i32
    %dma_wait3A_380 = arith.constant 4 : i32
    %dma_wait3A_381 = arith.constant 0 : i32
    %dma_wait3A_382 = tpu.memref_slice %arg6[%dma_wait3A_380, %dma_wait3A_381] : memref<10x1000xi32, #tpu.memory_space<vmem>> -> memref<1x1000xi32, #tpu.memory_space<vmem>>
    %dma_wait3A_383 = tpu.memref_squeeze %dma_wait3A_382 : memref<1x1000xi32, #tpu.memory_space<vmem>> -> memref<1000xi32, #tpu.memory_space<vmem>>
    %dma_wait3A_384 = tpu.memref_slice %arg3[%dma_wait3A_379, %mul3A_4] : memref<2x320000xi32, #tpu.memory_space<hbm>> -> memref<1x1000xi32, #tpu.memory_space<hbm>>
    %dma_wait3A_385 = tpu.memref_squeeze %dma_wait3A_384 : memref<1x1000xi32, #tpu.memory_space<hbm>> -> memref<1000xi32, #tpu.memory_space<hbm>>
    %dma_wait3A_386 = arith.constant 0 : i32
    %dma_wait3A_387 = tpu.memref_slice %arg6[%dma_wait3A_380, %dma_wait3A_386] : memref<10x1000xi32, #tpu.memory_space<vmem>> -> memref<1x1000xi32, #tpu.memory_space<vmem>>
    %dma_wait3A_388 = tpu.memref_squeeze %dma_wait3A_387 : memref<1x1000xi32, #tpu.memory_space<vmem>> -> memref<1000xi32, #tpu.memory_space<vmem>>
    %dma_wait3A_389 = tpu.memref_slice %arg3[%dma_wait3A_379, %mul3A_4] : memref<2x320000xi32, #tpu.memory_space<hbm>> -> memref<1x1000xi32, #tpu.memory_space<hbm>>
    %dma_wait3A_390 = tpu.memref_squeeze %dma_wait3A_389 : memref<1x1000xi32, #tpu.memory_space<hbm>> -> memref<1000xi32, #tpu.memory_space<hbm>>
    tpu.wait_dma2 semaphore(%arg13 : memref<!tpu.dma_semaphore, #tpu.memory_space<semaphore_mem>>) src(%dma_wait3A_390 : memref<1000xi32, #tpu.memory_space<hbm>>) dst(%dma_wait3A_388 : memref<1000xi32, #tpu.memory_space<vmem>>)
    %dma_wait3A_391 = arith.constant 0 : i32
    %dma_wait3A_392 = arith.constant 4 : i32
    %dma_wait3A_393 = arith.constant 0 : i32
    %dma_wait3A_394 = tpu.memref_slice %arg7[%dma_wait3A_392, %dma_wait3A_393] : memref<10x1000xi32, #tpu.memory_space<vmem>> -> memref<1x1000xi32, #tpu.memory_space<vmem>>
    %dma_wait3A_395 = tpu.memref_squeeze %dma_wait3A_394 : memref<1x1000xi32, #tpu.memory_space<vmem>> -> memref<1000xi32, #tpu.memory_space<vmem>>
    %dma_wait3A_396 = tpu.memref_slice %arg3[%dma_wait3A_391, %mul3A_4] : memref<2x320000xi32, #tpu.memory_space<hbm>> -> memref<1x1000xi32, #tpu.memory_space<hbm>>
    %dma_wait3A_397 = tpu.memref_squeeze %dma_wait3A_396 : memref<1x1000xi32, #tpu.memory_space<hbm>> -> memref<1000xi32, #tpu.memory_space<hbm>>
    %dma_wait3A_398 = arith.constant 0 : i32
    %dma_wait3A_399 = tpu.memref_slice %arg7[%dma_wait3A_392, %dma_wait3A_398] : memref<10x1000xi32, #tpu.memory_space<vmem>> -> memref<1x1000xi32, #tpu.memory_space<vmem>>
    %dma_wait3A_400 = tpu.memref_squeeze %dma_wait3A_399 : memref<1x1000xi32, #tpu.memory_space<vmem>> -> memref<1000xi32, #tpu.memory_space<vmem>>
    %dma_wait3A_401 = tpu.memref_slice %arg3[%dma_wait3A_391, %mul3A_4] : memref<2x320000xi32, #tpu.memory_space<hbm>> -> memref<1x1000xi32, #tpu.memory_space<hbm>>
    %dma_wait3A_402 = tpu.memref_squeeze %dma_wait3A_401 : memref<1x1000xi32, #tpu.memory_space<hbm>> -> memref<1000xi32, #tpu.memory_space<hbm>>
    tpu.wait_dma2 semaphore(%arg13 : memref<!tpu.dma_semaphore, #tpu.memory_space<semaphore_mem>>) src(%dma_wait3A_402 : memref<1000xi32, #tpu.memory_space<hbm>>) dst(%dma_wait3A_400 : memref<1000xi32, #tpu.memory_space<vmem>>)
    %dma_wait3A_403 = arith.constant 0 : i32
    %dma_wait3A_404 = arith.constant 5 : i32
    %dma_wait3A_405 = arith.constant 0 : i32
    %dma_wait3A_406 = tpu.memref_slice %arg6[%dma_wait3A_404, %dma_wait3A_405] : memref<10x1000xi32, #tpu.memory_space<vmem>> -> memref<1x1000xi32, #tpu.memory_space<vmem>>
    %dma_wait3A_407 = tpu.memref_squeeze %dma_wait3A_406 : memref<1x1000xi32, #tpu.memory_space<vmem>> -> memref<1000xi32, #tpu.memory_space<vmem>>
    %dma_wait3A_408 = tpu.memref_slice %arg3[%dma_wait3A_403, %mul3A_4] : memref<2x320000xi32, #tpu.memory_space<hbm>> -> memref<1x1000xi32, #tpu.memory_space<hbm>>
    %dma_wait3A_409 = tpu.memref_squeeze %dma_wait3A_408 : memref<1x1000xi32, #tpu.memory_space<hbm>> -> memref<1000xi32, #tpu.memory_space<hbm>>
    %dma_wait3A_410 = arith.constant 0 : i32
    %dma_wait3A_411 = tpu.memref_slice %arg6[%dma_wait3A_404, %dma_wait3A_410] : memref<10x1000xi32, #tpu.memory_space<vmem>> -> memref<1x1000xi32, #tpu.memory_space<vmem>>
    %dma_wait3A_412 = tpu.memref_squeeze %dma_wait3A_411 : memref<1x1000xi32, #tpu.memory_space<vmem>> -> memref<1000xi32, #tpu.memory_space<vmem>>
    %dma_wait3A_413 = tpu.memref_slice %arg3[%dma_wait3A_403, %mul3A_4] : memref<2x320000xi32, #tpu.memory_space<hbm>> -> memref<1x1000xi32, #tpu.memory_space<hbm>>
    %dma_wait3A_414 = tpu.memref_squeeze %dma_wait3A_413 : memref<1x1000xi32, #tpu.memory_space<hbm>> -> memref<1000xi32, #tpu.memory_space<hbm>>
    tpu.wait_dma2 semaphore(%arg13 : memref<!tpu.dma_semaphore, #tpu.memory_space<semaphore_mem>>) src(%dma_wait3A_414 : memref<1000xi32, #tpu.memory_space<hbm>>) dst(%dma_wait3A_412 : memref<1000xi32, #tpu.memory_space<vmem>>)
    %dma_wait3A_415 = arith.constant 0 : i32
    %dma_wait3A_416 = arith.constant 5 : i32
    %dma_wait3A_417 = arith.constant 0 : i32
    %dma_wait3A_418 = tpu.memref_slice %arg7[%dma_wait3A_416, %dma_wait3A_417] : memref<10x1000xi32, #tpu.memory_space<vmem>> -> memref<1x1000xi32, #tpu.memory_space<vmem>>
    %dma_wait3A_419 = tpu.memref_squeeze %dma_wait3A_418 : memref<1x1000xi32, #tpu.memory_space<vmem>> -> memref<1000xi32, #tpu.memory_space<vmem>>
    %dma_wait3A_420 = tpu.memref_slice %arg3[%dma_wait3A_415, %mul3A_4] : memref<2x320000xi32, #tpu.memory_space<hbm>> -> memref<1x1000xi32, #tpu.memory_space<hbm>>
    %dma_wait3A_421 = tpu.memref_squeeze %dma_wait3A_420 : memref<1x1000xi32, #tpu.memory_space<hbm>> -> memref<1000xi32, #tpu.memory_space<hbm>>
    %dma_wait3A_422 = arith.constant 0 : i32
    %dma_wait3A_423 = tpu.memref_slice %arg7[%dma_wait3A_416, %dma_wait3A_422] : memref<10x1000xi32, #tpu.memory_space<vmem>> -> memref<1x1000xi32, #tpu.memory_space<vmem>>
    %dma_wait3A_424 = tpu.memref_squeeze %dma_wait3A_423 : memref<1x1000xi32, #tpu.memory_space<vmem>> -> memref<1000xi32, #tpu.memory_space<vmem>>
    %dma_wait3A_425 = tpu.memref_slice %arg3[%dma_wait3A_415, %mul3A_4] : memref<2x320000xi32, #tpu.memory_space<hbm>> -> memref<1x1000xi32, #tpu.memory_space<hbm>>
    %dma_wait3A_426 = tpu.memref_squeeze %dma_wait3A_425 : memref<1x1000xi32, #tpu.memory_space<hbm>> -> memref<1000xi32, #tpu.memory_space<hbm>>
    tpu.wait_dma2 semaphore(%arg13 : memref<!tpu.dma_semaphore, #tpu.memory_space<semaphore_mem>>) src(%dma_wait3A_426 : memref<1000xi32, #tpu.memory_space<hbm>>) dst(%dma_wait3A_424 : memref<1000xi32, #tpu.memory_space<vmem>>)
    %dma_wait3A_427 = arith.constant 0 : i32
    %dma_wait3A_428 = arith.constant 6 : i32
    %dma_wait3A_429 = arith.constant 0 : i32
    %dma_wait3A_430 = tpu.memref_slice %arg6[%dma_wait3A_428, %dma_wait3A_429] : memref<10x1000xi32, #tpu.memory_space<vmem>> -> memref<1x1000xi32, #tpu.memory_space<vmem>>
    %dma_wait3A_431 = tpu.memref_squeeze %dma_wait3A_430 : memref<1x1000xi32, #tpu.memory_space<vmem>> -> memref<1000xi32, #tpu.memory_space<vmem>>
    %dma_wait3A_432 = tpu.memref_slice %arg3[%dma_wait3A_427, %mul3A_4] : memref<2x320000xi32, #tpu.memory_space<hbm>> -> memref<1x1000xi32, #tpu.memory_space<hbm>>
    %dma_wait3A_433 = tpu.memref_squeeze %dma_wait3A_432 : memref<1x1000xi32, #tpu.memory_space<hbm>> -> memref<1000xi32, #tpu.memory_space<hbm>>
    %dma_wait3A_434 = arith.constant 0 : i32
    %dma_wait3A_435 = tpu.memref_slice %arg6[%dma_wait3A_428, %dma_wait3A_434] : memref<10x1000xi32, #tpu.memory_space<vmem>> -> memref<1x1000xi32, #tpu.memory_space<vmem>>
    %dma_wait3A_436 = tpu.memref_squeeze %dma_wait3A_435 : memref<1x1000xi32, #tpu.memory_space<vmem>> -> memref<1000xi32, #tpu.memory_space<vmem>>
    %dma_wait3A_437 = tpu.memref_slice %arg3[%dma_wait3A_427, %mul3A_4] : memref<2x320000xi32, #tpu.memory_space<hbm>> -> memref<1x1000xi32, #tpu.memory_space<hbm>>
    %dma_wait3A_438 = tpu.memref_squeeze %dma_wait3A_437 : memref<1x1000xi32, #tpu.memory_space<hbm>> -> memref<1000xi32, #tpu.memory_space<hbm>>
    tpu.wait_dma2 semaphore(%arg13 : memref<!tpu.dma_semaphore, #tpu.memory_space<semaphore_mem>>) src(%dma_wait3A_438 : memref<1000xi32, #tpu.memory_space<hbm>>) dst(%dma_wait3A_436 : memref<1000xi32, #tpu.memory_space<vmem>>)
    %dma_wait3A_439 = arith.constant 0 : i32
    %dma_wait3A_440 = arith.constant 6 : i32
    %dma_wait3A_441 = arith.constant 0 : i32
    %dma_wait3A_442 = tpu.memref_slice %arg7[%dma_wait3A_440, %dma_wait3A_441] : memref<10x1000xi32, #tpu.memory_space<vmem>> -> memref<1x1000xi32, #tpu.memory_space<vmem>>
    %dma_wait3A_443 = tpu.memref_squeeze %dma_wait3A_442 : memref<1x1000xi32, #tpu.memory_space<vmem>> -> memref<1000xi32, #tpu.memory_space<vmem>>
    %dma_wait3A_444 = tpu.memref_slice %arg3[%dma_wait3A_439, %mul3A_4] : memref<2x320000xi32, #tpu.memory_space<hbm>> -> memref<1x1000xi32, #tpu.memory_space<hbm>>
    %dma_wait3A_445 = tpu.memref_squeeze %dma_wait3A_444 : memref<1x1000xi32, #tpu.memory_space<hbm>> -> memref<1000xi32, #tpu.memory_space<hbm>>
    %dma_wait3A_446 = arith.constant 0 : i32
    %dma_wait3A_447 = tpu.memref_slice %arg7[%dma_wait3A_440, %dma_wait3A_446] : memref<10x1000xi32, #tpu.memory_space<vmem>> -> memref<1x1000xi32, #tpu.memory_space<vmem>>
    %dma_wait3A_448 = tpu.memref_squeeze %dma_wait3A_447 : memref<1x1000xi32, #tpu.memory_space<vmem>> -> memref<1000xi32, #tpu.memory_space<vmem>>
    %dma_wait3A_449 = tpu.memref_slice %arg3[%dma_wait3A_439, %mul3A_4] : memref<2x320000xi32, #tpu.memory_space<hbm>> -> memref<1x1000xi32, #tpu.memory_space<hbm>>
    %dma_wait3A_450 = tpu.memref_squeeze %dma_wait3A_449 : memref<1x1000xi32, #tpu.memory_space<hbm>> -> memref<1000xi32, #tpu.memory_space<hbm>>
    tpu.wait_dma2 semaphore(%arg13 : memref<!tpu.dma_semaphore, #tpu.memory_space<semaphore_mem>>) src(%dma_wait3A_450 : memref<1000xi32, #tpu.memory_space<hbm>>) dst(%dma_wait3A_448 : memref<1000xi32, #tpu.memory_space<vmem>>)
    %dma_wait3A_451 = arith.constant 0 : i32
    %dma_wait3A_452 = arith.constant 7 : i32
    %dma_wait3A_453 = arith.constant 0 : i32
    %dma_wait3A_454 = tpu.memref_slice %arg6[%dma_wait3A_452, %dma_wait3A_453] : memref<10x1000xi32, #tpu.memory_space<vmem>> -> memref<1x1000xi32, #tpu.memory_space<vmem>>
    %dma_wait3A_455 = tpu.memref_squeeze %dma_wait3A_454 : memref<1x1000xi32, #tpu.memory_space<vmem>> -> memref<1000xi32, #tpu.memory_space<vmem>>
    %dma_wait3A_456 = tpu.memref_slice %arg3[%dma_wait3A_451, %mul3A_4] : memref<2x320000xi32, #tpu.memory_space<hbm>> -> memref<1x1000xi32, #tpu.memory_space<hbm>>
    %dma_wait3A_457 = tpu.memref_squeeze %dma_wait3A_456 : memref<1x1000xi32, #tpu.memory_space<hbm>> -> memref<1000xi32, #tpu.memory_space<hbm>>
    %dma_wait3A_458 = arith.constant 0 : i32
    %dma_wait3A_459 = tpu.memref_slice %arg6[%dma_wait3A_452, %dma_wait3A_458] : memref<10x1000xi32, #tpu.memory_space<vmem>> -> memref<1x1000xi32, #tpu.memory_space<vmem>>
    %dma_wait3A_460 = tpu.memref_squeeze %dma_wait3A_459 : memref<1x1000xi32, #tpu.memory_space<vmem>> -> memref<1000xi32, #tpu.memory_space<vmem>>
    %dma_wait3A_461 = tpu.memref_slice %arg3[%dma_wait3A_451, %mul3A_4] : memref<2x320000xi32, #tpu.memory_space<hbm>> -> memref<1x1000xi32, #tpu.memory_space<hbm>>
    %dma_wait3A_462 = tpu.memref_squeeze %dma_wait3A_461 : memref<1x1000xi32, #tpu.memory_space<hbm>> -> memref<1000xi32, #tpu.memory_space<hbm>>
    tpu.wait_dma2 semaphore(%arg13 : memref<!tpu.dma_semaphore, #tpu.memory_space<semaphore_mem>>) src(%dma_wait3A_462 : memref<1000xi32, #tpu.memory_space<hbm>>) dst(%dma_wait3A_460 : memref<1000xi32, #tpu.memory_space<vmem>>)
    %dma_wait3A_463 = arith.constant 0 : i32
    %dma_wait3A_464 = arith.constant 7 : i32
    %dma_wait3A_465 = arith.constant 0 : i32
    %dma_wait3A_466 = tpu.memref_slice %arg7[%dma_wait3A_464, %dma_wait3A_465] : memref<10x1000xi32, #tpu.memory_space<vmem>> -> memref<1x1000xi32, #tpu.memory_space<vmem>>
    %dma_wait3A_467 = tpu.memref_squeeze %dma_wait3A_466 : memref<1x1000xi32, #tpu.memory_space<vmem>> -> memref<1000xi32, #tpu.memory_space<vmem>>
    %dma_wait3A_468 = tpu.memref_slice %arg3[%dma_wait3A_463, %mul3A_4] : memref<2x320000xi32, #tpu.memory_space<hbm>> -> memref<1x1000xi32, #tpu.memory_space<hbm>>
    %dma_wait3A_469 = tpu.memref_squeeze %dma_wait3A_468 : memref<1x1000xi32, #tpu.memory_space<hbm>> -> memref<1000xi32, #tpu.memory_space<hbm>>
    %dma_wait3A_470 = arith.constant 0 : i32
    %dma_wait3A_471 = tpu.memref_slice %arg7[%dma_wait3A_464, %dma_wait3A_470] : memref<10x1000xi32, #tpu.memory_space<vmem>> -> memref<1x1000xi32, #tpu.memory_space<vmem>>
    %dma_wait3A_472 = tpu.memref_squeeze %dma_wait3A_471 : memref<1x1000xi32, #tpu.memory_space<vmem>> -> memref<1000xi32, #tpu.memory_space<vmem>>
    %dma_wait3A_473 = tpu.memref_slice %arg3[%dma_wait3A_463, %mul3A_4] : memref<2x320000xi32, #tpu.memory_space<hbm>> -> memref<1x1000xi32, #tpu.memory_space<hbm>>
    %dma_wait3A_474 = tpu.memref_squeeze %dma_wait3A_473 : memref<1x1000xi32, #tpu.memory_space<hbm>> -> memref<1000xi32, #tpu.memory_space<hbm>>
    tpu.wait_dma2 semaphore(%arg13 : memref<!tpu.dma_semaphore, #tpu.memory_space<semaphore_mem>>) src(%dma_wait3A_474 : memref<1000xi32, #tpu.memory_space<hbm>>) dst(%dma_wait3A_472 : memref<1000xi32, #tpu.memory_space<vmem>>)
    %dma_wait3A_475 = arith.constant 0 : i32
    %dma_wait3A_476 = arith.constant 8 : i32
    %dma_wait3A_477 = arith.constant 0 : i32
    %dma_wait3A_478 = tpu.memref_slice %arg6[%dma_wait3A_476, %dma_wait3A_477] : memref<10x1000xi32, #tpu.memory_space<vmem>> -> memref<1x1000xi32, #tpu.memory_space<vmem>>
    %dma_wait3A_479 = tpu.memref_squeeze %dma_wait3A_478 : memref<1x1000xi32, #tpu.memory_space<vmem>> -> memref<1000xi32, #tpu.memory_space<vmem>>
    %dma_wait3A_480 = tpu.memref_slice %arg3[%dma_wait3A_475, %mul3A_4] : memref<2x320000xi32, #tpu.memory_space<hbm>> -> memref<1x1000xi32, #tpu.memory_space<hbm>>
    %dma_wait3A_481 = tpu.memref_squeeze %dma_wait3A_480 : memref<1x1000xi32, #tpu.memory_space<hbm>> -> memref<1000xi32, #tpu.memory_space<hbm>>
    %dma_wait3A_482 = arith.constant 0 : i32
    %dma_wait3A_483 = tpu.memref_slice %arg6[%dma_wait3A_476, %dma_wait3A_482] : memref<10x1000xi32, #tpu.memory_space<vmem>> -> memref<1x1000xi32, #tpu.memory_space<vmem>>
    %dma_wait3A_484 = tpu.memref_squeeze %dma_wait3A_483 : memref<1x1000xi32, #tpu.memory_space<vmem>> -> memref<1000xi32, #tpu.memory_space<vmem>>
    %dma_wait3A_485 = tpu.memref_slice %arg3[%dma_wait3A_475, %mul3A_4] : memref<2x320000xi32, #tpu.memory_space<hbm>> -> memref<1x1000xi32, #tpu.memory_space<hbm>>
    %dma_wait3A_486 = tpu.memref_squeeze %dma_wait3A_485 : memref<1x1000xi32, #tpu.memory_space<hbm>> -> memref<1000xi32, #tpu.memory_space<hbm>>
    tpu.wait_dma2 semaphore(%arg13 : memref<!tpu.dma_semaphore, #tpu.memory_space<semaphore_mem>>) src(%dma_wait3A_486 : memref<1000xi32, #tpu.memory_space<hbm>>) dst(%dma_wait3A_484 : memref<1000xi32, #tpu.memory_space<vmem>>)
    %dma_wait3A_487 = arith.constant 0 : i32
    %dma_wait3A_488 = arith.constant 8 : i32
    %dma_wait3A_489 = arith.constant 0 : i32
    %dma_wait3A_490 = tpu.memref_slice %arg7[%dma_wait3A_488, %dma_wait3A_489] : memref<10x1000xi32, #tpu.memory_space<vmem>> -> memref<1x1000xi32, #tpu.memory_space<vmem>>
    %dma_wait3A_491 = tpu.memref_squeeze %dma_wait3A_490 : memref<1x1000xi32, #tpu.memory_space<vmem>> -> memref<1000xi32, #tpu.memory_space<vmem>>
    %dma_wait3A_492 = tpu.memref_slice %arg3[%dma_wait3A_487, %mul3A_4] : memref<2x320000xi32, #tpu.memory_space<hbm>> -> memref<1x1000xi32, #tpu.memory_space<hbm>>
    %dma_wait3A_493 = tpu.memref_squeeze %dma_wait3A_492 : memref<1x1000xi32, #tpu.memory_space<hbm>> -> memref<1000xi32, #tpu.memory_space<hbm>>
    %dma_wait3A_494 = arith.constant 0 : i32
    %dma_wait3A_495 = tpu.memref_slice %arg7[%dma_wait3A_488, %dma_wait3A_494] : memref<10x1000xi32, #tpu.memory_space<vmem>> -> memref<1x1000xi32, #tpu.memory_space<vmem>>
    %dma_wait3A_496 = tpu.memref_squeeze %dma_wait3A_495 : memref<1x1000xi32, #tpu.memory_space<vmem>> -> memref<1000xi32, #tpu.memory_space<vmem>>
    %dma_wait3A_497 = tpu.memref_slice %arg3[%dma_wait3A_487, %mul3A_4] : memref<2x320000xi32, #tpu.memory_space<hbm>> -> memref<1x1000xi32, #tpu.memory_space<hbm>>
    %dma_wait3A_498 = tpu.memref_squeeze %dma_wait3A_497 : memref<1x1000xi32, #tpu.memory_space<hbm>> -> memref<1000xi32, #tpu.memory_space<hbm>>
    tpu.wait_dma2 semaphore(%arg13 : memref<!tpu.dma_semaphore, #tpu.memory_space<semaphore_mem>>) src(%dma_wait3A_498 : memref<1000xi32, #tpu.memory_space<hbm>>) dst(%dma_wait3A_496 : memref<1000xi32, #tpu.memory_space<vmem>>)
    %dma_wait3A_499 = arith.constant 0 : i32
    %dma_wait3A_500 = arith.constant 9 : i32
    %dma_wait3A_501 = arith.constant 0 : i32
    %dma_wait3A_502 = tpu.memref_slice %arg6[%dma_wait3A_500, %dma_wait3A_501] : memref<10x1000xi32, #tpu.memory_space<vmem>> -> memref<1x1000xi32, #tpu.memory_space<vmem>>
    %dma_wait3A_503 = tpu.memref_squeeze %dma_wait3A_502 : memref<1x1000xi32, #tpu.memory_space<vmem>> -> memref<1000xi32, #tpu.memory_space<vmem>>
    %dma_wait3A_504 = tpu.memref_slice %arg3[%dma_wait3A_499, %mul3A_4] : memref<2x320000xi32, #tpu.memory_space<hbm>> -> memref<1x1000xi32, #tpu.memory_space<hbm>>
    %dma_wait3A_505 = tpu.memref_squeeze %dma_wait3A_504 : memref<1x1000xi32, #tpu.memory_space<hbm>> -> memref<1000xi32, #tpu.memory_space<hbm>>
    %dma_wait3A_506 = arith.constant 0 : i32
    %dma_wait3A_507 = tpu.memref_slice %arg6[%dma_wait3A_500, %dma_wait3A_506] : memref<10x1000xi32, #tpu.memory_space<vmem>> -> memref<1x1000xi32, #tpu.memory_space<vmem>>
    %dma_wait3A_508 = tpu.memref_squeeze %dma_wait3A_507 : memref<1x1000xi32, #tpu.memory_space<vmem>> -> memref<1000xi32, #tpu.memory_space<vmem>>
    %dma_wait3A_509 = tpu.memref_slice %arg3[%dma_wait3A_499, %mul3A_4] : memref<2x320000xi32, #tpu.memory_space<hbm>> -> memref<1x1000xi32, #tpu.memory_space<hbm>>
    %dma_wait3A_510 = tpu.memref_squeeze %dma_wait3A_509 : memref<1x1000xi32, #tpu.memory_space<hbm>> -> memref<1000xi32, #tpu.memory_space<hbm>>
    tpu.wait_dma2 semaphore(%arg13 : memref<!tpu.dma_semaphore, #tpu.memory_space<semaphore_mem>>) src(%dma_wait3A_510 : memref<1000xi32, #tpu.memory_space<hbm>>) dst(%dma_wait3A_508 : memref<1000xi32, #tpu.memory_space<vmem>>)
    %dma_wait3A_511 = arith.constant 0 : i32
    %dma_wait3A_512 = arith.constant 9 : i32
    %dma_wait3A_513 = arith.constant 0 : i32
    %dma_wait3A_514 = tpu.memref_slice %arg7[%dma_wait3A_512, %dma_wait3A_513] : memref<10x1000xi32, #tpu.memory_space<vmem>> -> memref<1x1000xi32, #tpu.memory_space<vmem>>
    %dma_wait3A_515 = tpu.memref_squeeze %dma_wait3A_514 : memref<1x1000xi32, #tpu.memory_space<vmem>> -> memref<1000xi32, #tpu.memory_space<vmem>>
    %dma_wait3A_516 = tpu.memref_slice %arg3[%dma_wait3A_511, %mul3A_4] : memref<2x320000xi32, #tpu.memory_space<hbm>> -> memref<1x1000xi32, #tpu.memory_space<hbm>>
    %dma_wait3A_517 = tpu.memref_squeeze %dma_wait3A_516 : memref<1x1000xi32, #tpu.memory_space<hbm>> -> memref<1000xi32, #tpu.memory_space<hbm>>
    %dma_wait3A_518 = arith.constant 0 : i32
    %dma_wait3A_519 = tpu.memref_slice %arg7[%dma_wait3A_512, %dma_wait3A_518] : memref<10x1000xi32, #tpu.memory_space<vmem>> -> memref<1x1000xi32, #tpu.memory_space<vmem>>
    %dma_wait3A_520 = tpu.memref_squeeze %dma_wait3A_519 : memref<1x1000xi32, #tpu.memory_space<vmem>> -> memref<1000xi32, #tpu.memory_space<vmem>>
    %dma_wait3A_521 = tpu.memref_slice %arg3[%dma_wait3A_511, %mul3A_4] : memref<2x320000xi32, #tpu.memory_space<hbm>> -> memref<1x1000xi32, #tpu.memory_space<hbm>>
    %dma_wait3A_522 = tpu.memref_squeeze %dma_wait3A_521 : memref<1x1000xi32, #tpu.memory_space<hbm>> -> memref<1000xi32, #tpu.memory_space<hbm>>
    tpu.wait_dma2 semaphore(%arg13 : memref<!tpu.dma_semaphore, #tpu.memory_space<semaphore_mem>>) src(%dma_wait3A_522 : memref<1000xi32, #tpu.memory_space<hbm>>) dst(%dma_wait3A_520 : memref<1000xi32, #tpu.memory_space<vmem>>)
    %barrier3A = arith.constant 0 : index
    tpu.barrier barrier_id(%barrier3A)
    %dma_start3A_523 = arith.constant 0 : i32
    %dma_start3A_524 = arith.constant 0 : i32
    %dma_start3A_525 = tpu.memref_slice %arg6[%dma_start3A_523, %dma_start3A_524] : memref<10x1000xi32, #tpu.memory_space<vmem>> -> memref<1x1000xi32, #tpu.memory_space<vmem>>
    %dma_start3A_526 = tpu.memref_squeeze %dma_start3A_525 : memref<1x1000xi32, #tpu.memory_space<vmem>> -> memref<1000xi32, #tpu.memory_space<vmem>>
    %dma_start3A_527 = arith.constant 0 : i32
    %dma_start3A_528 = arith.constant 0 : i32
    %dma_start3A_529 = tpu.memref_slice %arg2[%dma_start3A_527, %dma_start3A_528] : memref<10000x8xf32, #tpu.memory_space<hbm>> -> memref<10000x8xf32, #tpu.memory_space<hbm>>
    tpu.enqueue_indirect_dma source(%dma_start3A_529 : memref<10000x8xf32, #tpu.memory_space<hbm>>) target(%arg8 : memref<1000x8xf32, #tpu.memory_space<vmem>>) offsets(%dma_start3A_526 : memref<1000xi32, #tpu.memory_space<vmem>>) semaphore(%arg11 : memref<!tpu.dma_semaphore, #tpu.memory_space<semaphore_mem>>)
    %scan3A = arith.constant 0 : i32
    %scan3A_530 = arith.constant 0 : i32
    %scan3A_531 = arith.constant 5 : i32
    %scan3A_532 = arith.addi %scan3A_530, %scan3A_531 : i32
    %scan3A_533 = arith.constant 1 : i32
    scf.for %scan3A_536 = %scan3A_530 to %scan3A_532 step %scan3A_533  : i32 {
      %mul3A_537 = arith.constant 2 : i32
      %mul3A_538 = arith.muli %mul3A_537, %scan3A_536 : i32
      %add3A_539 = arith.constant 1 : i32
      %add3A_540 = arith.addi %mul3A_538, %add3A_539 : i32
      %dma_start3A_541 = arith.constant 0 : i32
      %dma_start3A_542 = tpu.memref_slice %arg6[%add3A_540, %dma_start3A_541] : memref<10x1000xi32, #tpu.memory_space<vmem>> -> memref<1x1000xi32, #tpu.memory_space<vmem>>
      %dma_start3A_543 = tpu.memref_squeeze %dma_start3A_542 : memref<1x1000xi32, #tpu.memory_space<vmem>> -> memref<1000xi32, #tpu.memory_space<vmem>>
      %dma_start3A_544 = arith.constant 0 : i32
      %dma_start3A_545 = arith.constant 0 : i32
      %dma_start3A_546 = tpu.memref_slice %arg2[%dma_start3A_544, %dma_start3A_545] : memref<10000x8xf32, #tpu.memory_space<hbm>> -> memref<10000x8xf32, #tpu.memory_space<hbm>>
      tpu.enqueue_indirect_dma source(%dma_start3A_546 : memref<10000x8xf32, #tpu.memory_space<hbm>>) target(%arg9 : memref<1000x8xf32, #tpu.memory_space<vmem>>) offsets(%dma_start3A_543 : memref<1000xi32, #tpu.memory_space<vmem>>) semaphore(%arg12 : memref<!tpu.dma_semaphore, #tpu.memory_space<semaphore_mem>>)
      %dma_wait3A_547 = arith.constant 0 : i32
      %dma_wait3A_548 = tpu.memref_slice %arg6[%mul3A_538, %dma_wait3A_547] : memref<10x1000xi32, #tpu.memory_space<vmem>> -> memref<1x1000xi32, #tpu.memory_space<vmem>>
      %dma_wait3A_549 = tpu.memref_squeeze %dma_wait3A_548 : memref<1x1000xi32, #tpu.memory_space<vmem>> -> memref<1000xi32, #tpu.memory_space<vmem>>
      %dma_wait3A_550 = arith.constant 0 : i32
      %dma_wait3A_551 = arith.constant 0 : i32
      %dma_wait3A_552 = tpu.memref_slice %arg2[%dma_wait3A_550, %dma_wait3A_551] : memref<10000x8xf32, #tpu.memory_space<hbm>> -> memref<10000x8xf32, #tpu.memory_space<hbm>>
      tpu.wait_indirect_dma semaphore(%arg11 : memref<!tpu.dma_semaphore, #tpu.memory_space<semaphore_mem>>) src(%dma_wait3A_552 : memref<10000x8xf32, #tpu.memory_space<hbm>>) dst(%arg8 : memref<1000x8xf32, #tpu.memory_space<vmem>>)
      "tpu.region"() ({
        %run_scoped3A = tpu.sem_alloc : memref<!tpu.dma_semaphore, #tpu.memory_space<semaphore_mem>>
        %dma_start3A_567 = arith.constant 0 : i32
        %dma_start3A_568 = tpu.memref_slice %arg7[%mul3A_538, %dma_start3A_567] : memref<10x1000xi32, #tpu.memory_space<vmem>> -> memref<1x1000xi32, #tpu.memory_space<vmem>>
        %dma_start3A_569 = tpu.memref_squeeze %dma_start3A_568 : memref<1x1000xi32, #tpu.memory_space<vmem>> -> memref<1000xi32, #tpu.memory_space<vmem>>
        %dma_start3A_570 = arith.constant 0 : i32
        %dma_start3A_571 = arith.constant 0 : i32
        %dma_start3A_572 = tpu.memref_slice %arg10[%dma_start3A_570, %dma_start3A_571] : memref<10112x8xf32, #tpu.memory_space<vmem_shared>> -> memref<10112x8xf32, #tpu.memory_space<vmem_shared>>
        tpu.enqueue_indirect_dma source(%arg8 : memref<1000x8xf32, #tpu.memory_space<vmem>>) target(%dma_start3A_572 : memref<10112x8xf32, #tpu.memory_space<vmem_shared>>) offsets(%dma_start3A_569 : memref<1000xi32, #tpu.memory_space<vmem>>) semaphore(%run_scoped3A : memref<!tpu.dma_semaphore, #tpu.memory_space<semaphore_mem>>) {add = true}
        %dma_wait3A_573 = arith.constant 0 : i32
        %dma_wait3A_574 = tpu.memref_slice %arg7[%mul3A_538, %dma_wait3A_573] : memref<10x1000xi32, #tpu.memory_space<vmem>> -> memref<1x1000xi32, #tpu.memory_space<vmem>>
        %dma_wait3A_575 = tpu.memref_squeeze %dma_wait3A_574 : memref<1x1000xi32, #tpu.memory_space<vmem>> -> memref<1000xi32, #tpu.memory_space<vmem>>
        %dma_wait3A_576 = arith.constant 0 : i32
        %dma_wait3A_577 = arith.constant 0 : i32
        %dma_wait3A_578 = tpu.memref_slice %arg10[%dma_wait3A_576, %dma_wait3A_577] : memref<10112x8xf32, #tpu.memory_space<vmem_shared>> -> memref<10112x8xf32, #tpu.memory_space<vmem_shared>>
        tpu.wait_indirect_dma semaphore(%run_scoped3A : memref<!tpu.dma_semaphore, #tpu.memory_space<semaphore_mem>>) src(%arg8 : memref<1000x8xf32, #tpu.memory_space<vmem>>) dst(%dma_wait3A_578 : memref<10112x8xf32, #tpu.memory_space<vmem_shared>>)
        tpu.yield
      }) : () -> ()
      %add3A_553 = arith.constant 2 : i32
      %add3A_554 = arith.addi %mul3A_538, %add3A_553 : i32
      %lt3A = arith.constant 10 : i32
      %lt3A_555 = arith.cmpi slt, %add3A_554, %lt3A : i32
      %convert_element_type3A = arith.extui %lt3A_555 : i1 to i32
      %cond3A = arith.constant 0 : i32
      %cond3A_556 = arith.cmpi ne, %convert_element_type3A, %cond3A : i32
      scf.if %cond3A_556 {
        %add3A_567 = arith.constant 2 : i32
        %add3A_568 = arith.addi %mul3A_538, %add3A_567 : i32
        %dma_start3A_569 = arith.constant 0 : i32
        %dma_start3A_570 = tpu.memref_slice %arg6[%add3A_568, %dma_start3A_569] : memref<10x1000xi32, #tpu.memory_space<vmem>> -> memref<1x1000xi32, #tpu.memory_space<vmem>>
        %dma_start3A_571 = tpu.memref_squeeze %dma_start3A_570 : memref<1x1000xi32, #tpu.memory_space<vmem>> -> memref<1000xi32, #tpu.memory_space<vmem>>
        %dma_start3A_572 = arith.constant 0 : i32
        %dma_start3A_573 = arith.constant 0 : i32
        %dma_start3A_574 = tpu.memref_slice %arg2[%dma_start3A_572, %dma_start3A_573] : memref<10000x8xf32, #tpu.memory_space<hbm>> -> memref<10000x8xf32, #tpu.memory_space<hbm>>
        tpu.enqueue_indirect_dma source(%dma_start3A_574 : memref<10000x8xf32, #tpu.memory_space<hbm>>) target(%arg8 : memref<1000x8xf32, #tpu.memory_space<vmem>>) offsets(%dma_start3A_571 : memref<1000xi32, #tpu.memory_space<vmem>>) semaphore(%arg11 : memref<!tpu.dma_semaphore, #tpu.memory_space<semaphore_mem>>)
      } else {
      }
      %add3A_557 = arith.constant 1 : i32
      %add3A_558 = arith.addi %mul3A_538, %add3A_557 : i32
      %dma_wait3A_559 = arith.constant 0 : i32
      %dma_wait3A_560 = tpu.memref_slice %arg6[%add3A_558, %dma_wait3A_559] : memref<10x1000xi32, #tpu.memory_space<vmem>> -> memref<1x1000xi32, #tpu.memory_space<vmem>>
      %dma_wait3A_561 = tpu.memref_squeeze %dma_wait3A_560 : memref<1x1000xi32, #tpu.memory_space<vmem>> -> memref<1000xi32, #tpu.memory_space<vmem>>
      %dma_wait3A_562 = arith.constant 0 : i32
      %dma_wait3A_563 = arith.constant 0 : i32
      %dma_wait3A_564 = tpu.memref_slice %arg2[%dma_wait3A_562, %dma_wait3A_563] : memref<10000x8xf32, #tpu.memory_space<hbm>> -> memref<10000x8xf32, #tpu.memory_space<hbm>>
      tpu.wait_indirect_dma semaphore(%arg12 : memref<!tpu.dma_semaphore, #tpu.memory_space<semaphore_mem>>) src(%dma_wait3A_564 : memref<10000x8xf32, #tpu.memory_space<hbm>>) dst(%arg9 : memref<1000x8xf32, #tpu.memory_space<vmem>>)
      %add3A_565 = arith.constant 1 : i32
      %add3A_566 = arith.addi %mul3A_538, %add3A_565 : i32
      "tpu.region"() ({
        %run_scoped3A = tpu.sem_alloc : memref<!tpu.dma_semaphore, #tpu.memory_space<semaphore_mem>>
        %dma_start3A_567 = arith.constant 0 : i32
        %dma_start3A_568 = tpu.memref_slice %arg7[%add3A_566, %dma_start3A_567] : memref<10x1000xi32, #tpu.memory_space<vmem>> -> memref<1x1000xi32, #tpu.memory_space<vmem>>
        %dma_start3A_569 = tpu.memref_squeeze %dma_start3A_568 : memref<1x1000xi32, #tpu.memory_space<vmem>> -> memref<1000xi32, #tpu.memory_space<vmem>>
        %dma_start3A_570 = arith.constant 0 : i32
        %dma_start3A_571 = arith.constant 0 : i32
        %dma_start3A_572 = tpu.memref_slice %arg10[%dma_start3A_570, %dma_start3A_571] : memref<10112x8xf32, #tpu.memory_space<vmem_shared>> -> memref<10112x8xf32, #tpu.memory_space<vmem_shared>>
        tpu.enqueue_indirect_dma source(%arg9 : memref<1000x8xf32, #tpu.memory_space<vmem>>) target(%dma_start3A_572 : memref<10112x8xf32, #tpu.memory_space<vmem_shared>>) offsets(%dma_start3A_569 : memref<1000xi32, #tpu.memory_space<vmem>>) semaphore(%run_scoped3A : memref<!tpu.dma_semaphore, #tpu.memory_space<semaphore_mem>>) {add = true}
        %dma_wait3A_573 = arith.constant 0 : i32
        %dma_wait3A_574 = tpu.memref_slice %arg7[%add3A_566, %dma_wait3A_573] : memref<10x1000xi32, #tpu.memory_space<vmem>> -> memref<1x1000xi32, #tpu.memory_space<vmem>>
        %dma_wait3A_575 = tpu.memref_squeeze %dma_wait3A_574 : memref<1x1000xi32, #tpu.memory_space<vmem>> -> memref<1000xi32, #tpu.memory_space<vmem>>
        %dma_wait3A_576 = arith.constant 0 : i32
        %dma_wait3A_577 = arith.constant 0 : i32
        %dma_wait3A_578 = tpu.memref_slice %arg10[%dma_wait3A_576, %dma_wait3A_577] : memref<10112x8xf32, #tpu.memory_space<vmem_shared>> -> memref<10112x8xf32, #tpu.memory_space<vmem_shared>>
        tpu.wait_indirect_dma semaphore(%run_scoped3A : memref<!tpu.dma_semaphore, #tpu.memory_space<semaphore_mem>>) src(%arg9 : memref<1000x8xf32, #tpu.memory_space<vmem>>) dst(%dma_wait3A_578 : memref<10112x8xf32, #tpu.memory_space<vmem_shared>>)
        tpu.yield
      }) : () -> ()
    }
    %scan3A_534 = arith.constant 5 : i32
    %barrier3A_535 = arith.constant 0 : index
    tpu.barrier barrier_id(%barrier3A_535)
    "tpu.region"() ({
      %run_scoped3A = tpu.sem_alloc : memref<!tpu.dma_semaphore, #tpu.memory_space<semaphore_mem>>
      %dma_start3A_536 = arith.constant 0 : i32
      %dma_start3A_537 = tpu.memref_slice %arg5[%arg0, %mul3A_2, %dma_start3A_536] : memref<2x10112x8xf32, #tpu.memory_space<hbm>> -> memref<1x632x8xf32, #tpu.memory_space<hbm>>
      %dma_start3A_538 = tpu.memref_squeeze %dma_start3A_537 : memref<1x632x8xf32, #tpu.memory_space<hbm>> -> memref<632x8xf32, #tpu.memory_space<hbm>>
      %dma_start3A_539 = arith.constant 0 : i32
      %dma_start3A_540 = tpu.memref_slice %arg10[%mul3A_2, %dma_start3A_539] : memref<10112x8xf32, #tpu.memory_space<vmem_shared>> -> memref<632x8xf32, #tpu.memory_space<vmem_shared>>
      tpu.enqueue_dma source(%dma_start3A_540 : memref<632x8xf32, #tpu.memory_space<vmem_shared>>) target(%dma_start3A_538 : memref<632x8xf32, #tpu.memory_space<hbm>>) target_semaphore(%run_scoped3A : memref<!tpu.dma_semaphore, #tpu.memory_space<semaphore_mem>>)
      %dma_wait3A_541 = arith.constant 0 : i32
      %dma_wait3A_542 = tpu.memref_slice %arg5[%arg0, %mul3A_2, %dma_wait3A_541] : memref<2x10112x8xf32, #tpu.memory_space<hbm>> -> memref<1x632x8xf32, #tpu.memory_space<hbm>>
      %dma_wait3A_543 = tpu.memref_squeeze %dma_wait3A_542 : memref<1x632x8xf32, #tpu.memory_space<hbm>> -> memref<632x8xf32, #tpu.memory_space<hbm>>
      %dma_wait3A_544 = arith.constant 0 : i32
      %dma_wait3A_545 = tpu.memref_slice %arg10[%mul3A_2, %dma_wait3A_544] : memref<10112x8xf32, #tpu.memory_space<vmem_shared>> -> memref<632x8xf32, #tpu.memory_space<vmem_shared>>
      tpu.wait_dma2 semaphore(%run_scoped3A : memref<!tpu.dma_semaphore, #tpu.memory_space<semaphore_mem>>) src(%dma_wait3A_545 : memref<632x8xf32, #tpu.memory_space<vmem_shared>>) dst(%dma_wait3A_543 : memref<632x8xf32, #tpu.memory_space<hbm>>)
      tpu.yield
    }) : () -> ()
    return
  }
}

#map = affine_map<(d0, d1) -> (0, 0)>
#map1 = affine_map<(d0, d1) -> (0, 0, 0)>
module attributes {stable_mosaic.version = 14 : i64} {
  func.func @deg_pass(%arg0: i32, %arg1: i32, %arg2: memref<2x320000xi32, #tpu.memory_space<hbm>>, %arg3: memref<1000x8xf32, #tpu.memory_space<hbm>>, %arg4: memref<10112x8xf32, #tpu.memory_space<hbm>>, %arg5: memref<2x10112x8xf32, #tpu.memory_space<hbm>>, %arg6: memref<10x1000xi32, #tpu.memory_space<vmem>>, %arg7: memref<10x1000xi32, #tpu.memory_space<vmem>>, %arg8: memref<1000x8xf32, #tpu.memory_space<vmem>>, %arg9: memref<10112x8xf32, #tpu.memory_space<vmem_shared>>, %arg10: memref<!tpu.dma_semaphore, #tpu.memory_space<semaphore_mem>>) attributes {dimension_semantics = [#tpu.dimension_semantics<core_parallel>, #tpu.dimension_semantics<subcore_parallel>], iteration_bounds = array<i64: 2, 16>, scalar_prefetch = 0 : i64, scratch_operands = 5 : i64, tpu.core_type = #tpu.core_type<sc_vector_subcore>, window_params = [{transform_indices = #map}, {transform_indices = #map}, {transform_indices = #map}, {transform_indices = #map1}]} {
    %mul3A = arith.constant 2 : i32
    %mul3A_0 = arith.muli %arg1, %mul3A : i32
    %add3A = arith.addi %mul3A_0, %arg0 : i32
    %mul3A_1 = arith.constant 632 : i32
    %mul3A_2 = arith.muli %arg1, %mul3A_1 : i32
    "tpu.region"() ({
      %run_scoped3A = tpu.sem_alloc : memref<!tpu.dma_semaphore, #tpu.memory_space<semaphore_mem>>
      %dma_start3A_529 = arith.constant 0 : i32
      %dma_start3A_530 = tpu.memref_slice %arg9[%mul3A_2, %dma_start3A_529] : memref<10112x8xf32, #tpu.memory_space<vmem_shared>> -> memref<632x8xf32, #tpu.memory_space<vmem_shared>>
      %dma_start3A_531 = arith.constant 0 : i32
      %dma_start3A_532 = tpu.memref_slice %arg4[%mul3A_2, %dma_start3A_531] : memref<10112x8xf32, #tpu.memory_space<hbm>> -> memref<632x8xf32, #tpu.memory_space<hbm>>
      tpu.enqueue_dma source(%dma_start3A_532 : memref<632x8xf32, #tpu.memory_space<hbm>>) target(%dma_start3A_530 : memref<632x8xf32, #tpu.memory_space<vmem_shared>>) target_semaphore(%run_scoped3A : memref<!tpu.dma_semaphore, #tpu.memory_space<semaphore_mem>>)
      %dma_wait3A_533 = arith.constant 0 : i32
      %dma_wait3A_534 = tpu.memref_slice %arg9[%mul3A_2, %dma_wait3A_533] : memref<10112x8xf32, #tpu.memory_space<vmem_shared>> -> memref<632x8xf32, #tpu.memory_space<vmem_shared>>
      %dma_wait3A_535 = arith.constant 0 : i32
      %dma_wait3A_536 = tpu.memref_slice %arg4[%mul3A_2, %dma_wait3A_535] : memref<10112x8xf32, #tpu.memory_space<hbm>> -> memref<632x8xf32, #tpu.memory_space<hbm>>
      tpu.wait_dma2 semaphore(%run_scoped3A : memref<!tpu.dma_semaphore, #tpu.memory_space<semaphore_mem>>) src(%dma_wait3A_536 : memref<632x8xf32, #tpu.memory_space<hbm>>) dst(%dma_wait3A_534 : memref<632x8xf32, #tpu.memory_space<vmem_shared>>)
      tpu.yield
    }) : () -> ()
    %mul3A_3 = arith.constant 10000 : i32
    %mul3A_4 = arith.muli %add3A, %mul3A_3 : i32
    %add3A_5 = arith.constant 0 : i32
    %add3A_6 = arith.addi %mul3A_4, %add3A_5 : i32
    %dma_start3A = arith.constant 0 : i32
    %dma_start3A_7 = arith.constant 0 : i32
    %dma_start3A_8 = arith.constant 0 : i32
    %dma_start3A_9 = tpu.memref_slice %arg6[%dma_start3A_7, %dma_start3A_8] : memref<10x1000xi32, #tpu.memory_space<vmem>> -> memref<1x1000xi32, #tpu.memory_space<vmem>>
    %dma_start3A_10 = tpu.memref_squeeze %dma_start3A_9 : memref<1x1000xi32, #tpu.memory_space<vmem>> -> memref<1000xi32, #tpu.memory_space<vmem>>
    %dma_start3A_11 = tpu.memref_slice %arg2[%dma_start3A, %add3A_6] : memref<2x320000xi32, #tpu.memory_space<hbm>> -> memref<1x1000xi32, #tpu.memory_space<hbm>>
    %dma_start3A_12 = tpu.memref_squeeze %dma_start3A_11 : memref<1x1000xi32, #tpu.memory_space<hbm>> -> memref<1000xi32, #tpu.memory_space<hbm>>
    %dma_start3A_13 = arith.constant 0 : i32
    %dma_start3A_14 = tpu.memref_slice %arg6[%dma_start3A_7, %dma_start3A_13] : memref<10x1000xi32, #tpu.memory_space<vmem>> -> memref<1x1000xi32, #tpu.memory_space<vmem>>
    %dma_start3A_15 = tpu.memref_squeeze %dma_start3A_14 : memref<1x1000xi32, #tpu.memory_space<vmem>> -> memref<1000xi32, #tpu.memory_space<vmem>>
    %dma_start3A_16 = tpu.memref_slice %arg2[%dma_start3A, %add3A_6] : memref<2x320000xi32, #tpu.memory_space<hbm>> -> memref<1x1000xi32, #tpu.memory_space<hbm>>
    %dma_start3A_17 = tpu.memref_squeeze %dma_start3A_16 : memref<1x1000xi32, #tpu.memory_space<hbm>> -> memref<1000xi32, #tpu.memory_space<hbm>>
    tpu.enqueue_dma source(%dma_start3A_17 : memref<1000xi32, #tpu.memory_space<hbm>>) target(%dma_start3A_15 : memref<1000xi32, #tpu.memory_space<vmem>>) target_semaphore(%arg10 : memref<!tpu.dma_semaphore, #tpu.memory_space<semaphore_mem>>)
    %add3A_18 = arith.constant 0 : i32
    %add3A_19 = arith.addi %mul3A_4, %add3A_18 : i32
    %dma_start3A_20 = arith.constant 1 : i32
    %dma_start3A_21 = arith.constant 0 : i32
    %dma_start3A_22 = arith.constant 0 : i32
    %dma_start3A_23 = tpu.memref_slice %arg7[%dma_start3A_21, %dma_start3A_22] : memref<10x1000xi32, #tpu.memory_space<vmem>> -> memref<1x1000xi32, #tpu.memory_space<vmem>>
    %dma_start3A_24 = tpu.memref_squeeze %dma_start3A_23 : memref<1x1000xi32, #tpu.memory_space<vmem>> -> memref<1000xi32, #tpu.memory_space<vmem>>
    %dma_start3A_25 = tpu.memref_slice %arg2[%dma_start3A_20, %add3A_19] : memref<2x320000xi32, #tpu.memory_space<hbm>> -> memref<1x1000xi32, #tpu.memory_space<hbm>>
    %dma_start3A_26 = tpu.memref_squeeze %dma_start3A_25 : memref<1x1000xi32, #tpu.memory_space<hbm>> -> memref<1000xi32, #tpu.memory_space<hbm>>
    %dma_start3A_27 = arith.constant 0 : i32
    %dma_start3A_28 = tpu.memref_slice %arg7[%dma_start3A_21, %dma_start3A_27] : memref<10x1000xi32, #tpu.memory_space<vmem>> -> memref<1x1000xi32, #tpu.memory_space<vmem>>
    %dma_start3A_29 = tpu.memref_squeeze %dma_start3A_28 : memref<1x1000xi32, #tpu.memory_space<vmem>> -> memref<1000xi32, #tpu.memory_space<vmem>>
    %dma_start3A_30 = tpu.memref_slice %arg2[%dma_start3A_20, %add3A_19] : memref<2x320000xi32, #tpu.memory_space<hbm>> -> memref<1x1000xi32, #tpu.memory_space<hbm>>
    %dma_start3A_31 = tpu.memref_squeeze %dma_start3A_30 : memref<1x1000xi32, #tpu.memory_space<hbm>> -> memref<1000xi32, #tpu.memory_space<hbm>>
    tpu.enqueue_dma source(%dma_start3A_31 : memref<1000xi32, #tpu.memory_space<hbm>>) target(%dma_start3A_29 : memref<1000xi32, #tpu.memory_space<vmem>>) target_semaphore(%arg10 : memref<!tpu.dma_semaphore, #tpu.memory_space<semaphore_mem>>)
    %add3A_32 = arith.constant 1000 : i32
    %add3A_33 = arith.addi %mul3A_4, %add3A_32 : i32
    %dma_start3A_34 = arith.constant 0 : i32
    %dma_start3A_35 = arith.constant 1 : i32
    %dma_start3A_36 = arith.constant 0 : i32
    %dma_start3A_37 = tpu.memref_slice %arg6[%dma_start3A_35, %dma_start3A_36] : memref<10x1000xi32, #tpu.memory_space<vmem>> -> memref<1x1000xi32, #tpu.memory_space<vmem>>
    %dma_start3A_38 = tpu.memref_squeeze %dma_start3A_37 : memref<1x1000xi32, #tpu.memory_space<vmem>> -> memref<1000xi32, #tpu.memory_space<vmem>>
    %dma_start3A_39 = tpu.memref_slice %arg2[%dma_start3A_34, %add3A_33] : memref<2x320000xi32, #tpu.memory_space<hbm>> -> memref<1x1000xi32, #tpu.memory_space<hbm>>
    %dma_start3A_40 = tpu.memref_squeeze %dma_start3A_39 : memref<1x1000xi32, #tpu.memory_space<hbm>> -> memref<1000xi32, #tpu.memory_space<hbm>>
    %dma_start3A_41 = arith.constant 0 : i32
    %dma_start3A_42 = tpu.memref_slice %arg6[%dma_start3A_35, %dma_start3A_41] : memref<10x1000xi32, #tpu.memory_space<vmem>> -> memref<1x1000xi32, #tpu.memory_space<vmem>>
    %dma_start3A_43 = tpu.memref_squeeze %dma_start3A_42 : memref<1x1000xi32, #tpu.memory_space<vmem>> -> memref<1000xi32, #tpu.memory_space<vmem>>
    %dma_start3A_44 = tpu.memref_slice %arg2[%dma_start3A_34, %add3A_33] : memref<2x320000xi32, #tpu.memory_space<hbm>> -> memref<1x1000xi32, #tpu.memory_space<hbm>>
    %dma_start3A_45 = tpu.memref_squeeze %dma_start3A_44 : memref<1x1000xi32, #tpu.memory_space<hbm>> -> memref<1000xi32, #tpu.memory_space<hbm>>
    tpu.enqueue_dma source(%dma_start3A_45 : memref<1000xi32, #tpu.memory_space<hbm>>) target(%dma_start3A_43 : memref<1000xi32, #tpu.memory_space<vmem>>) target_semaphore(%arg10 : memref<!tpu.dma_semaphore, #tpu.memory_space<semaphore_mem>>)
    %add3A_46 = arith.constant 1000 : i32
    %add3A_47 = arith.addi %mul3A_4, %add3A_46 : i32
    %dma_start3A_48 = arith.constant 1 : i32
    %dma_start3A_49 = arith.constant 1 : i32
    %dma_start3A_50 = arith.constant 0 : i32
    %dma_start3A_51 = tpu.memref_slice %arg7[%dma_start3A_49, %dma_start3A_50] : memref<10x1000xi32, #tpu.memory_space<vmem>> -> memref<1x1000xi32, #tpu.memory_space<vmem>>
    %dma_start3A_52 = tpu.memref_squeeze %dma_start3A_51 : memref<1x1000xi32, #tpu.memory_space<vmem>> -> memref<1000xi32, #tpu.memory_space<vmem>>
    %dma_start3A_53 = tpu.memref_slice %arg2[%dma_start3A_48, %add3A_47] : memref<2x320000xi32, #tpu.memory_space<hbm>> -> memref<1x1000xi32, #tpu.memory_space<hbm>>
    %dma_start3A_54 = tpu.memref_squeeze %dma_start3A_53 : memref<1x1000xi32, #tpu.memory_space<hbm>> -> memref<1000xi32, #tpu.memory_space<hbm>>
    %dma_start3A_55 = arith.constant 0 : i32
    %dma_start3A_56 = tpu.memref_slice %arg7[%dma_start3A_49, %dma_start3A_55] : memref<10x1000xi32, #tpu.memory_space<vmem>> -> memref<1x1000xi32, #tpu.memory_space<vmem>>
    %dma_start3A_57 = tpu.memref_squeeze %dma_start3A_56 : memref<1x1000xi32, #tpu.memory_space<vmem>> -> memref<1000xi32, #tpu.memory_space<vmem>>
    %dma_start3A_58 = tpu.memref_slice %arg2[%dma_start3A_48, %add3A_47] : memref<2x320000xi32, #tpu.memory_space<hbm>> -> memref<1x1000xi32, #tpu.memory_space<hbm>>
    %dma_start3A_59 = tpu.memref_squeeze %dma_start3A_58 : memref<1x1000xi32, #tpu.memory_space<hbm>> -> memref<1000xi32, #tpu.memory_space<hbm>>
    tpu.enqueue_dma source(%dma_start3A_59 : memref<1000xi32, #tpu.memory_space<hbm>>) target(%dma_start3A_57 : memref<1000xi32, #tpu.memory_space<vmem>>) target_semaphore(%arg10 : memref<!tpu.dma_semaphore, #tpu.memory_space<semaphore_mem>>)
    %add3A_60 = arith.constant 2000 : i32
    %add3A_61 = arith.addi %mul3A_4, %add3A_60 : i32
    %dma_start3A_62 = arith.constant 0 : i32
    %dma_start3A_63 = arith.constant 2 : i32
    %dma_start3A_64 = arith.constant 0 : i32
    %dma_start3A_65 = tpu.memref_slice %arg6[%dma_start3A_63, %dma_start3A_64] : memref<10x1000xi32, #tpu.memory_space<vmem>> -> memref<1x1000xi32, #tpu.memory_space<vmem>>
    %dma_start3A_66 = tpu.memref_squeeze %dma_start3A_65 : memref<1x1000xi32, #tpu.memory_space<vmem>> -> memref<1000xi32, #tpu.memory_space<vmem>>
    %dma_start3A_67 = tpu.memref_slice %arg2[%dma_start3A_62, %add3A_61] : memref<2x320000xi32, #tpu.memory_space<hbm>> -> memref<1x1000xi32, #tpu.memory_space<hbm>>
    %dma_start3A_68 = tpu.memref_squeeze %dma_start3A_67 : memref<1x1000xi32, #tpu.memory_space<hbm>> -> memref<1000xi32, #tpu.memory_space<hbm>>
    %dma_start3A_69 = arith.constant 0 : i32
    %dma_start3A_70 = tpu.memref_slice %arg6[%dma_start3A_63, %dma_start3A_69] : memref<10x1000xi32, #tpu.memory_space<vmem>> -> memref<1x1000xi32, #tpu.memory_space<vmem>>
    %dma_start3A_71 = tpu.memref_squeeze %dma_start3A_70 : memref<1x1000xi32, #tpu.memory_space<vmem>> -> memref<1000xi32, #tpu.memory_space<vmem>>
    %dma_start3A_72 = tpu.memref_slice %arg2[%dma_start3A_62, %add3A_61] : memref<2x320000xi32, #tpu.memory_space<hbm>> -> memref<1x1000xi32, #tpu.memory_space<hbm>>
    %dma_start3A_73 = tpu.memref_squeeze %dma_start3A_72 : memref<1x1000xi32, #tpu.memory_space<hbm>> -> memref<1000xi32, #tpu.memory_space<hbm>>
    tpu.enqueue_dma source(%dma_start3A_73 : memref<1000xi32, #tpu.memory_space<hbm>>) target(%dma_start3A_71 : memref<1000xi32, #tpu.memory_space<vmem>>) target_semaphore(%arg10 : memref<!tpu.dma_semaphore, #tpu.memory_space<semaphore_mem>>)
    %add3A_74 = arith.constant 2000 : i32
    %add3A_75 = arith.addi %mul3A_4, %add3A_74 : i32
    %dma_start3A_76 = arith.constant 1 : i32
    %dma_start3A_77 = arith.constant 2 : i32
    %dma_start3A_78 = arith.constant 0 : i32
    %dma_start3A_79 = tpu.memref_slice %arg7[%dma_start3A_77, %dma_start3A_78] : memref<10x1000xi32, #tpu.memory_space<vmem>> -> memref<1x1000xi32, #tpu.memory_space<vmem>>
    %dma_start3A_80 = tpu.memref_squeeze %dma_start3A_79 : memref<1x1000xi32, #tpu.memory_space<vmem>> -> memref<1000xi32, #tpu.memory_space<vmem>>
    %dma_start3A_81 = tpu.memref_slice %arg2[%dma_start3A_76, %add3A_75] : memref<2x320000xi32, #tpu.memory_space<hbm>> -> memref<1x1000xi32, #tpu.memory_space<hbm>>
    %dma_start3A_82 = tpu.memref_squeeze %dma_start3A_81 : memref<1x1000xi32, #tpu.memory_space<hbm>> -> memref<1000xi32, #tpu.memory_space<hbm>>
    %dma_start3A_83 = arith.constant 0 : i32
    %dma_start3A_84 = tpu.memref_slice %arg7[%dma_start3A_77, %dma_start3A_83] : memref<10x1000xi32, #tpu.memory_space<vmem>> -> memref<1x1000xi32, #tpu.memory_space<vmem>>
    %dma_start3A_85 = tpu.memref_squeeze %dma_start3A_84 : memref<1x1000xi32, #tpu.memory_space<vmem>> -> memref<1000xi32, #tpu.memory_space<vmem>>
    %dma_start3A_86 = tpu.memref_slice %arg2[%dma_start3A_76, %add3A_75] : memref<2x320000xi32, #tpu.memory_space<hbm>> -> memref<1x1000xi32, #tpu.memory_space<hbm>>
    %dma_start3A_87 = tpu.memref_squeeze %dma_start3A_86 : memref<1x1000xi32, #tpu.memory_space<hbm>> -> memref<1000xi32, #tpu.memory_space<hbm>>
    tpu.enqueue_dma source(%dma_start3A_87 : memref<1000xi32, #tpu.memory_space<hbm>>) target(%dma_start3A_85 : memref<1000xi32, #tpu.memory_space<vmem>>) target_semaphore(%arg10 : memref<!tpu.dma_semaphore, #tpu.memory_space<semaphore_mem>>)
    %add3A_88 = arith.constant 3000 : i32
    %add3A_89 = arith.addi %mul3A_4, %add3A_88 : i32
    %dma_start3A_90 = arith.constant 0 : i32
    %dma_start3A_91 = arith.constant 3 : i32
    %dma_start3A_92 = arith.constant 0 : i32
    %dma_start3A_93 = tpu.memref_slice %arg6[%dma_start3A_91, %dma_start3A_92] : memref<10x1000xi32, #tpu.memory_space<vmem>> -> memref<1x1000xi32, #tpu.memory_space<vmem>>
    %dma_start3A_94 = tpu.memref_squeeze %dma_start3A_93 : memref<1x1000xi32, #tpu.memory_space<vmem>> -> memref<1000xi32, #tpu.memory_space<vmem>>
    %dma_start3A_95 = tpu.memref_slice %arg2[%dma_start3A_90, %add3A_89] : memref<2x320000xi32, #tpu.memory_space<hbm>> -> memref<1x1000xi32, #tpu.memory_space<hbm>>
    %dma_start3A_96 = tpu.memref_squeeze %dma_start3A_95 : memref<1x1000xi32, #tpu.memory_space<hbm>> -> memref<1000xi32, #tpu.memory_space<hbm>>
    %dma_start3A_97 = arith.constant 0 : i32
    %dma_start3A_98 = tpu.memref_slice %arg6[%dma_start3A_91, %dma_start3A_97] : memref<10x1000xi32, #tpu.memory_space<vmem>> -> memref<1x1000xi32, #tpu.memory_space<vmem>>
    %dma_start3A_99 = tpu.memref_squeeze %dma_start3A_98 : memref<1x1000xi32, #tpu.memory_space<vmem>> -> memref<1000xi32, #tpu.memory_space<vmem>>
    %dma_start3A_100 = tpu.memref_slice %arg2[%dma_start3A_90, %add3A_89] : memref<2x320000xi32, #tpu.memory_space<hbm>> -> memref<1x1000xi32, #tpu.memory_space<hbm>>
    %dma_start3A_101 = tpu.memref_squeeze %dma_start3A_100 : memref<1x1000xi32, #tpu.memory_space<hbm>> -> memref<1000xi32, #tpu.memory_space<hbm>>
    tpu.enqueue_dma source(%dma_start3A_101 : memref<1000xi32, #tpu.memory_space<hbm>>) target(%dma_start3A_99 : memref<1000xi32, #tpu.memory_space<vmem>>) target_semaphore(%arg10 : memref<!tpu.dma_semaphore, #tpu.memory_space<semaphore_mem>>)
    %add3A_102 = arith.constant 3000 : i32
    %add3A_103 = arith.addi %mul3A_4, %add3A_102 : i32
    %dma_start3A_104 = arith.constant 1 : i32
    %dma_start3A_105 = arith.constant 3 : i32
    %dma_start3A_106 = arith.constant 0 : i32
    %dma_start3A_107 = tpu.memref_slice %arg7[%dma_start3A_105, %dma_start3A_106] : memref<10x1000xi32, #tpu.memory_space<vmem>> -> memref<1x1000xi32, #tpu.memory_space<vmem>>
    %dma_start3A_108 = tpu.memref_squeeze %dma_start3A_107 : memref<1x1000xi32, #tpu.memory_space<vmem>> -> memref<1000xi32, #tpu.memory_space<vmem>>
    %dma_start3A_109 = tpu.memref_slice %arg2[%dma_start3A_104, %add3A_103] : memref<2x320000xi32, #tpu.memory_space<hbm>> -> memref<1x1000xi32, #tpu.memory_space<hbm>>
    %dma_start3A_110 = tpu.memref_squeeze %dma_start3A_109 : memref<1x1000xi32, #tpu.memory_space<hbm>> -> memref<1000xi32, #tpu.memory_space<hbm>>
    %dma_start3A_111 = arith.constant 0 : i32
    %dma_start3A_112 = tpu.memref_slice %arg7[%dma_start3A_105, %dma_start3A_111] : memref<10x1000xi32, #tpu.memory_space<vmem>> -> memref<1x1000xi32, #tpu.memory_space<vmem>>
    %dma_start3A_113 = tpu.memref_squeeze %dma_start3A_112 : memref<1x1000xi32, #tpu.memory_space<vmem>> -> memref<1000xi32, #tpu.memory_space<vmem>>
    %dma_start3A_114 = tpu.memref_slice %arg2[%dma_start3A_104, %add3A_103] : memref<2x320000xi32, #tpu.memory_space<hbm>> -> memref<1x1000xi32, #tpu.memory_space<hbm>>
    %dma_start3A_115 = tpu.memref_squeeze %dma_start3A_114 : memref<1x1000xi32, #tpu.memory_space<hbm>> -> memref<1000xi32, #tpu.memory_space<hbm>>
    tpu.enqueue_dma source(%dma_start3A_115 : memref<1000xi32, #tpu.memory_space<hbm>>) target(%dma_start3A_113 : memref<1000xi32, #tpu.memory_space<vmem>>) target_semaphore(%arg10 : memref<!tpu.dma_semaphore, #tpu.memory_space<semaphore_mem>>)
    %add3A_116 = arith.constant 4000 : i32
    %add3A_117 = arith.addi %mul3A_4, %add3A_116 : i32
    %dma_start3A_118 = arith.constant 0 : i32
    %dma_start3A_119 = arith.constant 4 : i32
    %dma_start3A_120 = arith.constant 0 : i32
    %dma_start3A_121 = tpu.memref_slice %arg6[%dma_start3A_119, %dma_start3A_120] : memref<10x1000xi32, #tpu.memory_space<vmem>> -> memref<1x1000xi32, #tpu.memory_space<vmem>>
    %dma_start3A_122 = tpu.memref_squeeze %dma_start3A_121 : memref<1x1000xi32, #tpu.memory_space<vmem>> -> memref<1000xi32, #tpu.memory_space<vmem>>
    %dma_start3A_123 = tpu.memref_slice %arg2[%dma_start3A_118, %add3A_117] : memref<2x320000xi32, #tpu.memory_space<hbm>> -> memref<1x1000xi32, #tpu.memory_space<hbm>>
    %dma_start3A_124 = tpu.memref_squeeze %dma_start3A_123 : memref<1x1000xi32, #tpu.memory_space<hbm>> -> memref<1000xi32, #tpu.memory_space<hbm>>
    %dma_start3A_125 = arith.constant 0 : i32
    %dma_start3A_126 = tpu.memref_slice %arg6[%dma_start3A_119, %dma_start3A_125] : memref<10x1000xi32, #tpu.memory_space<vmem>> -> memref<1x1000xi32, #tpu.memory_space<vmem>>
    %dma_start3A_127 = tpu.memref_squeeze %dma_start3A_126 : memref<1x1000xi32, #tpu.memory_space<vmem>> -> memref<1000xi32, #tpu.memory_space<vmem>>
    %dma_start3A_128 = tpu.memref_slice %arg2[%dma_start3A_118, %add3A_117] : memref<2x320000xi32, #tpu.memory_space<hbm>> -> memref<1x1000xi32, #tpu.memory_space<hbm>>
    %dma_start3A_129 = tpu.memref_squeeze %dma_start3A_128 : memref<1x1000xi32, #tpu.memory_space<hbm>> -> memref<1000xi32, #tpu.memory_space<hbm>>
    tpu.enqueue_dma source(%dma_start3A_129 : memref<1000xi32, #tpu.memory_space<hbm>>) target(%dma_start3A_127 : memref<1000xi32, #tpu.memory_space<vmem>>) target_semaphore(%arg10 : memref<!tpu.dma_semaphore, #tpu.memory_space<semaphore_mem>>)
    %add3A_130 = arith.constant 4000 : i32
    %add3A_131 = arith.addi %mul3A_4, %add3A_130 : i32
    %dma_start3A_132 = arith.constant 1 : i32
    %dma_start3A_133 = arith.constant 4 : i32
    %dma_start3A_134 = arith.constant 0 : i32
    %dma_start3A_135 = tpu.memref_slice %arg7[%dma_start3A_133, %dma_start3A_134] : memref<10x1000xi32, #tpu.memory_space<vmem>> -> memref<1x1000xi32, #tpu.memory_space<vmem>>
    %dma_start3A_136 = tpu.memref_squeeze %dma_start3A_135 : memref<1x1000xi32, #tpu.memory_space<vmem>> -> memref<1000xi32, #tpu.memory_space<vmem>>
    %dma_start3A_137 = tpu.memref_slice %arg2[%dma_start3A_132, %add3A_131] : memref<2x320000xi32, #tpu.memory_space<hbm>> -> memref<1x1000xi32, #tpu.memory_space<hbm>>
    %dma_start3A_138 = tpu.memref_squeeze %dma_start3A_137 : memref<1x1000xi32, #tpu.memory_space<hbm>> -> memref<1000xi32, #tpu.memory_space<hbm>>
    %dma_start3A_139 = arith.constant 0 : i32
    %dma_start3A_140 = tpu.memref_slice %arg7[%dma_start3A_133, %dma_start3A_139] : memref<10x1000xi32, #tpu.memory_space<vmem>> -> memref<1x1000xi32, #tpu.memory_space<vmem>>
    %dma_start3A_141 = tpu.memref_squeeze %dma_start3A_140 : memref<1x1000xi32, #tpu.memory_space<vmem>> -> memref<1000xi32, #tpu.memory_space<vmem>>
    %dma_start3A_142 = tpu.memref_slice %arg2[%dma_start3A_132, %add3A_131] : memref<2x320000xi32, #tpu.memory_space<hbm>> -> memref<1x1000xi32, #tpu.memory_space<hbm>>
    %dma_start3A_143 = tpu.memref_squeeze %dma_start3A_142 : memref<1x1000xi32, #tpu.memory_space<hbm>> -> memref<1000xi32, #tpu.memory_space<hbm>>
    tpu.enqueue_dma source(%dma_start3A_143 : memref<1000xi32, #tpu.memory_space<hbm>>) target(%dma_start3A_141 : memref<1000xi32, #tpu.memory_space<vmem>>) target_semaphore(%arg10 : memref<!tpu.dma_semaphore, #tpu.memory_space<semaphore_mem>>)
    %add3A_144 = arith.constant 5000 : i32
    %add3A_145 = arith.addi %mul3A_4, %add3A_144 : i32
    %dma_start3A_146 = arith.constant 0 : i32
    %dma_start3A_147 = arith.constant 5 : i32
    %dma_start3A_148 = arith.constant 0 : i32
    %dma_start3A_149 = tpu.memref_slice %arg6[%dma_start3A_147, %dma_start3A_148] : memref<10x1000xi32, #tpu.memory_space<vmem>> -> memref<1x1000xi32, #tpu.memory_space<vmem>>
    %dma_start3A_150 = tpu.memref_squeeze %dma_start3A_149 : memref<1x1000xi32, #tpu.memory_space<vmem>> -> memref<1000xi32, #tpu.memory_space<vmem>>
    %dma_start3A_151 = tpu.memref_slice %arg2[%dma_start3A_146, %add3A_145] : memref<2x320000xi32, #tpu.memory_space<hbm>> -> memref<1x1000xi32, #tpu.memory_space<hbm>>
    %dma_start3A_152 = tpu.memref_squeeze %dma_start3A_151 : memref<1x1000xi32, #tpu.memory_space<hbm>> -> memref<1000xi32, #tpu.memory_space<hbm>>
    %dma_start3A_153 = arith.constant 0 : i32
    %dma_start3A_154 = tpu.memref_slice %arg6[%dma_start3A_147, %dma_start3A_153] : memref<10x1000xi32, #tpu.memory_space<vmem>> -> memref<1x1000xi32, #tpu.memory_space<vmem>>
    %dma_start3A_155 = tpu.memref_squeeze %dma_start3A_154 : memref<1x1000xi32, #tpu.memory_space<vmem>> -> memref<1000xi32, #tpu.memory_space<vmem>>
    %dma_start3A_156 = tpu.memref_slice %arg2[%dma_start3A_146, %add3A_145] : memref<2x320000xi32, #tpu.memory_space<hbm>> -> memref<1x1000xi32, #tpu.memory_space<hbm>>
    %dma_start3A_157 = tpu.memref_squeeze %dma_start3A_156 : memref<1x1000xi32, #tpu.memory_space<hbm>> -> memref<1000xi32, #tpu.memory_space<hbm>>
    tpu.enqueue_dma source(%dma_start3A_157 : memref<1000xi32, #tpu.memory_space<hbm>>) target(%dma_start3A_155 : memref<1000xi32, #tpu.memory_space<vmem>>) target_semaphore(%arg10 : memref<!tpu.dma_semaphore, #tpu.memory_space<semaphore_mem>>)
    %add3A_158 = arith.constant 5000 : i32
    %add3A_159 = arith.addi %mul3A_4, %add3A_158 : i32
    %dma_start3A_160 = arith.constant 1 : i32
    %dma_start3A_161 = arith.constant 5 : i32
    %dma_start3A_162 = arith.constant 0 : i32
    %dma_start3A_163 = tpu.memref_slice %arg7[%dma_start3A_161, %dma_start3A_162] : memref<10x1000xi32, #tpu.memory_space<vmem>> -> memref<1x1000xi32, #tpu.memory_space<vmem>>
    %dma_start3A_164 = tpu.memref_squeeze %dma_start3A_163 : memref<1x1000xi32, #tpu.memory_space<vmem>> -> memref<1000xi32, #tpu.memory_space<vmem>>
    %dma_start3A_165 = tpu.memref_slice %arg2[%dma_start3A_160, %add3A_159] : memref<2x320000xi32, #tpu.memory_space<hbm>> -> memref<1x1000xi32, #tpu.memory_space<hbm>>
    %dma_start3A_166 = tpu.memref_squeeze %dma_start3A_165 : memref<1x1000xi32, #tpu.memory_space<hbm>> -> memref<1000xi32, #tpu.memory_space<hbm>>
    %dma_start3A_167 = arith.constant 0 : i32
    %dma_start3A_168 = tpu.memref_slice %arg7[%dma_start3A_161, %dma_start3A_167] : memref<10x1000xi32, #tpu.memory_space<vmem>> -> memref<1x1000xi32, #tpu.memory_space<vmem>>
    %dma_start3A_169 = tpu.memref_squeeze %dma_start3A_168 : memref<1x1000xi32, #tpu.memory_space<vmem>> -> memref<1000xi32, #tpu.memory_space<vmem>>
    %dma_start3A_170 = tpu.memref_slice %arg2[%dma_start3A_160, %add3A_159] : memref<2x320000xi32, #tpu.memory_space<hbm>> -> memref<1x1000xi32, #tpu.memory_space<hbm>>
    %dma_start3A_171 = tpu.memref_squeeze %dma_start3A_170 : memref<1x1000xi32, #tpu.memory_space<hbm>> -> memref<1000xi32, #tpu.memory_space<hbm>>
    tpu.enqueue_dma source(%dma_start3A_171 : memref<1000xi32, #tpu.memory_space<hbm>>) target(%dma_start3A_169 : memref<1000xi32, #tpu.memory_space<vmem>>) target_semaphore(%arg10 : memref<!tpu.dma_semaphore, #tpu.memory_space<semaphore_mem>>)
    %add3A_172 = arith.constant 6000 : i32
    %add3A_173 = arith.addi %mul3A_4, %add3A_172 : i32
    %dma_start3A_174 = arith.constant 0 : i32
    %dma_start3A_175 = arith.constant 6 : i32
    %dma_start3A_176 = arith.constant 0 : i32
    %dma_start3A_177 = tpu.memref_slice %arg6[%dma_start3A_175, %dma_start3A_176] : memref<10x1000xi32, #tpu.memory_space<vmem>> -> memref<1x1000xi32, #tpu.memory_space<vmem>>
    %dma_start3A_178 = tpu.memref_squeeze %dma_start3A_177 : memref<1x1000xi32, #tpu.memory_space<vmem>> -> memref<1000xi32, #tpu.memory_space<vmem>>
    %dma_start3A_179 = tpu.memref_slice %arg2[%dma_start3A_174, %add3A_173] : memref<2x320000xi32, #tpu.memory_space<hbm>> -> memref<1x1000xi32, #tpu.memory_space<hbm>>
    %dma_start3A_180 = tpu.memref_squeeze %dma_start3A_179 : memref<1x1000xi32, #tpu.memory_space<hbm>> -> memref<1000xi32, #tpu.memory_space<hbm>>
    %dma_start3A_181 = arith.constant 0 : i32
    %dma_start3A_182 = tpu.memref_slice %arg6[%dma_start3A_175, %dma_start3A_181] : memref<10x1000xi32, #tpu.memory_space<vmem>> -> memref<1x1000xi32, #tpu.memory_space<vmem>>
    %dma_start3A_183 = tpu.memref_squeeze %dma_start3A_182 : memref<1x1000xi32, #tpu.memory_space<vmem>> -> memref<1000xi32, #tpu.memory_space<vmem>>
    %dma_start3A_184 = tpu.memref_slice %arg2[%dma_start3A_174, %add3A_173] : memref<2x320000xi32, #tpu.memory_space<hbm>> -> memref<1x1000xi32, #tpu.memory_space<hbm>>
    %dma_start3A_185 = tpu.memref_squeeze %dma_start3A_184 : memref<1x1000xi32, #tpu.memory_space<hbm>> -> memref<1000xi32, #tpu.memory_space<hbm>>
    tpu.enqueue_dma source(%dma_start3A_185 : memref<1000xi32, #tpu.memory_space<hbm>>) target(%dma_start3A_183 : memref<1000xi32, #tpu.memory_space<vmem>>) target_semaphore(%arg10 : memref<!tpu.dma_semaphore, #tpu.memory_space<semaphore_mem>>)
    %add3A_186 = arith.constant 6000 : i32
    %add3A_187 = arith.addi %mul3A_4, %add3A_186 : i32
    %dma_start3A_188 = arith.constant 1 : i32
    %dma_start3A_189 = arith.constant 6 : i32
    %dma_start3A_190 = arith.constant 0 : i32
    %dma_start3A_191 = tpu.memref_slice %arg7[%dma_start3A_189, %dma_start3A_190] : memref<10x1000xi32, #tpu.memory_space<vmem>> -> memref<1x1000xi32, #tpu.memory_space<vmem>>
    %dma_start3A_192 = tpu.memref_squeeze %dma_start3A_191 : memref<1x1000xi32, #tpu.memory_space<vmem>> -> memref<1000xi32, #tpu.memory_space<vmem>>
    %dma_start3A_193 = tpu.memref_slice %arg2[%dma_start3A_188, %add3A_187] : memref<2x320000xi32, #tpu.memory_space<hbm>> -> memref<1x1000xi32, #tpu.memory_space<hbm>>
    %dma_start3A_194 = tpu.memref_squeeze %dma_start3A_193 : memref<1x1000xi32, #tpu.memory_space<hbm>> -> memref<1000xi32, #tpu.memory_space<hbm>>
    %dma_start3A_195 = arith.constant 0 : i32
    %dma_start3A_196 = tpu.memref_slice %arg7[%dma_start3A_189, %dma_start3A_195] : memref<10x1000xi32, #tpu.memory_space<vmem>> -> memref<1x1000xi32, #tpu.memory_space<vmem>>
    %dma_start3A_197 = tpu.memref_squeeze %dma_start3A_196 : memref<1x1000xi32, #tpu.memory_space<vmem>> -> memref<1000xi32, #tpu.memory_space<vmem>>
    %dma_start3A_198 = tpu.memref_slice %arg2[%dma_start3A_188, %add3A_187] : memref<2x320000xi32, #tpu.memory_space<hbm>> -> memref<1x1000xi32, #tpu.memory_space<hbm>>
    %dma_start3A_199 = tpu.memref_squeeze %dma_start3A_198 : memref<1x1000xi32, #tpu.memory_space<hbm>> -> memref<1000xi32, #tpu.memory_space<hbm>>
    tpu.enqueue_dma source(%dma_start3A_199 : memref<1000xi32, #tpu.memory_space<hbm>>) target(%dma_start3A_197 : memref<1000xi32, #tpu.memory_space<vmem>>) target_semaphore(%arg10 : memref<!tpu.dma_semaphore, #tpu.memory_space<semaphore_mem>>)
    %add3A_200 = arith.constant 7000 : i32
    %add3A_201 = arith.addi %mul3A_4, %add3A_200 : i32
    %dma_start3A_202 = arith.constant 0 : i32
    %dma_start3A_203 = arith.constant 7 : i32
    %dma_start3A_204 = arith.constant 0 : i32
    %dma_start3A_205 = tpu.memref_slice %arg6[%dma_start3A_203, %dma_start3A_204] : memref<10x1000xi32, #tpu.memory_space<vmem>> -> memref<1x1000xi32, #tpu.memory_space<vmem>>
    %dma_start3A_206 = tpu.memref_squeeze %dma_start3A_205 : memref<1x1000xi32, #tpu.memory_space<vmem>> -> memref<1000xi32, #tpu.memory_space<vmem>>
    %dma_start3A_207 = tpu.memref_slice %arg2[%dma_start3A_202, %add3A_201] : memref<2x320000xi32, #tpu.memory_space<hbm>> -> memref<1x1000xi32, #tpu.memory_space<hbm>>
    %dma_start3A_208 = tpu.memref_squeeze %dma_start3A_207 : memref<1x1000xi32, #tpu.memory_space<hbm>> -> memref<1000xi32, #tpu.memory_space<hbm>>
    %dma_start3A_209 = arith.constant 0 : i32
    %dma_start3A_210 = tpu.memref_slice %arg6[%dma_start3A_203, %dma_start3A_209] : memref<10x1000xi32, #tpu.memory_space<vmem>> -> memref<1x1000xi32, #tpu.memory_space<vmem>>
    %dma_start3A_211 = tpu.memref_squeeze %dma_start3A_210 : memref<1x1000xi32, #tpu.memory_space<vmem>> -> memref<1000xi32, #tpu.memory_space<vmem>>
    %dma_start3A_212 = tpu.memref_slice %arg2[%dma_start3A_202, %add3A_201] : memref<2x320000xi32, #tpu.memory_space<hbm>> -> memref<1x1000xi32, #tpu.memory_space<hbm>>
    %dma_start3A_213 = tpu.memref_squeeze %dma_start3A_212 : memref<1x1000xi32, #tpu.memory_space<hbm>> -> memref<1000xi32, #tpu.memory_space<hbm>>
    tpu.enqueue_dma source(%dma_start3A_213 : memref<1000xi32, #tpu.memory_space<hbm>>) target(%dma_start3A_211 : memref<1000xi32, #tpu.memory_space<vmem>>) target_semaphore(%arg10 : memref<!tpu.dma_semaphore, #tpu.memory_space<semaphore_mem>>)
    %add3A_214 = arith.constant 7000 : i32
    %add3A_215 = arith.addi %mul3A_4, %add3A_214 : i32
    %dma_start3A_216 = arith.constant 1 : i32
    %dma_start3A_217 = arith.constant 7 : i32
    %dma_start3A_218 = arith.constant 0 : i32
    %dma_start3A_219 = tpu.memref_slice %arg7[%dma_start3A_217, %dma_start3A_218] : memref<10x1000xi32, #tpu.memory_space<vmem>> -> memref<1x1000xi32, #tpu.memory_space<vmem>>
    %dma_start3A_220 = tpu.memref_squeeze %dma_start3A_219 : memref<1x1000xi32, #tpu.memory_space<vmem>> -> memref<1000xi32, #tpu.memory_space<vmem>>
    %dma_start3A_221 = tpu.memref_slice %arg2[%dma_start3A_216, %add3A_215] : memref<2x320000xi32, #tpu.memory_space<hbm>> -> memref<1x1000xi32, #tpu.memory_space<hbm>>
    %dma_start3A_222 = tpu.memref_squeeze %dma_start3A_221 : memref<1x1000xi32, #tpu.memory_space<hbm>> -> memref<1000xi32, #tpu.memory_space<hbm>>
    %dma_start3A_223 = arith.constant 0 : i32
    %dma_start3A_224 = tpu.memref_slice %arg7[%dma_start3A_217, %dma_start3A_223] : memref<10x1000xi32, #tpu.memory_space<vmem>> -> memref<1x1000xi32, #tpu.memory_space<vmem>>
    %dma_start3A_225 = tpu.memref_squeeze %dma_start3A_224 : memref<1x1000xi32, #tpu.memory_space<vmem>> -> memref<1000xi32, #tpu.memory_space<vmem>>
    %dma_start3A_226 = tpu.memref_slice %arg2[%dma_start3A_216, %add3A_215] : memref<2x320000xi32, #tpu.memory_space<hbm>> -> memref<1x1000xi32, #tpu.memory_space<hbm>>
    %dma_start3A_227 = tpu.memref_squeeze %dma_start3A_226 : memref<1x1000xi32, #tpu.memory_space<hbm>> -> memref<1000xi32, #tpu.memory_space<hbm>>
    tpu.enqueue_dma source(%dma_start3A_227 : memref<1000xi32, #tpu.memory_space<hbm>>) target(%dma_start3A_225 : memref<1000xi32, #tpu.memory_space<vmem>>) target_semaphore(%arg10 : memref<!tpu.dma_semaphore, #tpu.memory_space<semaphore_mem>>)
    %add3A_228 = arith.constant 8000 : i32
    %add3A_229 = arith.addi %mul3A_4, %add3A_228 : i32
    %dma_start3A_230 = arith.constant 0 : i32
    %dma_start3A_231 = arith.constant 8 : i32
    %dma_start3A_232 = arith.constant 0 : i32
    %dma_start3A_233 = tpu.memref_slice %arg6[%dma_start3A_231, %dma_start3A_232] : memref<10x1000xi32, #tpu.memory_space<vmem>> -> memref<1x1000xi32, #tpu.memory_space<vmem>>
    %dma_start3A_234 = tpu.memref_squeeze %dma_start3A_233 : memref<1x1000xi32, #tpu.memory_space<vmem>> -> memref<1000xi32, #tpu.memory_space<vmem>>
    %dma_start3A_235 = tpu.memref_slice %arg2[%dma_start3A_230, %add3A_229] : memref<2x320000xi32, #tpu.memory_space<hbm>> -> memref<1x1000xi32, #tpu.memory_space<hbm>>
    %dma_start3A_236 = tpu.memref_squeeze %dma_start3A_235 : memref<1x1000xi32, #tpu.memory_space<hbm>> -> memref<1000xi32, #tpu.memory_space<hbm>>
    %dma_start3A_237 = arith.constant 0 : i32
    %dma_start3A_238 = tpu.memref_slice %arg6[%dma_start3A_231, %dma_start3A_237] : memref<10x1000xi32, #tpu.memory_space<vmem>> -> memref<1x1000xi32, #tpu.memory_space<vmem>>
    %dma_start3A_239 = tpu.memref_squeeze %dma_start3A_238 : memref<1x1000xi32, #tpu.memory_space<vmem>> -> memref<1000xi32, #tpu.memory_space<vmem>>
    %dma_start3A_240 = tpu.memref_slice %arg2[%dma_start3A_230, %add3A_229] : memref<2x320000xi32, #tpu.memory_space<hbm>> -> memref<1x1000xi32, #tpu.memory_space<hbm>>
    %dma_start3A_241 = tpu.memref_squeeze %dma_start3A_240 : memref<1x1000xi32, #tpu.memory_space<hbm>> -> memref<1000xi32, #tpu.memory_space<hbm>>
    tpu.enqueue_dma source(%dma_start3A_241 : memref<1000xi32, #tpu.memory_space<hbm>>) target(%dma_start3A_239 : memref<1000xi32, #tpu.memory_space<vmem>>) target_semaphore(%arg10 : memref<!tpu.dma_semaphore, #tpu.memory_space<semaphore_mem>>)
    %add3A_242 = arith.constant 8000 : i32
    %add3A_243 = arith.addi %mul3A_4, %add3A_242 : i32
    %dma_start3A_244 = arith.constant 1 : i32
    %dma_start3A_245 = arith.constant 8 : i32
    %dma_start3A_246 = arith.constant 0 : i32
    %dma_start3A_247 = tpu.memref_slice %arg7[%dma_start3A_245, %dma_start3A_246] : memref<10x1000xi32, #tpu.memory_space<vmem>> -> memref<1x1000xi32, #tpu.memory_space<vmem>>
    %dma_start3A_248 = tpu.memref_squeeze %dma_start3A_247 : memref<1x1000xi32, #tpu.memory_space<vmem>> -> memref<1000xi32, #tpu.memory_space<vmem>>
    %dma_start3A_249 = tpu.memref_slice %arg2[%dma_start3A_244, %add3A_243] : memref<2x320000xi32, #tpu.memory_space<hbm>> -> memref<1x1000xi32, #tpu.memory_space<hbm>>
    %dma_start3A_250 = tpu.memref_squeeze %dma_start3A_249 : memref<1x1000xi32, #tpu.memory_space<hbm>> -> memref<1000xi32, #tpu.memory_space<hbm>>
    %dma_start3A_251 = arith.constant 0 : i32
    %dma_start3A_252 = tpu.memref_slice %arg7[%dma_start3A_245, %dma_start3A_251] : memref<10x1000xi32, #tpu.memory_space<vmem>> -> memref<1x1000xi32, #tpu.memory_space<vmem>>
    %dma_start3A_253 = tpu.memref_squeeze %dma_start3A_252 : memref<1x1000xi32, #tpu.memory_space<vmem>> -> memref<1000xi32, #tpu.memory_space<vmem>>
    %dma_start3A_254 = tpu.memref_slice %arg2[%dma_start3A_244, %add3A_243] : memref<2x320000xi32, #tpu.memory_space<hbm>> -> memref<1x1000xi32, #tpu.memory_space<hbm>>
    %dma_start3A_255 = tpu.memref_squeeze %dma_start3A_254 : memref<1x1000xi32, #tpu.memory_space<hbm>> -> memref<1000xi32, #tpu.memory_space<hbm>>
    tpu.enqueue_dma source(%dma_start3A_255 : memref<1000xi32, #tpu.memory_space<hbm>>) target(%dma_start3A_253 : memref<1000xi32, #tpu.memory_space<vmem>>) target_semaphore(%arg10 : memref<!tpu.dma_semaphore, #tpu.memory_space<semaphore_mem>>)
    %add3A_256 = arith.constant 9000 : i32
    %add3A_257 = arith.addi %mul3A_4, %add3A_256 : i32
    %dma_start3A_258 = arith.constant 0 : i32
    %dma_start3A_259 = arith.constant 9 : i32
    %dma_start3A_260 = arith.constant 0 : i32
    %dma_start3A_261 = tpu.memref_slice %arg6[%dma_start3A_259, %dma_start3A_260] : memref<10x1000xi32, #tpu.memory_space<vmem>> -> memref<1x1000xi32, #tpu.memory_space<vmem>>
    %dma_start3A_262 = tpu.memref_squeeze %dma_start3A_261 : memref<1x1000xi32, #tpu.memory_space<vmem>> -> memref<1000xi32, #tpu.memory_space<vmem>>
    %dma_start3A_263 = tpu.memref_slice %arg2[%dma_start3A_258, %add3A_257] : memref<2x320000xi32, #tpu.memory_space<hbm>> -> memref<1x1000xi32, #tpu.memory_space<hbm>>
    %dma_start3A_264 = tpu.memref_squeeze %dma_start3A_263 : memref<1x1000xi32, #tpu.memory_space<hbm>> -> memref<1000xi32, #tpu.memory_space<hbm>>
    %dma_start3A_265 = arith.constant 0 : i32
    %dma_start3A_266 = tpu.memref_slice %arg6[%dma_start3A_259, %dma_start3A_265] : memref<10x1000xi32, #tpu.memory_space<vmem>> -> memref<1x1000xi32, #tpu.memory_space<vmem>>
    %dma_start3A_267 = tpu.memref_squeeze %dma_start3A_266 : memref<1x1000xi32, #tpu.memory_space<vmem>> -> memref<1000xi32, #tpu.memory_space<vmem>>
    %dma_start3A_268 = tpu.memref_slice %arg2[%dma_start3A_258, %add3A_257] : memref<2x320000xi32, #tpu.memory_space<hbm>> -> memref<1x1000xi32, #tpu.memory_space<hbm>>
    %dma_start3A_269 = tpu.memref_squeeze %dma_start3A_268 : memref<1x1000xi32, #tpu.memory_space<hbm>> -> memref<1000xi32, #tpu.memory_space<hbm>>
    tpu.enqueue_dma source(%dma_start3A_269 : memref<1000xi32, #tpu.memory_space<hbm>>) target(%dma_start3A_267 : memref<1000xi32, #tpu.memory_space<vmem>>) target_semaphore(%arg10 : memref<!tpu.dma_semaphore, #tpu.memory_space<semaphore_mem>>)
    %add3A_270 = arith.constant 9000 : i32
    %add3A_271 = arith.addi %mul3A_4, %add3A_270 : i32
    %dma_start3A_272 = arith.constant 1 : i32
    %dma_start3A_273 = arith.constant 9 : i32
    %dma_start3A_274 = arith.constant 0 : i32
    %dma_start3A_275 = tpu.memref_slice %arg7[%dma_start3A_273, %dma_start3A_274] : memref<10x1000xi32, #tpu.memory_space<vmem>> -> memref<1x1000xi32, #tpu.memory_space<vmem>>
    %dma_start3A_276 = tpu.memref_squeeze %dma_start3A_275 : memref<1x1000xi32, #tpu.memory_space<vmem>> -> memref<1000xi32, #tpu.memory_space<vmem>>
    %dma_start3A_277 = tpu.memref_slice %arg2[%dma_start3A_272, %add3A_271] : memref<2x320000xi32, #tpu.memory_space<hbm>> -> memref<1x1000xi32, #tpu.memory_space<hbm>>
    %dma_start3A_278 = tpu.memref_squeeze %dma_start3A_277 : memref<1x1000xi32, #tpu.memory_space<hbm>> -> memref<1000xi32, #tpu.memory_space<hbm>>
    %dma_start3A_279 = arith.constant 0 : i32
    %dma_start3A_280 = tpu.memref_slice %arg7[%dma_start3A_273, %dma_start3A_279] : memref<10x1000xi32, #tpu.memory_space<vmem>> -> memref<1x1000xi32, #tpu.memory_space<vmem>>
    %dma_start3A_281 = tpu.memref_squeeze %dma_start3A_280 : memref<1x1000xi32, #tpu.memory_space<vmem>> -> memref<1000xi32, #tpu.memory_space<vmem>>
    %dma_start3A_282 = tpu.memref_slice %arg2[%dma_start3A_272, %add3A_271] : memref<2x320000xi32, #tpu.memory_space<hbm>> -> memref<1x1000xi32, #tpu.memory_space<hbm>>
    %dma_start3A_283 = tpu.memref_squeeze %dma_start3A_282 : memref<1x1000xi32, #tpu.memory_space<hbm>> -> memref<1000xi32, #tpu.memory_space<hbm>>
    tpu.enqueue_dma source(%dma_start3A_283 : memref<1000xi32, #tpu.memory_space<hbm>>) target(%dma_start3A_281 : memref<1000xi32, #tpu.memory_space<vmem>>) target_semaphore(%arg10 : memref<!tpu.dma_semaphore, #tpu.memory_space<semaphore_mem>>)
    %dma_wait3A = arith.constant 0 : i32
    %dma_wait3A_284 = arith.constant 0 : i32
    %dma_wait3A_285 = arith.constant 0 : i32
    %dma_wait3A_286 = tpu.memref_slice %arg6[%dma_wait3A_284, %dma_wait3A_285] : memref<10x1000xi32, #tpu.memory_space<vmem>> -> memref<1x1000xi32, #tpu.memory_space<vmem>>
    %dma_wait3A_287 = tpu.memref_squeeze %dma_wait3A_286 : memref<1x1000xi32, #tpu.memory_space<vmem>> -> memref<1000xi32, #tpu.memory_space<vmem>>
    %dma_wait3A_288 = tpu.memref_slice %arg2[%dma_wait3A, %mul3A_4] : memref<2x320000xi32, #tpu.memory_space<hbm>> -> memref<1x1000xi32, #tpu.memory_space<hbm>>
    %dma_wait3A_289 = tpu.memref_squeeze %dma_wait3A_288 : memref<1x1000xi32, #tpu.memory_space<hbm>> -> memref<1000xi32, #tpu.memory_space<hbm>>
    %dma_wait3A_290 = arith.constant 0 : i32
    %dma_wait3A_291 = tpu.memref_slice %arg6[%dma_wait3A_284, %dma_wait3A_290] : memref<10x1000xi32, #tpu.memory_space<vmem>> -> memref<1x1000xi32, #tpu.memory_space<vmem>>
    %dma_wait3A_292 = tpu.memref_squeeze %dma_wait3A_291 : memref<1x1000xi32, #tpu.memory_space<vmem>> -> memref<1000xi32, #tpu.memory_space<vmem>>
    %dma_wait3A_293 = tpu.memref_slice %arg2[%dma_wait3A, %mul3A_4] : memref<2x320000xi32, #tpu.memory_space<hbm>> -> memref<1x1000xi32, #tpu.memory_space<hbm>>
    %dma_wait3A_294 = tpu.memref_squeeze %dma_wait3A_293 : memref<1x1000xi32, #tpu.memory_space<hbm>> -> memref<1000xi32, #tpu.memory_space<hbm>>
    tpu.wait_dma2 semaphore(%arg10 : memref<!tpu.dma_semaphore, #tpu.memory_space<semaphore_mem>>) src(%dma_wait3A_294 : memref<1000xi32, #tpu.memory_space<hbm>>) dst(%dma_wait3A_292 : memref<1000xi32, #tpu.memory_space<vmem>>)
    %dma_wait3A_295 = arith.constant 0 : i32
    %dma_wait3A_296 = arith.constant 0 : i32
    %dma_wait3A_297 = arith.constant 0 : i32
    %dma_wait3A_298 = tpu.memref_slice %arg7[%dma_wait3A_296, %dma_wait3A_297] : memref<10x1000xi32, #tpu.memory_space<vmem>> -> memref<1x1000xi32, #tpu.memory_space<vmem>>
    %dma_wait3A_299 = tpu.memref_squeeze %dma_wait3A_298 : memref<1x1000xi32, #tpu.memory_space<vmem>> -> memref<1000xi32, #tpu.memory_space<vmem>>
    %dma_wait3A_300 = tpu.memref_slice %arg2[%dma_wait3A_295, %mul3A_4] : memref<2x320000xi32, #tpu.memory_space<hbm>> -> memref<1x1000xi32, #tpu.memory_space<hbm>>
    %dma_wait3A_301 = tpu.memref_squeeze %dma_wait3A_300 : memref<1x1000xi32, #tpu.memory_space<hbm>> -> memref<1000xi32, #tpu.memory_space<hbm>>
    %dma_wait3A_302 = arith.constant 0 : i32
    %dma_wait3A_303 = tpu.memref_slice %arg7[%dma_wait3A_296, %dma_wait3A_302] : memref<10x1000xi32, #tpu.memory_space<vmem>> -> memref<1x1000xi32, #tpu.memory_space<vmem>>
    %dma_wait3A_304 = tpu.memref_squeeze %dma_wait3A_303 : memref<1x1000xi32, #tpu.memory_space<vmem>> -> memref<1000xi32, #tpu.memory_space<vmem>>
    %dma_wait3A_305 = tpu.memref_slice %arg2[%dma_wait3A_295, %mul3A_4] : memref<2x320000xi32, #tpu.memory_space<hbm>> -> memref<1x1000xi32, #tpu.memory_space<hbm>>
    %dma_wait3A_306 = tpu.memref_squeeze %dma_wait3A_305 : memref<1x1000xi32, #tpu.memory_space<hbm>> -> memref<1000xi32, #tpu.memory_space<hbm>>
    tpu.wait_dma2 semaphore(%arg10 : memref<!tpu.dma_semaphore, #tpu.memory_space<semaphore_mem>>) src(%dma_wait3A_306 : memref<1000xi32, #tpu.memory_space<hbm>>) dst(%dma_wait3A_304 : memref<1000xi32, #tpu.memory_space<vmem>>)
    %dma_wait3A_307 = arith.constant 0 : i32
    %dma_wait3A_308 = arith.constant 1 : i32
    %dma_wait3A_309 = arith.constant 0 : i32
    %dma_wait3A_310 = tpu.memref_slice %arg6[%dma_wait3A_308, %dma_wait3A_309] : memref<10x1000xi32, #tpu.memory_space<vmem>> -> memref<1x1000xi32, #tpu.memory_space<vmem>>
    %dma_wait3A_311 = tpu.memref_squeeze %dma_wait3A_310 : memref<1x1000xi32, #tpu.memory_space<vmem>> -> memref<1000xi32, #tpu.memory_space<vmem>>
    %dma_wait3A_312 = tpu.memref_slice %arg2[%dma_wait3A_307, %mul3A_4] : memref<2x320000xi32, #tpu.memory_space<hbm>> -> memref<1x1000xi32, #tpu.memory_space<hbm>>
    %dma_wait3A_313 = tpu.memref_squeeze %dma_wait3A_312 : memref<1x1000xi32, #tpu.memory_space<hbm>> -> memref<1000xi32, #tpu.memory_space<hbm>>
    %dma_wait3A_314 = arith.constant 0 : i32
    %dma_wait3A_315 = tpu.memref_slice %arg6[%dma_wait3A_308, %dma_wait3A_314] : memref<10x1000xi32, #tpu.memory_space<vmem>> -> memref<1x1000xi32, #tpu.memory_space<vmem>>
    %dma_wait3A_316 = tpu.memref_squeeze %dma_wait3A_315 : memref<1x1000xi32, #tpu.memory_space<vmem>> -> memref<1000xi32, #tpu.memory_space<vmem>>
    %dma_wait3A_317 = tpu.memref_slice %arg2[%dma_wait3A_307, %mul3A_4] : memref<2x320000xi32, #tpu.memory_space<hbm>> -> memref<1x1000xi32, #tpu.memory_space<hbm>>
    %dma_wait3A_318 = tpu.memref_squeeze %dma_wait3A_317 : memref<1x1000xi32, #tpu.memory_space<hbm>> -> memref<1000xi32, #tpu.memory_space<hbm>>
    tpu.wait_dma2 semaphore(%arg10 : memref<!tpu.dma_semaphore, #tpu.memory_space<semaphore_mem>>) src(%dma_wait3A_318 : memref<1000xi32, #tpu.memory_space<hbm>>) dst(%dma_wait3A_316 : memref<1000xi32, #tpu.memory_space<vmem>>)
    %dma_wait3A_319 = arith.constant 0 : i32
    %dma_wait3A_320 = arith.constant 1 : i32
    %dma_wait3A_321 = arith.constant 0 : i32
    %dma_wait3A_322 = tpu.memref_slice %arg7[%dma_wait3A_320, %dma_wait3A_321] : memref<10x1000xi32, #tpu.memory_space<vmem>> -> memref<1x1000xi32, #tpu.memory_space<vmem>>
    %dma_wait3A_323 = tpu.memref_squeeze %dma_wait3A_322 : memref<1x1000xi32, #tpu.memory_space<vmem>> -> memref<1000xi32, #tpu.memory_space<vmem>>
    %dma_wait3A_324 = tpu.memref_slice %arg2[%dma_wait3A_319, %mul3A_4] : memref<2x320000xi32, #tpu.memory_space<hbm>> -> memref<1x1000xi32, #tpu.memory_space<hbm>>
    %dma_wait3A_325 = tpu.memref_squeeze %dma_wait3A_324 : memref<1x1000xi32, #tpu.memory_space<hbm>> -> memref<1000xi32, #tpu.memory_space<hbm>>
    %dma_wait3A_326 = arith.constant 0 : i32
    %dma_wait3A_327 = tpu.memref_slice %arg7[%dma_wait3A_320, %dma_wait3A_326] : memref<10x1000xi32, #tpu.memory_space<vmem>> -> memref<1x1000xi32, #tpu.memory_space<vmem>>
    %dma_wait3A_328 = tpu.memref_squeeze %dma_wait3A_327 : memref<1x1000xi32, #tpu.memory_space<vmem>> -> memref<1000xi32, #tpu.memory_space<vmem>>
    %dma_wait3A_329 = tpu.memref_slice %arg2[%dma_wait3A_319, %mul3A_4] : memref<2x320000xi32, #tpu.memory_space<hbm>> -> memref<1x1000xi32, #tpu.memory_space<hbm>>
    %dma_wait3A_330 = tpu.memref_squeeze %dma_wait3A_329 : memref<1x1000xi32, #tpu.memory_space<hbm>> -> memref<1000xi32, #tpu.memory_space<hbm>>
    tpu.wait_dma2 semaphore(%arg10 : memref<!tpu.dma_semaphore, #tpu.memory_space<semaphore_mem>>) src(%dma_wait3A_330 : memref<1000xi32, #tpu.memory_space<hbm>>) dst(%dma_wait3A_328 : memref<1000xi32, #tpu.memory_space<vmem>>)
    %dma_wait3A_331 = arith.constant 0 : i32
    %dma_wait3A_332 = arith.constant 2 : i32
    %dma_wait3A_333 = arith.constant 0 : i32
    %dma_wait3A_334 = tpu.memref_slice %arg6[%dma_wait3A_332, %dma_wait3A_333] : memref<10x1000xi32, #tpu.memory_space<vmem>> -> memref<1x1000xi32, #tpu.memory_space<vmem>>
    %dma_wait3A_335 = tpu.memref_squeeze %dma_wait3A_334 : memref<1x1000xi32, #tpu.memory_space<vmem>> -> memref<1000xi32, #tpu.memory_space<vmem>>
    %dma_wait3A_336 = tpu.memref_slice %arg2[%dma_wait3A_331, %mul3A_4] : memref<2x320000xi32, #tpu.memory_space<hbm>> -> memref<1x1000xi32, #tpu.memory_space<hbm>>
    %dma_wait3A_337 = tpu.memref_squeeze %dma_wait3A_336 : memref<1x1000xi32, #tpu.memory_space<hbm>> -> memref<1000xi32, #tpu.memory_space<hbm>>
    %dma_wait3A_338 = arith.constant 0 : i32
    %dma_wait3A_339 = tpu.memref_slice %arg6[%dma_wait3A_332, %dma_wait3A_338] : memref<10x1000xi32, #tpu.memory_space<vmem>> -> memref<1x1000xi32, #tpu.memory_space<vmem>>
    %dma_wait3A_340 = tpu.memref_squeeze %dma_wait3A_339 : memref<1x1000xi32, #tpu.memory_space<vmem>> -> memref<1000xi32, #tpu.memory_space<vmem>>
    %dma_wait3A_341 = tpu.memref_slice %arg2[%dma_wait3A_331, %mul3A_4] : memref<2x320000xi32, #tpu.memory_space<hbm>> -> memref<1x1000xi32, #tpu.memory_space<hbm>>
    %dma_wait3A_342 = tpu.memref_squeeze %dma_wait3A_341 : memref<1x1000xi32, #tpu.memory_space<hbm>> -> memref<1000xi32, #tpu.memory_space<hbm>>
    tpu.wait_dma2 semaphore(%arg10 : memref<!tpu.dma_semaphore, #tpu.memory_space<semaphore_mem>>) src(%dma_wait3A_342 : memref<1000xi32, #tpu.memory_space<hbm>>) dst(%dma_wait3A_340 : memref<1000xi32, #tpu.memory_space<vmem>>)
    %dma_wait3A_343 = arith.constant 0 : i32
    %dma_wait3A_344 = arith.constant 2 : i32
    %dma_wait3A_345 = arith.constant 0 : i32
    %dma_wait3A_346 = tpu.memref_slice %arg7[%dma_wait3A_344, %dma_wait3A_345] : memref<10x1000xi32, #tpu.memory_space<vmem>> -> memref<1x1000xi32, #tpu.memory_space<vmem>>
    %dma_wait3A_347 = tpu.memref_squeeze %dma_wait3A_346 : memref<1x1000xi32, #tpu.memory_space<vmem>> -> memref<1000xi32, #tpu.memory_space<vmem>>
    %dma_wait3A_348 = tpu.memref_slice %arg2[%dma_wait3A_343, %mul3A_4] : memref<2x320000xi32, #tpu.memory_space<hbm>> -> memref<1x1000xi32, #tpu.memory_space<hbm>>
    %dma_wait3A_349 = tpu.memref_squeeze %dma_wait3A_348 : memref<1x1000xi32, #tpu.memory_space<hbm>> -> memref<1000xi32, #tpu.memory_space<hbm>>
    %dma_wait3A_350 = arith.constant 0 : i32
    %dma_wait3A_351 = tpu.memref_slice %arg7[%dma_wait3A_344, %dma_wait3A_350] : memref<10x1000xi32, #tpu.memory_space<vmem>> -> memref<1x1000xi32, #tpu.memory_space<vmem>>
    %dma_wait3A_352 = tpu.memref_squeeze %dma_wait3A_351 : memref<1x1000xi32, #tpu.memory_space<vmem>> -> memref<1000xi32, #tpu.memory_space<vmem>>
    %dma_wait3A_353 = tpu.memref_slice %arg2[%dma_wait3A_343, %mul3A_4] : memref<2x320000xi32, #tpu.memory_space<hbm>> -> memref<1x1000xi32, #tpu.memory_space<hbm>>
    %dma_wait3A_354 = tpu.memref_squeeze %dma_wait3A_353 : memref<1x1000xi32, #tpu.memory_space<hbm>> -> memref<1000xi32, #tpu.memory_space<hbm>>
    tpu.wait_dma2 semaphore(%arg10 : memref<!tpu.dma_semaphore, #tpu.memory_space<semaphore_mem>>) src(%dma_wait3A_354 : memref<1000xi32, #tpu.memory_space<hbm>>) dst(%dma_wait3A_352 : memref<1000xi32, #tpu.memory_space<vmem>>)
    %dma_wait3A_355 = arith.constant 0 : i32
    %dma_wait3A_356 = arith.constant 3 : i32
    %dma_wait3A_357 = arith.constant 0 : i32
    %dma_wait3A_358 = tpu.memref_slice %arg6[%dma_wait3A_356, %dma_wait3A_357] : memref<10x1000xi32, #tpu.memory_space<vmem>> -> memref<1x1000xi32, #tpu.memory_space<vmem>>
    %dma_wait3A_359 = tpu.memref_squeeze %dma_wait3A_358 : memref<1x1000xi32, #tpu.memory_space<vmem>> -> memref<1000xi32, #tpu.memory_space<vmem>>
    %dma_wait3A_360 = tpu.memref_slice %arg2[%dma_wait3A_355, %mul3A_4] : memref<2x320000xi32, #tpu.memory_space<hbm>> -> memref<1x1000xi32, #tpu.memory_space<hbm>>
    %dma_wait3A_361 = tpu.memref_squeeze %dma_wait3A_360 : memref<1x1000xi32, #tpu.memory_space<hbm>> -> memref<1000xi32, #tpu.memory_space<hbm>>
    %dma_wait3A_362 = arith.constant 0 : i32
    %dma_wait3A_363 = tpu.memref_slice %arg6[%dma_wait3A_356, %dma_wait3A_362] : memref<10x1000xi32, #tpu.memory_space<vmem>> -> memref<1x1000xi32, #tpu.memory_space<vmem>>
    %dma_wait3A_364 = tpu.memref_squeeze %dma_wait3A_363 : memref<1x1000xi32, #tpu.memory_space<vmem>> -> memref<1000xi32, #tpu.memory_space<vmem>>
    %dma_wait3A_365 = tpu.memref_slice %arg2[%dma_wait3A_355, %mul3A_4] : memref<2x320000xi32, #tpu.memory_space<hbm>> -> memref<1x1000xi32, #tpu.memory_space<hbm>>
    %dma_wait3A_366 = tpu.memref_squeeze %dma_wait3A_365 : memref<1x1000xi32, #tpu.memory_space<hbm>> -> memref<1000xi32, #tpu.memory_space<hbm>>
    tpu.wait_dma2 semaphore(%arg10 : memref<!tpu.dma_semaphore, #tpu.memory_space<semaphore_mem>>) src(%dma_wait3A_366 : memref<1000xi32, #tpu.memory_space<hbm>>) dst(%dma_wait3A_364 : memref<1000xi32, #tpu.memory_space<vmem>>)
    %dma_wait3A_367 = arith.constant 0 : i32
    %dma_wait3A_368 = arith.constant 3 : i32
    %dma_wait3A_369 = arith.constant 0 : i32
    %dma_wait3A_370 = tpu.memref_slice %arg7[%dma_wait3A_368, %dma_wait3A_369] : memref<10x1000xi32, #tpu.memory_space<vmem>> -> memref<1x1000xi32, #tpu.memory_space<vmem>>
    %dma_wait3A_371 = tpu.memref_squeeze %dma_wait3A_370 : memref<1x1000xi32, #tpu.memory_space<vmem>> -> memref<1000xi32, #tpu.memory_space<vmem>>
    %dma_wait3A_372 = tpu.memref_slice %arg2[%dma_wait3A_367, %mul3A_4] : memref<2x320000xi32, #tpu.memory_space<hbm>> -> memref<1x1000xi32, #tpu.memory_space<hbm>>
    %dma_wait3A_373 = tpu.memref_squeeze %dma_wait3A_372 : memref<1x1000xi32, #tpu.memory_space<hbm>> -> memref<1000xi32, #tpu.memory_space<hbm>>
    %dma_wait3A_374 = arith.constant 0 : i32
    %dma_wait3A_375 = tpu.memref_slice %arg7[%dma_wait3A_368, %dma_wait3A_374] : memref<10x1000xi32, #tpu.memory_space<vmem>> -> memref<1x1000xi32, #tpu.memory_space<vmem>>
    %dma_wait3A_376 = tpu.memref_squeeze %dma_wait3A_375 : memref<1x1000xi32, #tpu.memory_space<vmem>> -> memref<1000xi32, #tpu.memory_space<vmem>>
    %dma_wait3A_377 = tpu.memref_slice %arg2[%dma_wait3A_367, %mul3A_4] : memref<2x320000xi32, #tpu.memory_space<hbm>> -> memref<1x1000xi32, #tpu.memory_space<hbm>>
    %dma_wait3A_378 = tpu.memref_squeeze %dma_wait3A_377 : memref<1x1000xi32, #tpu.memory_space<hbm>> -> memref<1000xi32, #tpu.memory_space<hbm>>
    tpu.wait_dma2 semaphore(%arg10 : memref<!tpu.dma_semaphore, #tpu.memory_space<semaphore_mem>>) src(%dma_wait3A_378 : memref<1000xi32, #tpu.memory_space<hbm>>) dst(%dma_wait3A_376 : memref<1000xi32, #tpu.memory_space<vmem>>)
    %dma_wait3A_379 = arith.constant 0 : i32
    %dma_wait3A_380 = arith.constant 4 : i32
    %dma_wait3A_381 = arith.constant 0 : i32
    %dma_wait3A_382 = tpu.memref_slice %arg6[%dma_wait3A_380, %dma_wait3A_381] : memref<10x1000xi32, #tpu.memory_space<vmem>> -> memref<1x1000xi32, #tpu.memory_space<vmem>>
    %dma_wait3A_383 = tpu.memref_squeeze %dma_wait3A_382 : memref<1x1000xi32, #tpu.memory_space<vmem>> -> memref<1000xi32, #tpu.memory_space<vmem>>
    %dma_wait3A_384 = tpu.memref_slice %arg2[%dma_wait3A_379, %mul3A_4] : memref<2x320000xi32, #tpu.memory_space<hbm>> -> memref<1x1000xi32, #tpu.memory_space<hbm>>
    %dma_wait3A_385 = tpu.memref_squeeze %dma_wait3A_384 : memref<1x1000xi32, #tpu.memory_space<hbm>> -> memref<1000xi32, #tpu.memory_space<hbm>>
    %dma_wait3A_386 = arith.constant 0 : i32
    %dma_wait3A_387 = tpu.memref_slice %arg6[%dma_wait3A_380, %dma_wait3A_386] : memref<10x1000xi32, #tpu.memory_space<vmem>> -> memref<1x1000xi32, #tpu.memory_space<vmem>>
    %dma_wait3A_388 = tpu.memref_squeeze %dma_wait3A_387 : memref<1x1000xi32, #tpu.memory_space<vmem>> -> memref<1000xi32, #tpu.memory_space<vmem>>
    %dma_wait3A_389 = tpu.memref_slice %arg2[%dma_wait3A_379, %mul3A_4] : memref<2x320000xi32, #tpu.memory_space<hbm>> -> memref<1x1000xi32, #tpu.memory_space<hbm>>
    %dma_wait3A_390 = tpu.memref_squeeze %dma_wait3A_389 : memref<1x1000xi32, #tpu.memory_space<hbm>> -> memref<1000xi32, #tpu.memory_space<hbm>>
    tpu.wait_dma2 semaphore(%arg10 : memref<!tpu.dma_semaphore, #tpu.memory_space<semaphore_mem>>) src(%dma_wait3A_390 : memref<1000xi32, #tpu.memory_space<hbm>>) dst(%dma_wait3A_388 : memref<1000xi32, #tpu.memory_space<vmem>>)
    %dma_wait3A_391 = arith.constant 0 : i32
    %dma_wait3A_392 = arith.constant 4 : i32
    %dma_wait3A_393 = arith.constant 0 : i32
    %dma_wait3A_394 = tpu.memref_slice %arg7[%dma_wait3A_392, %dma_wait3A_393] : memref<10x1000xi32, #tpu.memory_space<vmem>> -> memref<1x1000xi32, #tpu.memory_space<vmem>>
    %dma_wait3A_395 = tpu.memref_squeeze %dma_wait3A_394 : memref<1x1000xi32, #tpu.memory_space<vmem>> -> memref<1000xi32, #tpu.memory_space<vmem>>
    %dma_wait3A_396 = tpu.memref_slice %arg2[%dma_wait3A_391, %mul3A_4] : memref<2x320000xi32, #tpu.memory_space<hbm>> -> memref<1x1000xi32, #tpu.memory_space<hbm>>
    %dma_wait3A_397 = tpu.memref_squeeze %dma_wait3A_396 : memref<1x1000xi32, #tpu.memory_space<hbm>> -> memref<1000xi32, #tpu.memory_space<hbm>>
    %dma_wait3A_398 = arith.constant 0 : i32
    %dma_wait3A_399 = tpu.memref_slice %arg7[%dma_wait3A_392, %dma_wait3A_398] : memref<10x1000xi32, #tpu.memory_space<vmem>> -> memref<1x1000xi32, #tpu.memory_space<vmem>>
    %dma_wait3A_400 = tpu.memref_squeeze %dma_wait3A_399 : memref<1x1000xi32, #tpu.memory_space<vmem>> -> memref<1000xi32, #tpu.memory_space<vmem>>
    %dma_wait3A_401 = tpu.memref_slice %arg2[%dma_wait3A_391, %mul3A_4] : memref<2x320000xi32, #tpu.memory_space<hbm>> -> memref<1x1000xi32, #tpu.memory_space<hbm>>
    %dma_wait3A_402 = tpu.memref_squeeze %dma_wait3A_401 : memref<1x1000xi32, #tpu.memory_space<hbm>> -> memref<1000xi32, #tpu.memory_space<hbm>>
    tpu.wait_dma2 semaphore(%arg10 : memref<!tpu.dma_semaphore, #tpu.memory_space<semaphore_mem>>) src(%dma_wait3A_402 : memref<1000xi32, #tpu.memory_space<hbm>>) dst(%dma_wait3A_400 : memref<1000xi32, #tpu.memory_space<vmem>>)
    %dma_wait3A_403 = arith.constant 0 : i32
    %dma_wait3A_404 = arith.constant 5 : i32
    %dma_wait3A_405 = arith.constant 0 : i32
    %dma_wait3A_406 = tpu.memref_slice %arg6[%dma_wait3A_404, %dma_wait3A_405] : memref<10x1000xi32, #tpu.memory_space<vmem>> -> memref<1x1000xi32, #tpu.memory_space<vmem>>
    %dma_wait3A_407 = tpu.memref_squeeze %dma_wait3A_406 : memref<1x1000xi32, #tpu.memory_space<vmem>> -> memref<1000xi32, #tpu.memory_space<vmem>>
    %dma_wait3A_408 = tpu.memref_slice %arg2[%dma_wait3A_403, %mul3A_4] : memref<2x320000xi32, #tpu.memory_space<hbm>> -> memref<1x1000xi32, #tpu.memory_space<hbm>>
    %dma_wait3A_409 = tpu.memref_squeeze %dma_wait3A_408 : memref<1x1000xi32, #tpu.memory_space<hbm>> -> memref<1000xi32, #tpu.memory_space<hbm>>
    %dma_wait3A_410 = arith.constant 0 : i32
    %dma_wait3A_411 = tpu.memref_slice %arg6[%dma_wait3A_404, %dma_wait3A_410] : memref<10x1000xi32, #tpu.memory_space<vmem>> -> memref<1x1000xi32, #tpu.memory_space<vmem>>
    %dma_wait3A_412 = tpu.memref_squeeze %dma_wait3A_411 : memref<1x1000xi32, #tpu.memory_space<vmem>> -> memref<1000xi32, #tpu.memory_space<vmem>>
    %dma_wait3A_413 = tpu.memref_slice %arg2[%dma_wait3A_403, %mul3A_4] : memref<2x320000xi32, #tpu.memory_space<hbm>> -> memref<1x1000xi32, #tpu.memory_space<hbm>>
    %dma_wait3A_414 = tpu.memref_squeeze %dma_wait3A_413 : memref<1x1000xi32, #tpu.memory_space<hbm>> -> memref<1000xi32, #tpu.memory_space<hbm>>
    tpu.wait_dma2 semaphore(%arg10 : memref<!tpu.dma_semaphore, #tpu.memory_space<semaphore_mem>>) src(%dma_wait3A_414 : memref<1000xi32, #tpu.memory_space<hbm>>) dst(%dma_wait3A_412 : memref<1000xi32, #tpu.memory_space<vmem>>)
    %dma_wait3A_415 = arith.constant 0 : i32
    %dma_wait3A_416 = arith.constant 5 : i32
    %dma_wait3A_417 = arith.constant 0 : i32
    %dma_wait3A_418 = tpu.memref_slice %arg7[%dma_wait3A_416, %dma_wait3A_417] : memref<10x1000xi32, #tpu.memory_space<vmem>> -> memref<1x1000xi32, #tpu.memory_space<vmem>>
    %dma_wait3A_419 = tpu.memref_squeeze %dma_wait3A_418 : memref<1x1000xi32, #tpu.memory_space<vmem>> -> memref<1000xi32, #tpu.memory_space<vmem>>
    %dma_wait3A_420 = tpu.memref_slice %arg2[%dma_wait3A_415, %mul3A_4] : memref<2x320000xi32, #tpu.memory_space<hbm>> -> memref<1x1000xi32, #tpu.memory_space<hbm>>
    %dma_wait3A_421 = tpu.memref_squeeze %dma_wait3A_420 : memref<1x1000xi32, #tpu.memory_space<hbm>> -> memref<1000xi32, #tpu.memory_space<hbm>>
    %dma_wait3A_422 = arith.constant 0 : i32
    %dma_wait3A_423 = tpu.memref_slice %arg7[%dma_wait3A_416, %dma_wait3A_422] : memref<10x1000xi32, #tpu.memory_space<vmem>> -> memref<1x1000xi32, #tpu.memory_space<vmem>>
    %dma_wait3A_424 = tpu.memref_squeeze %dma_wait3A_423 : memref<1x1000xi32, #tpu.memory_space<vmem>> -> memref<1000xi32, #tpu.memory_space<vmem>>
    %dma_wait3A_425 = tpu.memref_slice %arg2[%dma_wait3A_415, %mul3A_4] : memref<2x320000xi32, #tpu.memory_space<hbm>> -> memref<1x1000xi32, #tpu.memory_space<hbm>>
    %dma_wait3A_426 = tpu.memref_squeeze %dma_wait3A_425 : memref<1x1000xi32, #tpu.memory_space<hbm>> -> memref<1000xi32, #tpu.memory_space<hbm>>
    tpu.wait_dma2 semaphore(%arg10 : memref<!tpu.dma_semaphore, #tpu.memory_space<semaphore_mem>>) src(%dma_wait3A_426 : memref<1000xi32, #tpu.memory_space<hbm>>) dst(%dma_wait3A_424 : memref<1000xi32, #tpu.memory_space<vmem>>)
    %dma_wait3A_427 = arith.constant 0 : i32
    %dma_wait3A_428 = arith.constant 6 : i32
    %dma_wait3A_429 = arith.constant 0 : i32
    %dma_wait3A_430 = tpu.memref_slice %arg6[%dma_wait3A_428, %dma_wait3A_429] : memref<10x1000xi32, #tpu.memory_space<vmem>> -> memref<1x1000xi32, #tpu.memory_space<vmem>>
    %dma_wait3A_431 = tpu.memref_squeeze %dma_wait3A_430 : memref<1x1000xi32, #tpu.memory_space<vmem>> -> memref<1000xi32, #tpu.memory_space<vmem>>
    %dma_wait3A_432 = tpu.memref_slice %arg2[%dma_wait3A_427, %mul3A_4] : memref<2x320000xi32, #tpu.memory_space<hbm>> -> memref<1x1000xi32, #tpu.memory_space<hbm>>
    %dma_wait3A_433 = tpu.memref_squeeze %dma_wait3A_432 : memref<1x1000xi32, #tpu.memory_space<hbm>> -> memref<1000xi32, #tpu.memory_space<hbm>>
    %dma_wait3A_434 = arith.constant 0 : i32
    %dma_wait3A_435 = tpu.memref_slice %arg6[%dma_wait3A_428, %dma_wait3A_434] : memref<10x1000xi32, #tpu.memory_space<vmem>> -> memref<1x1000xi32, #tpu.memory_space<vmem>>
    %dma_wait3A_436 = tpu.memref_squeeze %dma_wait3A_435 : memref<1x1000xi32, #tpu.memory_space<vmem>> -> memref<1000xi32, #tpu.memory_space<vmem>>
    %dma_wait3A_437 = tpu.memref_slice %arg2[%dma_wait3A_427, %mul3A_4] : memref<2x320000xi32, #tpu.memory_space<hbm>> -> memref<1x1000xi32, #tpu.memory_space<hbm>>
    %dma_wait3A_438 = tpu.memref_squeeze %dma_wait3A_437 : memref<1x1000xi32, #tpu.memory_space<hbm>> -> memref<1000xi32, #tpu.memory_space<hbm>>
    tpu.wait_dma2 semaphore(%arg10 : memref<!tpu.dma_semaphore, #tpu.memory_space<semaphore_mem>>) src(%dma_wait3A_438 : memref<1000xi32, #tpu.memory_space<hbm>>) dst(%dma_wait3A_436 : memref<1000xi32, #tpu.memory_space<vmem>>)
    %dma_wait3A_439 = arith.constant 0 : i32
    %dma_wait3A_440 = arith.constant 6 : i32
    %dma_wait3A_441 = arith.constant 0 : i32
    %dma_wait3A_442 = tpu.memref_slice %arg7[%dma_wait3A_440, %dma_wait3A_441] : memref<10x1000xi32, #tpu.memory_space<vmem>> -> memref<1x1000xi32, #tpu.memory_space<vmem>>
    %dma_wait3A_443 = tpu.memref_squeeze %dma_wait3A_442 : memref<1x1000xi32, #tpu.memory_space<vmem>> -> memref<1000xi32, #tpu.memory_space<vmem>>
    %dma_wait3A_444 = tpu.memref_slice %arg2[%dma_wait3A_439, %mul3A_4] : memref<2x320000xi32, #tpu.memory_space<hbm>> -> memref<1x1000xi32, #tpu.memory_space<hbm>>
    %dma_wait3A_445 = tpu.memref_squeeze %dma_wait3A_444 : memref<1x1000xi32, #tpu.memory_space<hbm>> -> memref<1000xi32, #tpu.memory_space<hbm>>
    %dma_wait3A_446 = arith.constant 0 : i32
    %dma_wait3A_447 = tpu.memref_slice %arg7[%dma_wait3A_440, %dma_wait3A_446] : memref<10x1000xi32, #tpu.memory_space<vmem>> -> memref<1x1000xi32, #tpu.memory_space<vmem>>
    %dma_wait3A_448 = tpu.memref_squeeze %dma_wait3A_447 : memref<1x1000xi32, #tpu.memory_space<vmem>> -> memref<1000xi32, #tpu.memory_space<vmem>>
    %dma_wait3A_449 = tpu.memref_slice %arg2[%dma_wait3A_439, %mul3A_4] : memref<2x320000xi32, #tpu.memory_space<hbm>> -> memref<1x1000xi32, #tpu.memory_space<hbm>>
    %dma_wait3A_450 = tpu.memref_squeeze %dma_wait3A_449 : memref<1x1000xi32, #tpu.memory_space<hbm>> -> memref<1000xi32, #tpu.memory_space<hbm>>
    tpu.wait_dma2 semaphore(%arg10 : memref<!tpu.dma_semaphore, #tpu.memory_space<semaphore_mem>>) src(%dma_wait3A_450 : memref<1000xi32, #tpu.memory_space<hbm>>) dst(%dma_wait3A_448 : memref<1000xi32, #tpu.memory_space<vmem>>)
    %dma_wait3A_451 = arith.constant 0 : i32
    %dma_wait3A_452 = arith.constant 7 : i32
    %dma_wait3A_453 = arith.constant 0 : i32
    %dma_wait3A_454 = tpu.memref_slice %arg6[%dma_wait3A_452, %dma_wait3A_453] : memref<10x1000xi32, #tpu.memory_space<vmem>> -> memref<1x1000xi32, #tpu.memory_space<vmem>>
    %dma_wait3A_455 = tpu.memref_squeeze %dma_wait3A_454 : memref<1x1000xi32, #tpu.memory_space<vmem>> -> memref<1000xi32, #tpu.memory_space<vmem>>
    %dma_wait3A_456 = tpu.memref_slice %arg2[%dma_wait3A_451, %mul3A_4] : memref<2x320000xi32, #tpu.memory_space<hbm>> -> memref<1x1000xi32, #tpu.memory_space<hbm>>
    %dma_wait3A_457 = tpu.memref_squeeze %dma_wait3A_456 : memref<1x1000xi32, #tpu.memory_space<hbm>> -> memref<1000xi32, #tpu.memory_space<hbm>>
    %dma_wait3A_458 = arith.constant 0 : i32
    %dma_wait3A_459 = tpu.memref_slice %arg6[%dma_wait3A_452, %dma_wait3A_458] : memref<10x1000xi32, #tpu.memory_space<vmem>> -> memref<1x1000xi32, #tpu.memory_space<vmem>>
    %dma_wait3A_460 = tpu.memref_squeeze %dma_wait3A_459 : memref<1x1000xi32, #tpu.memory_space<vmem>> -> memref<1000xi32, #tpu.memory_space<vmem>>
    %dma_wait3A_461 = tpu.memref_slice %arg2[%dma_wait3A_451, %mul3A_4] : memref<2x320000xi32, #tpu.memory_space<hbm>> -> memref<1x1000xi32, #tpu.memory_space<hbm>>
    %dma_wait3A_462 = tpu.memref_squeeze %dma_wait3A_461 : memref<1x1000xi32, #tpu.memory_space<hbm>> -> memref<1000xi32, #tpu.memory_space<hbm>>
    tpu.wait_dma2 semaphore(%arg10 : memref<!tpu.dma_semaphore, #tpu.memory_space<semaphore_mem>>) src(%dma_wait3A_462 : memref<1000xi32, #tpu.memory_space<hbm>>) dst(%dma_wait3A_460 : memref<1000xi32, #tpu.memory_space<vmem>>)
    %dma_wait3A_463 = arith.constant 0 : i32
    %dma_wait3A_464 = arith.constant 7 : i32
    %dma_wait3A_465 = arith.constant 0 : i32
    %dma_wait3A_466 = tpu.memref_slice %arg7[%dma_wait3A_464, %dma_wait3A_465] : memref<10x1000xi32, #tpu.memory_space<vmem>> -> memref<1x1000xi32, #tpu.memory_space<vmem>>
    %dma_wait3A_467 = tpu.memref_squeeze %dma_wait3A_466 : memref<1x1000xi32, #tpu.memory_space<vmem>> -> memref<1000xi32, #tpu.memory_space<vmem>>
    %dma_wait3A_468 = tpu.memref_slice %arg2[%dma_wait3A_463, %mul3A_4] : memref<2x320000xi32, #tpu.memory_space<hbm>> -> memref<1x1000xi32, #tpu.memory_space<hbm>>
    %dma_wait3A_469 = tpu.memref_squeeze %dma_wait3A_468 : memref<1x1000xi32, #tpu.memory_space<hbm>> -> memref<1000xi32, #tpu.memory_space<hbm>>
    %dma_wait3A_470 = arith.constant 0 : i32
    %dma_wait3A_471 = tpu.memref_slice %arg7[%dma_wait3A_464, %dma_wait3A_470] : memref<10x1000xi32, #tpu.memory_space<vmem>> -> memref<1x1000xi32, #tpu.memory_space<vmem>>
    %dma_wait3A_472 = tpu.memref_squeeze %dma_wait3A_471 : memref<1x1000xi32, #tpu.memory_space<vmem>> -> memref<1000xi32, #tpu.memory_space<vmem>>
    %dma_wait3A_473 = tpu.memref_slice %arg2[%dma_wait3A_463, %mul3A_4] : memref<2x320000xi32, #tpu.memory_space<hbm>> -> memref<1x1000xi32, #tpu.memory_space<hbm>>
    %dma_wait3A_474 = tpu.memref_squeeze %dma_wait3A_473 : memref<1x1000xi32, #tpu.memory_space<hbm>> -> memref<1000xi32, #tpu.memory_space<hbm>>
    tpu.wait_dma2 semaphore(%arg10 : memref<!tpu.dma_semaphore, #tpu.memory_space<semaphore_mem>>) src(%dma_wait3A_474 : memref<1000xi32, #tpu.memory_space<hbm>>) dst(%dma_wait3A_472 : memref<1000xi32, #tpu.memory_space<vmem>>)
    %dma_wait3A_475 = arith.constant 0 : i32
    %dma_wait3A_476 = arith.constant 8 : i32
    %dma_wait3A_477 = arith.constant 0 : i32
    %dma_wait3A_478 = tpu.memref_slice %arg6[%dma_wait3A_476, %dma_wait3A_477] : memref<10x1000xi32, #tpu.memory_space<vmem>> -> memref<1x1000xi32, #tpu.memory_space<vmem>>
    %dma_wait3A_479 = tpu.memref_squeeze %dma_wait3A_478 : memref<1x1000xi32, #tpu.memory_space<vmem>> -> memref<1000xi32, #tpu.memory_space<vmem>>
    %dma_wait3A_480 = tpu.memref_slice %arg2[%dma_wait3A_475, %mul3A_4] : memref<2x320000xi32, #tpu.memory_space<hbm>> -> memref<1x1000xi32, #tpu.memory_space<hbm>>
    %dma_wait3A_481 = tpu.memref_squeeze %dma_wait3A_480 : memref<1x1000xi32, #tpu.memory_space<hbm>> -> memref<1000xi32, #tpu.memory_space<hbm>>
    %dma_wait3A_482 = arith.constant 0 : i32
    %dma_wait3A_483 = tpu.memref_slice %arg6[%dma_wait3A_476, %dma_wait3A_482] : memref<10x1000xi32, #tpu.memory_space<vmem>> -> memref<1x1000xi32, #tpu.memory_space<vmem>>
    %dma_wait3A_484 = tpu.memref_squeeze %dma_wait3A_483 : memref<1x1000xi32, #tpu.memory_space<vmem>> -> memref<1000xi32, #tpu.memory_space<vmem>>
    %dma_wait3A_485 = tpu.memref_slice %arg2[%dma_wait3A_475, %mul3A_4] : memref<2x320000xi32, #tpu.memory_space<hbm>> -> memref<1x1000xi32, #tpu.memory_space<hbm>>
    %dma_wait3A_486 = tpu.memref_squeeze %dma_wait3A_485 : memref<1x1000xi32, #tpu.memory_space<hbm>> -> memref<1000xi32, #tpu.memory_space<hbm>>
    tpu.wait_dma2 semaphore(%arg10 : memref<!tpu.dma_semaphore, #tpu.memory_space<semaphore_mem>>) src(%dma_wait3A_486 : memref<1000xi32, #tpu.memory_space<hbm>>) dst(%dma_wait3A_484 : memref<1000xi32, #tpu.memory_space<vmem>>)
    %dma_wait3A_487 = arith.constant 0 : i32
    %dma_wait3A_488 = arith.constant 8 : i32
    %dma_wait3A_489 = arith.constant 0 : i32
    %dma_wait3A_490 = tpu.memref_slice %arg7[%dma_wait3A_488, %dma_wait3A_489] : memref<10x1000xi32, #tpu.memory_space<vmem>> -> memref<1x1000xi32, #tpu.memory_space<vmem>>
    %dma_wait3A_491 = tpu.memref_squeeze %dma_wait3A_490 : memref<1x1000xi32, #tpu.memory_space<vmem>> -> memref<1000xi32, #tpu.memory_space<vmem>>
    %dma_wait3A_492 = tpu.memref_slice %arg2[%dma_wait3A_487, %mul3A_4] : memref<2x320000xi32, #tpu.memory_space<hbm>> -> memref<1x1000xi32, #tpu.memory_space<hbm>>
    %dma_wait3A_493 = tpu.memref_squeeze %dma_wait3A_492 : memref<1x1000xi32, #tpu.memory_space<hbm>> -> memref<1000xi32, #tpu.memory_space<hbm>>
    %dma_wait3A_494 = arith.constant 0 : i32
    %dma_wait3A_495 = tpu.memref_slice %arg7[%dma_wait3A_488, %dma_wait3A_494] : memref<10x1000xi32, #tpu.memory_space<vmem>> -> memref<1x1000xi32, #tpu.memory_space<vmem>>
    %dma_wait3A_496 = tpu.memref_squeeze %dma_wait3A_495 : memref<1x1000xi32, #tpu.memory_space<vmem>> -> memref<1000xi32, #tpu.memory_space<vmem>>
    %dma_wait3A_497 = tpu.memref_slice %arg2[%dma_wait3A_487, %mul3A_4] : memref<2x320000xi32, #tpu.memory_space<hbm>> -> memref<1x1000xi32, #tpu.memory_space<hbm>>
    %dma_wait3A_498 = tpu.memref_squeeze %dma_wait3A_497 : memref<1x1000xi32, #tpu.memory_space<hbm>> -> memref<1000xi32, #tpu.memory_space<hbm>>
    tpu.wait_dma2 semaphore(%arg10 : memref<!tpu.dma_semaphore, #tpu.memory_space<semaphore_mem>>) src(%dma_wait3A_498 : memref<1000xi32, #tpu.memory_space<hbm>>) dst(%dma_wait3A_496 : memref<1000xi32, #tpu.memory_space<vmem>>)
    %dma_wait3A_499 = arith.constant 0 : i32
    %dma_wait3A_500 = arith.constant 9 : i32
    %dma_wait3A_501 = arith.constant 0 : i32
    %dma_wait3A_502 = tpu.memref_slice %arg6[%dma_wait3A_500, %dma_wait3A_501] : memref<10x1000xi32, #tpu.memory_space<vmem>> -> memref<1x1000xi32, #tpu.memory_space<vmem>>
    %dma_wait3A_503 = tpu.memref_squeeze %dma_wait3A_502 : memref<1x1000xi32, #tpu.memory_space<vmem>> -> memref<1000xi32, #tpu.memory_space<vmem>>
    %dma_wait3A_504 = tpu.memref_slice %arg2[%dma_wait3A_499, %mul3A_4] : memref<2x320000xi32, #tpu.memory_space<hbm>> -> memref<1x1000xi32, #tpu.memory_space<hbm>>
    %dma_wait3A_505 = tpu.memref_squeeze %dma_wait3A_504 : memref<1x1000xi32, #tpu.memory_space<hbm>> -> memref<1000xi32, #tpu.memory_space<hbm>>
    %dma_wait3A_506 = arith.constant 0 : i32
    %dma_wait3A_507 = tpu.memref_slice %arg6[%dma_wait3A_500, %dma_wait3A_506] : memref<10x1000xi32, #tpu.memory_space<vmem>> -> memref<1x1000xi32, #tpu.memory_space<vmem>>
    %dma_wait3A_508 = tpu.memref_squeeze %dma_wait3A_507 : memref<1x1000xi32, #tpu.memory_space<vmem>> -> memref<1000xi32, #tpu.memory_space<vmem>>
    %dma_wait3A_509 = tpu.memref_slice %arg2[%dma_wait3A_499, %mul3A_4] : memref<2x320000xi32, #tpu.memory_space<hbm>> -> memref<1x1000xi32, #tpu.memory_space<hbm>>
    %dma_wait3A_510 = tpu.memref_squeeze %dma_wait3A_509 : memref<1x1000xi32, #tpu.memory_space<hbm>> -> memref<1000xi32, #tpu.memory_space<hbm>>
    tpu.wait_dma2 semaphore(%arg10 : memref<!tpu.dma_semaphore, #tpu.memory_space<semaphore_mem>>) src(%dma_wait3A_510 : memref<1000xi32, #tpu.memory_space<hbm>>) dst(%dma_wait3A_508 : memref<1000xi32, #tpu.memory_space<vmem>>)
    %dma_wait3A_511 = arith.constant 0 : i32
    %dma_wait3A_512 = arith.constant 9 : i32
    %dma_wait3A_513 = arith.constant 0 : i32
    %dma_wait3A_514 = tpu.memref_slice %arg7[%dma_wait3A_512, %dma_wait3A_513] : memref<10x1000xi32, #tpu.memory_space<vmem>> -> memref<1x1000xi32, #tpu.memory_space<vmem>>
    %dma_wait3A_515 = tpu.memref_squeeze %dma_wait3A_514 : memref<1x1000xi32, #tpu.memory_space<vmem>> -> memref<1000xi32, #tpu.memory_space<vmem>>
    %dma_wait3A_516 = tpu.memref_slice %arg2[%dma_wait3A_511, %mul3A_4] : memref<2x320000xi32, #tpu.memory_space<hbm>> -> memref<1x1000xi32, #tpu.memory_space<hbm>>
    %dma_wait3A_517 = tpu.memref_squeeze %dma_wait3A_516 : memref<1x1000xi32, #tpu.memory_space<hbm>> -> memref<1000xi32, #tpu.memory_space<hbm>>
    %dma_wait3A_518 = arith.constant 0 : i32
    %dma_wait3A_519 = tpu.memref_slice %arg7[%dma_wait3A_512, %dma_wait3A_518] : memref<10x1000xi32, #tpu.memory_space<vmem>> -> memref<1x1000xi32, #tpu.memory_space<vmem>>
    %dma_wait3A_520 = tpu.memref_squeeze %dma_wait3A_519 : memref<1x1000xi32, #tpu.memory_space<vmem>> -> memref<1000xi32, #tpu.memory_space<vmem>>
    %dma_wait3A_521 = tpu.memref_slice %arg2[%dma_wait3A_511, %mul3A_4] : memref<2x320000xi32, #tpu.memory_space<hbm>> -> memref<1x1000xi32, #tpu.memory_space<hbm>>
    %dma_wait3A_522 = tpu.memref_squeeze %dma_wait3A_521 : memref<1x1000xi32, #tpu.memory_space<hbm>> -> memref<1000xi32, #tpu.memory_space<hbm>>
    tpu.wait_dma2 semaphore(%arg10 : memref<!tpu.dma_semaphore, #tpu.memory_space<semaphore_mem>>) src(%dma_wait3A_522 : memref<1000xi32, #tpu.memory_space<hbm>>) dst(%dma_wait3A_520 : memref<1000xi32, #tpu.memory_space<vmem>>)
    "tpu.region"() ({
      %run_scoped3A = tpu.sem_alloc : memref<!tpu.dma_semaphore, #tpu.memory_space<semaphore_mem>>
      tpu.enqueue_dma source(%arg3 : memref<1000x8xf32, #tpu.memory_space<hbm>>) target(%arg8 : memref<1000x8xf32, #tpu.memory_space<vmem>>) target_semaphore(%run_scoped3A : memref<!tpu.dma_semaphore, #tpu.memory_space<semaphore_mem>>)
      tpu.wait_dma2 semaphore(%run_scoped3A : memref<!tpu.dma_semaphore, #tpu.memory_space<semaphore_mem>>) src(%arg3 : memref<1000x8xf32, #tpu.memory_space<hbm>>) dst(%arg8 : memref<1000x8xf32, #tpu.memory_space<vmem>>)
      tpu.yield
    }) : () -> ()
    %barrier3A = arith.constant 0 : index
    tpu.barrier barrier_id(%barrier3A)
    %scan3A = arith.constant 0 : i32
    %scan3A_523 = arith.constant 0 : i32
    %scan3A_524 = arith.constant 10 : i32
    %scan3A_525 = arith.addi %scan3A_523, %scan3A_524 : i32
    %scan3A_526 = arith.constant 1 : i32
    scf.for %scan3A_529 = %scan3A_523 to %scan3A_525 step %scan3A_526  : i32 {
      "tpu.region"() ({
        %run_scoped3A = tpu.sem_alloc : memref<!tpu.dma_semaphore, #tpu.memory_space<semaphore_mem>>
        %dma_start3A_530 = arith.constant 0 : i32
        %dma_start3A_531 = tpu.memref_slice %arg7[%scan3A_529, %dma_start3A_530] : memref<10x1000xi32, #tpu.memory_space<vmem>> -> memref<1x1000xi32, #tpu.memory_space<vmem>>
        %dma_start3A_532 = tpu.memref_squeeze %dma_start3A_531 : memref<1x1000xi32, #tpu.memory_space<vmem>> -> memref<1000xi32, #tpu.memory_space<vmem>>
        %dma_start3A_533 = arith.constant 0 : i32
        %dma_start3A_534 = arith.constant 0 : i32
        %dma_start3A_535 = tpu.memref_slice %arg9[%dma_start3A_533, %dma_start3A_534] : memref<10112x8xf32, #tpu.memory_space<vmem_shared>> -> memref<10112x8xf32, #tpu.memory_space<vmem_shared>>
        tpu.enqueue_indirect_dma source(%arg8 : memref<1000x8xf32, #tpu.memory_space<vmem>>) target(%dma_start3A_535 : memref<10112x8xf32, #tpu.memory_space<vmem_shared>>) offsets(%dma_start3A_532 : memref<1000xi32, #tpu.memory_space<vmem>>) semaphore(%run_scoped3A : memref<!tpu.dma_semaphore, #tpu.memory_space<semaphore_mem>>) {add = true}
        %dma_wait3A_536 = arith.constant 0 : i32
        %dma_wait3A_537 = tpu.memref_slice %arg7[%scan3A_529, %dma_wait3A_536] : memref<10x1000xi32, #tpu.memory_space<vmem>> -> memref<1x1000xi32, #tpu.memory_space<vmem>>
        %dma_wait3A_538 = tpu.memref_squeeze %dma_wait3A_537 : memref<1x1000xi32, #tpu.memory_space<vmem>> -> memref<1000xi32, #tpu.memory_space<vmem>>
        %dma_wait3A_539 = arith.constant 0 : i32
        %dma_wait3A_540 = arith.constant 0 : i32
        %dma_wait3A_541 = tpu.memref_slice %arg9[%dma_wait3A_539, %dma_wait3A_540] : memref<10112x8xf32, #tpu.memory_space<vmem_shared>> -> memref<10112x8xf32, #tpu.memory_space<vmem_shared>>
        tpu.wait_indirect_dma semaphore(%run_scoped3A : memref<!tpu.dma_semaphore, #tpu.memory_space<semaphore_mem>>) src(%arg8 : memref<1000x8xf32, #tpu.memory_space<vmem>>) dst(%dma_wait3A_541 : memref<10112x8xf32, #tpu.memory_space<vmem_shared>>)
        tpu.yield
      }) : () -> ()
    }
    %scan3A_527 = arith.constant 10 : i32
    %barrier3A_528 = arith.constant 0 : index
    tpu.barrier barrier_id(%barrier3A_528)
    "tpu.region"() ({
      %run_scoped3A = tpu.sem_alloc : memref<!tpu.dma_semaphore, #tpu.memory_space<semaphore_mem>>
      %dma_start3A_529 = arith.constant 0 : i32
      %dma_start3A_530 = tpu.memref_slice %arg5[%arg0, %mul3A_2, %dma_start3A_529] : memref<2x10112x8xf32, #tpu.memory_space<hbm>> -> memref<1x632x8xf32, #tpu.memory_space<hbm>>
      %dma_start3A_531 = tpu.memref_squeeze %dma_start3A_530 : memref<1x632x8xf32, #tpu.memory_space<hbm>> -> memref<632x8xf32, #tpu.memory_space<hbm>>
      %dma_start3A_532 = arith.constant 0 : i32
      %dma_start3A_533 = tpu.memref_slice %arg9[%mul3A_2, %dma_start3A_532] : memref<10112x8xf32, #tpu.memory_space<vmem_shared>> -> memref<632x8xf32, #tpu.memory_space<vmem_shared>>
      tpu.enqueue_dma source(%dma_start3A_533 : memref<632x8xf32, #tpu.memory_space<vmem_shared>>) target(%dma_start3A_531 : memref<632x8xf32, #tpu.memory_space<hbm>>) target_semaphore(%run_scoped3A : memref<!tpu.dma_semaphore, #tpu.memory_space<semaphore_mem>>)
      %dma_wait3A_534 = arith.constant 0 : i32
      %dma_wait3A_535 = tpu.memref_slice %arg5[%arg0, %mul3A_2, %dma_wait3A_534] : memref<2x10112x8xf32, #tpu.memory_space<hbm>> -> memref<1x632x8xf32, #tpu.memory_space<hbm>>
      %dma_wait3A_536 = tpu.memref_squeeze %dma_wait3A_535 : memref<1x632x8xf32, #tpu.memory_space<hbm>> -> memref<632x8xf32, #tpu.memory_space<hbm>>
      %dma_wait3A_537 = arith.constant 0 : i32
      %dma_wait3A_538 = tpu.memref_slice %arg9[%mul3A_2, %dma_wait3A_537] : memref<10112x8xf32, #tpu.memory_space<vmem_shared>> -> memref<632x8xf32, #tpu.memory_space<vmem_shared>>
      tpu.wait_dma2 semaphore(%run_scoped3A : memref<!tpu.dma_semaphore, #tpu.memory_space<semaphore_mem>>) src(%dma_wait3A_538 : memref<632x8xf32, #tpu.memory_space<vmem_shared>>) dst(%dma_wait3A_536 : memref<632x8xf32, #tpu.memory_space<hbm>>)
      tpu.yield
    }) : () -> ()
    return
  }
}

#map = affine_map<(d0, d1) -> (0, 0)>
#map1 = affine_map<(d0, d1) -> (0, 0, 0)>
module attributes {stable_mosaic.version = 14 : i64} {
  func.func @edge_pass(%arg0: i32, %arg1: i32, %arg2: memref<10000x8xf32, #tpu.memory_space<hbm>>, %arg3: memref<2x320000xi32, #tpu.memory_space<hbm>>, %arg4: memref<10112x8xf32, #tpu.memory_space<hbm>>, %arg5: memref<2x10112x8xf32, #tpu.memory_space<hbm>>, %arg6: memref<10x1000xi32, #tpu.memory_space<vmem>>, %arg7: memref<10x1000xi32, #tpu.memory_space<vmem>>, %arg8: memref<1000x8xf32, #tpu.memory_space<vmem>>, %arg9: memref<1000x8xf32, #tpu.memory_space<vmem>>, %arg10: memref<10112x8xf32, #tpu.memory_space<vmem_shared>>, %arg11: memref<!tpu.dma_semaphore, #tpu.memory_space<semaphore_mem>>, %arg12: memref<!tpu.dma_semaphore, #tpu.memory_space<semaphore_mem>>, %arg13: memref<!tpu.dma_semaphore, #tpu.memory_space<semaphore_mem>>) attributes {dimension_semantics = [#tpu.dimension_semantics<core_parallel>, #tpu.dimension_semantics<subcore_parallel>], iteration_bounds = array<i64: 2, 16>, scalar_prefetch = 0 : i64, scratch_operands = 8 : i64, tpu.core_type = #tpu.core_type<sc_vector_subcore>, window_params = [{transform_indices = #map}, {transform_indices = #map}, {transform_indices = #map}, {transform_indices = #map1}]} {
    %mul3A = arith.constant 2 : i32
    %mul3A_0 = arith.muli %arg1, %mul3A : i32
    %add3A = arith.addi %mul3A_0, %arg0 : i32
    %mul3A_1 = arith.constant 632 : i32
    %mul3A_2 = arith.muli %arg1, %mul3A_1 : i32
    "tpu.region"() ({
      %run_scoped3A = tpu.sem_alloc : memref<!tpu.dma_semaphore, #tpu.memory_space<semaphore_mem>>
      %dma_start3A_536 = arith.constant 0 : i32
      %dma_start3A_537 = tpu.memref_slice %arg10[%mul3A_2, %dma_start3A_536] : memref<10112x8xf32, #tpu.memory_space<vmem_shared>> -> memref<632x8xf32, #tpu.memory_space<vmem_shared>>
      %dma_start3A_538 = arith.constant 0 : i32
      %dma_start3A_539 = tpu.memref_slice %arg4[%mul3A_2, %dma_start3A_538] : memref<10112x8xf32, #tpu.memory_space<hbm>> -> memref<632x8xf32, #tpu.memory_space<hbm>>
      tpu.enqueue_dma source(%dma_start3A_539 : memref<632x8xf32, #tpu.memory_space<hbm>>) target(%dma_start3A_537 : memref<632x8xf32, #tpu.memory_space<vmem_shared>>) target_semaphore(%run_scoped3A : memref<!tpu.dma_semaphore, #tpu.memory_space<semaphore_mem>>)
      %dma_wait3A_540 = arith.constant 0 : i32
      %dma_wait3A_541 = tpu.memref_slice %arg10[%mul3A_2, %dma_wait3A_540] : memref<10112x8xf32, #tpu.memory_space<vmem_shared>> -> memref<632x8xf32, #tpu.memory_space<vmem_shared>>
      %dma_wait3A_542 = arith.constant 0 : i32
      %dma_wait3A_543 = tpu.memref_slice %arg4[%mul3A_2, %dma_wait3A_542] : memref<10112x8xf32, #tpu.memory_space<hbm>> -> memref<632x8xf32, #tpu.memory_space<hbm>>
      tpu.wait_dma2 semaphore(%run_scoped3A : memref<!tpu.dma_semaphore, #tpu.memory_space<semaphore_mem>>) src(%dma_wait3A_543 : memref<632x8xf32, #tpu.memory_space<hbm>>) dst(%dma_wait3A_541 : memref<632x8xf32, #tpu.memory_space<vmem_shared>>)
      tpu.yield
    }) : () -> ()
    %mul3A_3 = arith.constant 10000 : i32
    %mul3A_4 = arith.muli %add3A, %mul3A_3 : i32
    %add3A_5 = arith.constant 0 : i32
    %add3A_6 = arith.addi %mul3A_4, %add3A_5 : i32
    %dma_start3A = arith.constant 0 : i32
    %dma_start3A_7 = arith.constant 0 : i32
    %dma_start3A_8 = arith.constant 0 : i32
    %dma_start3A_9 = tpu.memref_slice %arg6[%dma_start3A_7, %dma_start3A_8] : memref<10x1000xi32, #tpu.memory_space<vmem>> -> memref<1x1000xi32, #tpu.memory_space<vmem>>
    %dma_start3A_10 = tpu.memref_squeeze %dma_start3A_9 : memref<1x1000xi32, #tpu.memory_space<vmem>> -> memref<1000xi32, #tpu.memory_space<vmem>>
    %dma_start3A_11 = tpu.memref_slice %arg3[%dma_start3A, %add3A_6] : memref<2x320000xi32, #tpu.memory_space<hbm>> -> memref<1x1000xi32, #tpu.memory_space<hbm>>
    %dma_start3A_12 = tpu.memref_squeeze %dma_start3A_11 : memref<1x1000xi32, #tpu.memory_space<hbm>> -> memref<1000xi32, #tpu.memory_space<hbm>>
    %dma_start3A_13 = arith.constant 0 : i32
    %dma_start3A_14 = tpu.memref_slice %arg6[%dma_start3A_7, %dma_start3A_13] : memref<10x1000xi32, #tpu.memory_space<vmem>> -> memref<1x1000xi32, #tpu.memory_space<vmem>>
    %dma_start3A_15 = tpu.memref_squeeze %dma_start3A_14 : memref<1x1000xi32, #tpu.memory_space<vmem>> -> memref<1000xi32, #tpu.memory_space<vmem>>
    %dma_start3A_16 = tpu.memref_slice %arg3[%dma_start3A, %add3A_6] : memref<2x320000xi32, #tpu.memory_space<hbm>> -> memref<1x1000xi32, #tpu.memory_space<hbm>>
    %dma_start3A_17 = tpu.memref_squeeze %dma_start3A_16 : memref<1x1000xi32, #tpu.memory_space<hbm>> -> memref<1000xi32, #tpu.memory_space<hbm>>
    tpu.enqueue_dma source(%dma_start3A_17 : memref<1000xi32, #tpu.memory_space<hbm>>) target(%dma_start3A_15 : memref<1000xi32, #tpu.memory_space<vmem>>) target_semaphore(%arg13 : memref<!tpu.dma_semaphore, #tpu.memory_space<semaphore_mem>>)
    %add3A_18 = arith.constant 0 : i32
    %add3A_19 = arith.addi %mul3A_4, %add3A_18 : i32
    %dma_start3A_20 = arith.constant 1 : i32
    %dma_start3A_21 = arith.constant 0 : i32
    %dma_start3A_22 = arith.constant 0 : i32
    %dma_start3A_23 = tpu.memref_slice %arg7[%dma_start3A_21, %dma_start3A_22] : memref<10x1000xi32, #tpu.memory_space<vmem>> -> memref<1x1000xi32, #tpu.memory_space<vmem>>
    %dma_start3A_24 = tpu.memref_squeeze %dma_start3A_23 : memref<1x1000xi32, #tpu.memory_space<vmem>> -> memref<1000xi32, #tpu.memory_space<vmem>>
    %dma_start3A_25 = tpu.memref_slice %arg3[%dma_start3A_20, %add3A_19] : memref<2x320000xi32, #tpu.memory_space<hbm>> -> memref<1x1000xi32, #tpu.memory_space<hbm>>
    %dma_start3A_26 = tpu.memref_squeeze %dma_start3A_25 : memref<1x1000xi32, #tpu.memory_space<hbm>> -> memref<1000xi32, #tpu.memory_space<hbm>>
    %dma_start3A_27 = arith.constant 0 : i32
    %dma_start3A_28 = tpu.memref_slice %arg7[%dma_start3A_21, %dma_start3A_27] : memref<10x1000xi32, #tpu.memory_space<vmem>> -> memref<1x1000xi32, #tpu.memory_space<vmem>>
    %dma_start3A_29 = tpu.memref_squeeze %dma_start3A_28 : memref<1x1000xi32, #tpu.memory_space<vmem>> -> memref<1000xi32, #tpu.memory_space<vmem>>
    %dma_start3A_30 = tpu.memref_slice %arg3[%dma_start3A_20, %add3A_19] : memref<2x320000xi32, #tpu.memory_space<hbm>> -> memref<1x1000xi32, #tpu.memory_space<hbm>>
    %dma_start3A_31 = tpu.memref_squeeze %dma_start3A_30 : memref<1x1000xi32, #tpu.memory_space<hbm>> -> memref<1000xi32, #tpu.memory_space<hbm>>
    tpu.enqueue_dma source(%dma_start3A_31 : memref<1000xi32, #tpu.memory_space<hbm>>) target(%dma_start3A_29 : memref<1000xi32, #tpu.memory_space<vmem>>) target_semaphore(%arg13 : memref<!tpu.dma_semaphore, #tpu.memory_space<semaphore_mem>>)
    %add3A_32 = arith.constant 1000 : i32
    %add3A_33 = arith.addi %mul3A_4, %add3A_32 : i32
    %dma_start3A_34 = arith.constant 0 : i32
    %dma_start3A_35 = arith.constant 1 : i32
    %dma_start3A_36 = arith.constant 0 : i32
    %dma_start3A_37 = tpu.memref_slice %arg6[%dma_start3A_35, %dma_start3A_36] : memref<10x1000xi32, #tpu.memory_space<vmem>> -> memref<1x1000xi32, #tpu.memory_space<vmem>>
    %dma_start3A_38 = tpu.memref_squeeze %dma_start3A_37 : memref<1x1000xi32, #tpu.memory_space<vmem>> -> memref<1000xi32, #tpu.memory_space<vmem>>
    %dma_start3A_39 = tpu.memref_slice %arg3[%dma_start3A_34, %add3A_33] : memref<2x320000xi32, #tpu.memory_space<hbm>> -> memref<1x1000xi32, #tpu.memory_space<hbm>>
    %dma_start3A_40 = tpu.memref_squeeze %dma_start3A_39 : memref<1x1000xi32, #tpu.memory_space<hbm>> -> memref<1000xi32, #tpu.memory_space<hbm>>
    %dma_start3A_41 = arith.constant 0 : i32
    %dma_start3A_42 = tpu.memref_slice %arg6[%dma_start3A_35, %dma_start3A_41] : memref<10x1000xi32, #tpu.memory_space<vmem>> -> memref<1x1000xi32, #tpu.memory_space<vmem>>
    %dma_start3A_43 = tpu.memref_squeeze %dma_start3A_42 : memref<1x1000xi32, #tpu.memory_space<vmem>> -> memref<1000xi32, #tpu.memory_space<vmem>>
    %dma_start3A_44 = tpu.memref_slice %arg3[%dma_start3A_34, %add3A_33] : memref<2x320000xi32, #tpu.memory_space<hbm>> -> memref<1x1000xi32, #tpu.memory_space<hbm>>
    %dma_start3A_45 = tpu.memref_squeeze %dma_start3A_44 : memref<1x1000xi32, #tpu.memory_space<hbm>> -> memref<1000xi32, #tpu.memory_space<hbm>>
    tpu.enqueue_dma source(%dma_start3A_45 : memref<1000xi32, #tpu.memory_space<hbm>>) target(%dma_start3A_43 : memref<1000xi32, #tpu.memory_space<vmem>>) target_semaphore(%arg13 : memref<!tpu.dma_semaphore, #tpu.memory_space<semaphore_mem>>)
    %add3A_46 = arith.constant 1000 : i32
    %add3A_47 = arith.addi %mul3A_4, %add3A_46 : i32
    %dma_start3A_48 = arith.constant 1 : i32
    %dma_start3A_49 = arith.constant 1 : i32
    %dma_start3A_50 = arith.constant 0 : i32
    %dma_start3A_51 = tpu.memref_slice %arg7[%dma_start3A_49, %dma_start3A_50] : memref<10x1000xi32, #tpu.memory_space<vmem>> -> memref<1x1000xi32, #tpu.memory_space<vmem>>
    %dma_start3A_52 = tpu.memref_squeeze %dma_start3A_51 : memref<1x1000xi32, #tpu.memory_space<vmem>> -> memref<1000xi32, #tpu.memory_space<vmem>>
    %dma_start3A_53 = tpu.memref_slice %arg3[%dma_start3A_48, %add3A_47] : memref<2x320000xi32, #tpu.memory_space<hbm>> -> memref<1x1000xi32, #tpu.memory_space<hbm>>
    %dma_start3A_54 = tpu.memref_squeeze %dma_start3A_53 : memref<1x1000xi32, #tpu.memory_space<hbm>> -> memref<1000xi32, #tpu.memory_space<hbm>>
    %dma_start3A_55 = arith.constant 0 : i32
    %dma_start3A_56 = tpu.memref_slice %arg7[%dma_start3A_49, %dma_start3A_55] : memref<10x1000xi32, #tpu.memory_space<vmem>> -> memref<1x1000xi32, #tpu.memory_space<vmem>>
    %dma_start3A_57 = tpu.memref_squeeze %dma_start3A_56 : memref<1x1000xi32, #tpu.memory_space<vmem>> -> memref<1000xi32, #tpu.memory_space<vmem>>
    %dma_start3A_58 = tpu.memref_slice %arg3[%dma_start3A_48, %add3A_47] : memref<2x320000xi32, #tpu.memory_space<hbm>> -> memref<1x1000xi32, #tpu.memory_space<hbm>>
    %dma_start3A_59 = tpu.memref_squeeze %dma_start3A_58 : memref<1x1000xi32, #tpu.memory_space<hbm>> -> memref<1000xi32, #tpu.memory_space<hbm>>
    tpu.enqueue_dma source(%dma_start3A_59 : memref<1000xi32, #tpu.memory_space<hbm>>) target(%dma_start3A_57 : memref<1000xi32, #tpu.memory_space<vmem>>) target_semaphore(%arg13 : memref<!tpu.dma_semaphore, #tpu.memory_space<semaphore_mem>>)
    %add3A_60 = arith.constant 2000 : i32
    %add3A_61 = arith.addi %mul3A_4, %add3A_60 : i32
    %dma_start3A_62 = arith.constant 0 : i32
    %dma_start3A_63 = arith.constant 2 : i32
    %dma_start3A_64 = arith.constant 0 : i32
    %dma_start3A_65 = tpu.memref_slice %arg6[%dma_start3A_63, %dma_start3A_64] : memref<10x1000xi32, #tpu.memory_space<vmem>> -> memref<1x1000xi32, #tpu.memory_space<vmem>>
    %dma_start3A_66 = tpu.memref_squeeze %dma_start3A_65 : memref<1x1000xi32, #tpu.memory_space<vmem>> -> memref<1000xi32, #tpu.memory_space<vmem>>
    %dma_start3A_67 = tpu.memref_slice %arg3[%dma_start3A_62, %add3A_61] : memref<2x320000xi32, #tpu.memory_space<hbm>> -> memref<1x1000xi32, #tpu.memory_space<hbm>>
    %dma_start3A_68 = tpu.memref_squeeze %dma_start3A_67 : memref<1x1000xi32, #tpu.memory_space<hbm>> -> memref<1000xi32, #tpu.memory_space<hbm>>
    %dma_start3A_69 = arith.constant 0 : i32
    %dma_start3A_70 = tpu.memref_slice %arg6[%dma_start3A_63, %dma_start3A_69] : memref<10x1000xi32, #tpu.memory_space<vmem>> -> memref<1x1000xi32, #tpu.memory_space<vmem>>
    %dma_start3A_71 = tpu.memref_squeeze %dma_start3A_70 : memref<1x1000xi32, #tpu.memory_space<vmem>> -> memref<1000xi32, #tpu.memory_space<vmem>>
    %dma_start3A_72 = tpu.memref_slice %arg3[%dma_start3A_62, %add3A_61] : memref<2x320000xi32, #tpu.memory_space<hbm>> -> memref<1x1000xi32, #tpu.memory_space<hbm>>
    %dma_start3A_73 = tpu.memref_squeeze %dma_start3A_72 : memref<1x1000xi32, #tpu.memory_space<hbm>> -> memref<1000xi32, #tpu.memory_space<hbm>>
    tpu.enqueue_dma source(%dma_start3A_73 : memref<1000xi32, #tpu.memory_space<hbm>>) target(%dma_start3A_71 : memref<1000xi32, #tpu.memory_space<vmem>>) target_semaphore(%arg13 : memref<!tpu.dma_semaphore, #tpu.memory_space<semaphore_mem>>)
    %add3A_74 = arith.constant 2000 : i32
    %add3A_75 = arith.addi %mul3A_4, %add3A_74 : i32
    %dma_start3A_76 = arith.constant 1 : i32
    %dma_start3A_77 = arith.constant 2 : i32
    %dma_start3A_78 = arith.constant 0 : i32
    %dma_start3A_79 = tpu.memref_slice %arg7[%dma_start3A_77, %dma_start3A_78] : memref<10x1000xi32, #tpu.memory_space<vmem>> -> memref<1x1000xi32, #tpu.memory_space<vmem>>
    %dma_start3A_80 = tpu.memref_squeeze %dma_start3A_79 : memref<1x1000xi32, #tpu.memory_space<vmem>> -> memref<1000xi32, #tpu.memory_space<vmem>>
    %dma_start3A_81 = tpu.memref_slice %arg3[%dma_start3A_76, %add3A_75] : memref<2x320000xi32, #tpu.memory_space<hbm>> -> memref<1x1000xi32, #tpu.memory_space<hbm>>
    %dma_start3A_82 = tpu.memref_squeeze %dma_start3A_81 : memref<1x1000xi32, #tpu.memory_space<hbm>> -> memref<1000xi32, #tpu.memory_space<hbm>>
    %dma_start3A_83 = arith.constant 0 : i32
    %dma_start3A_84 = tpu.memref_slice %arg7[%dma_start3A_77, %dma_start3A_83] : memref<10x1000xi32, #tpu.memory_space<vmem>> -> memref<1x1000xi32, #tpu.memory_space<vmem>>
    %dma_start3A_85 = tpu.memref_squeeze %dma_start3A_84 : memref<1x1000xi32, #tpu.memory_space<vmem>> -> memref<1000xi32, #tpu.memory_space<vmem>>
    %dma_start3A_86 = tpu.memref_slice %arg3[%dma_start3A_76, %add3A_75] : memref<2x320000xi32, #tpu.memory_space<hbm>> -> memref<1x1000xi32, #tpu.memory_space<hbm>>
    %dma_start3A_87 = tpu.memref_squeeze %dma_start3A_86 : memref<1x1000xi32, #tpu.memory_space<hbm>> -> memref<1000xi32, #tpu.memory_space<hbm>>
    tpu.enqueue_dma source(%dma_start3A_87 : memref<1000xi32, #tpu.memory_space<hbm>>) target(%dma_start3A_85 : memref<1000xi32, #tpu.memory_space<vmem>>) target_semaphore(%arg13 : memref<!tpu.dma_semaphore, #tpu.memory_space<semaphore_mem>>)
    %add3A_88 = arith.constant 3000 : i32
    %add3A_89 = arith.addi %mul3A_4, %add3A_88 : i32
    %dma_start3A_90 = arith.constant 0 : i32
    %dma_start3A_91 = arith.constant 3 : i32
    %dma_start3A_92 = arith.constant 0 : i32
    %dma_start3A_93 = tpu.memref_slice %arg6[%dma_start3A_91, %dma_start3A_92] : memref<10x1000xi32, #tpu.memory_space<vmem>> -> memref<1x1000xi32, #tpu.memory_space<vmem>>
    %dma_start3A_94 = tpu.memref_squeeze %dma_start3A_93 : memref<1x1000xi32, #tpu.memory_space<vmem>> -> memref<1000xi32, #tpu.memory_space<vmem>>
    %dma_start3A_95 = tpu.memref_slice %arg3[%dma_start3A_90, %add3A_89] : memref<2x320000xi32, #tpu.memory_space<hbm>> -> memref<1x1000xi32, #tpu.memory_space<hbm>>
    %dma_start3A_96 = tpu.memref_squeeze %dma_start3A_95 : memref<1x1000xi32, #tpu.memory_space<hbm>> -> memref<1000xi32, #tpu.memory_space<hbm>>
    %dma_start3A_97 = arith.constant 0 : i32
    %dma_start3A_98 = tpu.memref_slice %arg6[%dma_start3A_91, %dma_start3A_97] : memref<10x1000xi32, #tpu.memory_space<vmem>> -> memref<1x1000xi32, #tpu.memory_space<vmem>>
    %dma_start3A_99 = tpu.memref_squeeze %dma_start3A_98 : memref<1x1000xi32, #tpu.memory_space<vmem>> -> memref<1000xi32, #tpu.memory_space<vmem>>
    %dma_start3A_100 = tpu.memref_slice %arg3[%dma_start3A_90, %add3A_89] : memref<2x320000xi32, #tpu.memory_space<hbm>> -> memref<1x1000xi32, #tpu.memory_space<hbm>>
    %dma_start3A_101 = tpu.memref_squeeze %dma_start3A_100 : memref<1x1000xi32, #tpu.memory_space<hbm>> -> memref<1000xi32, #tpu.memory_space<hbm>>
    tpu.enqueue_dma source(%dma_start3A_101 : memref<1000xi32, #tpu.memory_space<hbm>>) target(%dma_start3A_99 : memref<1000xi32, #tpu.memory_space<vmem>>) target_semaphore(%arg13 : memref<!tpu.dma_semaphore, #tpu.memory_space<semaphore_mem>>)
    %add3A_102 = arith.constant 3000 : i32
    %add3A_103 = arith.addi %mul3A_4, %add3A_102 : i32
    %dma_start3A_104 = arith.constant 1 : i32
    %dma_start3A_105 = arith.constant 3 : i32
    %dma_start3A_106 = arith.constant 0 : i32
    %dma_start3A_107 = tpu.memref_slice %arg7[%dma_start3A_105, %dma_start3A_106] : memref<10x1000xi32, #tpu.memory_space<vmem>> -> memref<1x1000xi32, #tpu.memory_space<vmem>>
    %dma_start3A_108 = tpu.memref_squeeze %dma_start3A_107 : memref<1x1000xi32, #tpu.memory_space<vmem>> -> memref<1000xi32, #tpu.memory_space<vmem>>
    %dma_start3A_109 = tpu.memref_slice %arg3[%dma_start3A_104, %add3A_103] : memref<2x320000xi32, #tpu.memory_space<hbm>> -> memref<1x1000xi32, #tpu.memory_space<hbm>>
    %dma_start3A_110 = tpu.memref_squeeze %dma_start3A_109 : memref<1x1000xi32, #tpu.memory_space<hbm>> -> memref<1000xi32, #tpu.memory_space<hbm>>
    %dma_start3A_111 = arith.constant 0 : i32
    %dma_start3A_112 = tpu.memref_slice %arg7[%dma_start3A_105, %dma_start3A_111] : memref<10x1000xi32, #tpu.memory_space<vmem>> -> memref<1x1000xi32, #tpu.memory_space<vmem>>
    %dma_start3A_113 = tpu.memref_squeeze %dma_start3A_112 : memref<1x1000xi32, #tpu.memory_space<vmem>> -> memref<1000xi32, #tpu.memory_space<vmem>>
    %dma_start3A_114 = tpu.memref_slice %arg3[%dma_start3A_104, %add3A_103] : memref<2x320000xi32, #tpu.memory_space<hbm>> -> memref<1x1000xi32, #tpu.memory_space<hbm>>
    %dma_start3A_115 = tpu.memref_squeeze %dma_start3A_114 : memref<1x1000xi32, #tpu.memory_space<hbm>> -> memref<1000xi32, #tpu.memory_space<hbm>>
    tpu.enqueue_dma source(%dma_start3A_115 : memref<1000xi32, #tpu.memory_space<hbm>>) target(%dma_start3A_113 : memref<1000xi32, #tpu.memory_space<vmem>>) target_semaphore(%arg13 : memref<!tpu.dma_semaphore, #tpu.memory_space<semaphore_mem>>)
    %add3A_116 = arith.constant 4000 : i32
    %add3A_117 = arith.addi %mul3A_4, %add3A_116 : i32
    %dma_start3A_118 = arith.constant 0 : i32
    %dma_start3A_119 = arith.constant 4 : i32
    %dma_start3A_120 = arith.constant 0 : i32
    %dma_start3A_121 = tpu.memref_slice %arg6[%dma_start3A_119, %dma_start3A_120] : memref<10x1000xi32, #tpu.memory_space<vmem>> -> memref<1x1000xi32, #tpu.memory_space<vmem>>
    %dma_start3A_122 = tpu.memref_squeeze %dma_start3A_121 : memref<1x1000xi32, #tpu.memory_space<vmem>> -> memref<1000xi32, #tpu.memory_space<vmem>>
    %dma_start3A_123 = tpu.memref_slice %arg3[%dma_start3A_118, %add3A_117] : memref<2x320000xi32, #tpu.memory_space<hbm>> -> memref<1x1000xi32, #tpu.memory_space<hbm>>
    %dma_start3A_124 = tpu.memref_squeeze %dma_start3A_123 : memref<1x1000xi32, #tpu.memory_space<hbm>> -> memref<1000xi32, #tpu.memory_space<hbm>>
    %dma_start3A_125 = arith.constant 0 : i32
    %dma_start3A_126 = tpu.memref_slice %arg6[%dma_start3A_119, %dma_start3A_125] : memref<10x1000xi32, #tpu.memory_space<vmem>> -> memref<1x1000xi32, #tpu.memory_space<vmem>>
    %dma_start3A_127 = tpu.memref_squeeze %dma_start3A_126 : memref<1x1000xi32, #tpu.memory_space<vmem>> -> memref<1000xi32, #tpu.memory_space<vmem>>
    %dma_start3A_128 = tpu.memref_slice %arg3[%dma_start3A_118, %add3A_117] : memref<2x320000xi32, #tpu.memory_space<hbm>> -> memref<1x1000xi32, #tpu.memory_space<hbm>>
    %dma_start3A_129 = tpu.memref_squeeze %dma_start3A_128 : memref<1x1000xi32, #tpu.memory_space<hbm>> -> memref<1000xi32, #tpu.memory_space<hbm>>
    tpu.enqueue_dma source(%dma_start3A_129 : memref<1000xi32, #tpu.memory_space<hbm>>) target(%dma_start3A_127 : memref<1000xi32, #tpu.memory_space<vmem>>) target_semaphore(%arg13 : memref<!tpu.dma_semaphore, #tpu.memory_space<semaphore_mem>>)
    %add3A_130 = arith.constant 4000 : i32
    %add3A_131 = arith.addi %mul3A_4, %add3A_130 : i32
    %dma_start3A_132 = arith.constant 1 : i32
    %dma_start3A_133 = arith.constant 4 : i32
    %dma_start3A_134 = arith.constant 0 : i32
    %dma_start3A_135 = tpu.memref_slice %arg7[%dma_start3A_133, %dma_start3A_134] : memref<10x1000xi32, #tpu.memory_space<vmem>> -> memref<1x1000xi32, #tpu.memory_space<vmem>>
    %dma_start3A_136 = tpu.memref_squeeze %dma_start3A_135 : memref<1x1000xi32, #tpu.memory_space<vmem>> -> memref<1000xi32, #tpu.memory_space<vmem>>
    %dma_start3A_137 = tpu.memref_slice %arg3[%dma_start3A_132, %add3A_131] : memref<2x320000xi32, #tpu.memory_space<hbm>> -> memref<1x1000xi32, #tpu.memory_space<hbm>>
    %dma_start3A_138 = tpu.memref_squeeze %dma_start3A_137 : memref<1x1000xi32, #tpu.memory_space<hbm>> -> memref<1000xi32, #tpu.memory_space<hbm>>
    %dma_start3A_139 = arith.constant 0 : i32
    %dma_start3A_140 = tpu.memref_slice %arg7[%dma_start3A_133, %dma_start3A_139] : memref<10x1000xi32, #tpu.memory_space<vmem>> -> memref<1x1000xi32, #tpu.memory_space<vmem>>
    %dma_start3A_141 = tpu.memref_squeeze %dma_start3A_140 : memref<1x1000xi32, #tpu.memory_space<vmem>> -> memref<1000xi32, #tpu.memory_space<vmem>>
    %dma_start3A_142 = tpu.memref_slice %arg3[%dma_start3A_132, %add3A_131] : memref<2x320000xi32, #tpu.memory_space<hbm>> -> memref<1x1000xi32, #tpu.memory_space<hbm>>
    %dma_start3A_143 = tpu.memref_squeeze %dma_start3A_142 : memref<1x1000xi32, #tpu.memory_space<hbm>> -> memref<1000xi32, #tpu.memory_space<hbm>>
    tpu.enqueue_dma source(%dma_start3A_143 : memref<1000xi32, #tpu.memory_space<hbm>>) target(%dma_start3A_141 : memref<1000xi32, #tpu.memory_space<vmem>>) target_semaphore(%arg13 : memref<!tpu.dma_semaphore, #tpu.memory_space<semaphore_mem>>)
    %add3A_144 = arith.constant 5000 : i32
    %add3A_145 = arith.addi %mul3A_4, %add3A_144 : i32
    %dma_start3A_146 = arith.constant 0 : i32
    %dma_start3A_147 = arith.constant 5 : i32
    %dma_start3A_148 = arith.constant 0 : i32
    %dma_start3A_149 = tpu.memref_slice %arg6[%dma_start3A_147, %dma_start3A_148] : memref<10x1000xi32, #tpu.memory_space<vmem>> -> memref<1x1000xi32, #tpu.memory_space<vmem>>
    %dma_start3A_150 = tpu.memref_squeeze %dma_start3A_149 : memref<1x1000xi32, #tpu.memory_space<vmem>> -> memref<1000xi32, #tpu.memory_space<vmem>>
    %dma_start3A_151 = tpu.memref_slice %arg3[%dma_start3A_146, %add3A_145] : memref<2x320000xi32, #tpu.memory_space<hbm>> -> memref<1x1000xi32, #tpu.memory_space<hbm>>
    %dma_start3A_152 = tpu.memref_squeeze %dma_start3A_151 : memref<1x1000xi32, #tpu.memory_space<hbm>> -> memref<1000xi32, #tpu.memory_space<hbm>>
    %dma_start3A_153 = arith.constant 0 : i32
    %dma_start3A_154 = tpu.memref_slice %arg6[%dma_start3A_147, %dma_start3A_153] : memref<10x1000xi32, #tpu.memory_space<vmem>> -> memref<1x1000xi32, #tpu.memory_space<vmem>>
    %dma_start3A_155 = tpu.memref_squeeze %dma_start3A_154 : memref<1x1000xi32, #tpu.memory_space<vmem>> -> memref<1000xi32, #tpu.memory_space<vmem>>
    %dma_start3A_156 = tpu.memref_slice %arg3[%dma_start3A_146, %add3A_145] : memref<2x320000xi32, #tpu.memory_space<hbm>> -> memref<1x1000xi32, #tpu.memory_space<hbm>>
    %dma_start3A_157 = tpu.memref_squeeze %dma_start3A_156 : memref<1x1000xi32, #tpu.memory_space<hbm>> -> memref<1000xi32, #tpu.memory_space<hbm>>
    tpu.enqueue_dma source(%dma_start3A_157 : memref<1000xi32, #tpu.memory_space<hbm>>) target(%dma_start3A_155 : memref<1000xi32, #tpu.memory_space<vmem>>) target_semaphore(%arg13 : memref<!tpu.dma_semaphore, #tpu.memory_space<semaphore_mem>>)
    %add3A_158 = arith.constant 5000 : i32
    %add3A_159 = arith.addi %mul3A_4, %add3A_158 : i32
    %dma_start3A_160 = arith.constant 1 : i32
    %dma_start3A_161 = arith.constant 5 : i32
    %dma_start3A_162 = arith.constant 0 : i32
    %dma_start3A_163 = tpu.memref_slice %arg7[%dma_start3A_161, %dma_start3A_162] : memref<10x1000xi32, #tpu.memory_space<vmem>> -> memref<1x1000xi32, #tpu.memory_space<vmem>>
    %dma_start3A_164 = tpu.memref_squeeze %dma_start3A_163 : memref<1x1000xi32, #tpu.memory_space<vmem>> -> memref<1000xi32, #tpu.memory_space<vmem>>
    %dma_start3A_165 = tpu.memref_slice %arg3[%dma_start3A_160, %add3A_159] : memref<2x320000xi32, #tpu.memory_space<hbm>> -> memref<1x1000xi32, #tpu.memory_space<hbm>>
    %dma_start3A_166 = tpu.memref_squeeze %dma_start3A_165 : memref<1x1000xi32, #tpu.memory_space<hbm>> -> memref<1000xi32, #tpu.memory_space<hbm>>
    %dma_start3A_167 = arith.constant 0 : i32
    %dma_start3A_168 = tpu.memref_slice %arg7[%dma_start3A_161, %dma_start3A_167] : memref<10x1000xi32, #tpu.memory_space<vmem>> -> memref<1x1000xi32, #tpu.memory_space<vmem>>
    %dma_start3A_169 = tpu.memref_squeeze %dma_start3A_168 : memref<1x1000xi32, #tpu.memory_space<vmem>> -> memref<1000xi32, #tpu.memory_space<vmem>>
    %dma_start3A_170 = tpu.memref_slice %arg3[%dma_start3A_160, %add3A_159] : memref<2x320000xi32, #tpu.memory_space<hbm>> -> memref<1x1000xi32, #tpu.memory_space<hbm>>
    %dma_start3A_171 = tpu.memref_squeeze %dma_start3A_170 : memref<1x1000xi32, #tpu.memory_space<hbm>> -> memref<1000xi32, #tpu.memory_space<hbm>>
    tpu.enqueue_dma source(%dma_start3A_171 : memref<1000xi32, #tpu.memory_space<hbm>>) target(%dma_start3A_169 : memref<1000xi32, #tpu.memory_space<vmem>>) target_semaphore(%arg13 : memref<!tpu.dma_semaphore, #tpu.memory_space<semaphore_mem>>)
    %add3A_172 = arith.constant 6000 : i32
    %add3A_173 = arith.addi %mul3A_4, %add3A_172 : i32
    %dma_start3A_174 = arith.constant 0 : i32
    %dma_start3A_175 = arith.constant 6 : i32
    %dma_start3A_176 = arith.constant 0 : i32
    %dma_start3A_177 = tpu.memref_slice %arg6[%dma_start3A_175, %dma_start3A_176] : memref<10x1000xi32, #tpu.memory_space<vmem>> -> memref<1x1000xi32, #tpu.memory_space<vmem>>
    %dma_start3A_178 = tpu.memref_squeeze %dma_start3A_177 : memref<1x1000xi32, #tpu.memory_space<vmem>> -> memref<1000xi32, #tpu.memory_space<vmem>>
    %dma_start3A_179 = tpu.memref_slice %arg3[%dma_start3A_174, %add3A_173] : memref<2x320000xi32, #tpu.memory_space<hbm>> -> memref<1x1000xi32, #tpu.memory_space<hbm>>
    %dma_start3A_180 = tpu.memref_squeeze %dma_start3A_179 : memref<1x1000xi32, #tpu.memory_space<hbm>> -> memref<1000xi32, #tpu.memory_space<hbm>>
    %dma_start3A_181 = arith.constant 0 : i32
    %dma_start3A_182 = tpu.memref_slice %arg6[%dma_start3A_175, %dma_start3A_181] : memref<10x1000xi32, #tpu.memory_space<vmem>> -> memref<1x1000xi32, #tpu.memory_space<vmem>>
    %dma_start3A_183 = tpu.memref_squeeze %dma_start3A_182 : memref<1x1000xi32, #tpu.memory_space<vmem>> -> memref<1000xi32, #tpu.memory_space<vmem>>
    %dma_start3A_184 = tpu.memref_slice %arg3[%dma_start3A_174, %add3A_173] : memref<2x320000xi32, #tpu.memory_space<hbm>> -> memref<1x1000xi32, #tpu.memory_space<hbm>>
    %dma_start3A_185 = tpu.memref_squeeze %dma_start3A_184 : memref<1x1000xi32, #tpu.memory_space<hbm>> -> memref<1000xi32, #tpu.memory_space<hbm>>
    tpu.enqueue_dma source(%dma_start3A_185 : memref<1000xi32, #tpu.memory_space<hbm>>) target(%dma_start3A_183 : memref<1000xi32, #tpu.memory_space<vmem>>) target_semaphore(%arg13 : memref<!tpu.dma_semaphore, #tpu.memory_space<semaphore_mem>>)
    %add3A_186 = arith.constant 6000 : i32
    %add3A_187 = arith.addi %mul3A_4, %add3A_186 : i32
    %dma_start3A_188 = arith.constant 1 : i32
    %dma_start3A_189 = arith.constant 6 : i32
    %dma_start3A_190 = arith.constant 0 : i32
    %dma_start3A_191 = tpu.memref_slice %arg7[%dma_start3A_189, %dma_start3A_190] : memref<10x1000xi32, #tpu.memory_space<vmem>> -> memref<1x1000xi32, #tpu.memory_space<vmem>>
    %dma_start3A_192 = tpu.memref_squeeze %dma_start3A_191 : memref<1x1000xi32, #tpu.memory_space<vmem>> -> memref<1000xi32, #tpu.memory_space<vmem>>
    %dma_start3A_193 = tpu.memref_slice %arg3[%dma_start3A_188, %add3A_187] : memref<2x320000xi32, #tpu.memory_space<hbm>> -> memref<1x1000xi32, #tpu.memory_space<hbm>>
    %dma_start3A_194 = tpu.memref_squeeze %dma_start3A_193 : memref<1x1000xi32, #tpu.memory_space<hbm>> -> memref<1000xi32, #tpu.memory_space<hbm>>
    %dma_start3A_195 = arith.constant 0 : i32
    %dma_start3A_196 = tpu.memref_slice %arg7[%dma_start3A_189, %dma_start3A_195] : memref<10x1000xi32, #tpu.memory_space<vmem>> -> memref<1x1000xi32, #tpu.memory_space<vmem>>
    %dma_start3A_197 = tpu.memref_squeeze %dma_start3A_196 : memref<1x1000xi32, #tpu.memory_space<vmem>> -> memref<1000xi32, #tpu.memory_space<vmem>>
    %dma_start3A_198 = tpu.memref_slice %arg3[%dma_start3A_188, %add3A_187] : memref<2x320000xi32, #tpu.memory_space<hbm>> -> memref<1x1000xi32, #tpu.memory_space<hbm>>
    %dma_start3A_199 = tpu.memref_squeeze %dma_start3A_198 : memref<1x1000xi32, #tpu.memory_space<hbm>> -> memref<1000xi32, #tpu.memory_space<hbm>>
    tpu.enqueue_dma source(%dma_start3A_199 : memref<1000xi32, #tpu.memory_space<hbm>>) target(%dma_start3A_197 : memref<1000xi32, #tpu.memory_space<vmem>>) target_semaphore(%arg13 : memref<!tpu.dma_semaphore, #tpu.memory_space<semaphore_mem>>)
    %add3A_200 = arith.constant 7000 : i32
    %add3A_201 = arith.addi %mul3A_4, %add3A_200 : i32
    %dma_start3A_202 = arith.constant 0 : i32
    %dma_start3A_203 = arith.constant 7 : i32
    %dma_start3A_204 = arith.constant 0 : i32
    %dma_start3A_205 = tpu.memref_slice %arg6[%dma_start3A_203, %dma_start3A_204] : memref<10x1000xi32, #tpu.memory_space<vmem>> -> memref<1x1000xi32, #tpu.memory_space<vmem>>
    %dma_start3A_206 = tpu.memref_squeeze %dma_start3A_205 : memref<1x1000xi32, #tpu.memory_space<vmem>> -> memref<1000xi32, #tpu.memory_space<vmem>>
    %dma_start3A_207 = tpu.memref_slice %arg3[%dma_start3A_202, %add3A_201] : memref<2x320000xi32, #tpu.memory_space<hbm>> -> memref<1x1000xi32, #tpu.memory_space<hbm>>
    %dma_start3A_208 = tpu.memref_squeeze %dma_start3A_207 : memref<1x1000xi32, #tpu.memory_space<hbm>> -> memref<1000xi32, #tpu.memory_space<hbm>>
    %dma_start3A_209 = arith.constant 0 : i32
    %dma_start3A_210 = tpu.memref_slice %arg6[%dma_start3A_203, %dma_start3A_209] : memref<10x1000xi32, #tpu.memory_space<vmem>> -> memref<1x1000xi32, #tpu.memory_space<vmem>>
    %dma_start3A_211 = tpu.memref_squeeze %dma_start3A_210 : memref<1x1000xi32, #tpu.memory_space<vmem>> -> memref<1000xi32, #tpu.memory_space<vmem>>
    %dma_start3A_212 = tpu.memref_slice %arg3[%dma_start3A_202, %add3A_201] : memref<2x320000xi32, #tpu.memory_space<hbm>> -> memref<1x1000xi32, #tpu.memory_space<hbm>>
    %dma_start3A_213 = tpu.memref_squeeze %dma_start3A_212 : memref<1x1000xi32, #tpu.memory_space<hbm>> -> memref<1000xi32, #tpu.memory_space<hbm>>
    tpu.enqueue_dma source(%dma_start3A_213 : memref<1000xi32, #tpu.memory_space<hbm>>) target(%dma_start3A_211 : memref<1000xi32, #tpu.memory_space<vmem>>) target_semaphore(%arg13 : memref<!tpu.dma_semaphore, #tpu.memory_space<semaphore_mem>>)
    %add3A_214 = arith.constant 7000 : i32
    %add3A_215 = arith.addi %mul3A_4, %add3A_214 : i32
    %dma_start3A_216 = arith.constant 1 : i32
    %dma_start3A_217 = arith.constant 7 : i32
    %dma_start3A_218 = arith.constant 0 : i32
    %dma_start3A_219 = tpu.memref_slice %arg7[%dma_start3A_217, %dma_start3A_218] : memref<10x1000xi32, #tpu.memory_space<vmem>> -> memref<1x1000xi32, #tpu.memory_space<vmem>>
    %dma_start3A_220 = tpu.memref_squeeze %dma_start3A_219 : memref<1x1000xi32, #tpu.memory_space<vmem>> -> memref<1000xi32, #tpu.memory_space<vmem>>
    %dma_start3A_221 = tpu.memref_slice %arg3[%dma_start3A_216, %add3A_215] : memref<2x320000xi32, #tpu.memory_space<hbm>> -> memref<1x1000xi32, #tpu.memory_space<hbm>>
    %dma_start3A_222 = tpu.memref_squeeze %dma_start3A_221 : memref<1x1000xi32, #tpu.memory_space<hbm>> -> memref<1000xi32, #tpu.memory_space<hbm>>
    %dma_start3A_223 = arith.constant 0 : i32
    %dma_start3A_224 = tpu.memref_slice %arg7[%dma_start3A_217, %dma_start3A_223] : memref<10x1000xi32, #tpu.memory_space<vmem>> -> memref<1x1000xi32, #tpu.memory_space<vmem>>
    %dma_start3A_225 = tpu.memref_squeeze %dma_start3A_224 : memref<1x1000xi32, #tpu.memory_space<vmem>> -> memref<1000xi32, #tpu.memory_space<vmem>>
    %dma_start3A_226 = tpu.memref_slice %arg3[%dma_start3A_216, %add3A_215] : memref<2x320000xi32, #tpu.memory_space<hbm>> -> memref<1x1000xi32, #tpu.memory_space<hbm>>
    %dma_start3A_227 = tpu.memref_squeeze %dma_start3A_226 : memref<1x1000xi32, #tpu.memory_space<hbm>> -> memref<1000xi32, #tpu.memory_space<hbm>>
    tpu.enqueue_dma source(%dma_start3A_227 : memref<1000xi32, #tpu.memory_space<hbm>>) target(%dma_start3A_225 : memref<1000xi32, #tpu.memory_space<vmem>>) target_semaphore(%arg13 : memref<!tpu.dma_semaphore, #tpu.memory_space<semaphore_mem>>)
    %add3A_228 = arith.constant 8000 : i32
    %add3A_229 = arith.addi %mul3A_4, %add3A_228 : i32
    %dma_start3A_230 = arith.constant 0 : i32
    %dma_start3A_231 = arith.constant 8 : i32
    %dma_start3A_232 = arith.constant 0 : i32
    %dma_start3A_233 = tpu.memref_slice %arg6[%dma_start3A_231, %dma_start3A_232] : memref<10x1000xi32, #tpu.memory_space<vmem>> -> memref<1x1000xi32, #tpu.memory_space<vmem>>
    %dma_start3A_234 = tpu.memref_squeeze %dma_start3A_233 : memref<1x1000xi32, #tpu.memory_space<vmem>> -> memref<1000xi32, #tpu.memory_space<vmem>>
    %dma_start3A_235 = tpu.memref_slice %arg3[%dma_start3A_230, %add3A_229] : memref<2x320000xi32, #tpu.memory_space<hbm>> -> memref<1x1000xi32, #tpu.memory_space<hbm>>
    %dma_start3A_236 = tpu.memref_squeeze %dma_start3A_235 : memref<1x1000xi32, #tpu.memory_space<hbm>> -> memref<1000xi32, #tpu.memory_space<hbm>>
    %dma_start3A_237 = arith.constant 0 : i32
    %dma_start3A_238 = tpu.memref_slice %arg6[%dma_start3A_231, %dma_start3A_237] : memref<10x1000xi32, #tpu.memory_space<vmem>> -> memref<1x1000xi32, #tpu.memory_space<vmem>>
    %dma_start3A_239 = tpu.memref_squeeze %dma_start3A_238 : memref<1x1000xi32, #tpu.memory_space<vmem>> -> memref<1000xi32, #tpu.memory_space<vmem>>
    %dma_start3A_240 = tpu.memref_slice %arg3[%dma_start3A_230, %add3A_229] : memref<2x320000xi32, #tpu.memory_space<hbm>> -> memref<1x1000xi32, #tpu.memory_space<hbm>>
    %dma_start3A_241 = tpu.memref_squeeze %dma_start3A_240 : memref<1x1000xi32, #tpu.memory_space<hbm>> -> memref<1000xi32, #tpu.memory_space<hbm>>
    tpu.enqueue_dma source(%dma_start3A_241 : memref<1000xi32, #tpu.memory_space<hbm>>) target(%dma_start3A_239 : memref<1000xi32, #tpu.memory_space<vmem>>) target_semaphore(%arg13 : memref<!tpu.dma_semaphore, #tpu.memory_space<semaphore_mem>>)
    %add3A_242 = arith.constant 8000 : i32
    %add3A_243 = arith.addi %mul3A_4, %add3A_242 : i32
    %dma_start3A_244 = arith.constant 1 : i32
    %dma_start3A_245 = arith.constant 8 : i32
    %dma_start3A_246 = arith.constant 0 : i32
    %dma_start3A_247 = tpu.memref_slice %arg7[%dma_start3A_245, %dma_start3A_246] : memref<10x1000xi32, #tpu.memory_space<vmem>> -> memref<1x1000xi32, #tpu.memory_space<vmem>>
    %dma_start3A_248 = tpu.memref_squeeze %dma_start3A_247 : memref<1x1000xi32, #tpu.memory_space<vmem>> -> memref<1000xi32, #tpu.memory_space<vmem>>
    %dma_start3A_249 = tpu.memref_slice %arg3[%dma_start3A_244, %add3A_243] : memref<2x320000xi32, #tpu.memory_space<hbm>> -> memref<1x1000xi32, #tpu.memory_space<hbm>>
    %dma_start3A_250 = tpu.memref_squeeze %dma_start3A_249 : memref<1x1000xi32, #tpu.memory_space<hbm>> -> memref<1000xi32, #tpu.memory_space<hbm>>
    %dma_start3A_251 = arith.constant 0 : i32
    %dma_start3A_252 = tpu.memref_slice %arg7[%dma_start3A_245, %dma_start3A_251] : memref<10x1000xi32, #tpu.memory_space<vmem>> -> memref<1x1000xi32, #tpu.memory_space<vmem>>
    %dma_start3A_253 = tpu.memref_squeeze %dma_start3A_252 : memref<1x1000xi32, #tpu.memory_space<vmem>> -> memref<1000xi32, #tpu.memory_space<vmem>>
    %dma_start3A_254 = tpu.memref_slice %arg3[%dma_start3A_244, %add3A_243] : memref<2x320000xi32, #tpu.memory_space<hbm>> -> memref<1x1000xi32, #tpu.memory_space<hbm>>
    %dma_start3A_255 = tpu.memref_squeeze %dma_start3A_254 : memref<1x1000xi32, #tpu.memory_space<hbm>> -> memref<1000xi32, #tpu.memory_space<hbm>>
    tpu.enqueue_dma source(%dma_start3A_255 : memref<1000xi32, #tpu.memory_space<hbm>>) target(%dma_start3A_253 : memref<1000xi32, #tpu.memory_space<vmem>>) target_semaphore(%arg13 : memref<!tpu.dma_semaphore, #tpu.memory_space<semaphore_mem>>)
    %add3A_256 = arith.constant 9000 : i32
    %add3A_257 = arith.addi %mul3A_4, %add3A_256 : i32
    %dma_start3A_258 = arith.constant 0 : i32
    %dma_start3A_259 = arith.constant 9 : i32
    %dma_start3A_260 = arith.constant 0 : i32
    %dma_start3A_261 = tpu.memref_slice %arg6[%dma_start3A_259, %dma_start3A_260] : memref<10x1000xi32, #tpu.memory_space<vmem>> -> memref<1x1000xi32, #tpu.memory_space<vmem>>
    %dma_start3A_262 = tpu.memref_squeeze %dma_start3A_261 : memref<1x1000xi32, #tpu.memory_space<vmem>> -> memref<1000xi32, #tpu.memory_space<vmem>>
    %dma_start3A_263 = tpu.memref_slice %arg3[%dma_start3A_258, %add3A_257] : memref<2x320000xi32, #tpu.memory_space<hbm>> -> memref<1x1000xi32, #tpu.memory_space<hbm>>
    %dma_start3A_264 = tpu.memref_squeeze %dma_start3A_263 : memref<1x1000xi32, #tpu.memory_space<hbm>> -> memref<1000xi32, #tpu.memory_space<hbm>>
    %dma_start3A_265 = arith.constant 0 : i32
    %dma_start3A_266 = tpu.memref_slice %arg6[%dma_start3A_259, %dma_start3A_265] : memref<10x1000xi32, #tpu.memory_space<vmem>> -> memref<1x1000xi32, #tpu.memory_space<vmem>>
    %dma_start3A_267 = tpu.memref_squeeze %dma_start3A_266 : memref<1x1000xi32, #tpu.memory_space<vmem>> -> memref<1000xi32, #tpu.memory_space<vmem>>
    %dma_start3A_268 = tpu.memref_slice %arg3[%dma_start3A_258, %add3A_257] : memref<2x320000xi32, #tpu.memory_space<hbm>> -> memref<1x1000xi32, #tpu.memory_space<hbm>>
    %dma_start3A_269 = tpu.memref_squeeze %dma_start3A_268 : memref<1x1000xi32, #tpu.memory_space<hbm>> -> memref<1000xi32, #tpu.memory_space<hbm>>
    tpu.enqueue_dma source(%dma_start3A_269 : memref<1000xi32, #tpu.memory_space<hbm>>) target(%dma_start3A_267 : memref<1000xi32, #tpu.memory_space<vmem>>) target_semaphore(%arg13 : memref<!tpu.dma_semaphore, #tpu.memory_space<semaphore_mem>>)
    %add3A_270 = arith.constant 9000 : i32
    %add3A_271 = arith.addi %mul3A_4, %add3A_270 : i32
    %dma_start3A_272 = arith.constant 1 : i32
    %dma_start3A_273 = arith.constant 9 : i32
    %dma_start3A_274 = arith.constant 0 : i32
    %dma_start3A_275 = tpu.memref_slice %arg7[%dma_start3A_273, %dma_start3A_274] : memref<10x1000xi32, #tpu.memory_space<vmem>> -> memref<1x1000xi32, #tpu.memory_space<vmem>>
    %dma_start3A_276 = tpu.memref_squeeze %dma_start3A_275 : memref<1x1000xi32, #tpu.memory_space<vmem>> -> memref<1000xi32, #tpu.memory_space<vmem>>
    %dma_start3A_277 = tpu.memref_slice %arg3[%dma_start3A_272, %add3A_271] : memref<2x320000xi32, #tpu.memory_space<hbm>> -> memref<1x1000xi32, #tpu.memory_space<hbm>>
    %dma_start3A_278 = tpu.memref_squeeze %dma_start3A_277 : memref<1x1000xi32, #tpu.memory_space<hbm>> -> memref<1000xi32, #tpu.memory_space<hbm>>
    %dma_start3A_279 = arith.constant 0 : i32
    %dma_start3A_280 = tpu.memref_slice %arg7[%dma_start3A_273, %dma_start3A_279] : memref<10x1000xi32, #tpu.memory_space<vmem>> -> memref<1x1000xi32, #tpu.memory_space<vmem>>
    %dma_start3A_281 = tpu.memref_squeeze %dma_start3A_280 : memref<1x1000xi32, #tpu.memory_space<vmem>> -> memref<1000xi32, #tpu.memory_space<vmem>>
    %dma_start3A_282 = tpu.memref_slice %arg3[%dma_start3A_272, %add3A_271] : memref<2x320000xi32, #tpu.memory_space<hbm>> -> memref<1x1000xi32, #tpu.memory_space<hbm>>
    %dma_start3A_283 = tpu.memref_squeeze %dma_start3A_282 : memref<1x1000xi32, #tpu.memory_space<hbm>> -> memref<1000xi32, #tpu.memory_space<hbm>>
    tpu.enqueue_dma source(%dma_start3A_283 : memref<1000xi32, #tpu.memory_space<hbm>>) target(%dma_start3A_281 : memref<1000xi32, #tpu.memory_space<vmem>>) target_semaphore(%arg13 : memref<!tpu.dma_semaphore, #tpu.memory_space<semaphore_mem>>)
    %dma_wait3A = arith.constant 0 : i32
    %dma_wait3A_284 = arith.constant 0 : i32
    %dma_wait3A_285 = arith.constant 0 : i32
    %dma_wait3A_286 = tpu.memref_slice %arg6[%dma_wait3A_284, %dma_wait3A_285] : memref<10x1000xi32, #tpu.memory_space<vmem>> -> memref<1x1000xi32, #tpu.memory_space<vmem>>
    %dma_wait3A_287 = tpu.memref_squeeze %dma_wait3A_286 : memref<1x1000xi32, #tpu.memory_space<vmem>> -> memref<1000xi32, #tpu.memory_space<vmem>>
    %dma_wait3A_288 = tpu.memref_slice %arg3[%dma_wait3A, %mul3A_4] : memref<2x320000xi32, #tpu.memory_space<hbm>> -> memref<1x1000xi32, #tpu.memory_space<hbm>>
    %dma_wait3A_289 = tpu.memref_squeeze %dma_wait3A_288 : memref<1x1000xi32, #tpu.memory_space<hbm>> -> memref<1000xi32, #tpu.memory_space<hbm>>
    %dma_wait3A_290 = arith.constant 0 : i32
    %dma_wait3A_291 = tpu.memref_slice %arg6[%dma_wait3A_284, %dma_wait3A_290] : memref<10x1000xi32, #tpu.memory_space<vmem>> -> memref<1x1000xi32, #tpu.memory_space<vmem>>
    %dma_wait3A_292 = tpu.memref_squeeze %dma_wait3A_291 : memref<1x1000xi32, #tpu.memory_space<vmem>> -> memref<1000xi32, #tpu.memory_space<vmem>>
    %dma_wait3A_293 = tpu.memref_slice %arg3[%dma_wait3A, %mul3A_4] : memref<2x320000xi32, #tpu.memory_space<hbm>> -> memref<1x1000xi32, #tpu.memory_space<hbm>>
    %dma_wait3A_294 = tpu.memref_squeeze %dma_wait3A_293 : memref<1x1000xi32, #tpu.memory_space<hbm>> -> memref<1000xi32, #tpu.memory_space<hbm>>
    tpu.wait_dma2 semaphore(%arg13 : memref<!tpu.dma_semaphore, #tpu.memory_space<semaphore_mem>>) src(%dma_wait3A_294 : memref<1000xi32, #tpu.memory_space<hbm>>) dst(%dma_wait3A_292 : memref<1000xi32, #tpu.memory_space<vmem>>)
    %dma_wait3A_295 = arith.constant 0 : i32
    %dma_wait3A_296 = arith.constant 0 : i32
    %dma_wait3A_297 = arith.constant 0 : i32
    %dma_wait3A_298 = tpu.memref_slice %arg7[%dma_wait3A_296, %dma_wait3A_297] : memref<10x1000xi32, #tpu.memory_space<vmem>> -> memref<1x1000xi32, #tpu.memory_space<vmem>>
    %dma_wait3A_299 = tpu.memref_squeeze %dma_wait3A_298 : memref<1x1000xi32, #tpu.memory_space<vmem>> -> memref<1000xi32, #tpu.memory_space<vmem>>
    %dma_wait3A_300 = tpu.memref_slice %arg3[%dma_wait3A_295, %mul3A_4] : memref<2x320000xi32, #tpu.memory_space<hbm>> -> memref<1x1000xi32, #tpu.memory_space<hbm>>
    %dma_wait3A_301 = tpu.memref_squeeze %dma_wait3A_300 : memref<1x1000xi32, #tpu.memory_space<hbm>> -> memref<1000xi32, #tpu.memory_space<hbm>>
    %dma_wait3A_302 = arith.constant 0 : i32
    %dma_wait3A_303 = tpu.memref_slice %arg7[%dma_wait3A_296, %dma_wait3A_302] : memref<10x1000xi32, #tpu.memory_space<vmem>> -> memref<1x1000xi32, #tpu.memory_space<vmem>>
    %dma_wait3A_304 = tpu.memref_squeeze %dma_wait3A_303 : memref<1x1000xi32, #tpu.memory_space<vmem>> -> memref<1000xi32, #tpu.memory_space<vmem>>
    %dma_wait3A_305 = tpu.memref_slice %arg3[%dma_wait3A_295, %mul3A_4] : memref<2x320000xi32, #tpu.memory_space<hbm>> -> memref<1x1000xi32, #tpu.memory_space<hbm>>
    %dma_wait3A_306 = tpu.memref_squeeze %dma_wait3A_305 : memref<1x1000xi32, #tpu.memory_space<hbm>> -> memref<1000xi32, #tpu.memory_space<hbm>>
    tpu.wait_dma2 semaphore(%arg13 : memref<!tpu.dma_semaphore, #tpu.memory_space<semaphore_mem>>) src(%dma_wait3A_306 : memref<1000xi32, #tpu.memory_space<hbm>>) dst(%dma_wait3A_304 : memref<1000xi32, #tpu.memory_space<vmem>>)
    %dma_wait3A_307 = arith.constant 0 : i32
    %dma_wait3A_308 = arith.constant 1 : i32
    %dma_wait3A_309 = arith.constant 0 : i32
    %dma_wait3A_310 = tpu.memref_slice %arg6[%dma_wait3A_308, %dma_wait3A_309] : memref<10x1000xi32, #tpu.memory_space<vmem>> -> memref<1x1000xi32, #tpu.memory_space<vmem>>
    %dma_wait3A_311 = tpu.memref_squeeze %dma_wait3A_310 : memref<1x1000xi32, #tpu.memory_space<vmem>> -> memref<1000xi32, #tpu.memory_space<vmem>>
    %dma_wait3A_312 = tpu.memref_slice %arg3[%dma_wait3A_307, %mul3A_4] : memref<2x320000xi32, #tpu.memory_space<hbm>> -> memref<1x1000xi32, #tpu.memory_space<hbm>>
    %dma_wait3A_313 = tpu.memref_squeeze %dma_wait3A_312 : memref<1x1000xi32, #tpu.memory_space<hbm>> -> memref<1000xi32, #tpu.memory_space<hbm>>
    %dma_wait3A_314 = arith.constant 0 : i32
    %dma_wait3A_315 = tpu.memref_slice %arg6[%dma_wait3A_308, %dma_wait3A_314] : memref<10x1000xi32, #tpu.memory_space<vmem>> -> memref<1x1000xi32, #tpu.memory_space<vmem>>
    %dma_wait3A_316 = tpu.memref_squeeze %dma_wait3A_315 : memref<1x1000xi32, #tpu.memory_space<vmem>> -> memref<1000xi32, #tpu.memory_space<vmem>>
    %dma_wait3A_317 = tpu.memref_slice %arg3[%dma_wait3A_307, %mul3A_4] : memref<2x320000xi32, #tpu.memory_space<hbm>> -> memref<1x1000xi32, #tpu.memory_space<hbm>>
    %dma_wait3A_318 = tpu.memref_squeeze %dma_wait3A_317 : memref<1x1000xi32, #tpu.memory_space<hbm>> -> memref<1000xi32, #tpu.memory_space<hbm>>
    tpu.wait_dma2 semaphore(%arg13 : memref<!tpu.dma_semaphore, #tpu.memory_space<semaphore_mem>>) src(%dma_wait3A_318 : memref<1000xi32, #tpu.memory_space<hbm>>) dst(%dma_wait3A_316 : memref<1000xi32, #tpu.memory_space<vmem>>)
    %dma_wait3A_319 = arith.constant 0 : i32
    %dma_wait3A_320 = arith.constant 1 : i32
    %dma_wait3A_321 = arith.constant 0 : i32
    %dma_wait3A_322 = tpu.memref_slice %arg7[%dma_wait3A_320, %dma_wait3A_321] : memref<10x1000xi32, #tpu.memory_space<vmem>> -> memref<1x1000xi32, #tpu.memory_space<vmem>>
    %dma_wait3A_323 = tpu.memref_squeeze %dma_wait3A_322 : memref<1x1000xi32, #tpu.memory_space<vmem>> -> memref<1000xi32, #tpu.memory_space<vmem>>
    %dma_wait3A_324 = tpu.memref_slice %arg3[%dma_wait3A_319, %mul3A_4] : memref<2x320000xi32, #tpu.memory_space<hbm>> -> memref<1x1000xi32, #tpu.memory_space<hbm>>
    %dma_wait3A_325 = tpu.memref_squeeze %dma_wait3A_324 : memref<1x1000xi32, #tpu.memory_space<hbm>> -> memref<1000xi32, #tpu.memory_space<hbm>>
    %dma_wait3A_326 = arith.constant 0 : i32
    %dma_wait3A_327 = tpu.memref_slice %arg7[%dma_wait3A_320, %dma_wait3A_326] : memref<10x1000xi32, #tpu.memory_space<vmem>> -> memref<1x1000xi32, #tpu.memory_space<vmem>>
    %dma_wait3A_328 = tpu.memref_squeeze %dma_wait3A_327 : memref<1x1000xi32, #tpu.memory_space<vmem>> -> memref<1000xi32, #tpu.memory_space<vmem>>
    %dma_wait3A_329 = tpu.memref_slice %arg3[%dma_wait3A_319, %mul3A_4] : memref<2x320000xi32, #tpu.memory_space<hbm>> -> memref<1x1000xi32, #tpu.memory_space<hbm>>
    %dma_wait3A_330 = tpu.memref_squeeze %dma_wait3A_329 : memref<1x1000xi32, #tpu.memory_space<hbm>> -> memref<1000xi32, #tpu.memory_space<hbm>>
    tpu.wait_dma2 semaphore(%arg13 : memref<!tpu.dma_semaphore, #tpu.memory_space<semaphore_mem>>) src(%dma_wait3A_330 : memref<1000xi32, #tpu.memory_space<hbm>>) dst(%dma_wait3A_328 : memref<1000xi32, #tpu.memory_space<vmem>>)
    %dma_wait3A_331 = arith.constant 0 : i32
    %dma_wait3A_332 = arith.constant 2 : i32
    %dma_wait3A_333 = arith.constant 0 : i32
    %dma_wait3A_334 = tpu.memref_slice %arg6[%dma_wait3A_332, %dma_wait3A_333] : memref<10x1000xi32, #tpu.memory_space<vmem>> -> memref<1x1000xi32, #tpu.memory_space<vmem>>
    %dma_wait3A_335 = tpu.memref_squeeze %dma_wait3A_334 : memref<1x1000xi32, #tpu.memory_space<vmem>> -> memref<1000xi32, #tpu.memory_space<vmem>>
    %dma_wait3A_336 = tpu.memref_slice %arg3[%dma_wait3A_331, %mul3A_4] : memref<2x320000xi32, #tpu.memory_space<hbm>> -> memref<1x1000xi32, #tpu.memory_space<hbm>>
    %dma_wait3A_337 = tpu.memref_squeeze %dma_wait3A_336 : memref<1x1000xi32, #tpu.memory_space<hbm>> -> memref<1000xi32, #tpu.memory_space<hbm>>
    %dma_wait3A_338 = arith.constant 0 : i32
    %dma_wait3A_339 = tpu.memref_slice %arg6[%dma_wait3A_332, %dma_wait3A_338] : memref<10x1000xi32, #tpu.memory_space<vmem>> -> memref<1x1000xi32, #tpu.memory_space<vmem>>
    %dma_wait3A_340 = tpu.memref_squeeze %dma_wait3A_339 : memref<1x1000xi32, #tpu.memory_space<vmem>> -> memref<1000xi32, #tpu.memory_space<vmem>>
    %dma_wait3A_341 = tpu.memref_slice %arg3[%dma_wait3A_331, %mul3A_4] : memref<2x320000xi32, #tpu.memory_space<hbm>> -> memref<1x1000xi32, #tpu.memory_space<hbm>>
    %dma_wait3A_342 = tpu.memref_squeeze %dma_wait3A_341 : memref<1x1000xi32, #tpu.memory_space<hbm>> -> memref<1000xi32, #tpu.memory_space<hbm>>
    tpu.wait_dma2 semaphore(%arg13 : memref<!tpu.dma_semaphore, #tpu.memory_space<semaphore_mem>>) src(%dma_wait3A_342 : memref<1000xi32, #tpu.memory_space<hbm>>) dst(%dma_wait3A_340 : memref<1000xi32, #tpu.memory_space<vmem>>)
    %dma_wait3A_343 = arith.constant 0 : i32
    %dma_wait3A_344 = arith.constant 2 : i32
    %dma_wait3A_345 = arith.constant 0 : i32
    %dma_wait3A_346 = tpu.memref_slice %arg7[%dma_wait3A_344, %dma_wait3A_345] : memref<10x1000xi32, #tpu.memory_space<vmem>> -> memref<1x1000xi32, #tpu.memory_space<vmem>>
    %dma_wait3A_347 = tpu.memref_squeeze %dma_wait3A_346 : memref<1x1000xi32, #tpu.memory_space<vmem>> -> memref<1000xi32, #tpu.memory_space<vmem>>
    %dma_wait3A_348 = tpu.memref_slice %arg3[%dma_wait3A_343, %mul3A_4] : memref<2x320000xi32, #tpu.memory_space<hbm>> -> memref<1x1000xi32, #tpu.memory_space<hbm>>
    %dma_wait3A_349 = tpu.memref_squeeze %dma_wait3A_348 : memref<1x1000xi32, #tpu.memory_space<hbm>> -> memref<1000xi32, #tpu.memory_space<hbm>>
    %dma_wait3A_350 = arith.constant 0 : i32
    %dma_wait3A_351 = tpu.memref_slice %arg7[%dma_wait3A_344, %dma_wait3A_350] : memref<10x1000xi32, #tpu.memory_space<vmem>> -> memref<1x1000xi32, #tpu.memory_space<vmem>>
    %dma_wait3A_352 = tpu.memref_squeeze %dma_wait3A_351 : memref<1x1000xi32, #tpu.memory_space<vmem>> -> memref<1000xi32, #tpu.memory_space<vmem>>
    %dma_wait3A_353 = tpu.memref_slice %arg3[%dma_wait3A_343, %mul3A_4] : memref<2x320000xi32, #tpu.memory_space<hbm>> -> memref<1x1000xi32, #tpu.memory_space<hbm>>
    %dma_wait3A_354 = tpu.memref_squeeze %dma_wait3A_353 : memref<1x1000xi32, #tpu.memory_space<hbm>> -> memref<1000xi32, #tpu.memory_space<hbm>>
    tpu.wait_dma2 semaphore(%arg13 : memref<!tpu.dma_semaphore, #tpu.memory_space<semaphore_mem>>) src(%dma_wait3A_354 : memref<1000xi32, #tpu.memory_space<hbm>>) dst(%dma_wait3A_352 : memref<1000xi32, #tpu.memory_space<vmem>>)
    %dma_wait3A_355 = arith.constant 0 : i32
    %dma_wait3A_356 = arith.constant 3 : i32
    %dma_wait3A_357 = arith.constant 0 : i32
    %dma_wait3A_358 = tpu.memref_slice %arg6[%dma_wait3A_356, %dma_wait3A_357] : memref<10x1000xi32, #tpu.memory_space<vmem>> -> memref<1x1000xi32, #tpu.memory_space<vmem>>
    %dma_wait3A_359 = tpu.memref_squeeze %dma_wait3A_358 : memref<1x1000xi32, #tpu.memory_space<vmem>> -> memref<1000xi32, #tpu.memory_space<vmem>>
    %dma_wait3A_360 = tpu.memref_slice %arg3[%dma_wait3A_355, %mul3A_4] : memref<2x320000xi32, #tpu.memory_space<hbm>> -> memref<1x1000xi32, #tpu.memory_space<hbm>>
    %dma_wait3A_361 = tpu.memref_squeeze %dma_wait3A_360 : memref<1x1000xi32, #tpu.memory_space<hbm>> -> memref<1000xi32, #tpu.memory_space<hbm>>
    %dma_wait3A_362 = arith.constant 0 : i32
    %dma_wait3A_363 = tpu.memref_slice %arg6[%dma_wait3A_356, %dma_wait3A_362] : memref<10x1000xi32, #tpu.memory_space<vmem>> -> memref<1x1000xi32, #tpu.memory_space<vmem>>
    %dma_wait3A_364 = tpu.memref_squeeze %dma_wait3A_363 : memref<1x1000xi32, #tpu.memory_space<vmem>> -> memref<1000xi32, #tpu.memory_space<vmem>>
    %dma_wait3A_365 = tpu.memref_slice %arg3[%dma_wait3A_355, %mul3A_4] : memref<2x320000xi32, #tpu.memory_space<hbm>> -> memref<1x1000xi32, #tpu.memory_space<hbm>>
    %dma_wait3A_366 = tpu.memref_squeeze %dma_wait3A_365 : memref<1x1000xi32, #tpu.memory_space<hbm>> -> memref<1000xi32, #tpu.memory_space<hbm>>
    tpu.wait_dma2 semaphore(%arg13 : memref<!tpu.dma_semaphore, #tpu.memory_space<semaphore_mem>>) src(%dma_wait3A_366 : memref<1000xi32, #tpu.memory_space<hbm>>) dst(%dma_wait3A_364 : memref<1000xi32, #tpu.memory_space<vmem>>)
    %dma_wait3A_367 = arith.constant 0 : i32
    %dma_wait3A_368 = arith.constant 3 : i32
    %dma_wait3A_369 = arith.constant 0 : i32
    %dma_wait3A_370 = tpu.memref_slice %arg7[%dma_wait3A_368, %dma_wait3A_369] : memref<10x1000xi32, #tpu.memory_space<vmem>> -> memref<1x1000xi32, #tpu.memory_space<vmem>>
    %dma_wait3A_371 = tpu.memref_squeeze %dma_wait3A_370 : memref<1x1000xi32, #tpu.memory_space<vmem>> -> memref<1000xi32, #tpu.memory_space<vmem>>
    %dma_wait3A_372 = tpu.memref_slice %arg3[%dma_wait3A_367, %mul3A_4] : memref<2x320000xi32, #tpu.memory_space<hbm>> -> memref<1x1000xi32, #tpu.memory_space<hbm>>
    %dma_wait3A_373 = tpu.memref_squeeze %dma_wait3A_372 : memref<1x1000xi32, #tpu.memory_space<hbm>> -> memref<1000xi32, #tpu.memory_space<hbm>>
    %dma_wait3A_374 = arith.constant 0 : i32
    %dma_wait3A_375 = tpu.memref_slice %arg7[%dma_wait3A_368, %dma_wait3A_374] : memref<10x1000xi32, #tpu.memory_space<vmem>> -> memref<1x1000xi32, #tpu.memory_space<vmem>>
    %dma_wait3A_376 = tpu.memref_squeeze %dma_wait3A_375 : memref<1x1000xi32, #tpu.memory_space<vmem>> -> memref<1000xi32, #tpu.memory_space<vmem>>
    %dma_wait3A_377 = tpu.memref_slice %arg3[%dma_wait3A_367, %mul3A_4] : memref<2x320000xi32, #tpu.memory_space<hbm>> -> memref<1x1000xi32, #tpu.memory_space<hbm>>
    %dma_wait3A_378 = tpu.memref_squeeze %dma_wait3A_377 : memref<1x1000xi32, #tpu.memory_space<hbm>> -> memref<1000xi32, #tpu.memory_space<hbm>>
    tpu.wait_dma2 semaphore(%arg13 : memref<!tpu.dma_semaphore, #tpu.memory_space<semaphore_mem>>) src(%dma_wait3A_378 : memref<1000xi32, #tpu.memory_space<hbm>>) dst(%dma_wait3A_376 : memref<1000xi32, #tpu.memory_space<vmem>>)
    %dma_wait3A_379 = arith.constant 0 : i32
    %dma_wait3A_380 = arith.constant 4 : i32
    %dma_wait3A_381 = arith.constant 0 : i32
    %dma_wait3A_382 = tpu.memref_slice %arg6[%dma_wait3A_380, %dma_wait3A_381] : memref<10x1000xi32, #tpu.memory_space<vmem>> -> memref<1x1000xi32, #tpu.memory_space<vmem>>
    %dma_wait3A_383 = tpu.memref_squeeze %dma_wait3A_382 : memref<1x1000xi32, #tpu.memory_space<vmem>> -> memref<1000xi32, #tpu.memory_space<vmem>>
    %dma_wait3A_384 = tpu.memref_slice %arg3[%dma_wait3A_379, %mul3A_4] : memref<2x320000xi32, #tpu.memory_space<hbm>> -> memref<1x1000xi32, #tpu.memory_space<hbm>>
    %dma_wait3A_385 = tpu.memref_squeeze %dma_wait3A_384 : memref<1x1000xi32, #tpu.memory_space<hbm>> -> memref<1000xi32, #tpu.memory_space<hbm>>
    %dma_wait3A_386 = arith.constant 0 : i32
    %dma_wait3A_387 = tpu.memref_slice %arg6[%dma_wait3A_380, %dma_wait3A_386] : memref<10x1000xi32, #tpu.memory_space<vmem>> -> memref<1x1000xi32, #tpu.memory_space<vmem>>
    %dma_wait3A_388 = tpu.memref_squeeze %dma_wait3A_387 : memref<1x1000xi32, #tpu.memory_space<vmem>> -> memref<1000xi32, #tpu.memory_space<vmem>>
    %dma_wait3A_389 = tpu.memref_slice %arg3[%dma_wait3A_379, %mul3A_4] : memref<2x320000xi32, #tpu.memory_space<hbm>> -> memref<1x1000xi32, #tpu.memory_space<hbm>>
    %dma_wait3A_390 = tpu.memref_squeeze %dma_wait3A_389 : memref<1x1000xi32, #tpu.memory_space<hbm>> -> memref<1000xi32, #tpu.memory_space<hbm>>
    tpu.wait_dma2 semaphore(%arg13 : memref<!tpu.dma_semaphore, #tpu.memory_space<semaphore_mem>>) src(%dma_wait3A_390 : memref<1000xi32, #tpu.memory_space<hbm>>) dst(%dma_wait3A_388 : memref<1000xi32, #tpu.memory_space<vmem>>)
    %dma_wait3A_391 = arith.constant 0 : i32
    %dma_wait3A_392 = arith.constant 4 : i32
    %dma_wait3A_393 = arith.constant 0 : i32
    %dma_wait3A_394 = tpu.memref_slice %arg7[%dma_wait3A_392, %dma_wait3A_393] : memref<10x1000xi32, #tpu.memory_space<vmem>> -> memref<1x1000xi32, #tpu.memory_space<vmem>>
    %dma_wait3A_395 = tpu.memref_squeeze %dma_wait3A_394 : memref<1x1000xi32, #tpu.memory_space<vmem>> -> memref<1000xi32, #tpu.memory_space<vmem>>
    %dma_wait3A_396 = tpu.memref_slice %arg3[%dma_wait3A_391, %mul3A_4] : memref<2x320000xi32, #tpu.memory_space<hbm>> -> memref<1x1000xi32, #tpu.memory_space<hbm>>
    %dma_wait3A_397 = tpu.memref_squeeze %dma_wait3A_396 : memref<1x1000xi32, #tpu.memory_space<hbm>> -> memref<1000xi32, #tpu.memory_space<hbm>>
    %dma_wait3A_398 = arith.constant 0 : i32
    %dma_wait3A_399 = tpu.memref_slice %arg7[%dma_wait3A_392, %dma_wait3A_398] : memref<10x1000xi32, #tpu.memory_space<vmem>> -> memref<1x1000xi32, #tpu.memory_space<vmem>>
    %dma_wait3A_400 = tpu.memref_squeeze %dma_wait3A_399 : memref<1x1000xi32, #tpu.memory_space<vmem>> -> memref<1000xi32, #tpu.memory_space<vmem>>
    %dma_wait3A_401 = tpu.memref_slice %arg3[%dma_wait3A_391, %mul3A_4] : memref<2x320000xi32, #tpu.memory_space<hbm>> -> memref<1x1000xi32, #tpu.memory_space<hbm>>
    %dma_wait3A_402 = tpu.memref_squeeze %dma_wait3A_401 : memref<1x1000xi32, #tpu.memory_space<hbm>> -> memref<1000xi32, #tpu.memory_space<hbm>>
    tpu.wait_dma2 semaphore(%arg13 : memref<!tpu.dma_semaphore, #tpu.memory_space<semaphore_mem>>) src(%dma_wait3A_402 : memref<1000xi32, #tpu.memory_space<hbm>>) dst(%dma_wait3A_400 : memref<1000xi32, #tpu.memory_space<vmem>>)
    %dma_wait3A_403 = arith.constant 0 : i32
    %dma_wait3A_404 = arith.constant 5 : i32
    %dma_wait3A_405 = arith.constant 0 : i32
    %dma_wait3A_406 = tpu.memref_slice %arg6[%dma_wait3A_404, %dma_wait3A_405] : memref<10x1000xi32, #tpu.memory_space<vmem>> -> memref<1x1000xi32, #tpu.memory_space<vmem>>
    %dma_wait3A_407 = tpu.memref_squeeze %dma_wait3A_406 : memref<1x1000xi32, #tpu.memory_space<vmem>> -> memref<1000xi32, #tpu.memory_space<vmem>>
    %dma_wait3A_408 = tpu.memref_slice %arg3[%dma_wait3A_403, %mul3A_4] : memref<2x320000xi32, #tpu.memory_space<hbm>> -> memref<1x1000xi32, #tpu.memory_space<hbm>>
    %dma_wait3A_409 = tpu.memref_squeeze %dma_wait3A_408 : memref<1x1000xi32, #tpu.memory_space<hbm>> -> memref<1000xi32, #tpu.memory_space<hbm>>
    %dma_wait3A_410 = arith.constant 0 : i32
    %dma_wait3A_411 = tpu.memref_slice %arg6[%dma_wait3A_404, %dma_wait3A_410] : memref<10x1000xi32, #tpu.memory_space<vmem>> -> memref<1x1000xi32, #tpu.memory_space<vmem>>
    %dma_wait3A_412 = tpu.memref_squeeze %dma_wait3A_411 : memref<1x1000xi32, #tpu.memory_space<vmem>> -> memref<1000xi32, #tpu.memory_space<vmem>>
    %dma_wait3A_413 = tpu.memref_slice %arg3[%dma_wait3A_403, %mul3A_4] : memref<2x320000xi32, #tpu.memory_space<hbm>> -> memref<1x1000xi32, #tpu.memory_space<hbm>>
    %dma_wait3A_414 = tpu.memref_squeeze %dma_wait3A_413 : memref<1x1000xi32, #tpu.memory_space<hbm>> -> memref<1000xi32, #tpu.memory_space<hbm>>
    tpu.wait_dma2 semaphore(%arg13 : memref<!tpu.dma_semaphore, #tpu.memory_space<semaphore_mem>>) src(%dma_wait3A_414 : memref<1000xi32, #tpu.memory_space<hbm>>) dst(%dma_wait3A_412 : memref<1000xi32, #tpu.memory_space<vmem>>)
    %dma_wait3A_415 = arith.constant 0 : i32
    %dma_wait3A_416 = arith.constant 5 : i32
    %dma_wait3A_417 = arith.constant 0 : i32
    %dma_wait3A_418 = tpu.memref_slice %arg7[%dma_wait3A_416, %dma_wait3A_417] : memref<10x1000xi32, #tpu.memory_space<vmem>> -> memref<1x1000xi32, #tpu.memory_space<vmem>>
    %dma_wait3A_419 = tpu.memref_squeeze %dma_wait3A_418 : memref<1x1000xi32, #tpu.memory_space<vmem>> -> memref<1000xi32, #tpu.memory_space<vmem>>
    %dma_wait3A_420 = tpu.memref_slice %arg3[%dma_wait3A_415, %mul3A_4] : memref<2x320000xi32, #tpu.memory_space<hbm>> -> memref<1x1000xi32, #tpu.memory_space<hbm>>
    %dma_wait3A_421 = tpu.memref_squeeze %dma_wait3A_420 : memref<1x1000xi32, #tpu.memory_space<hbm>> -> memref<1000xi32, #tpu.memory_space<hbm>>
    %dma_wait3A_422 = arith.constant 0 : i32
    %dma_wait3A_423 = tpu.memref_slice %arg7[%dma_wait3A_416, %dma_wait3A_422] : memref<10x1000xi32, #tpu.memory_space<vmem>> -> memref<1x1000xi32, #tpu.memory_space<vmem>>
    %dma_wait3A_424 = tpu.memref_squeeze %dma_wait3A_423 : memref<1x1000xi32, #tpu.memory_space<vmem>> -> memref<1000xi32, #tpu.memory_space<vmem>>
    %dma_wait3A_425 = tpu.memref_slice %arg3[%dma_wait3A_415, %mul3A_4] : memref<2x320000xi32, #tpu.memory_space<hbm>> -> memref<1x1000xi32, #tpu.memory_space<hbm>>
    %dma_wait3A_426 = tpu.memref_squeeze %dma_wait3A_425 : memref<1x1000xi32, #tpu.memory_space<hbm>> -> memref<1000xi32, #tpu.memory_space<hbm>>
    tpu.wait_dma2 semaphore(%arg13 : memref<!tpu.dma_semaphore, #tpu.memory_space<semaphore_mem>>) src(%dma_wait3A_426 : memref<1000xi32, #tpu.memory_space<hbm>>) dst(%dma_wait3A_424 : memref<1000xi32, #tpu.memory_space<vmem>>)
    %dma_wait3A_427 = arith.constant 0 : i32
    %dma_wait3A_428 = arith.constant 6 : i32
    %dma_wait3A_429 = arith.constant 0 : i32
    %dma_wait3A_430 = tpu.memref_slice %arg6[%dma_wait3A_428, %dma_wait3A_429] : memref<10x1000xi32, #tpu.memory_space<vmem>> -> memref<1x1000xi32, #tpu.memory_space<vmem>>
    %dma_wait3A_431 = tpu.memref_squeeze %dma_wait3A_430 : memref<1x1000xi32, #tpu.memory_space<vmem>> -> memref<1000xi32, #tpu.memory_space<vmem>>
    %dma_wait3A_432 = tpu.memref_slice %arg3[%dma_wait3A_427, %mul3A_4] : memref<2x320000xi32, #tpu.memory_space<hbm>> -> memref<1x1000xi32, #tpu.memory_space<hbm>>
    %dma_wait3A_433 = tpu.memref_squeeze %dma_wait3A_432 : memref<1x1000xi32, #tpu.memory_space<hbm>> -> memref<1000xi32, #tpu.memory_space<hbm>>
    %dma_wait3A_434 = arith.constant 0 : i32
    %dma_wait3A_435 = tpu.memref_slice %arg6[%dma_wait3A_428, %dma_wait3A_434] : memref<10x1000xi32, #tpu.memory_space<vmem>> -> memref<1x1000xi32, #tpu.memory_space<vmem>>
    %dma_wait3A_436 = tpu.memref_squeeze %dma_wait3A_435 : memref<1x1000xi32, #tpu.memory_space<vmem>> -> memref<1000xi32, #tpu.memory_space<vmem>>
    %dma_wait3A_437 = tpu.memref_slice %arg3[%dma_wait3A_427, %mul3A_4] : memref<2x320000xi32, #tpu.memory_space<hbm>> -> memref<1x1000xi32, #tpu.memory_space<hbm>>
    %dma_wait3A_438 = tpu.memref_squeeze %dma_wait3A_437 : memref<1x1000xi32, #tpu.memory_space<hbm>> -> memref<1000xi32, #tpu.memory_space<hbm>>
    tpu.wait_dma2 semaphore(%arg13 : memref<!tpu.dma_semaphore, #tpu.memory_space<semaphore_mem>>) src(%dma_wait3A_438 : memref<1000xi32, #tpu.memory_space<hbm>>) dst(%dma_wait3A_436 : memref<1000xi32, #tpu.memory_space<vmem>>)
    %dma_wait3A_439 = arith.constant 0 : i32
    %dma_wait3A_440 = arith.constant 6 : i32
    %dma_wait3A_441 = arith.constant 0 : i32
    %dma_wait3A_442 = tpu.memref_slice %arg7[%dma_wait3A_440, %dma_wait3A_441] : memref<10x1000xi32, #tpu.memory_space<vmem>> -> memref<1x1000xi32, #tpu.memory_space<vmem>>
    %dma_wait3A_443 = tpu.memref_squeeze %dma_wait3A_442 : memref<1x1000xi32, #tpu.memory_space<vmem>> -> memref<1000xi32, #tpu.memory_space<vmem>>
    %dma_wait3A_444 = tpu.memref_slice %arg3[%dma_wait3A_439, %mul3A_4] : memref<2x320000xi32, #tpu.memory_space<hbm>> -> memref<1x1000xi32, #tpu.memory_space<hbm>>
    %dma_wait3A_445 = tpu.memref_squeeze %dma_wait3A_444 : memref<1x1000xi32, #tpu.memory_space<hbm>> -> memref<1000xi32, #tpu.memory_space<hbm>>
    %dma_wait3A_446 = arith.constant 0 : i32
    %dma_wait3A_447 = tpu.memref_slice %arg7[%dma_wait3A_440, %dma_wait3A_446] : memref<10x1000xi32, #tpu.memory_space<vmem>> -> memref<1x1000xi32, #tpu.memory_space<vmem>>
    %dma_wait3A_448 = tpu.memref_squeeze %dma_wait3A_447 : memref<1x1000xi32, #tpu.memory_space<vmem>> -> memref<1000xi32, #tpu.memory_space<vmem>>
    %dma_wait3A_449 = tpu.memref_slice %arg3[%dma_wait3A_439, %mul3A_4] : memref<2x320000xi32, #tpu.memory_space<hbm>> -> memref<1x1000xi32, #tpu.memory_space<hbm>>
    %dma_wait3A_450 = tpu.memref_squeeze %dma_wait3A_449 : memref<1x1000xi32, #tpu.memory_space<hbm>> -> memref<1000xi32, #tpu.memory_space<hbm>>
    tpu.wait_dma2 semaphore(%arg13 : memref<!tpu.dma_semaphore, #tpu.memory_space<semaphore_mem>>) src(%dma_wait3A_450 : memref<1000xi32, #tpu.memory_space<hbm>>) dst(%dma_wait3A_448 : memref<1000xi32, #tpu.memory_space<vmem>>)
    %dma_wait3A_451 = arith.constant 0 : i32
    %dma_wait3A_452 = arith.constant 7 : i32
    %dma_wait3A_453 = arith.constant 0 : i32
    %dma_wait3A_454 = tpu.memref_slice %arg6[%dma_wait3A_452, %dma_wait3A_453] : memref<10x1000xi32, #tpu.memory_space<vmem>> -> memref<1x1000xi32, #tpu.memory_space<vmem>>
    %dma_wait3A_455 = tpu.memref_squeeze %dma_wait3A_454 : memref<1x1000xi32, #tpu.memory_space<vmem>> -> memref<1000xi32, #tpu.memory_space<vmem>>
    %dma_wait3A_456 = tpu.memref_slice %arg3[%dma_wait3A_451, %mul3A_4] : memref<2x320000xi32, #tpu.memory_space<hbm>> -> memref<1x1000xi32, #tpu.memory_space<hbm>>
    %dma_wait3A_457 = tpu.memref_squeeze %dma_wait3A_456 : memref<1x1000xi32, #tpu.memory_space<hbm>> -> memref<1000xi32, #tpu.memory_space<hbm>>
    %dma_wait3A_458 = arith.constant 0 : i32
    %dma_wait3A_459 = tpu.memref_slice %arg6[%dma_wait3A_452, %dma_wait3A_458] : memref<10x1000xi32, #tpu.memory_space<vmem>> -> memref<1x1000xi32, #tpu.memory_space<vmem>>
    %dma_wait3A_460 = tpu.memref_squeeze %dma_wait3A_459 : memref<1x1000xi32, #tpu.memory_space<vmem>> -> memref<1000xi32, #tpu.memory_space<vmem>>
    %dma_wait3A_461 = tpu.memref_slice %arg3[%dma_wait3A_451, %mul3A_4] : memref<2x320000xi32, #tpu.memory_space<hbm>> -> memref<1x1000xi32, #tpu.memory_space<hbm>>
    %dma_wait3A_462 = tpu.memref_squeeze %dma_wait3A_461 : memref<1x1000xi32, #tpu.memory_space<hbm>> -> memref<1000xi32, #tpu.memory_space<hbm>>
    tpu.wait_dma2 semaphore(%arg13 : memref<!tpu.dma_semaphore, #tpu.memory_space<semaphore_mem>>) src(%dma_wait3A_462 : memref<1000xi32, #tpu.memory_space<hbm>>) dst(%dma_wait3A_460 : memref<1000xi32, #tpu.memory_space<vmem>>)
    %dma_wait3A_463 = arith.constant 0 : i32
    %dma_wait3A_464 = arith.constant 7 : i32
    %dma_wait3A_465 = arith.constant 0 : i32
    %dma_wait3A_466 = tpu.memref_slice %arg7[%dma_wait3A_464, %dma_wait3A_465] : memref<10x1000xi32, #tpu.memory_space<vmem>> -> memref<1x1000xi32, #tpu.memory_space<vmem>>
    %dma_wait3A_467 = tpu.memref_squeeze %dma_wait3A_466 : memref<1x1000xi32, #tpu.memory_space<vmem>> -> memref<1000xi32, #tpu.memory_space<vmem>>
    %dma_wait3A_468 = tpu.memref_slice %arg3[%dma_wait3A_463, %mul3A_4] : memref<2x320000xi32, #tpu.memory_space<hbm>> -> memref<1x1000xi32, #tpu.memory_space<hbm>>
    %dma_wait3A_469 = tpu.memref_squeeze %dma_wait3A_468 : memref<1x1000xi32, #tpu.memory_space<hbm>> -> memref<1000xi32, #tpu.memory_space<hbm>>
    %dma_wait3A_470 = arith.constant 0 : i32
    %dma_wait3A_471 = tpu.memref_slice %arg7[%dma_wait3A_464, %dma_wait3A_470] : memref<10x1000xi32, #tpu.memory_space<vmem>> -> memref<1x1000xi32, #tpu.memory_space<vmem>>
    %dma_wait3A_472 = tpu.memref_squeeze %dma_wait3A_471 : memref<1x1000xi32, #tpu.memory_space<vmem>> -> memref<1000xi32, #tpu.memory_space<vmem>>
    %dma_wait3A_473 = tpu.memref_slice %arg3[%dma_wait3A_463, %mul3A_4] : memref<2x320000xi32, #tpu.memory_space<hbm>> -> memref<1x1000xi32, #tpu.memory_space<hbm>>
    %dma_wait3A_474 = tpu.memref_squeeze %dma_wait3A_473 : memref<1x1000xi32, #tpu.memory_space<hbm>> -> memref<1000xi32, #tpu.memory_space<hbm>>
    tpu.wait_dma2 semaphore(%arg13 : memref<!tpu.dma_semaphore, #tpu.memory_space<semaphore_mem>>) src(%dma_wait3A_474 : memref<1000xi32, #tpu.memory_space<hbm>>) dst(%dma_wait3A_472 : memref<1000xi32, #tpu.memory_space<vmem>>)
    %dma_wait3A_475 = arith.constant 0 : i32
    %dma_wait3A_476 = arith.constant 8 : i32
    %dma_wait3A_477 = arith.constant 0 : i32
    %dma_wait3A_478 = tpu.memref_slice %arg6[%dma_wait3A_476, %dma_wait3A_477] : memref<10x1000xi32, #tpu.memory_space<vmem>> -> memref<1x1000xi32, #tpu.memory_space<vmem>>
    %dma_wait3A_479 = tpu.memref_squeeze %dma_wait3A_478 : memref<1x1000xi32, #tpu.memory_space<vmem>> -> memref<1000xi32, #tpu.memory_space<vmem>>
    %dma_wait3A_480 = tpu.memref_slice %arg3[%dma_wait3A_475, %mul3A_4] : memref<2x320000xi32, #tpu.memory_space<hbm>> -> memref<1x1000xi32, #tpu.memory_space<hbm>>
    %dma_wait3A_481 = tpu.memref_squeeze %dma_wait3A_480 : memref<1x1000xi32, #tpu.memory_space<hbm>> -> memref<1000xi32, #tpu.memory_space<hbm>>
    %dma_wait3A_482 = arith.constant 0 : i32
    %dma_wait3A_483 = tpu.memref_slice %arg6[%dma_wait3A_476, %dma_wait3A_482] : memref<10x1000xi32, #tpu.memory_space<vmem>> -> memref<1x1000xi32, #tpu.memory_space<vmem>>
    %dma_wait3A_484 = tpu.memref_squeeze %dma_wait3A_483 : memref<1x1000xi32, #tpu.memory_space<vmem>> -> memref<1000xi32, #tpu.memory_space<vmem>>
    %dma_wait3A_485 = tpu.memref_slice %arg3[%dma_wait3A_475, %mul3A_4] : memref<2x320000xi32, #tpu.memory_space<hbm>> -> memref<1x1000xi32, #tpu.memory_space<hbm>>
    %dma_wait3A_486 = tpu.memref_squeeze %dma_wait3A_485 : memref<1x1000xi32, #tpu.memory_space<hbm>> -> memref<1000xi32, #tpu.memory_space<hbm>>
    tpu.wait_dma2 semaphore(%arg13 : memref<!tpu.dma_semaphore, #tpu.memory_space<semaphore_mem>>) src(%dma_wait3A_486 : memref<1000xi32, #tpu.memory_space<hbm>>) dst(%dma_wait3A_484 : memref<1000xi32, #tpu.memory_space<vmem>>)
    %dma_wait3A_487 = arith.constant 0 : i32
    %dma_wait3A_488 = arith.constant 8 : i32
    %dma_wait3A_489 = arith.constant 0 : i32
    %dma_wait3A_490 = tpu.memref_slice %arg7[%dma_wait3A_488, %dma_wait3A_489] : memref<10x1000xi32, #tpu.memory_space<vmem>> -> memref<1x1000xi32, #tpu.memory_space<vmem>>
    %dma_wait3A_491 = tpu.memref_squeeze %dma_wait3A_490 : memref<1x1000xi32, #tpu.memory_space<vmem>> -> memref<1000xi32, #tpu.memory_space<vmem>>
    %dma_wait3A_492 = tpu.memref_slice %arg3[%dma_wait3A_487, %mul3A_4] : memref<2x320000xi32, #tpu.memory_space<hbm>> -> memref<1x1000xi32, #tpu.memory_space<hbm>>
    %dma_wait3A_493 = tpu.memref_squeeze %dma_wait3A_492 : memref<1x1000xi32, #tpu.memory_space<hbm>> -> memref<1000xi32, #tpu.memory_space<hbm>>
    %dma_wait3A_494 = arith.constant 0 : i32
    %dma_wait3A_495 = tpu.memref_slice %arg7[%dma_wait3A_488, %dma_wait3A_494] : memref<10x1000xi32, #tpu.memory_space<vmem>> -> memref<1x1000xi32, #tpu.memory_space<vmem>>
    %dma_wait3A_496 = tpu.memref_squeeze %dma_wait3A_495 : memref<1x1000xi32, #tpu.memory_space<vmem>> -> memref<1000xi32, #tpu.memory_space<vmem>>
    %dma_wait3A_497 = tpu.memref_slice %arg3[%dma_wait3A_487, %mul3A_4] : memref<2x320000xi32, #tpu.memory_space<hbm>> -> memref<1x1000xi32, #tpu.memory_space<hbm>>
    %dma_wait3A_498 = tpu.memref_squeeze %dma_wait3A_497 : memref<1x1000xi32, #tpu.memory_space<hbm>> -> memref<1000xi32, #tpu.memory_space<hbm>>
    tpu.wait_dma2 semaphore(%arg13 : memref<!tpu.dma_semaphore, #tpu.memory_space<semaphore_mem>>) src(%dma_wait3A_498 : memref<1000xi32, #tpu.memory_space<hbm>>) dst(%dma_wait3A_496 : memref<1000xi32, #tpu.memory_space<vmem>>)
    %dma_wait3A_499 = arith.constant 0 : i32
    %dma_wait3A_500 = arith.constant 9 : i32
    %dma_wait3A_501 = arith.constant 0 : i32
    %dma_wait3A_502 = tpu.memref_slice %arg6[%dma_wait3A_500, %dma_wait3A_501] : memref<10x1000xi32, #tpu.memory_space<vmem>> -> memref<1x1000xi32, #tpu.memory_space<vmem>>
    %dma_wait3A_503 = tpu.memref_squeeze %dma_wait3A_502 : memref<1x1000xi32, #tpu.memory_space<vmem>> -> memref<1000xi32, #tpu.memory_space<vmem>>
    %dma_wait3A_504 = tpu.memref_slice %arg3[%dma_wait3A_499, %mul3A_4] : memref<2x320000xi32, #tpu.memory_space<hbm>> -> memref<1x1000xi32, #tpu.memory_space<hbm>>
    %dma_wait3A_505 = tpu.memref_squeeze %dma_wait3A_504 : memref<1x1000xi32, #tpu.memory_space<hbm>> -> memref<1000xi32, #tpu.memory_space<hbm>>
    %dma_wait3A_506 = arith.constant 0 : i32
    %dma_wait3A_507 = tpu.memref_slice %arg6[%dma_wait3A_500, %dma_wait3A_506] : memref<10x1000xi32, #tpu.memory_space<vmem>> -> memref<1x1000xi32, #tpu.memory_space<vmem>>
    %dma_wait3A_508 = tpu.memref_squeeze %dma_wait3A_507 : memref<1x1000xi32, #tpu.memory_space<vmem>> -> memref<1000xi32, #tpu.memory_space<vmem>>
    %dma_wait3A_509 = tpu.memref_slice %arg3[%dma_wait3A_499, %mul3A_4] : memref<2x320000xi32, #tpu.memory_space<hbm>> -> memref<1x1000xi32, #tpu.memory_space<hbm>>
    %dma_wait3A_510 = tpu.memref_squeeze %dma_wait3A_509 : memref<1x1000xi32, #tpu.memory_space<hbm>> -> memref<1000xi32, #tpu.memory_space<hbm>>
    tpu.wait_dma2 semaphore(%arg13 : memref<!tpu.dma_semaphore, #tpu.memory_space<semaphore_mem>>) src(%dma_wait3A_510 : memref<1000xi32, #tpu.memory_space<hbm>>) dst(%dma_wait3A_508 : memref<1000xi32, #tpu.memory_space<vmem>>)
    %dma_wait3A_511 = arith.constant 0 : i32
    %dma_wait3A_512 = arith.constant 9 : i32
    %dma_wait3A_513 = arith.constant 0 : i32
    %dma_wait3A_514 = tpu.memref_slice %arg7[%dma_wait3A_512, %dma_wait3A_513] : memref<10x1000xi32, #tpu.memory_space<vmem>> -> memref<1x1000xi32, #tpu.memory_space<vmem>>
    %dma_wait3A_515 = tpu.memref_squeeze %dma_wait3A_514 : memref<1x1000xi32, #tpu.memory_space<vmem>> -> memref<1000xi32, #tpu.memory_space<vmem>>
    %dma_wait3A_516 = tpu.memref_slice %arg3[%dma_wait3A_511, %mul3A_4] : memref<2x320000xi32, #tpu.memory_space<hbm>> -> memref<1x1000xi32, #tpu.memory_space<hbm>>
    %dma_wait3A_517 = tpu.memref_squeeze %dma_wait3A_516 : memref<1x1000xi32, #tpu.memory_space<hbm>> -> memref<1000xi32, #tpu.memory_space<hbm>>
    %dma_wait3A_518 = arith.constant 0 : i32
    %dma_wait3A_519 = tpu.memref_slice %arg7[%dma_wait3A_512, %dma_wait3A_518] : memref<10x1000xi32, #tpu.memory_space<vmem>> -> memref<1x1000xi32, #tpu.memory_space<vmem>>
    %dma_wait3A_520 = tpu.memref_squeeze %dma_wait3A_519 : memref<1x1000xi32, #tpu.memory_space<vmem>> -> memref<1000xi32, #tpu.memory_space<vmem>>
    %dma_wait3A_521 = tpu.memref_slice %arg3[%dma_wait3A_511, %mul3A_4] : memref<2x320000xi32, #tpu.memory_space<hbm>> -> memref<1x1000xi32, #tpu.memory_space<hbm>>
    %dma_wait3A_522 = tpu.memref_squeeze %dma_wait3A_521 : memref<1x1000xi32, #tpu.memory_space<hbm>> -> memref<1000xi32, #tpu.memory_space<hbm>>
    tpu.wait_dma2 semaphore(%arg13 : memref<!tpu.dma_semaphore, #tpu.memory_space<semaphore_mem>>) src(%dma_wait3A_522 : memref<1000xi32, #tpu.memory_space<hbm>>) dst(%dma_wait3A_520 : memref<1000xi32, #tpu.memory_space<vmem>>)
    %barrier3A = arith.constant 0 : index
    tpu.barrier barrier_id(%barrier3A)
    %dma_start3A_523 = arith.constant 0 : i32
    %dma_start3A_524 = arith.constant 0 : i32
    %dma_start3A_525 = tpu.memref_slice %arg6[%dma_start3A_523, %dma_start3A_524] : memref<10x1000xi32, #tpu.memory_space<vmem>> -> memref<1x1000xi32, #tpu.memory_space<vmem>>
    %dma_start3A_526 = tpu.memref_squeeze %dma_start3A_525 : memref<1x1000xi32, #tpu.memory_space<vmem>> -> memref<1000xi32, #tpu.memory_space<vmem>>
    %dma_start3A_527 = arith.constant 0 : i32
    %dma_start3A_528 = arith.constant 0 : i32
    %dma_start3A_529 = tpu.memref_slice %arg2[%dma_start3A_527, %dma_start3A_528] : memref<10000x8xf32, #tpu.memory_space<hbm>> -> memref<10000x8xf32, #tpu.memory_space<hbm>>
    tpu.enqueue_indirect_dma source(%dma_start3A_529 : memref<10000x8xf32, #tpu.memory_space<hbm>>) target(%arg8 : memref<1000x8xf32, #tpu.memory_space<vmem>>) offsets(%dma_start3A_526 : memref<1000xi32, #tpu.memory_space<vmem>>) semaphore(%arg11 : memref<!tpu.dma_semaphore, #tpu.memory_space<semaphore_mem>>)
    %scan3A = arith.constant 0 : i32
    %scan3A_530 = arith.constant 0 : i32
    %scan3A_531 = arith.constant 5 : i32
    %scan3A_532 = arith.addi %scan3A_530, %scan3A_531 : i32
    %scan3A_533 = arith.constant 1 : i32
    scf.for %scan3A_536 = %scan3A_530 to %scan3A_532 step %scan3A_533  : i32 {
      %mul3A_537 = arith.constant 2 : i32
      %mul3A_538 = arith.muli %mul3A_537, %scan3A_536 : i32
      %add3A_539 = arith.constant 1 : i32
      %add3A_540 = arith.addi %mul3A_538, %add3A_539 : i32
      %dma_start3A_541 = arith.constant 0 : i32
      %dma_start3A_542 = tpu.memref_slice %arg6[%add3A_540, %dma_start3A_541] : memref<10x1000xi32, #tpu.memory_space<vmem>> -> memref<1x1000xi32, #tpu.memory_space<vmem>>
      %dma_start3A_543 = tpu.memref_squeeze %dma_start3A_542 : memref<1x1000xi32, #tpu.memory_space<vmem>> -> memref<1000xi32, #tpu.memory_space<vmem>>
      %dma_start3A_544 = arith.constant 0 : i32
      %dma_start3A_545 = arith.constant 0 : i32
      %dma_start3A_546 = tpu.memref_slice %arg2[%dma_start3A_544, %dma_start3A_545] : memref<10000x8xf32, #tpu.memory_space<hbm>> -> memref<10000x8xf32, #tpu.memory_space<hbm>>
      tpu.enqueue_indirect_dma source(%dma_start3A_546 : memref<10000x8xf32, #tpu.memory_space<hbm>>) target(%arg9 : memref<1000x8xf32, #tpu.memory_space<vmem>>) offsets(%dma_start3A_543 : memref<1000xi32, #tpu.memory_space<vmem>>) semaphore(%arg12 : memref<!tpu.dma_semaphore, #tpu.memory_space<semaphore_mem>>)
      %dma_wait3A_547 = arith.constant 0 : i32
      %dma_wait3A_548 = tpu.memref_slice %arg6[%mul3A_538, %dma_wait3A_547] : memref<10x1000xi32, #tpu.memory_space<vmem>> -> memref<1x1000xi32, #tpu.memory_space<vmem>>
      %dma_wait3A_549 = tpu.memref_squeeze %dma_wait3A_548 : memref<1x1000xi32, #tpu.memory_space<vmem>> -> memref<1000xi32, #tpu.memory_space<vmem>>
      %dma_wait3A_550 = arith.constant 0 : i32
      %dma_wait3A_551 = arith.constant 0 : i32
      %dma_wait3A_552 = tpu.memref_slice %arg2[%dma_wait3A_550, %dma_wait3A_551] : memref<10000x8xf32, #tpu.memory_space<hbm>> -> memref<10000x8xf32, #tpu.memory_space<hbm>>
      tpu.wait_indirect_dma semaphore(%arg11 : memref<!tpu.dma_semaphore, #tpu.memory_space<semaphore_mem>>) src(%dma_wait3A_552 : memref<10000x8xf32, #tpu.memory_space<hbm>>) dst(%arg8 : memref<1000x8xf32, #tpu.memory_space<vmem>>)
      "tpu.region"() ({
        %run_scoped3A = tpu.sem_alloc : memref<!tpu.dma_semaphore, #tpu.memory_space<semaphore_mem>>
        %dma_start3A_567 = arith.constant 0 : i32
        %dma_start3A_568 = tpu.memref_slice %arg7[%mul3A_538, %dma_start3A_567] : memref<10x1000xi32, #tpu.memory_space<vmem>> -> memref<1x1000xi32, #tpu.memory_space<vmem>>
        %dma_start3A_569 = tpu.memref_squeeze %dma_start3A_568 : memref<1x1000xi32, #tpu.memory_space<vmem>> -> memref<1000xi32, #tpu.memory_space<vmem>>
        %dma_start3A_570 = arith.constant 0 : i32
        %dma_start3A_571 = arith.constant 0 : i32
        %dma_start3A_572 = tpu.memref_slice %arg10[%dma_start3A_570, %dma_start3A_571] : memref<10112x8xf32, #tpu.memory_space<vmem_shared>> -> memref<10112x8xf32, #tpu.memory_space<vmem_shared>>
        tpu.enqueue_indirect_dma source(%arg8 : memref<1000x8xf32, #tpu.memory_space<vmem>>) target(%dma_start3A_572 : memref<10112x8xf32, #tpu.memory_space<vmem_shared>>) offsets(%dma_start3A_569 : memref<1000xi32, #tpu.memory_space<vmem>>) semaphore(%run_scoped3A : memref<!tpu.dma_semaphore, #tpu.memory_space<semaphore_mem>>) {add = true}
        %dma_wait3A_573 = arith.constant 0 : i32
        %dma_wait3A_574 = tpu.memref_slice %arg7[%mul3A_538, %dma_wait3A_573] : memref<10x1000xi32, #tpu.memory_space<vmem>> -> memref<1x1000xi32, #tpu.memory_space<vmem>>
        %dma_wait3A_575 = tpu.memref_squeeze %dma_wait3A_574 : memref<1x1000xi32, #tpu.memory_space<vmem>> -> memref<1000xi32, #tpu.memory_space<vmem>>
        %dma_wait3A_576 = arith.constant 0 : i32
        %dma_wait3A_577 = arith.constant 0 : i32
        %dma_wait3A_578 = tpu.memref_slice %arg10[%dma_wait3A_576, %dma_wait3A_577] : memref<10112x8xf32, #tpu.memory_space<vmem_shared>> -> memref<10112x8xf32, #tpu.memory_space<vmem_shared>>
        tpu.wait_indirect_dma semaphore(%run_scoped3A : memref<!tpu.dma_semaphore, #tpu.memory_space<semaphore_mem>>) src(%arg8 : memref<1000x8xf32, #tpu.memory_space<vmem>>) dst(%dma_wait3A_578 : memref<10112x8xf32, #tpu.memory_space<vmem_shared>>)
        tpu.yield
      }) : () -> ()
      %add3A_553 = arith.constant 2 : i32
      %add3A_554 = arith.addi %mul3A_538, %add3A_553 : i32
      %lt3A = arith.constant 10 : i32
      %lt3A_555 = arith.cmpi slt, %add3A_554, %lt3A : i32
      %convert_element_type3A = arith.extui %lt3A_555 : i1 to i32
      %cond3A = arith.constant 0 : i32
      %cond3A_556 = arith.cmpi ne, %convert_element_type3A, %cond3A : i32
      scf.if %cond3A_556 {
        %add3A_567 = arith.constant 2 : i32
        %add3A_568 = arith.addi %mul3A_538, %add3A_567 : i32
        %dma_start3A_569 = arith.constant 0 : i32
        %dma_start3A_570 = tpu.memref_slice %arg6[%add3A_568, %dma_start3A_569] : memref<10x1000xi32, #tpu.memory_space<vmem>> -> memref<1x1000xi32, #tpu.memory_space<vmem>>
        %dma_start3A_571 = tpu.memref_squeeze %dma_start3A_570 : memref<1x1000xi32, #tpu.memory_space<vmem>> -> memref<1000xi32, #tpu.memory_space<vmem>>
        %dma_start3A_572 = arith.constant 0 : i32
        %dma_start3A_573 = arith.constant 0 : i32
        %dma_start3A_574 = tpu.memref_slice %arg2[%dma_start3A_572, %dma_start3A_573] : memref<10000x8xf32, #tpu.memory_space<hbm>> -> memref<10000x8xf32, #tpu.memory_space<hbm>>
        tpu.enqueue_indirect_dma source(%dma_start3A_574 : memref<10000x8xf32, #tpu.memory_space<hbm>>) target(%arg8 : memref<1000x8xf32, #tpu.memory_space<vmem>>) offsets(%dma_start3A_571 : memref<1000xi32, #tpu.memory_space<vmem>>) semaphore(%arg11 : memref<!tpu.dma_semaphore, #tpu.memory_space<semaphore_mem>>)
      } else {
      }
      %add3A_557 = arith.constant 1 : i32
      %add3A_558 = arith.addi %mul3A_538, %add3A_557 : i32
      %dma_wait3A_559 = arith.constant 0 : i32
      %dma_wait3A_560 = tpu.memref_slice %arg6[%add3A_558, %dma_wait3A_559] : memref<10x1000xi32, #tpu.memory_space<vmem>> -> memref<1x1000xi32, #tpu.memory_space<vmem>>
      %dma_wait3A_561 = tpu.memref_squeeze %dma_wait3A_560 : memref<1x1000xi32, #tpu.memory_space<vmem>> -> memref<1000xi32, #tpu.memory_space<vmem>>
      %dma_wait3A_562 = arith.constant 0 : i32
      %dma_wait3A_563 = arith.constant 0 : i32
      %dma_wait3A_564 = tpu.memref_slice %arg2[%dma_wait3A_562, %dma_wait3A_563] : memref<10000x8xf32, #tpu.memory_space<hbm>> -> memref<10000x8xf32, #tpu.memory_space<hbm>>
      tpu.wait_indirect_dma semaphore(%arg12 : memref<!tpu.dma_semaphore, #tpu.memory_space<semaphore_mem>>) src(%dma_wait3A_564 : memref<10000x8xf32, #tpu.memory_space<hbm>>) dst(%arg9 : memref<1000x8xf32, #tpu.memory_space<vmem>>)
      %add3A_565 = arith.constant 1 : i32
      %add3A_566 = arith.addi %mul3A_538, %add3A_565 : i32
      "tpu.region"() ({
        %run_scoped3A = tpu.sem_alloc : memref<!tpu.dma_semaphore, #tpu.memory_space<semaphore_mem>>
        %dma_start3A_567 = arith.constant 0 : i32
        %dma_start3A_568 = tpu.memref_slice %arg7[%add3A_566, %dma_start3A_567] : memref<10x1000xi32, #tpu.memory_space<vmem>> -> memref<1x1000xi32, #tpu.memory_space<vmem>>
        %dma_start3A_569 = tpu.memref_squeeze %dma_start3A_568 : memref<1x1000xi32, #tpu.memory_space<vmem>> -> memref<1000xi32, #tpu.memory_space<vmem>>
        %dma_start3A_570 = arith.constant 0 : i32
        %dma_start3A_571 = arith.constant 0 : i32
        %dma_start3A_572 = tpu.memref_slice %arg10[%dma_start3A_570, %dma_start3A_571] : memref<10112x8xf32, #tpu.memory_space<vmem_shared>> -> memref<10112x8xf32, #tpu.memory_space<vmem_shared>>
        tpu.enqueue_indirect_dma source(%arg9 : memref<1000x8xf32, #tpu.memory_space<vmem>>) target(%dma_start3A_572 : memref<10112x8xf32, #tpu.memory_space<vmem_shared>>) offsets(%dma_start3A_569 : memref<1000xi32, #tpu.memory_space<vmem>>) semaphore(%run_scoped3A : memref<!tpu.dma_semaphore, #tpu.memory_space<semaphore_mem>>) {add = true}
        %dma_wait3A_573 = arith.constant 0 : i32
        %dma_wait3A_574 = tpu.memref_slice %arg7[%add3A_566, %dma_wait3A_573] : memref<10x1000xi32, #tpu.memory_space<vmem>> -> memref<1x1000xi32, #tpu.memory_space<vmem>>
        %dma_wait3A_575 = tpu.memref_squeeze %dma_wait3A_574 : memref<1x1000xi32, #tpu.memory_space<vmem>> -> memref<1000xi32, #tpu.memory_space<vmem>>
        %dma_wait3A_576 = arith.constant 0 : i32
        %dma_wait3A_577 = arith.constant 0 : i32
        %dma_wait3A_578 = tpu.memref_slice %arg10[%dma_wait3A_576, %dma_wait3A_577] : memref<10112x8xf32, #tpu.memory_space<vmem_shared>> -> memref<10112x8xf32, #tpu.memory_space<vmem_shared>>
        tpu.wait_indirect_dma semaphore(%run_scoped3A : memref<!tpu.dma_semaphore, #tpu.memory_space<semaphore_mem>>) src(%arg9 : memref<1000x8xf32, #tpu.memory_space<vmem>>) dst(%dma_wait3A_578 : memref<10112x8xf32, #tpu.memory_space<vmem_shared>>)
        tpu.yield
      }) : () -> ()
    }
    %scan3A_534 = arith.constant 5 : i32
    %barrier3A_535 = arith.constant 0 : index
    tpu.barrier barrier_id(%barrier3A_535)
    "tpu.region"() ({
      %run_scoped3A = tpu.sem_alloc : memref<!tpu.dma_semaphore, #tpu.memory_space<semaphore_mem>>
      %dma_start3A_536 = arith.constant 0 : i32
      %dma_start3A_537 = tpu.memref_slice %arg5[%arg0, %mul3A_2, %dma_start3A_536] : memref<2x10112x8xf32, #tpu.memory_space<hbm>> -> memref<1x632x8xf32, #tpu.memory_space<hbm>>
      %dma_start3A_538 = tpu.memref_squeeze %dma_start3A_537 : memref<1x632x8xf32, #tpu.memory_space<hbm>> -> memref<632x8xf32, #tpu.memory_space<hbm>>
      %dma_start3A_539 = arith.constant 0 : i32
      %dma_start3A_540 = tpu.memref_slice %arg10[%mul3A_2, %dma_start3A_539] : memref<10112x8xf32, #tpu.memory_space<vmem_shared>> -> memref<632x8xf32, #tpu.memory_space<vmem_shared>>
      tpu.enqueue_dma source(%dma_start3A_540 : memref<632x8xf32, #tpu.memory_space<vmem_shared>>) target(%dma_start3A_538 : memref<632x8xf32, #tpu.memory_space<hbm>>) target_semaphore(%run_scoped3A : memref<!tpu.dma_semaphore, #tpu.memory_space<semaphore_mem>>)
      %dma_wait3A_541 = arith.constant 0 : i32
      %dma_wait3A_542 = tpu.memref_slice %arg5[%arg0, %mul3A_2, %dma_wait3A_541] : memref<2x10112x8xf32, #tpu.memory_space<hbm>> -> memref<1x632x8xf32, #tpu.memory_space<hbm>>
      %dma_wait3A_543 = tpu.memref_squeeze %dma_wait3A_542 : memref<1x632x8xf32, #tpu.memory_space<hbm>> -> memref<632x8xf32, #tpu.memory_space<hbm>>
      %dma_wait3A_544 = arith.constant 0 : i32
      %dma_wait3A_545 = tpu.memref_slice %arg10[%mul3A_2, %dma_wait3A_544] : memref<10112x8xf32, #tpu.memory_space<vmem_shared>> -> memref<632x8xf32, #tpu.memory_space<vmem_shared>>
      tpu.wait_dma2 semaphore(%run_scoped3A : memref<!tpu.dma_semaphore, #tpu.memory_space<semaphore_mem>>) src(%dma_wait3A_545 : memref<632x8xf32, #tpu.memory_space<vmem_shared>>) dst(%dma_wait3A_543 : memref<632x8xf32, #tpu.memory_space<hbm>>)
      tpu.yield
    }) : () -> ()
    return
  }
}

module attributes {stable_mosaic.version = 14 : i64} {
  func.func @_tc1(%arg0: memref<625x2048xf32, #tpu.memory_space<vmem>>, %arg1: memref<2048x128xf32, #tpu.memory_space<vmem>>, %arg2: memref<2x632x128xf32, #tpu.memory_space<vmem>>, %arg3: memref<625x128xf32, #tpu.memory_space<vmem>>, %arg4: memref<625x128xf32, #tpu.memory_space<vmem>>) attributes {dimension_semantics = [], scalar_prefetch = 0 : i64, scratch_operands = 0 : i64, tpu.core_type = #tpu.core_type<tc>} {
    %get3A = arith.constant 0 : index
    %get3A_0 = arith.constant 0 : index
    %get3A_1 = arith.constant 0 : index
    %get3A_2 = vector.load %arg2[%get3A, %get3A_0, %get3A_1] : memref<2x632x128xf32, #tpu.memory_space<vmem>>, vector<1x625x128xf32>
    %get3A_3 = vector.shape_cast %get3A_2 : vector<1x625x128xf32> to vector<625x128xf32>
    %get3A_4 = arith.constant 1 : index
    %get3A_5 = arith.constant 0 : index
    %get3A_6 = arith.constant 0 : index
    %get3A_7 = vector.load %arg2[%get3A_4, %get3A_5, %get3A_6] : memref<2x632x128xf32, #tpu.memory_space<vmem>>, vector<1x625x128xf32>
    %get3A_8 = vector.shape_cast %get3A_7 : vector<1x625x128xf32> to vector<625x128xf32>
    %add3A = arith.addf %get3A_3, %get3A_8 : vector<625x128xf32>
    %add3A_9 = arith.constant 1.000000e+00 : f32
    %add3A_10 = vector.broadcast %add3A_9 : f32 to vector<625x128xf32>
    %add3A_11 = arith.addf %add3A, %add3A_10 : vector<625x128xf32>
    %rsqrt3A = math.rsqrt %add3A_11 : vector<625x128xf32>
    %get3A_12 = arith.constant 0 : index
    %get3A_13 = arith.constant 0 : index
    %get3A_14 = vector.load %arg0[%get3A_12, %get3A_13] : memref<625x2048xf32, #tpu.memory_space<vmem>>, vector<625x2048xf32>
    %get3A_15 = arith.constant 0 : index
    %get3A_16 = arith.constant 0 : index
    %get3A_17 = vector.load %arg1[%get3A_15, %get3A_16] : memref<2048x128xf32, #tpu.memory_space<vmem>>, vector<2048x128xf32>
    %dot_general3A = arith.constant dense<0.000000e+00> : vector<625x128xf32>
    %dot_general3A_18 = tpu.matmul %get3A_14, %get3A_17, %dot_general3A {dimension_numbers = #tpu.dot_dimension_numbers<[1], [0], [0], [1], [0, 0, 1, 1], [], []>, transpose_lhs_hint = false} : vector<625x2048xf32>, vector<2048x128xf32>, vector<625x128xf32> -> vector<625x128xf32>
    %mul3A = arith.mulf %dot_general3A_18, %rsqrt3A : vector<625x128xf32>
    %swap3A = arith.constant 0 : index
    %swap3A_19 = arith.constant 0 : index
    %swap3A_20 = vector.load %arg3[%swap3A, %swap3A_19] : memref<625x128xf32, #tpu.memory_space<vmem>>, vector<625x128xf32>
    tpu.vector_store %arg3[%swap3A, %swap3A_19], %mul3A {strides = array<i32>} : memref<625x128xf32, #tpu.memory_space<vmem>>, vector<625x128xf32>,
    %swap3A_21 = arith.constant 0 : index
    %swap3A_22 = arith.constant 0 : index
    %swap3A_23 = vector.load %arg4[%swap3A_21, %swap3A_22] : memref<625x128xf32, #tpu.memory_space<vmem>>, vector<625x128xf32>
    tpu.vector_store %arg4[%swap3A_21, %swap3A_22], %rsqrt3A {strides = array<i32>} : memref<625x128xf32, #tpu.memory_space<vmem>>, vector<625x128xf32>,
    return
  }
}

module attributes {stable_mosaic.version = 14 : i64} {
  func.func @_tc2(%arg0: memref<625x128xf32, #tpu.memory_space<vmem>>, %arg1: memref<625x128xf32, #tpu.memory_space<vmem>>, %arg2: memref<2x632x128xf32, #tpu.memory_space<vmem>>, %arg3: memref<128x128xf32, #tpu.memory_space<vmem>>, %arg4: memref<1x128xf32, #tpu.memory_space<vmem>>, %arg5: memref<625x128xf32, #tpu.memory_space<vmem>>) attributes {dimension_semantics = [], scalar_prefetch = 0 : i64, scratch_operands = 0 : i64, tpu.core_type = #tpu.core_type<tc>} {
    %get3A = arith.constant 0 : index
    %get3A_0 = arith.constant 0 : index
    %get3A_1 = vector.load %arg0[%get3A, %get3A_0] : memref<625x128xf32, #tpu.memory_space<vmem>>, vector<625x128xf32>
    %get3A_2 = arith.constant 0 : index
    %get3A_3 = arith.constant 0 : index
    %get3A_4 = arith.constant 0 : index
    %get3A_5 = vector.load %arg2[%get3A_2, %get3A_3, %get3A_4] : memref<2x632x128xf32, #tpu.memory_space<vmem>>, vector<1x625x128xf32>
    %get3A_6 = vector.shape_cast %get3A_5 : vector<1x625x128xf32> to vector<625x128xf32>
    %get3A_7 = arith.constant 1 : index
    %get3A_8 = arith.constant 0 : index
    %get3A_9 = arith.constant 0 : index
    %get3A_10 = vector.load %arg2[%get3A_7, %get3A_8, %get3A_9] : memref<2x632x128xf32, #tpu.memory_space<vmem>>, vector<1x625x128xf32>
    %get3A_11 = vector.shape_cast %get3A_10 : vector<1x625x128xf32> to vector<625x128xf32>
    %add3A = arith.addf %get3A_6, %get3A_11 : vector<625x128xf32>
    %get3A_12 = arith.constant 0 : index
    %get3A_13 = arith.constant 0 : index
    %get3A_14 = vector.load %arg1[%get3A_12, %get3A_13] : memref<625x128xf32, #tpu.memory_space<vmem>>, vector<625x128xf32>
    %add3A_15 = arith.addf %add3A, %get3A_14 : vector<625x128xf32>
    %mul3A = arith.mulf %get3A_1, %add3A_15 : vector<625x128xf32>
    %get3A_16 = arith.constant 0 : index
    %get3A_17 = arith.constant 0 : index
    %get3A_18 = vector.load %arg4[%get3A_16, %get3A_17] : memref<1x128xf32, #tpu.memory_space<vmem>>, vector<1x128xf32>
    %add3A_19 = vector.broadcast %get3A_18 : vector<1x128xf32> to vector<625x128xf32>
    %add3A_20 = arith.addf %mul3A, %add3A_19 : vector<625x128xf32>
    %max3A = arith.constant 0.000000e+00 : f32
    %max3A_21 = vector.broadcast %max3A : f32 to vector<625x128xf32>
    %max3A_22 = arith.maximumf %add3A_20, %max3A_21 : vector<625x128xf32>
    %get3A_23 = arith.constant 0 : index
    %get3A_24 = arith.constant 0 : index
    %get3A_25 = vector.load %arg3[%get3A_23, %get3A_24] : memref<128x128xf32, #tpu.memory_space<vmem>>, vector<128x128xf32>
    %dot_general3A = arith.constant dense<0.000000e+00> : vector<625x128xf32>
    %dot_general3A_26 = tpu.matmul %max3A_22, %get3A_25, %dot_general3A {dimension_numbers = #tpu.dot_dimension_numbers<[1], [0], [0], [1], [0, 0, 1, 1], [], []>, transpose_lhs_hint = false} : vector<625x128xf32>, vector<128x128xf32>, vector<625x128xf32> -> vector<625x128xf32>
    %mul3A_27 = arith.mulf %dot_general3A_26, %get3A_1 : vector<625x128xf32>
    %swap3A = arith.constant 0 : index
    %swap3A_28 = arith.constant 0 : index
    %swap3A_29 = vector.load %arg5[%swap3A, %swap3A_28] : memref<625x128xf32, #tpu.memory_space<vmem>>, vector<625x128xf32>
    tpu.vector_store %arg5[%swap3A, %swap3A_28], %mul3A_27 {strides = array<i32>} : memref<625x128xf32, #tpu.memory_space<vmem>>, vector<625x128xf32>,
    return
  }
}

module attributes {stable_mosaic.version = 14 : i64} {
  func.func @_tc3(%arg0: memref<625x128xf32, #tpu.memory_space<vmem>>, %arg1: memref<625x128xf32, #tpu.memory_space<vmem>>, %arg2: memref<2x632x128xf32, #tpu.memory_space<vmem>>, %arg3: memref<1x128xf32, #tpu.memory_space<vmem>>, %arg4: memref<625x128xf32, #tpu.memory_space<vmem>>) attributes {dimension_semantics = [], scalar_prefetch = 0 : i64, scratch_operands = 0 : i64, tpu.core_type = #tpu.core_type<tc>} {
    %get3A = arith.constant 0 : index
    %get3A_0 = arith.constant 0 : index
    %get3A_1 = vector.load %arg0[%get3A, %get3A_0] : memref<625x128xf32, #tpu.memory_space<vmem>>, vector<625x128xf32>
    %get3A_2 = arith.constant 0 : index
    %get3A_3 = arith.constant 0 : index
    %get3A_4 = arith.constant 0 : index
    %get3A_5 = vector.load %arg2[%get3A_2, %get3A_3, %get3A_4] : memref<2x632x128xf32, #tpu.memory_space<vmem>>, vector<1x625x128xf32>
    %get3A_6 = vector.shape_cast %get3A_5 : vector<1x625x128xf32> to vector<625x128xf32>
    %get3A_7 = arith.constant 1 : index
    %get3A_8 = arith.constant 0 : index
    %get3A_9 = arith.constant 0 : index
    %get3A_10 = vector.load %arg2[%get3A_7, %get3A_8, %get3A_9] : memref<2x632x128xf32, #tpu.memory_space<vmem>>, vector<1x625x128xf32>
    %get3A_11 = vector.shape_cast %get3A_10 : vector<1x625x128xf32> to vector<625x128xf32>
    %add3A = arith.addf %get3A_6, %get3A_11 : vector<625x128xf32>
    %get3A_12 = arith.constant 0 : index
    %get3A_13 = arith.constant 0 : index
    %get3A_14 = vector.load %arg1[%get3A_12, %get3A_13] : memref<625x128xf32, #tpu.memory_space<vmem>>, vector<625x128xf32>
    %add3A_15 = arith.addf %add3A, %get3A_14 : vector<625x128xf32>
    %mul3A = arith.mulf %get3A_1, %add3A_15 : vector<625x128xf32>
    %get3A_16 = arith.constant 0 : index
    %get3A_17 = arith.constant 0 : index
    %get3A_18 = vector.load %arg3[%get3A_16, %get3A_17] : memref<1x128xf32, #tpu.memory_space<vmem>>, vector<1x128xf32>
    %add3A_19 = vector.broadcast %get3A_18 : vector<1x128xf32> to vector<625x128xf32>
    %add3A_20 = arith.addf %mul3A, %add3A_19 : vector<625x128xf32>
    %swap3A = arith.constant 0 : index
    %swap3A_21 = arith.constant 0 : index
    %swap3A_22 = vector.load %arg4[%swap3A, %swap3A_21] : memref<625x128xf32, #tpu.memory_space<vmem>>, vector<625x128xf32>
    tpu.vector_store %arg4[%swap3A, %swap3A_21], %add3A_20 {strides = array<i32>} : memref<625x128xf32, #tpu.memory_space<vmem>>, vector<625x128xf32>,
    return
  }
}

</mosaic_0001>

<sc_bundles>
// kernel: kernel.11.cloned.1.call-start
scs
__scs_entry_jumppad:
0x0: {  	(pc) =	sbr.rel $0x88, $3  }
0x1: {  	(tag) =	ssettag $0x0;
	lr =	simm.s32 $0x1  }
0x2: {  	[smem:$0x3F9B] =	sst lr;
	_ =	strace $0xD0000000  }
0x3: {  	_ = 	snop  }
0x4: {  	_ = 	snop  }
0x5: {  	_ = 	snop  }
0x6: {  	_ = 	snop  }
0x7: {  	_ = 	snop  }
__scs_overlays_trampoline_lowered:
0x8: {  	[smem:$0x3FAA] =	sst s0  }
0x9: {  	[smem:$0x3FAB] =	sst s1  }
0xa: {  	[smem:$0x3FAC] =	sst s2  }
0xb: {  	[smem:$0x3FAD] =	sst s3  }
0xc: {  	[smem:$0x3FAE] =	sst s4  }
0xd: {  	[smem:$0x3FAF] =	sst s5  }
0xe: {  	[smem:$0x3FB0] =	sst s6  }
0xf: {  	[smem:$0x3FB1] =	sst s7  }
0x10: {  	[smem:$0x3FB2] =	sst s8  }
0x11: {  	[smem:$0x3FB3] =	sst s9;
	s0 =	simm.s32 @!p0 $0x0  }
0x12: {  	s1 =	sld [smem:$0x3F99];
	s0 =	simm.s32 @p0 $0x1  }
0x13: {  	[smem:$0x3FB4] =	sst s0;
	s0 =	simm.s32 @!p1 $0x0  }
0x14: {  	s2 =	sld [smem:$0x3F98];
	s0 =	simm.s32 @p1 $0x1  }
0x15: {  	[smem:$0x3FB5] =	sst s0;
	s0 =	simm.s32 @!p2 $0x0  }
0x16: {  	s3 =	sld [smem:$0x3FDB];
	s0 =	simm.s32 @p2 $0x1  }
0x17: {  	s4 =	simm.s32 $0x1BF5;
	[smem:$0x3FB7] =	sst s0  }
0x18: {  	s0 =	sld [smem:$0x3F9A];
	_ =	swait.ge [sflag:s4], $0x0  }
0x19: {  	s7 =	sld [smem:$0x3F9B]  }
0x1a: {  	s8 =	sadd.s32 $0xFFFFE003, lr  }
0x1b: {  	s9 =	sadd.s32 $0xFFFFFEF7, lr;
	s5 =	simm.s32 $0xFFFFFFFF;
	p2 =	slt.u32 s8, $0xFFFFF086  }
0x1c: {  	p1 =	slt.u32 s9, $0xF7A;
	s5 =	simm.s32 @!p2 $0x0  }
0x1d: {  	s5 =	simm.s32 @p1 $0x1;
	p0 =	seq.s32 s7, s2  }
0x1e: {  	s7 =	smul.u32 @!p0 $0xF7A, s2;
	p2 =	seq.s32 @!p0 s5, $0x0  }
0x1f: {  	s9 =	smul.u32 $0xF7A, s1;
	s8 =	simm.s32 @!p0 $0x1BF5;
	p2 =	por !p2, p0  }
0x20: {  	[sflag:s8] =	ssyncset.s32 @!p0 $0xFFFFF086;
	s6 =	sadd.s32 @!p0 s3, s7;
	s7 =	simm.s32 @!p0 $0x108  }
0x21: {  	s3 =	sadd.s32 s3, s9;
	s6 =	sadd.s32 @!p0 $0x88, s6;
	s7 =	simm.s32 @p2 $0x1082  }
0x22: {  	[simem:s7], [sflag:s8] =	dma.local @!p0 [hbm:s6], $0xF7A  }
0x23: {  	s9 =	sor.u32 $0xD0000000, s2;
	s6 =	simm.s32 $0x108;
	_ =	swait.ge @!p0 [sflag:s8], $0x0  }
0x24: {  	s3 =	sadd.s32 $0x88, s3;
	s6 =	simm.s32 @!p1 $0x1082;
	[sflag:s4] =	ssyncset.s32 $0xFFFFF086  }
0x25: {  	[simem:s6], [sflag:s4] =	dma.local [hbm:s3], $0xF7A  }
0x26: {  	[smem:$0x3F9B] =	sst s1;
	(tag) =	ssettag s2;
	_ =	strace s9  }
0x27: {  	s1 =	sld [smem:$0x3FAB]  }
0x28: {  	s2 =	sld [smem:$0x3FAC]  }
0x29: {  	s4 =	sld [smem:$0x3FAE]  }
0x2a: {  	p0 =	seq.s32 s5, $0x0;
	s5 =	sld [smem:$0x3FAF]  }
0x2b: {  	s6 =	sld [smem:$0x3FB0]  }
0x2c: {  	s7 =	sld [smem:$0x3FB1]  }
0x2d: {  	s3 =	simm.s32 $0x108;
	s8 =	sld [smem:$0x3FB2]  }
0x2e: {  	s3 =	simm.s32 @!p0 $0x1082;
	s9 =	sld [smem:$0x3FB3]  }
0x2f: {  	lr =	sadd.s32 s0, s3;
	s0 =	sld [smem:$0x3FAA]  }
0x30: {  	s3 =	sld [smem:$0x3FAD]  }
0x31: {  	[smem:$0x3FB6] =	sst s10  }
0x32: {  	s10 =	sld [smem:$0x3FB4];
	_ =	sdelay $0x3  }
0x33: {  	p0 =	seq.s32 s10, $0x1;
	s10 =	sld [smem:$0x3FB6];
	_ =	sdelay $0x3  }
0x34: {  	[smem:$0x3FB6] =	sst s10  }
0x35: {  	s10 =	sld [smem:$0x3FB5];
	_ =	sdelay $0x3  }
0x36: {  	p1 =	seq.s32 s10, $0x1;
	s10 =	sld [smem:$0x3FB6];
	_ =	sdelay $0x3  }
0x37: {  	[smem:$0x3FB6] =	sst s10  }
0x38: {  	s10 =	sld [smem:$0x3FB7]  }
0x39: {  	_ = 	snop;
	(pc) =	sbr.ind lr, $3  }
0x3a: {  	_ = 	snop  }
0x3b: {  	_ = 	snop  }
0x3c: {  	p2 =	seq.s32 s10, $0x1;
	s10 =	sld [smem:$0x3FB6]  }
0x3d: {  	_ =	shalt  }
0x3e: {  	_ =	shalt  }
0x3f: {  	_ =	shalt  }
0x40: {  	_ =	shalt  }
0x41: {  	_ =	shalt  }
0x42: {  	_ =	shalt  }
0x43: {  	_ =	shalt  }
0x44: {  	_ =	shalt  }
0x45: {  	_ =	shalt  }
0x46: {  	_ =	shalt  }
0x47: {  	_ =	shalt  }
0x48: {  	_ =	shalt  }
0x49: {  	_ =	shalt  }
0x4a: {  	_ =	shalt  }
0x4b: {  	_ =	shalt  }
0x4c: {  	_ =	shalt  }
0x4d: {  	_ =	shalt  }
0x4e: {  	_ =	shalt  }
0x4f: {  	_ =	shalt  }
0x50: {  	_ =	shalt  }
0x51: {  	_ =	shalt  }
0x52: {  	_ =	shalt  }
0x53: {  	_ =	shalt  }
0x54: {  	_ =	shalt  }
0x55: {  	_ =	shalt  }
0x56: {  	_ =	shalt  }
0x57: {  	_ =	shalt  }
0x58: {  	_ =	shalt  }
0x59: {  	_ =	shalt  }
0x5a: {  	_ =	shalt  }
0x5b: {  	_ =	shalt  }
0x5c: {  	_ =	shalt  }
0x5d: {  	_ =	shalt  }
0x5e: {  	_ =	shalt  }
0x5f: {  	_ =	shalt  }
0x60: {  	_ =	shalt  }
0x61: {  	_ =	shalt  }
0x62: {  	_ =	shalt  }
0x63: {  	_ =	shalt  }
0x64: {  	_ =	shalt  }
0x65: {  	_ =	shalt  }
0x66: {  	_ =	shalt  }
0x67: {  	_ =	shalt  }
0x68: {  	_ =	shalt  }
0x69: {  	_ =	shalt  }
0x6a: {  	_ =	shalt  }
0x6b: {  	_ =	shalt  }
0x6c: {  	_ =	shalt  }
0x6d: {  	_ =	shalt  }
0x6e: {  	_ =	shalt  }
0x6f: {  	_ =	shalt  }
0x70: {  	_ =	shalt  }
0x71: {  	_ =	shalt  }
0x72: {  	_ =	shalt  }
0x73: {  	_ =	shalt  }
0x74: {  	_ =	shalt  }
0x75: {  	_ =	shalt  }
0x76: {  	_ =	shalt  }
0x77: {  	_ =	shalt  }
0x78: {  	_ =	shalt  }
0x79: {  	_ =	shalt  }
0x7a: {  	_ =	shalt  }
0x7b: {  	_ =	shalt  }
0x7c: {  	_ =	shalt  }
0x7d: {  	_ =	shalt  }
0x7e: {  	_ =	shalt  }
0x7f: {  	_ =	shalt  }
0x80: {  	_ =	shalt  }
0x81: {  	_ =	shalt  }
0x82: {  	_ =	shalt  }
0x83: {  	_ =	shalt  }
0x84: {  	_ =	shalt  }
0x85: {  	_ =	shalt  }
0x86: {  	_ =	shalt  }
0x87: {  	_ =	shalt  }
.Lfunc_end0:
.L_simem_size_0:
called_computation.1_lowered:
.L_overlay_start_0:
0x88: {  	s2 =	sld [smem:$0x3FD9]  }
0x89: {  	s3 =	sld [smem:$0x3FFE];
	_ =	sdelay $0x1  }
0x8a: {  	s1 =	srdreg.scid  }
0x8b: {  	s0 =	sand.u32 $0x1, s1  }
0x8c: {  	s16 =	sshll.u32 s0, $0xA;
	s2 =	sadd.s32 s3, s2  }
0x8d: {  	s2 =	sadd.s32 s2, s16  }
0x8e: {  	[smem:$0x3FC2] =	sst s2  }
0x8f: {  	_ = 	snop  }
0x90: {  	(tm) =	ssettm $0x1  }
0x91: {  	s17 =	sld [smem:$0x3FFB];
	_ =	sdelay $0x3  }
0x92: {  	_ =	strace s17  }
0x93: {  	s2 =	sld [smem:$0x3FFC];
	_ =	sdelay $0x3  }
0x94: {  	_ =	strace s2  }
0x95: {  	s2 =	sld [smem:$0x3FFD];
	_ =	sdelay $0x3  }
0x96: {  	_ =	strace s2  }
0x97: {  	_ =	strace $0x8FFFFFFF  }
0x98: {  	s18 =	sld [smem:$0x3FDB];
	_ =	sdelay $0x1  }
0x99: {  	s19 =	simm.s32 $_scs_section_size  }
0x9a: {  	s4 =	simm.s32 $_size__tile_overlayer_lowered;
	s5 =	simm.s32 $_tile_overlayer_lowered  }
0x9b: {  	s22 =	simm.s32 $0x1BFF;
	s21 =	sshll.u32 s5, $0x1;
	s2 =	sadd.s32 s19, s18  }
0x9c: {  	s6 =	simm.s32 $0x0;
	s20 =	sshll.u32 s4, $0x1;
	s4 =	sadd.s32 s21, s2  }
0x9d: {  	[timem:s6], [sflag:s22] =	dma.local [hbm:s4], s20  }
0x9e: {  	_ =	swait.ge [sflag:s22], s20  }
0x9f: {  	s3 =	ssub.s32 $0x0, s20;
	[sflag:s22] =	ssyncset.done $0x0  }
0xa0: {  	[sflag:s22] =	ssyncadd.s32 s3;
	_ =	sdelay $0x1  }
0xa1: {  	s23 =	simm.s32 $0x1B8B  }
0xa2: {  	_ =	swait.ge [sflag:s23], $0x1  }
0xa3: {  	[sflag:s23] =	ssyncset.done $0x0  }
0xa4: {  	s25 =	simm.s32 $0x1B8E;
	s24 =	sld [smem:$0x3FFE];
	[sflag:s23] =	ssyncadd.s32 $0xFFFFFFFF  }
0xa5: {  	s26 =	simm.s32 $execute0_lowered;
	[smem:$0x3FD2] =	sst s25  }
0xa6: {  	s4 =	sshll.u32 s26, $0x1;
	_ =	strace $0x80000049;
	[dreg:$0x1] =	wrdreg $0xFFFFFFFF  }
0xa7: {  	s28 =	simm.s32 $_size_execute0_lowered;
	s2 =	sadd.s32 s2, s4;
	[dreg:$0x0] =	wrdreg $0x0  }
0xa8: {  	s4 =	sshll.u32 s28, $0x1;
	[dreg:$0x2] =	wrdreg s2  }
0xa9: {  	[dreg:$0x3] =	wrdreg s4  }
0xaa: {  	[dreg:$0x4] =	wrdreg $0xC0  }
0xab: {  	_ =	task [dreg:s6], $0x5FFFF  }
0xac: {  	[dreg:$0x1] =	wrdreg $0xFFFFFFFF  }
0xad: {  	[dreg:$0x0] =	wrdreg $0x60  }
0xae: {  	[dreg:$0x2] =	wrdreg s24  }
0xaf: {  	[dreg:$0x3] =	wrdreg $0x8CA00  }
0xb0: {  	[dreg:$0x4] =	wrdreg $0x9  }
0xb1: {  	_ =	task.clear_ibuf [dreg:s6], $0x5FFFF;
	_ =	strace $0x90000049  }
0xb2: {  	s29 =	simm.s32 $0x9;
	_ =	strace $0x8000004B  }
0xb3: {  	_ =	swait.ge [sflag:s29], $0x1  }
0xb4: {  	[sflag:s29] =	ssyncadd.s32 $0xFFFFFFFF  }
0xb5: {  	_ =	strace $0x9000004B  }
0xb6: {  	_ =	sfence  }
0xb7: {  	s30 =	sld [smem:$0x0];
	_ =	sdelay $0x2  }
0xb8: {  	s31 =	sshll.u32 s1, $0xD;
	s1 =	sshrl.u32 s1, $0x2  }
0xb9: {  	s3 =	sand.u32 $0x4000, s31;
	s1 =	sadd.s32 s1, s30  }
0xba: {  	s0 =	sor.u32 s3, s0;
	s1 =	sshll.u32 s1, $0x11  }
0xbb: {  	s0 =	sor.u32 s1, s0  }
0xbc: {  	s0 =	sadd.s32 $0x8F2B, s0  }
0xbd: {  	[sflag:s0] =	ssyncadd.remote.s32 $0x1  }
0xbe: {  	_ =	sfence.sel $0xFFFF  }
0xbf: {  	[dreg:$0x0] =	wrdreg $0xFFFFFFFF;
	(pc) =	sbr.abs _section_cstart, $3  }
0xc0: {  	[dreg:$0x1] =	wrdreg $0xFFFFFFFF  }
0xc1: {  	_ =	task.clear_ibuf [dreg:s6], $0x2FFFF;
	_ =	strace $0x9FFFFFFF  }
0xc2: {  	(tm) =	ssettm $0x7FFFFFFF  }
0xc3: {  	_ =	shalt  }
tec
execute0_lowered:
.L_overlay_start_1:
0x0: {  	(tag) =	ssettag $0x1  }
0x1: {  	s8 =	rddreg [dreg:$0x0]  }
0x2: {  	s19 =	rddreg [dreg:$0x1];
	s13 =	stileid.u32  }
0x3: {  	s1 =	srdreg.scid;
	s5 =	simm.s32 $0x0;
	p0 =	por $0x0, $0x0  }
0x4: {  	s0 =	smul.u32 $0x13C0, s13;
	s7 =	sand.u32 $0x1, s1;
	s17 =	sshll.u32 s13, $0x1  }
0x5: {  	[smem:$0x7FF] =	sst s5;
	s4 =	sadd.s32 $0x2800, s8;
	s1 =	sor.u32 s7, s17  }
0x6: {  	_ =	strace $0x8000004A;
	s3 =	sshrl.u32 s0, $0x3;
	s6 =	smul.u32 $0x2710, s1  }
0x7: {  	s2 =	smul.u32 $0x13C00, s7;
	s7 =	ssub.s32 $0x2, s7;
	s18 =	sadd.s32 s3, s8  }
0x8: {  	s1 =	sadd.s32 $0x16200, s18;
	s20 =	sshrl.u32 s6, $0x3;
	s21 =	sadd.s32 $0x3E8, s6  }
0x9: {  	s10 =	sadd.s32 $0x4E5E8, s6;
	s25 =	sadd.s32 $0xBB8, s6;
	s28 =	sadd.s32 $0x4EDB8, s6  }
0xa: {  	s14 =	sadd.s32 $0x1388, s6;
	s12 =	sadd.s32 $0x4F588, s6;
	s18 =	sadd.s32 $0x1B58, s6  }
0xb: {  	[dreg:$0x3] =	wrdreg s1;
	s1 =	sadd.s32 s4, s20;
	s3 =	sshrl.u32 s21, $0x3  }
0xc: {  	s22 =	sshrl.u32 s10, $0x3;
	s9 =	sadd.s32 $0x9C40, s1;
	[dreg:$0x18] =	wrdreg s1  }
0xd: {  	s29 =	sshrl.u32 s28, $0x3;
	s3 =	sadd.s32 s4, s3;
	[dreg:$0x4] =	wrdreg s9  }
0xe: {  	s15 =	sshrl.u32 s12, $0x3;
	s23 =	sadd.s32 s4, s22;
	[dreg:$0x5] =	wrdreg s3  }
0xf: {  	s10 =	sadd.s32 s0, s2;
	s24 =	sadd.s32 $0xFA, s1;
	[dreg:$0x6] =	wrdreg s23  }
0x10: {  	s21 =	sadd.s32 $0x4FD58, s6;
	s26 =	sadd.s32 $0x9D3A, s1;
	[dreg:$0x7] =	wrdreg s24  }
0x11: {  	s0 =	sadd.s32 s0, s19;
	s30 =	sadd.s32 $0x1F4, s1;
	[dreg:$0x8] =	wrdreg s26  }
0x12: {  	s12 =	simm.s32 $0x2;
	s11 =	sadd.s32 $0x9E34, s1;
	[dreg:$0xb] =	wrdreg s30  }
0x13: {  	s16 =	sadd.s32 s4, s15;
	s10 =	sshrl.u32 s10, $0x3;
	[dreg:$0xc] =	wrdreg s11  }
0x14: {  	s17 =	sadd.s32 $0x2EE, s1;
	s20 =	sadd.s32 $0x9F2E, s1;
	[dreg:$0xe] =	wrdreg s16  }
0x15: {  	s22 =	sshrl.u32 s21, $0x3;
	s28 =	sadd.s32 $0xA028, s1;
	[dreg:$0xf] =	wrdreg s17  }
0x16: {  	s3 =	sshrl.u32 s25, $0x3;
	s9 =	sadd.s32 s4, s29;
	[dreg:$0x10] =	wrdreg s20  }
0x17: {  	s23 =	sadd.s32 s4, s22;
	s24 =	sshrl.u32 s7, $0x1;
	[dreg:$0x14] =	wrdreg s28  }
0x18: {  	s25 =	sadd.s32 $0x3E8, s1;
	s26 =	sadd.s32 $0x2328, s6;
	s11 =	rddreg [dreg:$0x3]  }
0x19: {  	s6 =	sadd.s32 $0x50528, s6;
	s29 =	sshll.u32 s13, $0x6;
	[dreg:$0xa] =	wrdreg s9  }
0x1a: {  	s16 =	simm.s32 $0x1;
	s3 =	sadd.s32 s4, s3;
	[dreg:$0x12] =	wrdreg s23  }
0x1b: {  	s9 =	sshrl.u32 s14, $0x3;
	s7 =	ssub.s32 s7, s24;
	[dreg:$0x13] =	wrdreg s25  }
0x1c: {  	s6 =	sshrl.u32 s6, $0x3;
	s31 =	sor.u32 $0x1C04, s29;
	s14 =	simm.s32 $0x4E20  }
0x1d: {  	[dreg:$0x9] =	wrdreg s3;
	s3 =	sadd.s32 $0x18A00, s8;
	s9 =	sadd.s32 s4, s9  }
0x1e: {  	s8 =	sadd.s32 s10, s8;
	s30 =	smax.u32 s7, $0x1;
	s7 =	sshrl.u32 s0, $0x3  }
0x1f: {  	[dreg:$0xd] =	wrdreg s9;
	s9 =	sshrl.u32 s18, $0x3;
	p1 =	sne.s32 s30, $0x1  }
.Ltmp0:
0x20: {  	s0 =	simm.s32 $0x3;
	s9 =	sadd.s32 s4, s9;
	(pc) =	sbr.rel @!p1 .LBB2_1-.Ltmp0, $4  }
0x21: {  	s8 =	sadd.s32 $0x1B200, s8;
	[dreg:$0x11] =	wrdreg s9;
	s9 =	sshrl.u32 s26, $0x3  }
0x22: {  	s10 =	simm.s32 $0x6D60;
	[dreg:$0x17] =	wrdreg s8;
	s9 =	sadd.s32 s4, s9  }
0x23: {  	s1 =	sadd.s32 $0xFFFFFFFF, s30;
	s4 =	sadd.s32 s4, s6;
	[dreg:$0x15] =	wrdreg s9  }
0x24: {  	s8 =	simm.s32 $0x3E8;
	s6 =	simm.s32 $0x4;
	[dreg:$0x16] =	wrdreg s4  }
0x25: {  	[spmem:s7], [sflag:s31] =	dma.local [hbm:s11], $0x278  }
0x26: {  	_ =	swait.ge [sflag:s6], $0x278  }
0x27: {  	[sflag:s6] =	ssyncset.done $0x0  }
0x28: {  	s9 =	rddreg [dreg:$0x18];
	[sflag:s6] =	ssyncadd.s32 $0xFFFFFD88  }
0x29: {  	[tilespmem:s5], [sflag:$0x3] =	stream.linear.gather [hbm4b:s9+s5], $0x3E8, $0x38;
	[tilespmem:$0xA060] =	vst v63  }
0x2a: {  	s2 =	simm.s32 $0x2710;
	s20 =	rddreg [dreg:$0x4]  }
0x2b: {  	[tilespmem:s2], [sflag:$0x3] =	stream.linear.gather [hbm4b:s20+s5], $0x3E8, $0x38;
	[tilespmem:$0xA060] =	vst v63  }
0x2c: {  	s21 =	rddreg [dreg:$0x5]  }
0x2d: {  	[tilespmem:s8], [sflag:$0x3] =	stream.linear.gather [hbm4b:s21+s5], $0x3E8, $0x38;
	[tilespmem:$0xA060] =	vst v63  }
0x2e: {  	s13 =	simm.s32 $0x2AF8;
	s22 =	rddreg [dreg:$0x6]  }
0x2f: {  	[tilespmem:s13], [sflag:$0x3] =	stream.linear.gather [hbm4b:s22+s5], $0x3E8, $0x38;
	[tilespmem:$0xA060] =	vst v63  }
0x30: {  	s23 =	rddreg [dreg:$0x7];
	s20 =	simm.s32 $0x7D0  }
0x31: {  	[tilespmem:s20], [sflag:$0x3] =	stream.linear.gather [hbm4b:s23+s5], $0x3E8, $0x38;
	[tilespmem:$0xA060] =	vst v63  }
0x32: {  	s18 =	simm.s32 $0x2EE0;
	s24 =	rddreg [dreg:$0x8]  }
0x33: {  	[tilespmem:s18], [sflag:$0x3] =	stream.linear.gather [hbm4b:s24+s5], $0x3E8, $0x38;
	[tilespmem:$0xA060] =	vst v63  }
0x34: {  	s17 =	simm.s32 $0xBB8;
	s25 =	rddreg [dreg:$0x9]  }
0x35: {  	[tilespmem:s17], [sflag:$0x3] =	stream.linear.gather [hbm4b:s25+s5], $0x3E8, $0x38;
	[tilespmem:$0xA060] =	vst v63  }
0x36: {  	s28 =	simm.s32 $0x32C8;
	s26 =	rddreg [dreg:$0xa]  }
0x37: {  	[tilespmem:s28], [sflag:$0x3] =	stream.linear.gather [hbm4b:s26+s5], $0x3E8, $0x38;
	[tilespmem:$0xA060] =	vst v63  }
0x38: {  	s30 =	simm.s32 $0xFA0;
	s29 =	rddreg [dreg:$0xb]  }
0x39: {  	[tilespmem:s30], [sflag:$0x3] =	stream.linear.gather [hbm4b:s29+s5], $0x3E8, $0x38;
	[tilespmem:$0xA060] =	vst v63  }
0x3a: {  	s4 =	rddreg [dreg:$0xc];
	s25 =	simm.s32 $0x36B0  }
0x3b: {  	[tilespmem:s25], [sflag:$0x3] =	stream.linear.gather [hbm4b:s4+s5], $0x3E8, $0x38;
	[tilespmem:$0xA060] =	vst v63  }
0x3c: {  	s15 =	rddreg [dreg:$0xd];
	s29 =	simm.s32 $0x1388  }
0x3d: {  	[tilespmem:s29], [sflag:$0x3] =	stream.linear.gather [hbm4b:s15+s5], $0x3E8, $0x38;
	[tilespmem:$0xA060] =	vst v63  }
0x3e: {  	s21 =	rddreg [dreg:$0xe];
	s23 =	simm.s32 $0x3A98  }
0x3f: {  	[tilespmem:s23], [sflag:$0x3] =	stream.linear.gather [hbm4b:s21+s5], $0x3E8, $0x38;
	[tilespmem:$0xA060] =	vst v63  }
0x40: {  	s22 =	rddreg [dreg:$0xf];
	s26 =	simm.s32 $0x1770  }
0x41: {  	[tilespmem:s26], [sflag:$0x3] =	stream.linear.gather [hbm4b:s22+s5], $0x3E8, $0x38;
	[tilespmem:$0xA060] =	vst v63  }
0x42: {  	s24 =	rddreg [dreg:$0x10];
	s22 =	simm.s32 $0x3E80  }
0x43: {  	[tilespmem:s22], [sflag:$0x3] =	stream.linear.gather [hbm4b:s24+s5], $0x3E8, $0x38;
	[tilespmem:$0xA060] =	vst v63  }
0x44: {  	s4 =	rddreg [dreg:$0x11];
	s24 =	simm.s32 $0x1B58  }
0x45: {  	[tilespmem:s24], [sflag:$0x3] =	stream.linear.gather [hbm4b:s4+s5], $0x3E8, $0x38;
	[tilespmem:$0xA060] =	vst v63  }
0x46: {  	s15 =	rddreg [dreg:$0x12];
	s21 =	simm.s32 $0x4268  }
0x47: {  	[tilespmem:s21], [sflag:$0x3] =	stream.linear.gather [hbm4b:s15+s5], $0x3E8, $0x38;
	[tilespmem:$0xA060] =	vst v63  }
0x48: {  	s4 =	rddreg [dreg:$0x13];
	s15 =	simm.s32 $0x1F40  }
0x49: {  	[tilespmem:s15], [sflag:$0x3] =	stream.linear.gather [hbm4b:s4+s5], $0x3E8, $0x38;
	[tilespmem:$0xA060] =	vst v63  }
0x4a: {  	s11 =	rddreg [dreg:$0x14];
	s4 =	simm.s32 $0x4650  }
0x4b: {  	[tilespmem:s4], [sflag:$0x3] =	stream.linear.gather [hbm4b:s11+s5], $0x3E8, $0x38;
	[tilespmem:$0xA060] =	vst v63  }
0x4c: {  	s9 =	rddreg [dreg:$0x15];
	s4 =	simm.s32 $0x2328  }
0x4d: {  	[tilespmem:s4], [sflag:$0x3] =	stream.linear.gather [hbm4b:s9+s5], $0x3E8, $0x38;
	[tilespmem:$0xA060] =	vst v63  }
0x4e: {  	s11 =	rddreg [dreg:$0x16];
	s9 =	simm.s32 $0x4A38  }
0x4f: {  	[tilespmem:s9], [sflag:$0x3] =	stream.linear.gather [hbm4b:s11+s5], $0x3E8, $0x38;
	[tilespmem:$0xA060] =	vst v63  }
0x50: {  	_ =	swait.ge [sflag:s0], $0x3E8  }
0x51: {  	[sflag:s0] =	ssyncset.done $0x0  }
0x52: {  	[sflag:s0] =	ssyncadd.s32 $0xFFFFFC18  }
0x53: {  	_ =	swait.ge [sflag:s0], $0x3E8  }
0x54: {  	[sflag:s0] =	ssyncset.done $0x0  }
0x55: {  	[sflag:s0] =	ssyncadd.s32 $0xFFFFFC18  }
0x56: {  	_ =	swait.ge [sflag:s0], $0x3E8  }
0x57: {  	[sflag:s0] =	ssyncset.done $0x0  }
0x58: {  	[sflag:s0] =	ssyncadd.s32 $0xFFFFFC18  }
0x59: {  	_ =	swait.ge [sflag:s0], $0x3E8  }
0x5a: {  	[sflag:s0] =	ssyncset.done $0x0  }
0x5b: {  	[sflag:s0] =	ssyncadd.s32 $0xFFFFFC18  }
0x5c: {  	_ =	swait.ge [sflag:s0], $0x3E8  }
0x5d: {  	[sflag:s0] =	ssyncset.done $0x0  }
0x5e: {  	[sflag:s0] =	ssyncadd.s32 $0xFFFFFC18  }
0x5f: {  	_ =	swait.ge [sflag:s0], $0x3E8  }
0x60: {  	[sflag:s0] =	ssyncset.done $0x0  }
0x61: {  	[sflag:s0] =	ssyncadd.s32 $0xFFFFFC18  }
0x62: {  	_ =	swait.ge [sflag:s0], $0x3E8  }
0x63: {  	[sflag:s0] =	ssyncset.done $0x0  }
0x64: {  	[sflag:s0] =	ssyncadd.s32 $0xFFFFFC18  }
0x65: {  	_ =	swait.ge [sflag:s0], $0x3E8  }
0x66: {  	[sflag:s0] =	ssyncset.done $0x0  }
0x67: {  	[sflag:s0] =	ssyncadd.s32 $0xFFFFFC18  }
0x68: {  	_ =	swait.ge [sflag:s0], $0x3E8  }
0x69: {  	[sflag:s0] =	ssyncset.done $0x0  }
0x6a: {  	[sflag:s0] =	ssyncadd.s32 $0xFFFFFC18  }
0x6b: {  	_ =	swait.ge [sflag:s0], $0x3E8  }
0x6c: {  	[sflag:s0] =	ssyncset.done $0x0  }
0x6d: {  	[sflag:s0] =	ssyncadd.s32 $0xFFFFFC18  }
0x6e: {  	_ =	swait.ge [sflag:s0], $0x3E8  }
0x6f: {  	[sflag:s0] =	ssyncset.done $0x0  }
0x70: {  	[sflag:s0] =	ssyncadd.s32 $0xFFFFFC18  }
0x71: {  	_ =	swait.ge [sflag:s0], $0x3E8  }
0x72: {  	[sflag:s0] =	ssyncset.done $0x0  }
0x73: {  	[sflag:s0] =	ssyncadd.s32 $0xFFFFFC18  }
0x74: {  	_ =	swait.ge [sflag:s0], $0x3E8  }
0x75: {  	[sflag:s0] =	ssyncset.done $0x0  }
0x76: {  	[sflag:s0] =	ssyncadd.s32 $0xFFFFFC18  }
0x77: {  	_ =	swait.ge [sflag:s0], $0x3E8  }
0x78: {  	[sflag:s0] =	ssyncset.done $0x0  }
0x79: {  	[sflag:s0] =	ssyncadd.s32 $0xFFFFFC18  }
0x7a: {  	_ =	swait.ge [sflag:s0], $0x3E8  }
0x7b: {  	[sflag:s0] =	ssyncset.done $0x0  }
0x7c: {  	[sflag:s0] =	ssyncadd.s32 $0xFFFFFC18  }
0x7d: {  	_ =	swait.ge [sflag:s0], $0x3E8  }
0x7e: {  	[sflag:s0] =	ssyncset.done $0x0  }
0x7f: {  	[sflag:s0] =	ssyncadd.s32 $0xFFFFFC18  }
0x80: {  	_ =	swait.ge [sflag:s0], $0x3E8  }
0x81: {  	[sflag:s0] =	ssyncset.done $0x0  }
0x82: {  	[sflag:s0] =	ssyncadd.s32 $0xFFFFFC18  }
0x83: {  	_ =	swait.ge [sflag:s0], $0x3E8  }
0x84: {  	[sflag:s0] =	ssyncset.done $0x0  }
0x85: {  	[sflag:s0] =	ssyncadd.s32 $0xFFFFFC18  }
0x86: {  	_ =	swait.ge [sflag:s0], $0x3E8  }
0x87: {  	[sflag:s0] =	ssyncset.done $0x0  }
0x88: {  	[sflag:s0] =	ssyncadd.s32 $0xFFFFFC18  }
0x89: {  	_ =	swait.ge [sflag:s0], $0x3E8  }
0x8a: {  	[sflag:s0] =	ssyncset.done $0x0  }
0x8b: {  	[sflag:s0] =	ssyncadd.s32 $0xFFFFFC18  }
0x8c: {  	[bflag:$0x0] =	sbarrier.arrive $0xFFFF  }
0x8d: {  	[tilespmem:s14], [sflag:$0x1] =	stream.indirect.gather [hbm4b:s3+s8], $0x8, s5, s8, $0xb8;
	[tilespmem:$0xA060] =	vst v63  }
0x8e: {  	_ = 	snop  }
0x8f: {  	[tilespmem:s10], [sflag:$0x2] =	stream.indirect.gather [hbm4b:s3+s8], $0x8, s8, s8, $0xb8;
	[tilespmem:$0xA060] =	vst v63  }
0x90: {  	_ =	swait.ge [sflag:s16], $0x1F40  }
0x91: {  	[sflag:s16] =	ssyncset.done $0x0  }
0x92: {  	[sflag:s16] =	ssyncadd.s32 $0xFFFFE0C0  }
0x93: {  	[spmem:s19] =	stream.indirect.scatter.add.f32 [tilespmem:s14], [sflag:$0x4], $0x8, s2, s8, $0xb8;
	[tilespmem:$0xA060] =	vst v63  }
0x94: {  	_ =	swait.ge [sflag:s6], $0x1F40  }
0x95: {  	[sflag:s6] =	ssyncset.done $0x0  }
0x96: {  	[sflag:s6] =	ssyncadd.s32 $0xFFFFE0C0  }
0x97: {  	[tilespmem:s14], [sflag:$0x1] =	stream.indirect.gather [hbm4b:s3+s8], $0x8, s20, s8, $0xb8;
	[tilespmem:$0xA060] =	vst v63  }
0x98: {  	_ =	swait.ge [sflag:s12], $0x1F40  }
0x99: {  	[sflag:s12] =	ssyncset.done $0x0  }
0x9a: {  	[sflag:s12] =	ssyncadd.s32 $0xFFFFE0C0  }
0x9b: {  	[spmem:s19] =	stream.indirect.scatter.add.f32 [tilespmem:s10], [sflag:$0x4], $0x8, s13, s8, $0xb8;
	[tilespmem:$0xA060] =	vst v63  }
0x9c: {  	_ =	swait.ge [sflag:s6], $0x1F40  }
0x9d: {  	[sflag:s6] =	ssyncset.done $0x0  }
0x9e: {  	[sflag:s6] =	ssyncadd.s32 $0xFFFFE0C0  }
0x9f: {  	[tilespmem:s10], [sflag:$0x2] =	stream.indirect.gather [hbm4b:s3+s8], $0x8, s17, s8, $0xb8;
	[tilespmem:$0xA060] =	vst v63  }
0xa0: {  	_ =	swait.ge [sflag:s16], $0x1F40  }
0xa1: {  	[sflag:s16] =	ssyncset.done $0x0  }
0xa2: {  	[sflag:s16] =	ssyncadd.s32 $0xFFFFE0C0  }
0xa3: {  	[spmem:s19] =	stream.indirect.scatter.add.f32 [tilespmem:s14], [sflag:$0x4], $0x8, s18, s8, $0xb8;
	[tilespmem:$0xA060] =	vst v63  }
0xa4: {  	_ =	swait.ge [sflag:s6], $0x1F40  }
0xa5: {  	[sflag:s6] =	ssyncset.done $0x0  }
0xa6: {  	[sflag:s6] =	ssyncadd.s32 $0xFFFFE0C0  }
0xa7: {  	[tilespmem:s14], [sflag:$0x1] =	stream.indirect.gather [hbm4b:s3+s8], $0x8, s30, s8, $0xb8;
	[tilespmem:$0xA060] =	vst v63  }
0xa8: {  	_ =	swait.ge [sflag:s12], $0x1F40  }
0xa9: {  	[sflag:s12] =	ssyncset.done $0x0  }
0xaa: {  	[sflag:s12] =	ssyncadd.s32 $0xFFFFE0C0  }
0xab: {  	[spmem:s19] =	stream.indirect.scatter.add.f32 [tilespmem:s10], [sflag:$0x4], $0x8, s28, s8, $0xb8;
	[tilespmem:$0xA060] =	vst v63  }
0xac: {  	_ =	swait.ge [sflag:s6], $0x1F40  }
0xad: {  	[sflag:s6] =	ssyncset.done $0x0  }
0xae: {  	[sflag:s6] =	ssyncadd.s32 $0xFFFFE0C0  }
0xaf: {  	[tilespmem:s10], [sflag:$0x2] =	stream.indirect.gather [hbm4b:s3+s8], $0x8, s29, s8, $0xb8;
	[tilespmem:$0xA060] =	vst v63  }
0xb0: {  	_ =	swait.ge [sflag:s16], $0x1F40  }
0xb1: {  	[sflag:s16] =	ssyncset.done $0x0  }
0xb2: {  	[sflag:s16] =	ssyncadd.s32 $0xFFFFE0C0  }
0xb3: {  	[spmem:s19] =	stream.indirect.scatter.add.f32 [tilespmem:s14], [sflag:$0x4], $0x8, s25, s8, $0xb8;
	[tilespmem:$0xA060] =	vst v63  }
0xb4: {  	_ =	swait.ge [sflag:s6], $0x1F40  }
0xb5: {  	[sflag:s6] =	ssyncset.done $0x0  }
0xb6: {  	[sflag:s6] =	ssyncadd.s32 $0xFFFFE0C0  }
0xb7: {  	[tilespmem:s14], [sflag:$0x1] =	stream.indirect.gather [hbm4b:s3+s8], $0x8, s26, s8, $0xb8;
	[tilespmem:$0xA060] =	vst v63  }
0xb8: {  	_ =	swait.ge [sflag:s12], $0x1F40  }
0xb9: {  	[sflag:s12] =	ssyncset.done $0x0  }
0xba: {  	[sflag:s12] =	ssyncadd.s32 $0xFFFFE0C0  }
0xbb: {  	[spmem:s19] =	stream.indirect.scatter.add.f32 [tilespmem:s10], [sflag:$0x4], $0x8, s23, s8, $0xb8;
	[tilespmem:$0xA060] =	vst v63  }
0xbc: {  	_ =	swait.ge [sflag:s6], $0x1F40  }
0xbd: {  	[sflag:s6] =	ssyncset.done $0x0  }
0xbe: {  	[sflag:s6] =	ssyncadd.s32 $0xFFFFE0C0  }
0xbf: {  	[tilespmem:s10], [sflag:$0x2] =	stream.indirect.gather [hbm4b:s3+s8], $0x8, s24, s8, $0xb8;
	[tilespmem:$0xA060] =	vst v63  }
0xc0: {  	_ =	swait.ge [sflag:s16], $0x1F40  }
0xc1: {  	[sflag:s16] =	ssyncset.done $0x0  }
0xc2: {  	[sflag:s16] =	ssyncadd.s32 $0xFFFFE0C0  }
0xc3: {  	[spmem:s19] =	stream.indirect.scatter.add.f32 [tilespmem:s14], [sflag:$0x4], $0x8, s22, s8, $0xb8;
	[tilespmem:$0xA060] =	vst v63  }
0xc4: {  	_ =	swait.ge [sflag:s6], $0x1F40  }
0xc5: {  	[sflag:s6] =	ssyncset.done $0x0  }
0xc6: {  	[sflag:s6] =	ssyncadd.s32 $0xFFFFE0C0  }
0xc7: {  	[tilespmem:s14], [sflag:$0x1] =	stream.indirect.gather [hbm4b:s3+s8], $0x8, s15, s8, $0xb8;
	[tilespmem:$0xA060] =	vst v63  }
0xc8: {  	_ =	swait.ge [sflag:s12], $0x1F40  }
0xc9: {  	[sflag:s12] =	ssyncset.done $0x0  }
0xca: {  	[sflag:s12] =	ssyncadd.s32 $0xFFFFE0C0  }
0xcb: {  	[spmem:s19] =	stream.indirect.scatter.add.f32 [tilespmem:s10], [sflag:$0x4], $0x8, s21, s8, $0xb8;
	[tilespmem:$0xA060] =	vst v63  }
0xcc: {  	_ =	swait.ge [sflag:s6], $0x1F40  }
0xcd: {  	[sflag:s6] =	ssyncset.done $0x0  }
0xce: {  	[sflag:s6] =	ssyncadd.s32 $0xFFFFE0C0  }
0xcf: {  	[tilespmem:s10], [sflag:$0x2] =	stream.indirect.gather [hbm4b:s3+s8], $0x8, s4, s8, $0xb8;
	[tilespmem:$0xA060] =	vst v63  }
0xd0: {  	_ =	swait.ge [sflag:s16], $0x1F40  }
0xd1: {  	[sflag:s16] =	ssyncset.done $0x0  }
0xd2: {  	s29 =	simm.s32 $0x4650;
	[sflag:s16] =	ssyncadd.s32 $0xFFFFE0C0  }
0xd3: {  	[spmem:s19] =	stream.indirect.scatter.add.f32 [tilespmem:s14], [sflag:$0x4], $0x8, s29, s8, $0xb8;
	[tilespmem:$0xA060] =	vst v63  }
0xd4: {  	_ =	swait.ge [sflag:s6], $0x1F40  }
0xd5: {  	[sflag:s6] =	ssyncset.done $0x0  }
0xd6: {  	[sflag:s6] =	ssyncadd.s32 $0xFFFFE0C0  }
0xd7: {  	_ =	swait.ge [sflag:s12], $0x1F40  }
0xd8: {  	[sflag:s12] =	ssyncset.done $0x0  }
0xd9: {  	[sflag:s12] =	ssyncadd.s32 $0xFFFFE0C0  }
0xda: {  	[spmem:s19] =	stream.indirect.scatter.add.f32 [tilespmem:s10], [sflag:$0x4], $0x8, s9, s8, $0xb8;
	[tilespmem:$0xA060] =	vst v63  }
0xdb: {  	_ =	swait.ge [sflag:s6], $0x1F40  }
0xdc: {  	[sflag:s6] =	ssyncset.done $0x0  }
0xdd: {  	p1 =	sne.s32 s1, $0x1;
	[sflag:s6] =	ssyncadd.s32 $0xFFFFE0C0  }
.Ltmp1:
0xde: {  	[bflag:$0x0] =	sbarrier.arrive $0xFFFF;
	(pc) =	sbr.rel @!p1 .LBB2_7-.Ltmp1, $4  }
0xdf: {  	s30 =	rddreg [dreg:$0x17]  }
0xe0: {  	[hbm:s30], [sflag:s31] =	dma.local [spmem:s7], $0x278  }
0xe1: {  	p0 =	por $0x1, $0x1;
	_ =	swait.ge [sflag:s6], $0x278  }
0xe2: {  	s9 =	sadd.s32 $0xFFFFFFFF, s1;
	s11 =	rddreg [dreg:$0x3];
	[sflag:s6] =	ssyncset.done $0x0  }
0xe3: {  	s21 =	simm.s32 $0x2AF8;
	s20 =	simm.s32 $0x7D0  }
0xe4: {  	s18 =	simm.s32 $0x2EE0;
	s17 =	simm.s32 $0xBB8;
	s30 =	simm.s32 $0x32C8  }
0xe5: {  	s2 =	simm.s32 $0xFA0;
	s28 =	simm.s32 $0x36B0;
	s29 =	simm.s32 $0x1388  }
0xe6: {  	s25 =	simm.s32 $0x3A98;
	s26 =	simm.s32 $0x1770;
	s22 =	simm.s32 $0x3E80  }
0xe7: {  	s24 =	simm.s32 $0x1B58;
	s23 =	simm.s32 $0x4268;
	s15 =	simm.s32 $0x1F40  }
.LBB2_4:
0xe8: {  	[sflag:s6] =	ssyncadd.s32 $0xFFFFFD88  }
0xe9: {  	[spmem:s7], [sflag:s31] =	dma.local [hbm:s11], $0x278  }
0xea: {  	_ =	swait.ge [sflag:s6], $0x278  }
0xeb: {  	[sflag:s6] =	ssyncset.done $0x0  }
0xec: {  	s13 =	rddreg [dreg:$0x18];
	[sflag:s6] =	ssyncadd.s32 $0xFFFFFD88  }
0xed: {  	[tilespmem:s5], [sflag:$0x3] =	stream.linear.gather [hbm4b:s13+s5], $0x3E8, $0x38;
	[tilespmem:$0xA060] =	vst v63  }
0xee: {  	s1 =	simm.s32 $0x2710;
	s11 =	rddreg [dreg:$0x4]  }
0xef: {  	[tilespmem:s1], [sflag:$0x3] =	stream.linear.gather [hbm4b:s11+s5], $0x3E8, $0x38;
	[tilespmem:$0xA060] =	vst v63  }
0xf0: {  	s4 =	rddreg [dreg:$0x5]  }
0xf1: {  	[tilespmem:s8], [sflag:$0x3] =	stream.linear.gather [hbm4b:s4+s5], $0x3E8, $0x38;
	[tilespmem:$0xA060] =	vst v63  }
0xf2: {  	s11 =	rddreg [dreg:$0x6]  }
0xf3: {  	[tilespmem:s21], [sflag:$0x3] =	stream.linear.gather [hbm4b:s11+s5], $0x3E8, $0x38;
	[tilespmem:$0xA060] =	vst v63  }
0xf4: {  	s4 =	rddreg [dreg:$0x7]  }
0xf5: {  	[tilespmem:s20], [sflag:$0x3] =	stream.linear.gather [hbm4b:s4+s5], $0x3E8, $0x38;
	[tilespmem:$0xA060] =	vst v63  }
0xf6: {  	s11 =	rddreg [dreg:$0x8]  }
0xf7: {  	[tilespmem:s18], [sflag:$0x3] =	stream.linear.gather [hbm4b:s11+s5], $0x3E8, $0x38;
	[tilespmem:$0xA060] =	vst v63  }
0xf8: {  	s4 =	rddreg [dreg:$0x9]  }
0xf9: {  	[tilespmem:s17], [sflag:$0x3] =	stream.linear.gather [hbm4b:s4+s5], $0x3E8, $0x38;
	[tilespmem:$0xA060] =	vst v63  }
0xfa: {  	s11 =	rddreg [dreg:$0xa]  }
0xfb: {  	[tilespmem:s30], [sflag:$0x3] =	stream.linear.gather [hbm4b:s11+s5], $0x3E8, $0x38;
	[tilespmem:$0xA060] =	vst v63  }
0xfc: {  	s4 =	rddreg [dreg:$0xb]  }
0xfd: {  	[tilespmem:s2], [sflag:$0x3] =	stream.linear.gather [hbm4b:s4+s5], $0x3E8, $0x38;
	[tilespmem:$0xA060] =	vst v63  }
0xfe: {  	s11 =	rddreg [dreg:$0xc]  }
0xff: {  	[tilespmem:s28], [sflag:$0x3] =	stream.linear.gather [hbm4b:s11+s5], $0x3E8, $0x38;
	[tilespmem:$0xA060] =	vst v63  }
0x100: {  	s4 =	rddreg [dreg:$0xd]  }
0x101: {  	[tilespmem:s29], [sflag:$0x3] =	stream.linear.gather [hbm4b:s4+s5], $0x3E8, $0x38;
	[tilespmem:$0xA060] =	vst v63  }
0x102: {  	s11 =	rddreg [dreg:$0xe]  }
0x103: {  	[tilespmem:s25], [sflag:$0x3] =	stream.linear.gather [hbm4b:s11+s5], $0x3E8, $0x38;
	[tilespmem:$0xA060] =	vst v63  }
0x104: {  	s4 =	rddreg [dreg:$0xf]  }
0x105: {  	[tilespmem:s26], [sflag:$0x3] =	stream.linear.gather [hbm4b:s4+s5], $0x3E8, $0x38;
	[tilespmem:$0xA060] =	vst v63  }
0x106: {  	s11 =	rddreg [dreg:$0x10]  }
0x107: {  	[tilespmem:s22], [sflag:$0x3] =	stream.linear.gather [hbm4b:s11+s5], $0x3E8, $0x38;
	[tilespmem:$0xA060] =	vst v63  }
0x108: {  	s4 =	rddreg [dreg:$0x11]  }
0x109: {  	[tilespmem:s24], [sflag:$0x3] =	stream.linear.gather [hbm4b:s4+s5], $0x3E8, $0x38;
	[tilespmem:$0xA060] =	vst v63  }
0x10a: {  	s11 =	rddreg [dreg:$0x12]  }
0x10b: {  	[tilespmem:s23], [sflag:$0x3] =	stream.linear.gather [hbm4b:s11+s5], $0x3E8, $0x38;
	[tilespmem:$0xA060] =	vst v63  }
0x10c: {  	s4 =	rddreg [dreg:$0x13]  }
0x10d: {  	[tilespmem:s15], [sflag:$0x3] =	stream.linear.gather [hbm4b:s4+s5], $0x3E8, $0x38;
	[tilespmem:$0xA060] =	vst v63  }
0x10e: {  	s11 =	rddreg [dreg:$0x14];
	s4 =	simm.s32 $0x4650  }
0x10f: {  	[tilespmem:s4], [sflag:$0x3] =	stream.linear.gather [hbm4b:s11+s5], $0x3E8, $0x38;
	[tilespmem:$0xA060] =	vst v63  }
0x110: {  	s13 =	rddreg [dreg:$0x15];
	s4 =	simm.s32 $0x2328  }
0x111: {  	[tilespmem:s4], [sflag:$0x3] =	stream.linear.gather [hbm4b:s13+s5], $0x3E8, $0x38;
	[tilespmem:$0xA060] =	vst v63  }
0x112: {  	s11 =	rddreg [dreg:$0x16];
	s13 =	simm.s32 $0x4A38  }
0x113: {  	[tilespmem:s13], [sflag:$0x3] =	stream.linear.gather [hbm4b:s11+s5], $0x3E8, $0x38;
	[tilespmem:$0xA060] =	vst v63  }
0x114: {  	_ =	swait.ge [sflag:s0], $0x3E8  }
0x115: {  	[sflag:s0] =	ssyncset.done $0x0  }
0x116: {  	[sflag:s0] =	ssyncadd.s32 $0xFFFFFC18  }
0x117: {  	_ =	swait.ge [sflag:s0], $0x3E8  }
0x118: {  	[sflag:s0] =	ssyncset.done $0x0  }
0x119: {  	[sflag:s0] =	ssyncadd.s32 $0xFFFFFC18  }
0x11a: {  	_ =	swait.ge [sflag:s0], $0x3E8  }
0x11b: {  	[sflag:s0] =	ssyncset.done $0x0  }
0x11c: {  	[sflag:s0] =	ssyncadd.s32 $0xFFFFFC18  }
0x11d: {  	_ =	swait.ge [sflag:s0], $0x3E8  }
0x11e: {  	[sflag:s0] =	ssyncset.done $0x0  }
0x11f: {  	[sflag:s0] =	ssyncadd.s32 $0xFFFFFC18  }
0x120: {  	_ =	swait.ge [sflag:s0], $0x3E8  }
0x121: {  	[sflag:s0] =	ssyncset.done $0x0  }
0x122: {  	[sflag:s0] =	ssyncadd.s32 $0xFFFFFC18  }
0x123: {  	_ =	swait.ge [sflag:s0], $0x3E8  }
0x124: {  	[sflag:s0] =	ssyncset.done $0x0  }
0x125: {  	[sflag:s0] =	ssyncadd.s32 $0xFFFFFC18  }
0x126: {  	_ =	swait.ge [sflag:s0], $0x3E8  }
0x127: {  	[sflag:s0] =	ssyncset.done $0x0  }
0x128: {  	[sflag:s0] =	ssyncadd.s32 $0xFFFFFC18  }
0x129: {  	_ =	swait.ge [sflag:s0], $0x3E8  }
0x12a: {  	[sflag:s0] =	ssyncset.done $0x0  }
0x12b: {  	[sflag:s0] =	ssyncadd.s32 $0xFFFFFC18  }
0x12c: {  	_ =	swait.ge [sflag:s0], $0x3E8  }
0x12d: {  	[sflag:s0] =	ssyncset.done $0x0  }
0x12e: {  	[sflag:s0] =	ssyncadd.s32 $0xFFFFFC18  }
0x12f: {  	_ =	swait.ge [sflag:s0], $0x3E8  }
0x130: {  	[sflag:s0] =	ssyncset.done $0x0  }
0x131: {  	[sflag:s0] =	ssyncadd.s32 $0xFFFFFC18  }
0x132: {  	_ =	swait.ge [sflag:s0], $0x3E8  }
0x133: {  	[sflag:s0] =	ssyncset.done $0x0  }
0x134: {  	[sflag:s0] =	ssyncadd.s32 $0xFFFFFC18  }
0x135: {  	_ =	swait.ge [sflag:s0], $0x3E8  }
0x136: {  	[sflag:s0] =	ssyncset.done $0x0  }
0x137: {  	[sflag:s0] =	ssyncadd.s32 $0xFFFFFC18  }
0x138: {  	_ =	swait.ge [sflag:s0], $0x3E8  }
0x139: {  	[sflag:s0] =	ssyncset.done $0x0  }
0x13a: {  	[sflag:s0] =	ssyncadd.s32 $0xFFFFFC18  }
0x13b: {  	_ =	swait.ge [sflag:s0], $0x3E8  }
0x13c: {  	[sflag:s0] =	ssyncset.done $0x0  }
0x13d: {  	[sflag:s0] =	ssyncadd.s32 $0xFFFFFC18  }
0x13e: {  	_ =	swait.ge [sflag:s0], $0x3E8  }
0x13f: {  	[sflag:s0] =	ssyncset.done $0x0  }
0x140: {  	[sflag:s0] =	ssyncadd.s32 $0xFFFFFC18  }
0x141: {  	_ =	swait.ge [sflag:s0], $0x3E8  }
0x142: {  	[sflag:s0] =	ssyncset.done $0x0  }
0x143: {  	[sflag:s0] =	ssyncadd.s32 $0xFFFFFC18  }
0x144: {  	_ =	swait.ge [sflag:s0], $0x3E8  }
0x145: {  	[sflag:s0] =	ssyncset.done $0x0  }
0x146: {  	[sflag:s0] =	ssyncadd.s32 $0xFFFFFC18  }
0x147: {  	_ =	swait.ge [sflag:s0], $0x3E8  }
0x148: {  	[sflag:s0] =	ssyncset.done $0x0  }
0x149: {  	[sflag:s0] =	ssyncadd.s32 $0xFFFFFC18  }
0x14a: {  	_ =	swait.ge [sflag:s0], $0x3E8  }
0x14b: {  	[sflag:s0] =	ssyncset.done $0x0  }
0x14c: {  	[sflag:s0] =	ssyncadd.s32 $0xFFFFFC18  }
0x14d: {  	_ =	swait.ge [sflag:s0], $0x3E8  }
0x14e: {  	[sflag:s0] =	ssyncset.done $0x0  }
0x14f: {  	[sflag:s0] =	ssyncadd.s32 $0xFFFFFC18  }
0x150: {  	[bflag:$0x0] =	sbarrier.arrive $0xFFFF  }
0x151: {  	[tilespmem:s14], [sflag:$0x1] =	stream.indirect.gather [hbm4b:s3+s8], $0x8, s5, s8, $0xb8;
	[tilespmem:$0xA060] =	vst v63  }
0x152: {  	_ = 	snop  }
0x153: {  	[tilespmem:s10], [sflag:$0x2] =	stream.indirect.gather [hbm4b:s3+s8], $0x8, s8, s8, $0xb8;
	[tilespmem:$0xA060] =	vst v63  }
0x154: {  	_ =	swait.ge [sflag:s16], $0x1F40  }
0x155: {  	[sflag:s16] =	ssyncset.done $0x0  }
0x156: {  	[sflag:s16] =	ssyncadd.s32 $0xFFFFE0C0  }
0x157: {  	[spmem:s19] =	stream.indirect.scatter.add.f32 [tilespmem:s14], [sflag:$0x4], $0x8, s1, s8, $0xb8;
	[tilespmem:$0xA060] =	vst v63  }
0x158: {  	_ =	swait.ge [sflag:s6], $0x1F40  }
0x159: {  	[sflag:s6] =	ssyncset.done $0x0  }
0x15a: {  	[sflag:s6] =	ssyncadd.s32 $0xFFFFE0C0  }
0x15b: {  	[tilespmem:s14], [sflag:$0x1] =	stream.indirect.gather [hbm4b:s3+s8], $0x8, s20, s8, $0xb8;
	[tilespmem:$0xA060] =	vst v63  }
0x15c: {  	_ =	swait.ge [sflag:s12], $0x1F40  }
0x15d: {  	[sflag:s12] =	ssyncset.done $0x0  }
0x15e: {  	[sflag:s12] =	ssyncadd.s32 $0xFFFFE0C0  }
0x15f: {  	[spmem:s19] =	stream.indirect.scatter.add.f32 [tilespmem:s10], [sflag:$0x4], $0x8, s21, s8, $0xb8;
	[tilespmem:$0xA060] =	vst v63  }
0x160: {  	_ =	swait.ge [sflag:s6], $0x1F40  }
0x161: {  	[sflag:s6] =	ssyncset.done $0x0  }
0x162: {  	[sflag:s6] =	ssyncadd.s32 $0xFFFFE0C0  }
0x163: {  	[tilespmem:s10], [sflag:$0x2] =	stream.indirect.gather [hbm4b:s3+s8], $0x8, s17, s8, $0xb8;
	[tilespmem:$0xA060] =	vst v63  }
0x164: {  	_ =	swait.ge [sflag:s16], $0x1F40  }
0x165: {  	[sflag:s16] =	ssyncset.done $0x0  }
0x166: {  	[sflag:s16] =	ssyncadd.s32 $0xFFFFE0C0  }
0x167: {  	[spmem:s19] =	stream.indirect.scatter.add.f32 [tilespmem:s14], [sflag:$0x4], $0x8, s18, s8, $0xb8;
	[tilespmem:$0xA060] =	vst v63  }
0x168: {  	_ =	swait.ge [sflag:s6], $0x1F40  }
0x169: {  	[sflag:s6] =	ssyncset.done $0x0  }
0x16a: {  	[sflag:s6] =	ssyncadd.s32 $0xFFFFE0C0  }
0x16b: {  	[tilespmem:s14], [sflag:$0x1] =	stream.indirect.gather [hbm4b:s3+s8], $0x8, s2, s8, $0xb8;
	[tilespmem:$0xA060] =	vst v63  }
0x16c: {  	_ =	swait.ge [sflag:s12], $0x1F40  }
0x16d: {  	[sflag:s12] =	ssyncset.done $0x0  }
0x16e: {  	[sflag:s12] =	ssyncadd.s32 $0xFFFFE0C0  }
0x16f: {  	[spmem:s19] =	stream.indirect.scatter.add.f32 [tilespmem:s10], [sflag:$0x4], $0x8, s30, s8, $0xb8;
	[tilespmem:$0xA060] =	vst v63  }
0x170: {  	_ =	swait.ge [sflag:s6], $0x1F40  }
0x171: {  	[sflag:s6] =	ssyncset.done $0x0  }
0x172: {  	[sflag:s6] =	ssyncadd.s32 $0xFFFFE0C0  }
0x173: {  	[tilespmem:s10], [sflag:$0x2] =	stream.indirect.gather [hbm4b:s3+s8], $0x8, s29, s8, $0xb8;
	[tilespmem:$0xA060] =	vst v63  }
0x174: {  	_ =	swait.ge [sflag:s16], $0x1F40  }
0x175: {  	[sflag:s16] =	ssyncset.done $0x0  }
0x176: {  	[sflag:s16] =	ssyncadd.s32 $0xFFFFE0C0  }
0x177: {  	[spmem:s19] =	stream.indirect.scatter.add.f32 [tilespmem:s14], [sflag:$0x4], $0x8, s28, s8, $0xb8;
	[tilespmem:$0xA060] =	vst v63  }
0x178: {  	_ =	swait.ge [sflag:s6], $0x1F40  }
0x179: {  	[sflag:s6] =	ssyncset.done $0x0  }
0x17a: {  	[sflag:s6] =	ssyncadd.s32 $0xFFFFE0C0  }
0x17b: {  	[tilespmem:s14], [sflag:$0x1] =	stream.indirect.gather [hbm4b:s3+s8], $0x8, s26, s8, $0xb8;
	[tilespmem:$0xA060] =	vst v63  }
0x17c: {  	_ =	swait.ge [sflag:s12], $0x1F40  }
0x17d: {  	[sflag:s12] =	ssyncset.done $0x0  }
0x17e: {  	[sflag:s12] =	ssyncadd.s32 $0xFFFFE0C0  }
0x17f: {  	[spmem:s19] =	stream.indirect.scatter.add.f32 [tilespmem:s10], [sflag:$0x4], $0x8, s25, s8, $0xb8;
	[tilespmem:$0xA060] =	vst v63  }
0x180: {  	_ =	swait.ge [sflag:s6], $0x1F40  }
0x181: {  	[sflag:s6] =	ssyncset.done $0x0  }
0x182: {  	[sflag:s6] =	ssyncadd.s32 $0xFFFFE0C0  }
0x183: {  	[tilespmem:s10], [sflag:$0x2] =	stream.indirect.gather [hbm4b:s3+s8], $0x8, s24, s8, $0xb8;
	[tilespmem:$0xA060] =	vst v63  }
0x184: {  	_ =	swait.ge [sflag:s16], $0x1F40  }
0x185: {  	[sflag:s16] =	ssyncset.done $0x0  }
0x186: {  	[sflag:s16] =	ssyncadd.s32 $0xFFFFE0C0  }
0x187: {  	[spmem:s19] =	stream.indirect.scatter.add.f32 [tilespmem:s14], [sflag:$0x4], $0x8, s22, s8, $0xb8;
	[tilespmem:$0xA060] =	vst v63  }
0x188: {  	_ =	swait.ge [sflag:s6], $0x1F40  }
0x189: {  	[sflag:s6] =	ssyncset.done $0x0  }
0x18a: {  	[sflag:s6] =	ssyncadd.s32 $0xFFFFE0C0  }
0x18b: {  	[tilespmem:s14], [sflag:$0x1] =	stream.indirect.gather [hbm4b:s3+s8], $0x8, s15, s8, $0xb8;
	[tilespmem:$0xA060] =	vst v63  }
0x18c: {  	_ =	swait.ge [sflag:s12], $0x1F40  }
0x18d: {  	[sflag:s12] =	ssyncset.done $0x0  }
0x18e: {  	[sflag:s12] =	ssyncadd.s32 $0xFFFFE0C0  }
0x18f: {  	[spmem:s19] =	stream.indirect.scatter.add.f32 [tilespmem:s10], [sflag:$0x4], $0x8, s23, s8, $0xb8;
	[tilespmem:$0xA060] =	vst v63  }
0x190: {  	_ =	swait.ge [sflag:s6], $0x1F40  }
0x191: {  	[sflag:s6] =	ssyncset.done $0x0  }
0x192: {  	[sflag:s6] =	ssyncadd.s32 $0xFFFFE0C0  }
0x193: {  	[tilespmem:s10], [sflag:$0x2] =	stream.indirect.gather [hbm4b:s3+s8], $0x8, s4, s8, $0xb8;
	[tilespmem:$0xA060] =	vst v63  }
0x194: {  	_ =	swait.ge [sflag:s16], $0x1F40  }
0x195: {  	[sflag:s16] =	ssyncset.done $0x0  }
0x196: {  	s11 =	simm.s32 $0x4650;
	[sflag:s16] =	ssyncadd.s32 $0xFFFFE0C0  }
0x197: {  	[spmem:s19] =	stream.indirect.scatter.add.f32 [tilespmem:s14], [sflag:$0x4], $0x8, s11, s8, $0xb8;
	[tilespmem:$0xA060] =	vst v63  }
0x198: {  	_ =	swait.ge [sflag:s6], $0x1F40  }
0x199: {  	[sflag:s6] =	ssyncset.done $0x0  }
0x19a: {  	[sflag:s6] =	ssyncadd.s32 $0xFFFFE0C0  }
0x19b: {  	_ =	swait.ge [sflag:s12], $0x1F40  }
0x19c: {  	[sflag:s12] =	ssyncset.done $0x0  }
0x19d: {  	[sflag:s12] =	ssyncadd.s32 $0xFFFFE0C0  }
0x19e: {  	[spmem:s19] =	stream.indirect.scatter.add.f32 [tilespmem:s10], [sflag:$0x4], $0x8, s13, s8, $0xb8;
	[tilespmem:$0xA060] =	vst v63  }
0x19f: {  	_ =	swait.ge [sflag:s6], $0x1F40  }
0x1a0: {  	[sflag:s6] =	ssyncset.done $0x0  }
0x1a1: {  	p1 =	sne.s32 s9, $0x1;
	[sflag:s6] =	ssyncadd.s32 $0xFFFFE0C0  }
.Ltmp2:
0x1a2: {  	[bflag:$0x0] =	sbarrier.arrive $0xFFFF;
	(pc) =	sbr.rel @p1 .LBB2_4-.Ltmp2, $4  }
0x1a3: {  	s13 =	rddreg [dreg:$0x17]  }
0x1a4: {  	[hbm:s13], [sflag:s31] =	dma.local [spmem:s7], $0x278  }
0x1a5: {  	_ =	swait.ge [sflag:s6], $0x278  }
0x1a6: {  	s9 =	sadd.s32 $0xFFFFFFFF, s9;
	s11 =	rddreg [dreg:$0x3];
	[sflag:s6] =	ssyncset.done $0x0  }
0x1a7: {  	s1 =	rddreg [dreg:$0x18];
	s13 =	stileid.u32  }
.LBB2_6:
0x1a8: {  	[sflag:s6] =	ssyncadd.s32 @p0 $0xFFFFFD88  }
0x1a9: {  	[spmem:s7], [sflag:s31] =	dma.local [hbm:s11], $0x278  }
0x1aa: {  	_ =	swait.ge [sflag:s6], $0x278  }
0x1ab: {  	[sflag:s6] =	ssyncset.done $0x0  }
0x1ac: {  	[sflag:s6] =	ssyncadd.s32 $0xFFFFFD88  }
0x1ad: {  	[tilespmem:s5], [sflag:$0x3] =	stream.linear.gather [hbm4b:s1+s5], $0x3E8, $0x38;
	[tilespmem:$0xA060] =	vst v63  }
0x1ae: {  	s11 =	simm.s32 $0x2710;
	s9 =	rddreg [dreg:$0x4]  }
0x1af: {  	[tilespmem:s11], [sflag:$0x3] =	stream.linear.gather [hbm4b:s9+s5], $0x3E8, $0x38;
	[tilespmem:$0xA060] =	vst v63  }
0x1b0: {  	s26 =	rddreg [dreg:$0x5]  }
0x1b1: {  	[tilespmem:s8], [sflag:$0x3] =	stream.linear.gather [hbm4b:s26+s5], $0x3E8, $0x38;
	[tilespmem:$0xA060] =	vst v63  }
0x1b2: {  	s30 =	simm.s32 $0x2AF8;
	s28 =	rddreg [dreg:$0x6]  }
0x1b3: {  	[tilespmem:s30], [sflag:$0x3] =	stream.linear.gather [hbm4b:s28+s5], $0x3E8, $0x38;
	[tilespmem:$0xA060] =	vst v63  }
0x1b4: {  	s4 =	smov.u32 s31;
	s31 =	simm.s32 $0x7D0;
	s29 =	rddreg [dreg:$0x7]  }
0x1b5: {  	[tilespmem:s31], [sflag:$0x3] =	stream.linear.gather [hbm4b:s29+s5], $0x3E8, $0x38;
	[tilespmem:$0xA060] =	vst v63  }
0x1b6: {  	s2 =	rddreg [dreg:$0x8];
	s28 =	simm.s32 $0x2EE0  }
0x1b7: {  	[tilespmem:s28], [sflag:$0x3] =	stream.linear.gather [hbm4b:s2+s5], $0x3E8, $0x38;
	[tilespmem:$0xA060] =	vst v63  }
0x1b8: {  	s15 =	rddreg [dreg:$0x9];
	s29 =	simm.s32 $0xBB8  }
0x1b9: {  	[tilespmem:s29], [sflag:$0x3] =	stream.linear.gather [hbm4b:s15+s5], $0x3E8, $0x38;
	[tilespmem:$0xA060] =	vst v63  }
0x1ba: {  	s25 =	simm.s32 $0x32C8;
	s17 =	rddreg [dreg:$0xa]  }
0x1bb: {  	[tilespmem:s25], [sflag:$0x3] =	stream.linear.gather [hbm4b:s17+s5], $0x3E8, $0x38;
	[tilespmem:$0xA060] =	vst v63  }
0x1bc: {  	s18 =	rddreg [dreg:$0xb];
	s26 =	simm.s32 $0xFA0  }
0x1bd: {  	[tilespmem:s26], [sflag:$0x3] =	stream.linear.gather [hbm4b:s18+s5], $0x3E8, $0x38;
	[tilespmem:$0xA060] =	vst v63  }
0x1be: {  	s23 =	simm.s32 $0x36B0;
	s20 =	rddreg [dreg:$0xc]  }
0x1bf: {  	[tilespmem:s23], [sflag:$0x3] =	stream.linear.gather [hbm4b:s20+s5], $0x3E8, $0x38;
	[tilespmem:$0xA060] =	vst v63  }
0x1c0: {  	s24 =	simm.s32 $0x1388;
	s21 =	rddreg [dreg:$0xd]  }
0x1c1: {  	[tilespmem:s24], [sflag:$0x3] =	stream.linear.gather [hbm4b:s21+s5], $0x3E8, $0x38;
	[tilespmem:$0xA060] =	vst v63  }
0x1c2: {  	s22 =	rddreg [dreg:$0xe];
	s21 =	simm.s32 $0x3A98  }
0x1c3: {  	[tilespmem:s21], [sflag:$0x3] =	stream.linear.gather [hbm4b:s22+s5], $0x3E8, $0x38;
	[tilespmem:$0xA060] =	vst v63  }
0x1c4: {  	s2 =	rddreg [dreg:$0xf];
	s22 =	simm.s32 $0x1770  }
0x1c5: {  	[tilespmem:s22], [sflag:$0x3] =	stream.linear.gather [hbm4b:s2+s5], $0x3E8, $0x38;
	[tilespmem:$0xA060] =	vst v63  }
0x1c6: {  	s15 =	rddreg [dreg:$0x10];
	s2 =	simm.s32 $0x3E80  }
0x1c7: {  	[tilespmem:s2], [sflag:$0x3] =	stream.linear.gather [hbm4b:s15+s5], $0x3E8, $0x38;
	[tilespmem:$0xA060] =	vst v63  }
0x1c8: {  	s17 =	rddreg [dreg:$0x11];
	s20 =	simm.s32 $0x1B58  }
0x1c9: {  	[tilespmem:s20], [sflag:$0x3] =	stream.linear.gather [hbm4b:s17+s5], $0x3E8, $0x38;
	[tilespmem:$0xA060] =	vst v63  }
0x1ca: {  	s18 =	rddreg [dreg:$0x12];
	s15 =	simm.s32 $0x4268  }
0x1cb: {  	[tilespmem:s15], [sflag:$0x3] =	stream.linear.gather [hbm4b:s18+s5], $0x3E8, $0x38;
	[tilespmem:$0xA060] =	vst v63  }
0x1cc: {  	s17 =	rddreg [dreg:$0x13];
	s18 =	simm.s32 $0x1F40  }
0x1cd: {  	[tilespmem:s18], [sflag:$0x3] =	stream.linear.gather [hbm4b:s17+s5], $0x3E8, $0x38;
	[tilespmem:$0xA060] =	vst v63  }
0x1ce: {  	s9 =	rddreg [dreg:$0x14];
	s17 =	simm.s32 $0x4650  }
0x1cf: {  	[tilespmem:s17], [sflag:$0x3] =	stream.linear.gather [hbm4b:s9+s5], $0x3E8, $0x38;
	[tilespmem:$0xA060] =	vst v63  }
0x1d0: {  	s1 =	rddreg [dreg:$0x15];
	s17 =	simm.s32 $0x2328  }
0x1d1: {  	[tilespmem:s17], [sflag:$0x3] =	stream.linear.gather [hbm4b:s1+s5], $0x3E8, $0x38;
	[tilespmem:$0xA060] =	vst v63  }
0x1d2: {  	s9 =	rddreg [dreg:$0x16];
	s1 =	simm.s32 $0x4A38  }
0x1d3: {  	[tilespmem:s1], [sflag:$0x3] =	stream.linear.gather [hbm4b:s9+s5], $0x3E8, $0x38;
	[tilespmem:$0xA060] =	vst v63  }
0x1d4: {  	_ =	swait.ge [sflag:s0], $0x3E8  }
0x1d5: {  	[sflag:s0] =	ssyncset.done $0x0  }
0x1d6: {  	[sflag:s0] =	ssyncadd.s32 $0xFFFFFC18  }
0x1d7: {  	_ =	swait.ge [sflag:s0], $0x3E8  }
0x1d8: {  	[sflag:s0] =	ssyncset.done $0x0  }
0x1d9: {  	[sflag:s0] =	ssyncadd.s32 $0xFFFFFC18  }
0x1da: {  	_ =	swait.ge [sflag:s0], $0x3E8  }
0x1db: {  	[sflag:s0] =	ssyncset.done $0x0  }
0x1dc: {  	[sflag:s0] =	ssyncadd.s32 $0xFFFFFC18  }
0x1dd: {  	_ =	swait.ge [sflag:s0], $0x3E8  }
0x1de: {  	[sflag:s0] =	ssyncset.done $0x0  }
0x1df: {  	[sflag:s0] =	ssyncadd.s32 $0xFFFFFC18  }
0x1e0: {  	_ =	swait.ge [sflag:s0], $0x3E8  }
0x1e1: {  	[sflag:s0] =	ssyncset.done $0x0  }
0x1e2: {  	[sflag:s0] =	ssyncadd.s32 $0xFFFFFC18  }
0x1e3: {  	_ =	swait.ge [sflag:s0], $0x3E8  }
0x1e4: {  	[sflag:s0] =	ssyncset.done $0x0  }
0x1e5: {  	[sflag:s0] =	ssyncadd.s32 $0xFFFFFC18  }
0x1e6: {  	_ =	swait.ge [sflag:s0], $0x3E8  }
0x1e7: {  	[sflag:s0] =	ssyncset.done $0x0  }
0x1e8: {  	[sflag:s0] =	ssyncadd.s32 $0xFFFFFC18  }
0x1e9: {  	_ =	swait.ge [sflag:s0], $0x3E8  }
0x1ea: {  	[sflag:s0] =	ssyncset.done $0x0  }
0x1eb: {  	[sflag:s0] =	ssyncadd.s32 $0xFFFFFC18  }
0x1ec: {  	_ =	swait.ge [sflag:s0], $0x3E8  }
0x1ed: {  	[sflag:s0] =	ssyncset.done $0x0  }
0x1ee: {  	[sflag:s0] =	ssyncadd.s32 $0xFFFFFC18  }
0x1ef: {  	_ =	swait.ge [sflag:s0], $0x3E8  }
0x1f0: {  	[sflag:s0] =	ssyncset.done $0x0  }
0x1f1: {  	[sflag:s0] =	ssyncadd.s32 $0xFFFFFC18  }
0x1f2: {  	_ =	swait.ge [sflag:s0], $0x3E8  }
0x1f3: {  	[sflag:s0] =	ssyncset.done $0x0  }
0x1f4: {  	[sflag:s0] =	ssyncadd.s32 $0xFFFFFC18  }
0x1f5: {  	_ =	swait.ge [sflag:s0], $0x3E8  }
0x1f6: {  	[sflag:s0] =	ssyncset.done $0x0  }
0x1f7: {  	[sflag:s0] =	ssyncadd.s32 $0xFFFFFC18  }
0x1f8: {  	_ =	swait.ge [sflag:s0], $0x3E8  }
0x1f9: {  	[sflag:s0] =	ssyncset.done $0x0  }
0x1fa: {  	[sflag:s0] =	ssyncadd.s32 $0xFFFFFC18  }
0x1fb: {  	_ =	swait.ge [sflag:s0], $0x3E8  }
0x1fc: {  	[sflag:s0] =	ssyncset.done $0x0  }
0x1fd: {  	[sflag:s0] =	ssyncadd.s32 $0xFFFFFC18  }
0x1fe: {  	_ =	swait.ge [sflag:s0], $0x3E8  }
0x1ff: {  	[sflag:s0] =	ssyncset.done $0x0  }
0x200: {  	[sflag:s0] =	ssyncadd.s32 $0xFFFFFC18  }
0x201: {  	_ =	swait.ge [sflag:s0], $0x3E8  }
0x202: {  	[sflag:s0] =	ssyncset.done $0x0  }
0x203: {  	[sflag:s0] =	ssyncadd.s32 $0xFFFFFC18  }
0x204: {  	_ =	swait.ge [sflag:s0], $0x3E8  }
0x205: {  	[sflag:s0] =	ssyncset.done $0x0  }
0x206: {  	[sflag:s0] =	ssyncadd.s32 $0xFFFFFC18  }
0x207: {  	_ =	swait.ge [sflag:s0], $0x3E8  }
0x208: {  	[sflag:s0] =	ssyncset.done $0x0  }
0x209: {  	[sflag:s0] =	ssyncadd.s32 $0xFFFFFC18  }
0x20a: {  	_ =	swait.ge [sflag:s0], $0x3E8  }
0x20b: {  	[sflag:s0] =	ssyncset.done $0x0  }
0x20c: {  	[sflag:s0] =	ssyncadd.s32 $0xFFFFFC18  }
0x20d: {  	_ =	swait.ge [sflag:s0], $0x3E8  }
0x20e: {  	[sflag:s0] =	ssyncset.done $0x0  }
0x20f: {  	[sflag:s0] =	ssyncadd.s32 $0xFFFFFC18  }
0x210: {  	[bflag:$0x0] =	sbarrier.arrive $0xFFFF  }
0x211: {  	[tilespmem:s14], [sflag:$0x1] =	stream.indirect.gather [hbm4b:s3+s8], $0x8, s5, s8, $0xb8;
	[tilespmem:$0xA060] =	vst v63  }
0x212: {  	_ = 	snop  }
0x213: {  	[tilespmem:s10], [sflag:$0x2] =	stream.indirect.gather [hbm4b:s3+s8], $0x8, s8, s8, $0xb8;
	[tilespmem:$0xA060] =	vst v63  }
0x214: {  	_ =	swait.ge [sflag:s16], $0x1F40  }
0x215: {  	[sflag:s16] =	ssyncset.done $0x0  }
0x216: {  	[sflag:s16] =	ssyncadd.s32 $0xFFFFE0C0  }
0x217: {  	[spmem:s19] =	stream.indirect.scatter.add.f32 [tilespmem:s14], [sflag:$0x4], $0x8, s11, s8, $0xb8;
	[tilespmem:$0xA060] =	vst v63  }
0x218: {  	_ =	swait.ge [sflag:s6], $0x1F40  }
0x219: {  	[sflag:s6] =	ssyncset.done $0x0  }
0x21a: {  	[sflag:s6] =	ssyncadd.s32 $0xFFFFE0C0  }
0x21b: {  	[tilespmem:s14], [sflag:$0x1] =	stream.indirect.gather [hbm4b:s3+s8], $0x8, s31, s8, $0xb8;
	[tilespmem:$0xA060] =	vst v63  }
0x21c: {  	_ =	swait.ge [sflag:s12], $0x1F40  }
0x21d: {  	[sflag:s12] =	ssyncset.done $0x0  }
0x21e: {  	[sflag:s12] =	ssyncadd.s32 $0xFFFFE0C0  }
0x21f: {  	[spmem:s19] =	stream.indirect.scatter.add.f32 [tilespmem:s10], [sflag:$0x4], $0x8, s30, s8, $0xb8;
	[tilespmem:$0xA060] =	vst v63  }
0x220: {  	_ =	swait.ge [sflag:s6], $0x1F40  }
0x221: {  	[sflag:s6] =	ssyncset.done $0x0  }
0x222: {  	[sflag:s6] =	ssyncadd.s32 $0xFFFFE0C0  }
0x223: {  	[tilespmem:s10], [sflag:$0x2] =	stream.indirect.gather [hbm4b:s3+s8], $0x8, s29, s8, $0xb8;
	[tilespmem:$0xA060] =	vst v63  }
0x224: {  	_ =	swait.ge [sflag:s16], $0x1F40  }
0x225: {  	[sflag:s16] =	ssyncset.done $0x0  }
0x226: {  	[sflag:s16] =	ssyncadd.s32 $0xFFFFE0C0  }
0x227: {  	[spmem:s19] =	stream.indirect.scatter.add.f32 [tilespmem:s14], [sflag:$0x4], $0x8, s28, s8, $0xb8;
	[tilespmem:$0xA060] =	vst v63  }
0x228: {  	_ =	swait.ge [sflag:s6], $0x1F40  }
0x229: {  	[sflag:s6] =	ssyncset.done $0x0  }
0x22a: {  	[sflag:s6] =	ssyncadd.s32 $0xFFFFE0C0  }
0x22b: {  	[tilespmem:s14], [sflag:$0x1] =	stream.indirect.gather [hbm4b:s3+s8], $0x8, s26, s8, $0xb8;
	[tilespmem:$0xA060] =	vst v63  }
0x22c: {  	_ =	swait.ge [sflag:s12], $0x1F40  }
0x22d: {  	[sflag:s12] =	ssyncset.done $0x0  }
0x22e: {  	[sflag:s12] =	ssyncadd.s32 $0xFFFFE0C0  }
0x22f: {  	[spmem:s19] =	stream.indirect.scatter.add.f32 [tilespmem:s10], [sflag:$0x4], $0x8, s25, s8, $0xb8;
	[tilespmem:$0xA060] =	vst v63  }
0x230: {  	_ =	swait.ge [sflag:s6], $0x1F40  }
0x231: {  	[sflag:s6] =	ssyncset.done $0x0  }
0x232: {  	[sflag:s6] =	ssyncadd.s32 $0xFFFFE0C0  }
0x233: {  	[tilespmem:s10], [sflag:$0x2] =	stream.indirect.gather [hbm4b:s3+s8], $0x8, s24, s8, $0xb8;
	[tilespmem:$0xA060] =	vst v63  }
0x234: {  	_ =	swait.ge [sflag:s16], $0x1F40  }
0x235: {  	[sflag:s16] =	ssyncset.done $0x0  }
0x236: {  	[sflag:s16] =	ssyncadd.s32 $0xFFFFE0C0  }
0x237: {  	[spmem:s19] =	stream.indirect.scatter.add.f32 [tilespmem:s14], [sflag:$0x4], $0x8, s23, s8, $0xb8;
	[tilespmem:$0xA060] =	vst v63  }
0x238: {  	_ =	swait.ge [sflag:s6], $0x1F40  }
0x239: {  	[sflag:s6] =	ssyncset.done $0x0  }
0x23a: {  	[sflag:s6] =	ssyncadd.s32 $0xFFFFE0C0  }
0x23b: {  	[tilespmem:s14], [sflag:$0x1] =	stream.indirect.gather [hbm4b:s3+s8], $0x8, s22, s8, $0xb8;
	[tilespmem:$0xA060] =	vst v63  }
0x23c: {  	_ =	swait.ge [sflag:s12], $0x1F40  }
0x23d: {  	[sflag:s12] =	ssyncset.done $0x0  }
0x23e: {  	[sflag:s12] =	ssyncadd.s32 $0xFFFFE0C0  }
0x23f: {  	[spmem:s19] =	stream.indirect.scatter.add.f32 [tilespmem:s10], [sflag:$0x4], $0x8, s21, s8, $0xb8;
	[tilespmem:$0xA060] =	vst v63  }
0x240: {  	_ =	swait.ge [sflag:s6], $0x1F40  }
0x241: {  	[sflag:s6] =	ssyncset.done $0x0  }
0x242: {  	[sflag:s6] =	ssyncadd.s32 $0xFFFFE0C0  }
0x243: {  	[tilespmem:s10], [sflag:$0x2] =	stream.indirect.gather [hbm4b:s3+s8], $0x8, s20, s8, $0xb8;
	[tilespmem:$0xA060] =	vst v63  }
0x244: {  	_ =	swait.ge [sflag:s16], $0x1F40  }
0x245: {  	[sflag:s16] =	ssyncset.done $0x0  }
0x246: {  	[sflag:s16] =	ssyncadd.s32 $0xFFFFE0C0  }
0x247: {  	[spmem:s19] =	stream.indirect.scatter.add.f32 [tilespmem:s14], [sflag:$0x4], $0x8, s2, s8, $0xb8;
	[tilespmem:$0xA060] =	vst v63  }
0x248: {  	_ =	swait.ge [sflag:s6], $0x1F40  }
0x249: {  	[sflag:s6] =	ssyncset.done $0x0  }
0x24a: {  	[sflag:s6] =	ssyncadd.s32 $0xFFFFE0C0  }
0x24b: {  	[tilespmem:s14], [sflag:$0x1] =	stream.indirect.gather [hbm4b:s3+s8], $0x8, s18, s8, $0xb8;
	[tilespmem:$0xA060] =	vst v63  }
0x24c: {  	_ =	swait.ge [sflag:s12], $0x1F40  }
0x24d: {  	[sflag:s12] =	ssyncset.done $0x0  }
0x24e: {  	[sflag:s12] =	ssyncadd.s32 $0xFFFFE0C0  }
0x24f: {  	[spmem:s19] =	stream.indirect.scatter.add.f32 [tilespmem:s10], [sflag:$0x4], $0x8, s15, s8, $0xb8;
	[tilespmem:$0xA060] =	vst v63  }
0x250: {  	_ =	swait.ge [sflag:s6], $0x1F40  }
0x251: {  	[sflag:s6] =	ssyncset.done $0x0  }
0x252: {  	[sflag:s6] =	ssyncadd.s32 $0xFFFFE0C0  }
0x253: {  	[tilespmem:s10], [sflag:$0x2] =	stream.indirect.gather [hbm4b:s3+s8], $0x8, s17, s8, $0xb8;
	[tilespmem:$0xA060] =	vst v63  }
0x254: {  	_ =	swait.ge [sflag:s16], $0x1F40  }
0x255: {  	[sflag:s16] =	ssyncset.done $0x0  }
0x256: {  	s30 =	simm.s32 $0x4650;
	[sflag:s16] =	ssyncadd.s32 $0xFFFFE0C0  }
0x257: {  	[spmem:s19] =	stream.indirect.scatter.add.f32 [tilespmem:s14], [sflag:$0x4], $0x8, s30, s8, $0xb8;
	[tilespmem:$0xA060] =	vst v63  }
0x258: {  	_ =	swait.ge [sflag:s6], $0x1F40  }
0x259: {  	[sflag:s6] =	ssyncset.done $0x0  }
0x25a: {  	[sflag:s6] =	ssyncadd.s32 $0xFFFFE0C0  }
0x25b: {  	_ =	swait.ge [sflag:s12], $0x1F40  }
0x25c: {  	[sflag:s12] =	ssyncset.done $0x0  }
0x25d: {  	[sflag:s12] =	ssyncadd.s32 $0xFFFFE0C0  }
0x25e: {  	[spmem:s19] =	stream.indirect.scatter.add.f32 [tilespmem:s10], [sflag:$0x4], $0x8, s1, s8, $0xb8;
	[tilespmem:$0xA060] =	vst v63  }
0x25f: {  	_ =	swait.ge [sflag:s6], $0x1F40  }
0x260: {  	[sflag:s6] =	ssyncset.done $0x0  }
0x261: {  	[sflag:s6] =	ssyncadd.s32 $0xFFFFE0C0  }
0x262: {  	[bflag:$0x0] =	sbarrier.arrive $0xFFFF  }
0x263: {  	s31 =	rddreg [dreg:$0x17]  }
0x264: {  	[hbm:s31], [sflag:s4] =	dma.local [spmem:s7], $0x278  }
0x265: {  	_ =	swait.ge [sflag:s6], $0x278  }
0x266: {  	[sflag:s6] =	ssyncset.done $0x0  }
0x267: {  	[sflag:s6] =	ssyncadd.s32 $0xFFFFFD88  }
0x268: {  	_ =	sfence.sel $0x180000  }
0x269: {  	[bflag:$0x0] =	sbarrier.arrive $0xFFFF  }
0x26a: {  	_ =	strace $0x9000004A  }
0x26b: {  	[bflag:$0x2] =	sbarrier.arrive $0xFFFF  }
0x26c: {  	p0 =	sne.s32 s13, $0x0;
	s0 =	rddreg [dreg:$0x2]  }
0x26d: {  	s0 =	sadd.s32 @!p0 $0x100000, s0  }
0x26e: {  	[sflag:s0] =	ssyncadd.tile.s32 @!p0 $0x1;
	_ =	shalt  }
.LBB2_1:
.Ltmp3:
0x26f: {  	(pc) =	sbr.rel .LBB2_6-.Ltmp3, $2  }
0x270: {  	_ =	sdelay $0x2  }
0x271: {  	s1 =	rddreg [dreg:$0x18]  }
.LBB2_7:
.Ltmp4:
0x272: {  	(pc) =	sbr.rel .LBB2_6-.Ltmp4, $2  }
0x273: {  	_ =	sdelay $0x2  }
0x274: {  	s1 =	rddreg [dreg:$0x18];
	s13 =	stileid.u32  }
.Lfunc_end2:
_tile_overlayer_lowered:
.L_overlay_start_2:
0x275: {  	(tag) =	ssettag $0x2  }
0x276: {  	s0 =	rddreg [dreg:$0x0];
	s2 =	stileid.u32  }
0x277: {  	s1 =	rddreg [dreg:$0x1];
	p0 =	sne.s32 s2, $0x0  }
0x278: {  	s3 =	rddreg [dreg:$0x2];
	[bflag:$0x3] =	sbarrier.arrive $0xFFFF;
	s2 =	simm.s32 @!p0 $0x1C04  }
0x279: {  	[timem:s3], [sflag:s2] =	dma.local @!p0 [hbm:s0], s1  }
0x27a: {  	s0 =	simm.s32 @!p0 $0x4  }
0x27b: {  	_ =	swait.ge @!p0 [sflag:s0], s1  }
0x27c: {  	s1 =	ssub.s32 @!p0 $0x0, s1;
	[sflag:s0] =	ssyncset.done @!p0 $0x0  }
0x27d: {  	[sflag:s0] =	ssyncadd.s32 @!p0 s1  }
0x27e: {  	[bflag:$0x3] =	sbarrier.arrive $0xFFFF  }
0x27f: {  	_ =	shalt  }

// kernel: kernel.14.cloned.1.call-start
scs
__scs_entry_jumppad:
0x0: {  	(pc) =	sbr.rel $0x88, $3  }
0x1: {  	(tag) =	ssettag $0x0;
	lr =	simm.s32 $0x1  }
0x2: {  	[smem:$0x3F9B] =	sst lr;
	_ =	strace $0xD0000000  }
0x3: {  	_ = 	snop  }
0x4: {  	_ = 	snop  }
0x5: {  	_ = 	snop  }
0x6: {  	_ = 	snop  }
0x7: {  	_ = 	snop  }
__scs_overlays_trampoline_lowered:
0x8: {  	[smem:$0x3FAA] =	sst s0  }
0x9: {  	[smem:$0x3FAB] =	sst s1  }
0xa: {  	[smem:$0x3FAC] =	sst s2  }
0xb: {  	[smem:$0x3FAD] =	sst s3  }
0xc: {  	[smem:$0x3FAE] =	sst s4  }
0xd: {  	[smem:$0x3FAF] =	sst s5  }
0xe: {  	[smem:$0x3FB0] =	sst s6  }
0xf: {  	[smem:$0x3FB1] =	sst s7  }
0x10: {  	[smem:$0x3FB2] =	sst s8  }
0x11: {  	[smem:$0x3FB3] =	sst s9;
	s0 =	simm.s32 @!p0 $0x0  }
0x12: {  	s1 =	sld [smem:$0x3F99];
	s0 =	simm.s32 @p0 $0x1  }
0x13: {  	[smem:$0x3FB4] =	sst s0;
	s0 =	simm.s32 @!p1 $0x0  }
0x14: {  	s2 =	sld [smem:$0x3F98];
	s0 =	simm.s32 @p1 $0x1  }
0x15: {  	[smem:$0x3FB5] =	sst s0;
	s0 =	simm.s32 @!p2 $0x0  }
0x16: {  	s3 =	sld [smem:$0x3FDB];
	s0 =	simm.s32 @p2 $0x1  }
0x17: {  	s4 =	simm.s32 $0x1BF5;
	[smem:$0x3FB7] =	sst s0  }
0x18: {  	s0 =	sld [smem:$0x3F9A];
	_ =	swait.ge [sflag:s4], $0x0  }
0x19: {  	s7 =	sld [smem:$0x3F9B]  }
0x1a: {  	s8 =	sadd.s32 $0xFFFFE003, lr  }
0x1b: {  	s9 =	sadd.s32 $0xFFFFFEF7, lr;
	s5 =	simm.s32 $0xFFFFFFFF;
	p2 =	slt.u32 s8, $0xFFFFF086  }
0x1c: {  	p1 =	slt.u32 s9, $0xF7A;
	s5 =	simm.s32 @!p2 $0x0  }
0x1d: {  	s5 =	simm.s32 @p1 $0x1;
	p0 =	seq.s32 s7, s2  }
0x1e: {  	s7 =	smul.u32 @!p0 $0xF7A, s2;
	p2 =	seq.s32 @!p0 s5, $0x0  }
0x1f: {  	s9 =	smul.u32 $0xF7A, s1;
	s8 =	simm.s32 @!p0 $0x1BF5;
	p2 =	por !p2, p0  }
0x20: {  	[sflag:s8] =	ssyncset.s32 @!p0 $0xFFFFF086;
	s6 =	sadd.s32 @!p0 s3, s7;
	s7 =	simm.s32 @!p0 $0x108  }
0x21: {  	s3 =	sadd.s32 s3, s9;
	s6 =	sadd.s32 @!p0 $0x88, s6;
	s7 =	simm.s32 @p2 $0x1082  }
0x22: {  	[simem:s7], [sflag:s8] =	dma.local @!p0 [hbm:s6], $0xF7A  }
0x23: {  	s9 =	sor.u32 $0xD0000000, s2;
	s6 =	simm.s32 $0x108;
	_ =	swait.ge @!p0 [sflag:s8], $0x0  }
0x24: {  	s3 =	sadd.s32 $0x88, s3;
	s6 =	simm.s32 @!p1 $0x1082;
	[sflag:s4] =	ssyncset.s32 $0xFFFFF086  }
0x25: {  	[simem:s6], [sflag:s4] =	dma.local [hbm:s3], $0xF7A  }
0x26: {  	[smem:$0x3F9B] =	sst s1;
	(tag) =	ssettag s2;
	_ =	strace s9  }
0x27: {  	s1 =	sld [smem:$0x3FAB]  }
0x28: {  	s2 =	sld [smem:$0x3FAC]  }
0x29: {  	s4 =	sld [smem:$0x3FAE]  }
0x2a: {  	p0 =	seq.s32 s5, $0x0;
	s5 =	sld [smem:$0x3FAF]  }
0x2b: {  	s6 =	sld [smem:$0x3FB0]  }
0x2c: {  	s7 =	sld [smem:$0x3FB1]  }
0x2d: {  	s3 =	simm.s32 $0x108;
	s8 =	sld [smem:$0x3FB2]  }
0x2e: {  	s3 =	simm.s32 @!p0 $0x1082;
	s9 =	sld [smem:$0x3FB3]  }
0x2f: {  	lr =	sadd.s32 s0, s3;
	s0 =	sld [smem:$0x3FAA]  }
0x30: {  	s3 =	sld [smem:$0x3FAD]  }
0x31: {  	[smem:$0x3FB6] =	sst s10  }
0x32: {  	s10 =	sld [smem:$0x3FB4];
	_ =	sdelay $0x3  }
0x33: {  	p0 =	seq.s32 s10, $0x1;
	s10 =	sld [smem:$0x3FB6];
	_ =	sdelay $0x3  }
0x34: {  	[smem:$0x3FB6] =	sst s10  }
0x35: {  	s10 =	sld [smem:$0x3FB5];
	_ =	sdelay $0x3  }
0x36: {  	p1 =	seq.s32 s10, $0x1;
	s10 =	sld [smem:$0x3FB6];
	_ =	sdelay $0x3  }
0x37: {  	[smem:$0x3FB6] =	sst s10  }
0x38: {  	s10 =	sld [smem:$0x3FB7]  }
0x39: {  	_ = 	snop;
	(pc) =	sbr.ind lr, $3  }
0x3a: {  	_ = 	snop  }
0x3b: {  	_ = 	snop  }
0x3c: {  	p2 =	seq.s32 s10, $0x1;
	s10 =	sld [smem:$0x3FB6]  }
0x3d: {  	_ =	shalt  }
0x3e: {  	_ =	shalt  }
0x3f: {  	_ =	shalt  }
0x40: {  	_ =	shalt  }
0x41: {  	_ =	shalt  }
0x42: {  	_ =	shalt  }
0x43: {  	_ =	shalt  }
0x44: {  	_ =	shalt  }
0x45: {  	_ =	shalt  }
0x46: {  	_ =	shalt  }
0x47: {  	_ =	shalt  }
0x48: {  	_ =	shalt  }
0x49: {  	_ =	shalt  }
0x4a: {  	_ =	shalt  }
0x4b: {  	_ =	shalt  }
0x4c: {  	_ =	shalt  }
0x4d: {  	_ =	shalt  }
0x4e: {  	_ =	shalt  }
0x4f: {  	_ =	shalt  }
0x50: {  	_ =	shalt  }
0x51: {  	_ =	shalt  }
0x52: {  	_ =	shalt  }
0x53: {  	_ =	shalt  }
0x54: {  	_ =	shalt  }
0x55: {  	_ =	shalt  }
0x56: {  	_ =	shalt  }
0x57: {  	_ =	shalt  }
0x58: {  	_ =	shalt  }
0x59: {  	_ =	shalt  }
0x5a: {  	_ =	shalt  }
0x5b: {  	_ =	shalt  }
0x5c: {  	_ =	shalt  }
0x5d: {  	_ =	shalt  }
0x5e: {  	_ =	shalt  }
0x5f: {  	_ =	shalt  }
0x60: {  	_ =	shalt  }
0x61: {  	_ =	shalt  }
0x62: {  	_ =	shalt  }
0x63: {  	_ =	shalt  }
0x64: {  	_ =	shalt  }
0x65: {  	_ =	shalt  }
0x66: {  	_ =	shalt  }
0x67: {  	_ =	shalt  }
0x68: {  	_ =	shalt  }
0x69: {  	_ =	shalt  }
0x6a: {  	_ =	shalt  }
0x6b: {  	_ =	shalt  }
0x6c: {  	_ =	shalt  }
0x6d: {  	_ =	shalt  }
0x6e: {  	_ =	shalt  }
0x6f: {  	_ =	shalt  }
0x70: {  	_ =	shalt  }
0x71: {  	_ =	shalt  }
0x72: {  	_ =	shalt  }
0x73: {  	_ =	shalt  }
0x74: {  	_ =	shalt  }
0x75: {  	_ =	shalt  }
0x76: {  	_ =	shalt  }
0x77: {  	_ =	shalt  }
0x78: {  	_ =	shalt  }
0x79: {  	_ =	shalt  }
0x7a: {  	_ =	shalt  }
0x7b: {  	_ =	shalt  }
0x7c: {  	_ =	shalt  }
0x7d: {  	_ =	shalt  }
0x7e: {  	_ =	shalt  }
0x7f: {  	_ =	shalt  }
0x80: {  	_ =	shalt  }
0x81: {  	_ =	shalt  }
0x82: {  	_ =	shalt  }
0x83: {  	_ =	shalt  }
0x84: {  	_ =	shalt  }
0x85: {  	_ =	shalt  }
0x86: {  	_ =	shalt  }
0x87: {  	_ =	shalt  }
.Lfunc_end0:
.L_simem_size_0:
called_computation.2_lowered:
.L_overlay_start_0:
0x88: {  	s2 =	sld [smem:$0x3FD9]  }
0x89: {  	s3 =	sld [smem:$0x3FFE];
	_ =	sdelay $0x1  }
0x8a: {  	s1 =	srdreg.scid  }
0x8b: {  	s0 =	sand.u32 $0x1, s1  }
0x8c: {  	s16 =	sshll.u32 s0, $0xA;
	s2 =	sadd.s32 s3, s2  }
0x8d: {  	s2 =	sadd.s32 s2, s16  }
0x8e: {  	[smem:$0x3FC2] =	sst s2  }
0x8f: {  	_ = 	snop  }
0x90: {  	(tm) =	ssettm $0x1  }
0x91: {  	s17 =	sld [smem:$0x3FFB];
	_ =	sdelay $0x3  }
0x92: {  	_ =	strace s17  }
0x93: {  	s2 =	sld [smem:$0x3FFC];
	_ =	sdelay $0x3  }
0x94: {  	_ =	strace s2  }
0x95: {  	s2 =	sld [smem:$0x3FFD];
	_ =	sdelay $0x3  }
0x96: {  	_ =	strace s2  }
0x97: {  	_ =	strace $0x8FFFFFFF  }
0x98: {  	s18 =	sld [smem:$0x3FDB];
	_ =	sdelay $0x1  }
0x99: {  	s19 =	simm.s32 $_scs_section_size  }
0x9a: {  	s4 =	simm.s32 $_size__tile_overlayer_lowered;
	s5 =	simm.s32 $_tile_overlayer_lowered  }
0x9b: {  	s22 =	simm.s32 $0x1BFF;
	s21 =	sshll.u32 s5, $0x1;
	s2 =	sadd.s32 s19, s18  }
0x9c: {  	s6 =	simm.s32 $0x0;
	s20 =	sshll.u32 s4, $0x1;
	s4 =	sadd.s32 s21, s2  }
0x9d: {  	[timem:s6], [sflag:s22] =	dma.local [hbm:s4], s20  }
0x9e: {  	_ =	swait.ge [sflag:s22], s20  }
0x9f: {  	s3 =	ssub.s32 $0x0, s20;
	[sflag:s22] =	ssyncset.done $0x0  }
0xa0: {  	[sflag:s22] =	ssyncadd.s32 s3;
	_ =	sdelay $0x1  }
0xa1: {  	s23 =	simm.s32 $0x1B8B  }
0xa2: {  	_ =	swait.ge [sflag:s23], $0x1  }
0xa3: {  	[sflag:s23] =	ssyncset.done $0x0  }
0xa4: {  	s25 =	simm.s32 $0x1B8E;
	s24 =	sld [smem:$0x3FFE];
	[sflag:s23] =	ssyncadd.s32 $0xFFFFFFFF  }
0xa5: {  	s26 =	simm.s32 $execute0_lowered;
	[smem:$0x3FD2] =	sst s25  }
0xa6: {  	s4 =	sshll.u32 s26, $0x1;
	_ =	strace $0x8000004C;
	[dreg:$0x1] =	wrdreg $0xFFFFFFFF  }
0xa7: {  	s28 =	simm.s32 $_size_execute0_lowered;
	s2 =	sadd.s32 s2, s4;
	[dreg:$0x0] =	wrdreg $0x0  }
0xa8: {  	s4 =	sshll.u32 s28, $0x1;
	[dreg:$0x2] =	wrdreg s2  }
0xa9: {  	[dreg:$0x3] =	wrdreg s4  }
0xaa: {  	[dreg:$0x4] =	wrdreg $0xC0  }
0xab: {  	_ =	task [dreg:s6], $0x5FFFF  }
0xac: {  	[dreg:$0x1] =	wrdreg $0xFFFFFFFF  }
0xad: {  	[dreg:$0x0] =	wrdreg $0x60  }
0xae: {  	[dreg:$0x2] =	wrdreg s24  }
0xaf: {  	[dreg:$0x3] =	wrdreg $0x8CA00  }
0xb0: {  	[dreg:$0x4] =	wrdreg $0x9  }
0xb1: {  	_ =	task.clear_ibuf [dreg:s6], $0x5FFFF;
	_ =	strace $0x9000004C  }
0xb2: {  	s29 =	simm.s32 $0x9;
	_ =	strace $0x8000004E  }
0xb3: {  	_ =	swait.ge [sflag:s29], $0x1  }
0xb4: {  	[sflag:s29] =	ssyncadd.s32 $0xFFFFFFFF  }
0xb5: {  	_ =	strace $0x9000004E  }
0xb6: {  	_ =	sfence  }
0xb7: {  	s30 =	sld [smem:$0x0];
	_ =	sdelay $0x2  }
0xb8: {  	s31 =	sshll.u32 s1, $0xD;
	s1 =	sshrl.u32 s1, $0x2  }
0xb9: {  	s3 =	sand.u32 $0x4000, s31;
	s1 =	sadd.s32 s1, s30  }
0xba: {  	s0 =	sor.u32 s3, s0;
	s1 =	sshll.u32 s1, $0x11  }
0xbb: {  	s0 =	sor.u32 s1, s0  }
0xbc: {  	s0 =	sadd.s32 $0x8F2B, s0  }
0xbd: {  	[sflag:s0] =	ssyncadd.remote.s32 $0x1  }
0xbe: {  	_ =	sfence.sel $0xFFFF  }
0xbf: {  	[dreg:$0x0] =	wrdreg $0xFFFFFFFF;
	(pc) =	sbr.abs _section_cstart, $3  }
0xc0: {  	[dreg:$0x1] =	wrdreg $0xFFFFFFFF  }
0xc1: {  	_ =	task.clear_ibuf [dreg:s6], $0x2FFFF;
	_ =	strace $0x9FFFFFFF  }
0xc2: {  	(tm) =	ssettm $0x7FFFFFFF  }
0xc3: {  	_ =	shalt  }
tec
execute0_lowered:
.L_overlay_start_1:
0x0: {  	(tag) =	ssettag $0x1  }
0x1: {  	s8 =	rddreg [dreg:$0x0]  }
0x2: {  	s19 =	rddreg [dreg:$0x1];
	s13 =	stileid.u32  }
0x3: {  	s1 =	srdreg.scid;
	s5 =	simm.s32 $0x0;
	p0 =	por $0x0, $0x0  }
0x4: {  	s0 =	smul.u32 $0x13C0, s13;
	s7 =	sand.u32 $0x1, s1;
	s17 =	sshll.u32 s13, $0x1  }
0x5: {  	[smem:$0x7FF] =	sst s5;
	s4 =	sadd.s32 $0x2800, s8;
	s1 =	sor.u32 s7, s17  }
0x6: {  	_ =	strace $0x8000004D;
	s3 =	sshrl.u32 s0, $0x3;
	s6 =	smul.u32 $0x2710, s1  }
0x7: {  	s2 =	smul.u32 $0x13C00, s7;
	s7 =	ssub.s32 $0x2, s7;
	s18 =	sadd.s32 s3, s8  }
0x8: {  	s1 =	sadd.s32 $0x16200, s18;
	s20 =	sshrl.u32 s6, $0x3;
	s21 =	sadd.s32 $0x3E8, s6  }
0x9: {  	s10 =	sadd.s32 $0x4E5E8, s6;
	s25 =	sadd.s32 $0xBB8, s6;
	s28 =	sadd.s32 $0x4EDB8, s6  }
0xa: {  	s14 =	sadd.s32 $0x1388, s6;
	s12 =	sadd.s32 $0x4F588, s6;
	s18 =	sadd.s32 $0x1B58, s6  }
0xb: {  	[dreg:$0x3] =	wrdreg s1;
	s1 =	sadd.s32 s4, s20;
	s3 =	sshrl.u32 s21, $0x3  }
0xc: {  	s22 =	sshrl.u32 s10, $0x3;
	s9 =	sadd.s32 $0x9C40, s1;
	[dreg:$0x18] =	wrdreg s1  }
0xd: {  	s29 =	sshrl.u32 s28, $0x3;
	s3 =	sadd.s32 s4, s3;
	[dreg:$0x4] =	wrdreg s9  }
0xe: {  	s15 =	sshrl.u32 s12, $0x3;
	s23 =	sadd.s32 s4, s22;
	[dreg:$0x5] =	wrdreg s3  }
0xf: {  	s10 =	sadd.s32 s0, s2;
	s24 =	sadd.s32 $0xFA, s1;
	[dreg:$0x6] =	wrdreg s23  }
0x10: {  	s21 =	sadd.s32 $0x4FD58, s6;
	s26 =	sadd.s32 $0x9D3A, s1;
	[dreg:$0x7] =	wrdreg s24  }
0x11: {  	s0 =	sadd.s32 s0, s19;
	s30 =	sadd.s32 $0x1F4, s1;
	[dreg:$0x8] =	wrdreg s26  }
0x12: {  	s12 =	simm.s32 $0x2;
	s11 =	sadd.s32 $0x9E34, s1;
	[dreg:$0xb] =	wrdreg s30  }
0x13: {  	s16 =	sadd.s32 s4, s15;
	s10 =	sshrl.u32 s10, $0x3;
	[dreg:$0xc] =	wrdreg s11  }
0x14: {  	s17 =	sadd.s32 $0x2EE, s1;
	s20 =	sadd.s32 $0x9F2E, s1;
	[dreg:$0xe] =	wrdreg s16  }
0x15: {  	s22 =	sshrl.u32 s21, $0x3;
	s28 =	sadd.s32 $0xA028, s1;
	[dreg:$0xf] =	wrdreg s17  }
0x16: {  	s3 =	sshrl.u32 s25, $0x3;
	s9 =	sadd.s32 s4, s29;
	[dreg:$0x10] =	wrdreg s20  }
0x17: {  	s23 =	sadd.s32 s4, s22;
	s24 =	sshrl.u32 s7, $0x1;
	[dreg:$0x14] =	wrdreg s28  }
0x18: {  	s25 =	sadd.s32 $0x3E8, s1;
	s26 =	sadd.s32 $0x2328, s6;
	s11 =	rddreg [dreg:$0x3]  }
0x19: {  	s6 =	sadd.s32 $0x50528, s6;
	s29 =	sshll.u32 s13, $0x6;
	[dreg:$0xa] =	wrdreg s9  }
0x1a: {  	s16 =	simm.s32 $0x1;
	s3 =	sadd.s32 s4, s3;
	[dreg:$0x12] =	wrdreg s23  }
0x1b: {  	s9 =	sshrl.u32 s14, $0x3;
	s7 =	ssub.s32 s7, s24;
	[dreg:$0x13] =	wrdreg s25  }
0x1c: {  	s6 =	sshrl.u32 s6, $0x3;
	s31 =	sor.u32 $0x1C04, s29;
	s14 =	simm.s32 $0x4E20  }
0x1d: {  	[dreg:$0x9] =	wrdreg s3;
	s3 =	sadd.s32 $0x18A00, s8;
	s9 =	sadd.s32 s4, s9  }
0x1e: {  	s8 =	sadd.s32 s10, s8;
	s30 =	smax.u32 s7, $0x1;
	s7 =	sshrl.u32 s0, $0x3  }
0x1f: {  	[dreg:$0xd] =	wrdreg s9;
	s9 =	sshrl.u32 s18, $0x3;
	p1 =	sne.s32 s30, $0x1  }
.Ltmp0:
0x20: {  	s0 =	simm.s32 $0x3;
	s9 =	sadd.s32 s4, s9;
	(pc) =	sbr.rel @!p1 .LBB2_1-.Ltmp0, $4  }
0x21: {  	s8 =	sadd.s32 $0x1B200, s8;
	[dreg:$0x11] =	wrdreg s9;
	s9 =	sshrl.u32 s26, $0x3  }
0x22: {  	s10 =	simm.s32 $0x6D60;
	[dreg:$0x17] =	wrdreg s8;
	s9 =	sadd.s32 s4, s9  }
0x23: {  	s1 =	sadd.s32 $0xFFFFFFFF, s30;
	s4 =	sadd.s32 s4, s6;
	[dreg:$0x15] =	wrdreg s9  }
0x24: {  	s8 =	simm.s32 $0x3E8;
	s6 =	simm.s32 $0x4;
	[dreg:$0x16] =	wrdreg s4  }
0x25: {  	[spmem:s7], [sflag:s31] =	dma.local [hbm:s11], $0x278  }
0x26: {  	_ =	swait.ge [sflag:s6], $0x278  }
0x27: {  	[sflag:s6] =	ssyncset.done $0x0  }
0x28: {  	s9 =	rddreg [dreg:$0x18];
	[sflag:s6] =	ssyncadd.s32 $0xFFFFFD88  }
0x29: {  	[tilespmem:s5], [sflag:$0x3] =	stream.linear.gather [hbm4b:s9+s5], $0x3E8, $0x38;
	[tilespmem:$0xA060] =	vst v63  }
0x2a: {  	s2 =	simm.s32 $0x2710;
	s20 =	rddreg [dreg:$0x4]  }
0x2b: {  	[tilespmem:s2], [sflag:$0x3] =	stream.linear.gather [hbm4b:s20+s5], $0x3E8, $0x38;
	[tilespmem:$0xA060] =	vst v63  }
0x2c: {  	s21 =	rddreg [dreg:$0x5]  }
0x2d: {  	[tilespmem:s8], [sflag:$0x3] =	stream.linear.gather [hbm4b:s21+s5], $0x3E8, $0x38;
	[tilespmem:$0xA060] =	vst v63  }
0x2e: {  	s13 =	simm.s32 $0x2AF8;
	s22 =	rddreg [dreg:$0x6]  }
0x2f: {  	[tilespmem:s13], [sflag:$0x3] =	stream.linear.gather [hbm4b:s22+s5], $0x3E8, $0x38;
	[tilespmem:$0xA060] =	vst v63  }
0x30: {  	s23 =	rddreg [dreg:$0x7];
	s20 =	simm.s32 $0x7D0  }
0x31: {  	[tilespmem:s20], [sflag:$0x3] =	stream.linear.gather [hbm4b:s23+s5], $0x3E8, $0x38;
	[tilespmem:$0xA060] =	vst v63  }
0x32: {  	s18 =	simm.s32 $0x2EE0;
	s24 =	rddreg [dreg:$0x8]  }
0x33: {  	[tilespmem:s18], [sflag:$0x3] =	stream.linear.gather [hbm4b:s24+s5], $0x3E8, $0x38;
	[tilespmem:$0xA060] =	vst v63  }
0x34: {  	s17 =	simm.s32 $0xBB8;
	s25 =	rddreg [dreg:$0x9]  }
0x35: {  	[tilespmem:s17], [sflag:$0x3] =	stream.linear.gather [hbm4b:s25+s5], $0x3E8, $0x38;
	[tilespmem:$0xA060] =	vst v63  }
0x36: {  	s28 =	simm.s32 $0x32C8;
	s26 =	rddreg [dreg:$0xa]  }
0x37: {  	[tilespmem:s28], [sflag:$0x3] =	stream.linear.gather [hbm4b:s26+s5], $0x3E8, $0x38;
	[tilespmem:$0xA060] =	vst v63  }
0x38: {  	s30 =	simm.s32 $0xFA0;
	s29 =	rddreg [dreg:$0xb]  }
0x39: {  	[tilespmem:s30], [sflag:$0x3] =	stream.linear.gather [hbm4b:s29+s5], $0x3E8, $0x38;
	[tilespmem:$0xA060] =	vst v63  }
0x3a: {  	s4 =	rddreg [dreg:$0xc];
	s25 =	simm.s32 $0x36B0  }
0x3b: {  	[tilespmem:s25], [sflag:$0x3] =	stream.linear.gather [hbm4b:s4+s5], $0x3E8, $0x38;
	[tilespmem:$0xA060] =	vst v63  }
0x3c: {  	s15 =	rddreg [dreg:$0xd];
	s29 =	simm.s32 $0x1388  }
0x3d: {  	[tilespmem:s29], [sflag:$0x3] =	stream.linear.gather [hbm4b:s15+s5], $0x3E8, $0x38;
	[tilespmem:$0xA060] =	vst v63  }
0x3e: {  	s21 =	rddreg [dreg:$0xe];
	s23 =	simm.s32 $0x3A98  }
0x3f: {  	[tilespmem:s23], [sflag:$0x3] =	stream.linear.gather [hbm4b:s21+s5], $0x3E8, $0x38;
	[tilespmem:$0xA060] =	vst v63  }
0x40: {  	s22 =	rddreg [dreg:$0xf];
	s26 =	simm.s32 $0x1770  }
0x41: {  	[tilespmem:s26], [sflag:$0x3] =	stream.linear.gather [hbm4b:s22+s5], $0x3E8, $0x38;
	[tilespmem:$0xA060] =	vst v63  }
0x42: {  	s24 =	rddreg [dreg:$0x10];
	s22 =	simm.s32 $0x3E80  }
0x43: {  	[tilespmem:s22], [sflag:$0x3] =	stream.linear.gather [hbm4b:s24+s5], $0x3E8, $0x38;
	[tilespmem:$0xA060] =	vst v63  }
0x44: {  	s4 =	rddreg [dreg:$0x11];
	s24 =	simm.s32 $0x1B58  }
0x45: {  	[tilespmem:s24], [sflag:$0x3] =	stream.linear.gather [hbm4b:s4+s5], $0x3E8, $0x38;
	[tilespmem:$0xA060] =	vst v63  }
0x46: {  	s15 =	rddreg [dreg:$0x12];
	s21 =	simm.s32 $0x4268  }
0x47: {  	[tilespmem:s21], [sflag:$0x3] =	stream.linear.gather [hbm4b:s15+s5], $0x3E8, $0x38;
	[tilespmem:$0xA060] =	vst v63  }
0x48: {  	s4 =	rddreg [dreg:$0x13];
	s15 =	simm.s32 $0x1F40  }
0x49: {  	[tilespmem:s15], [sflag:$0x3] =	stream.linear.gather [hbm4b:s4+s5], $0x3E8, $0x38;
	[tilespmem:$0xA060] =	vst v63  }
0x4a: {  	s11 =	rddreg [dreg:$0x14];
	s4 =	simm.s32 $0x4650  }
0x4b: {  	[tilespmem:s4], [sflag:$0x3] =	stream.linear.gather [hbm4b:s11+s5], $0x3E8, $0x38;
	[tilespmem:$0xA060] =	vst v63  }
0x4c: {  	s9 =	rddreg [dreg:$0x15];
	s4 =	simm.s32 $0x2328  }
0x4d: {  	[tilespmem:s4], [sflag:$0x3] =	stream.linear.gather [hbm4b:s9+s5], $0x3E8, $0x38;
	[tilespmem:$0xA060] =	vst v63  }
0x4e: {  	s11 =	rddreg [dreg:$0x16];
	s9 =	simm.s32 $0x4A38  }
0x4f: {  	[tilespmem:s9], [sflag:$0x3] =	stream.linear.gather [hbm4b:s11+s5], $0x3E8, $0x38;
	[tilespmem:$0xA060] =	vst v63  }
0x50: {  	_ =	swait.ge [sflag:s0], $0x3E8  }
0x51: {  	[sflag:s0] =	ssyncset.done $0x0  }
0x52: {  	[sflag:s0] =	ssyncadd.s32 $0xFFFFFC18  }
0x53: {  	_ =	swait.ge [sflag:s0], $0x3E8  }
0x54: {  	[sflag:s0] =	ssyncset.done $0x0  }
0x55: {  	[sflag:s0] =	ssyncadd.s32 $0xFFFFFC18  }
0x56: {  	_ =	swait.ge [sflag:s0], $0x3E8  }
0x57: {  	[sflag:s0] =	ssyncset.done $0x0  }
0x58: {  	[sflag:s0] =	ssyncadd.s32 $0xFFFFFC18  }
0x59: {  	_ =	swait.ge [sflag:s0], $0x3E8  }
0x5a: {  	[sflag:s0] =	ssyncset.done $0x0  }
0x5b: {  	[sflag:s0] =	ssyncadd.s32 $0xFFFFFC18  }
0x5c: {  	_ =	swait.ge [sflag:s0], $0x3E8  }
0x5d: {  	[sflag:s0] =	ssyncset.done $0x0  }
0x5e: {  	[sflag:s0] =	ssyncadd.s32 $0xFFFFFC18  }
0x5f: {  	_ =	swait.ge [sflag:s0], $0x3E8  }
0x60: {  	[sflag:s0] =	ssyncset.done $0x0  }
0x61: {  	[sflag:s0] =	ssyncadd.s32 $0xFFFFFC18  }
0x62: {  	_ =	swait.ge [sflag:s0], $0x3E8  }
0x63: {  	[sflag:s0] =	ssyncset.done $0x0  }
0x64: {  	[sflag:s0] =	ssyncadd.s32 $0xFFFFFC18  }
0x65: {  	_ =	swait.ge [sflag:s0], $0x3E8  }
0x66: {  	[sflag:s0] =	ssyncset.done $0x0  }
0x67: {  	[sflag:s0] =	ssyncadd.s32 $0xFFFFFC18  }
0x68: {  	_ =	swait.ge [sflag:s0], $0x3E8  }
0x69: {  	[sflag:s0] =	ssyncset.done $0x0  }
0x6a: {  	[sflag:s0] =	ssyncadd.s32 $0xFFFFFC18  }
0x6b: {  	_ =	swait.ge [sflag:s0], $0x3E8  }
0x6c: {  	[sflag:s0] =	ssyncset.done $0x0  }
0x6d: {  	[sflag:s0] =	ssyncadd.s32 $0xFFFFFC18  }
0x6e: {  	_ =	swait.ge [sflag:s0], $0x3E8  }
0x6f: {  	[sflag:s0] =	ssyncset.done $0x0  }
0x70: {  	[sflag:s0] =	ssyncadd.s32 $0xFFFFFC18  }
0x71: {  	_ =	swait.ge [sflag:s0], $0x3E8  }
0x72: {  	[sflag:s0] =	ssyncset.done $0x0  }
0x73: {  	[sflag:s0] =	ssyncadd.s32 $0xFFFFFC18  }
0x74: {  	_ =	swait.ge [sflag:s0], $0x3E8  }
0x75: {  	[sflag:s0] =	ssyncset.done $0x0  }
0x76: {  	[sflag:s0] =	ssyncadd.s32 $0xFFFFFC18  }
0x77: {  	_ =	swait.ge [sflag:s0], $0x3E8  }
0x78: {  	[sflag:s0] =	ssyncset.done $0x0  }
0x79: {  	[sflag:s0] =	ssyncadd.s32 $0xFFFFFC18  }
0x7a: {  	_ =	swait.ge [sflag:s0], $0x3E8  }
0x7b: {  	[sflag:s0] =	ssyncset.done $0x0  }
0x7c: {  	[sflag:s0] =	ssyncadd.s32 $0xFFFFFC18  }
0x7d: {  	_ =	swait.ge [sflag:s0], $0x3E8  }
0x7e: {  	[sflag:s0] =	ssyncset.done $0x0  }
0x7f: {  	[sflag:s0] =	ssyncadd.s32 $0xFFFFFC18  }
0x80: {  	_ =	swait.ge [sflag:s0], $0x3E8  }
0x81: {  	[sflag:s0] =	ssyncset.done $0x0  }
0x82: {  	[sflag:s0] =	ssyncadd.s32 $0xFFFFFC18  }
0x83: {  	_ =	swait.ge [sflag:s0], $0x3E8  }
0x84: {  	[sflag:s0] =	ssyncset.done $0x0  }
0x85: {  	[sflag:s0] =	ssyncadd.s32 $0xFFFFFC18  }
0x86: {  	_ =	swait.ge [sflag:s0], $0x3E8  }
0x87: {  	[sflag:s0] =	ssyncset.done $0x0  }
0x88: {  	[sflag:s0] =	ssyncadd.s32 $0xFFFFFC18  }
0x89: {  	_ =	swait.ge [sflag:s0], $0x3E8  }
0x8a: {  	[sflag:s0] =	ssyncset.done $0x0  }
0x8b: {  	[sflag:s0] =	ssyncadd.s32 $0xFFFFFC18  }
0x8c: {  	[bflag:$0x0] =	sbarrier.arrive $0xFFFF  }
0x8d: {  	[tilespmem:s14], [sflag:$0x1] =	stream.indirect.gather [hbm4b:s3+s8], $0x8, s5, s8, $0xb8;
	[tilespmem:$0xA060] =	vst v63  }
0x8e: {  	_ = 	snop  }
0x8f: {  	[tilespmem:s10], [sflag:$0x2] =	stream.indirect.gather [hbm4b:s3+s8], $0x8, s8, s8, $0xb8;
	[tilespmem:$0xA060] =	vst v63  }
0x90: {  	_ =	swait.ge [sflag:s16], $0x1F40  }
0x91: {  	[sflag:s16] =	ssyncset.done $0x0  }
0x92: {  	[sflag:s16] =	ssyncadd.s32 $0xFFFFE0C0  }
0x93: {  	[spmem:s19] =	stream.indirect.scatter.add.f32 [tilespmem:s14], [sflag:$0x4], $0x8, s2, s8, $0xb8;
	[tilespmem:$0xA060] =	vst v63  }
0x94: {  	_ =	swait.ge [sflag:s6], $0x1F40  }
0x95: {  	[sflag:s6] =	ssyncset.done $0x0  }
0x96: {  	[sflag:s6] =	ssyncadd.s32 $0xFFFFE0C0  }
0x97: {  	[tilespmem:s14], [sflag:$0x1] =	stream.indirect.gather [hbm4b:s3+s8], $0x8, s20, s8, $0xb8;
	[tilespmem:$0xA060] =	vst v63  }
0x98: {  	_ =	swait.ge [sflag:s12], $0x1F40  }
0x99: {  	[sflag:s12] =	ssyncset.done $0x0  }
0x9a: {  	[sflag:s12] =	ssyncadd.s32 $0xFFFFE0C0  }
0x9b: {  	[spmem:s19] =	stream.indirect.scatter.add.f32 [tilespmem:s10], [sflag:$0x4], $0x8, s13, s8, $0xb8;
	[tilespmem:$0xA060] =	vst v63  }
0x9c: {  	_ =	swait.ge [sflag:s6], $0x1F40  }
0x9d: {  	[sflag:s6] =	ssyncset.done $0x0  }
0x9e: {  	[sflag:s6] =	ssyncadd.s32 $0xFFFFE0C0  }
0x9f: {  	[tilespmem:s10], [sflag:$0x2] =	stream.indirect.gather [hbm4b:s3+s8], $0x8, s17, s8, $0xb8;
	[tilespmem:$0xA060] =	vst v63  }
0xa0: {  	_ =	swait.ge [sflag:s16], $0x1F40  }
0xa1: {  	[sflag:s16] =	ssyncset.done $0x0  }
0xa2: {  	[sflag:s16] =	ssyncadd.s32 $0xFFFFE0C0  }
0xa3: {  	[spmem:s19] =	stream.indirect.scatter.add.f32 [tilespmem:s14], [sflag:$0x4], $0x8, s18, s8, $0xb8;
	[tilespmem:$0xA060] =	vst v63  }
0xa4: {  	_ =	swait.ge [sflag:s6], $0x1F40  }
0xa5: {  	[sflag:s6] =	ssyncset.done $0x0  }
0xa6: {  	[sflag:s6] =	ssyncadd.s32 $0xFFFFE0C0  }
0xa7: {  	[tilespmem:s14], [sflag:$0x1] =	stream.indirect.gather [hbm4b:s3+s8], $0x8, s30, s8, $0xb8;
	[tilespmem:$0xA060] =	vst v63  }
0xa8: {  	_ =	swait.ge [sflag:s12], $0x1F40  }
0xa9: {  	[sflag:s12] =	ssyncset.done $0x0  }
0xaa: {  	[sflag:s12] =	ssyncadd.s32 $0xFFFFE0C0  }
0xab: {  	[spmem:s19] =	stream.indirect.scatter.add.f32 [tilespmem:s10], [sflag:$0x4], $0x8, s28, s8, $0xb8;
	[tilespmem:$0xA060] =	vst v63  }
0xac: {  	_ =	swait.ge [sflag:s6], $0x1F40  }
0xad: {  	[sflag:s6] =	ssyncset.done $0x0  }
0xae: {  	[sflag:s6] =	ssyncadd.s32 $0xFFFFE0C0  }
0xaf: {  	[tilespmem:s10], [sflag:$0x2] =	stream.indirect.gather [hbm4b:s3+s8], $0x8, s29, s8, $0xb8;
	[tilespmem:$0xA060] =	vst v63  }
0xb0: {  	_ =	swait.ge [sflag:s16], $0x1F40  }
0xb1: {  	[sflag:s16] =	ssyncset.done $0x0  }
0xb2: {  	[sflag:s16] =	ssyncadd.s32 $0xFFFFE0C0  }
0xb3: {  	[spmem:s19] =	stream.indirect.scatter.add.f32 [tilespmem:s14], [sflag:$0x4], $0x8, s25, s8, $0xb8;
	[tilespmem:$0xA060] =	vst v63  }
0xb4: {  	_ =	swait.ge [sflag:s6], $0x1F40  }
0xb5: {  	[sflag:s6] =	ssyncset.done $0x0  }
0xb6: {  	[sflag:s6] =	ssyncadd.s32 $0xFFFFE0C0  }
0xb7: {  	[tilespmem:s14], [sflag:$0x1] =	stream.indirect.gather [hbm4b:s3+s8], $0x8, s26, s8, $0xb8;
	[tilespmem:$0xA060] =	vst v63  }
0xb8: {  	_ =	swait.ge [sflag:s12], $0x1F40  }
0xb9: {  	[sflag:s12] =	ssyncset.done $0x0  }
0xba: {  	[sflag:s12] =	ssyncadd.s32 $0xFFFFE0C0  }
0xbb: {  	[spmem:s19] =	stream.indirect.scatter.add.f32 [tilespmem:s10], [sflag:$0x4], $0x8, s23, s8, $0xb8;
	[tilespmem:$0xA060] =	vst v63  }
0xbc: {  	_ =	swait.ge [sflag:s6], $0x1F40  }
0xbd: {  	[sflag:s6] =	ssyncset.done $0x0  }
0xbe: {  	[sflag:s6] =	ssyncadd.s32 $0xFFFFE0C0  }
0xbf: {  	[tilespmem:s10], [sflag:$0x2] =	stream.indirect.gather [hbm4b:s3+s8], $0x8, s24, s8, $0xb8;
	[tilespmem:$0xA060] =	vst v63  }
0xc0: {  	_ =	swait.ge [sflag:s16], $0x1F40  }
0xc1: {  	[sflag:s16] =	ssyncset.done $0x0  }
0xc2: {  	[sflag:s16] =	ssyncadd.s32 $0xFFFFE0C0  }
0xc3: {  	[spmem:s19] =	stream.indirect.scatter.add.f32 [tilespmem:s14], [sflag:$0x4], $0x8, s22, s8, $0xb8;
	[tilespmem:$0xA060] =	vst v63  }
0xc4: {  	_ =	swait.ge [sflag:s6], $0x1F40  }
0xc5: {  	[sflag:s6] =	ssyncset.done $0x0  }
0xc6: {  	[sflag:s6] =	ssyncadd.s32 $0xFFFFE0C0  }
0xc7: {  	[tilespmem:s14], [sflag:$0x1] =	stream.indirect.gather [hbm4b:s3+s8], $0x8, s15, s8, $0xb8;
	[tilespmem:$0xA060] =	vst v63  }
0xc8: {  	_ =	swait.ge [sflag:s12], $0x1F40  }
0xc9: {  	[sflag:s12] =	ssyncset.done $0x0  }
0xca: {  	[sflag:s12] =	ssyncadd.s32 $0xFFFFE0C0  }
0xcb: {  	[spmem:s19] =	stream.indirect.scatter.add.f32 [tilespmem:s10], [sflag:$0x4], $0x8, s21, s8, $0xb8;
	[tilespmem:$0xA060] =	vst v63  }
0xcc: {  	_ =	swait.ge [sflag:s6], $0x1F40  }
0xcd: {  	[sflag:s6] =	ssyncset.done $0x0  }
0xce: {  	[sflag:s6] =	ssyncadd.s32 $0xFFFFE0C0  }
0xcf: {  	[tilespmem:s10], [sflag:$0x2] =	stream.indirect.gather [hbm4b:s3+s8], $0x8, s4, s8, $0xb8;
	[tilespmem:$0xA060] =	vst v63  }
0xd0: {  	_ =	swait.ge [sflag:s16], $0x1F40  }
0xd1: {  	[sflag:s16] =	ssyncset.done $0x0  }
0xd2: {  	s29 =	simm.s32 $0x4650;
	[sflag:s16] =	ssyncadd.s32 $0xFFFFE0C0  }
0xd3: {  	[spmem:s19] =	stream.indirect.scatter.add.f32 [tilespmem:s14], [sflag:$0x4], $0x8, s29, s8, $0xb8;
	[tilespmem:$0xA060] =	vst v63  }
0xd4: {  	_ =	swait.ge [sflag:s6], $0x1F40  }
0xd5: {  	[sflag:s6] =	ssyncset.done $0x0  }
0xd6: {  	[sflag:s6] =	ssyncadd.s32 $0xFFFFE0C0  }
0xd7: {  	_ =	swait.ge [sflag:s12], $0x1F40  }
0xd8: {  	[sflag:s12] =	ssyncset.done $0x0  }
0xd9: {  	[sflag:s12] =	ssyncadd.s32 $0xFFFFE0C0  }
0xda: {  	[spmem:s19] =	stream.indirect.scatter.add.f32 [tilespmem:s10], [sflag:$0x4], $0x8, s9, s8, $0xb8;
	[tilespmem:$0xA060] =	vst v63  }
0xdb: {  	_ =	swait.ge [sflag:s6], $0x1F40  }
0xdc: {  	[sflag:s6] =	ssyncset.done $0x0  }
0xdd: {  	p1 =	sne.s32 s1, $0x1;
	[sflag:s6] =	ssyncadd.s32 $0xFFFFE0C0  }
.Ltmp1:
0xde: {  	[bflag:$0x0] =	sbarrier.arrive $0xFFFF;
	(pc) =	sbr.rel @!p1 .LBB2_7-.Ltmp1, $4  }
0xdf: {  	s30 =	rddreg [dreg:$0x17]  }
0xe0: {  	[hbm:s30], [sflag:s31] =	dma.local [spmem:s7], $0x278  }
0xe1: {  	p0 =	por $0x1, $0x1;
	_ =	swait.ge [sflag:s6], $0x278  }
0xe2: {  	s9 =	sadd.s32 $0xFFFFFFFF, s1;
	s11 =	rddreg [dreg:$0x3];
	[sflag:s6] =	ssyncset.done $0x0  }
0xe3: {  	s21 =	simm.s32 $0x2AF8;
	s20 =	simm.s32 $0x7D0  }
0xe4: {  	s18 =	simm.s32 $0x2EE0;
	s17 =	simm.s32 $0xBB8;
	s30 =	simm.s32 $0x32C8  }
0xe5: {  	s2 =	simm.s32 $0xFA0;
	s28 =	simm.s32 $0x36B0;
	s29 =	simm.s32 $0x1388  }
0xe6: {  	s25 =	simm.s32 $0x3A98;
	s26 =	simm.s32 $0x1770;
	s22 =	simm.s32 $0x3E80  }
0xe7: {  	s24 =	simm.s32 $0x1B58;
	s23 =	simm.s32 $0x4268;
	s15 =	simm.s32 $0x1F40  }
.LBB2_4:
0xe8: {  	[sflag:s6] =	ssyncadd.s32 $0xFFFFFD88  }
0xe9: {  	[spmem:s7], [sflag:s31] =	dma.local [hbm:s11], $0x278  }
0xea: {  	_ =	swait.ge [sflag:s6], $0x278  }
0xeb: {  	[sflag:s6] =	ssyncset.done $0x0  }
0xec: {  	s13 =	rddreg [dreg:$0x18];
	[sflag:s6] =	ssyncadd.s32 $0xFFFFFD88  }
0xed: {  	[tilespmem:s5], [sflag:$0x3] =	stream.linear.gather [hbm4b:s13+s5], $0x3E8, $0x38;
	[tilespmem:$0xA060] =	vst v63  }
0xee: {  	s1 =	simm.s32 $0x2710;
	s11 =	rddreg [dreg:$0x4]  }
0xef: {  	[tilespmem:s1], [sflag:$0x3] =	stream.linear.gather [hbm4b:s11+s5], $0x3E8, $0x38;
	[tilespmem:$0xA060] =	vst v63  }
0xf0: {  	s4 =	rddreg [dreg:$0x5]  }
0xf1: {  	[tilespmem:s8], [sflag:$0x3] =	stream.linear.gather [hbm4b:s4+s5], $0x3E8, $0x38;
	[tilespmem:$0xA060] =	vst v63  }
0xf2: {  	s11 =	rddreg [dreg:$0x6]  }
0xf3: {  	[tilespmem:s21], [sflag:$0x3] =	stream.linear.gather [hbm4b:s11+s5], $0x3E8, $0x38;
	[tilespmem:$0xA060] =	vst v63  }
0xf4: {  	s4 =	rddreg [dreg:$0x7]  }
0xf5: {  	[tilespmem:s20], [sflag:$0x3] =	stream.linear.gather [hbm4b:s4+s5], $0x3E8, $0x38;
	[tilespmem:$0xA060] =	vst v63  }
0xf6: {  	s11 =	rddreg [dreg:$0x8]  }
0xf7: {  	[tilespmem:s18], [sflag:$0x3] =	stream.linear.gather [hbm4b:s11+s5], $0x3E8, $0x38;
	[tilespmem:$0xA060] =	vst v63  }
0xf8: {  	s4 =	rddreg [dreg:$0x9]  }
0xf9: {  	[tilespmem:s17], [sflag:$0x3] =	stream.linear.gather [hbm4b:s4+s5], $0x3E8, $0x38;
	[tilespmem:$0xA060] =	vst v63  }
0xfa: {  	s11 =	rddreg [dreg:$0xa]  }
0xfb: {  	[tilespmem:s30], [sflag:$0x3] =	stream.linear.gather [hbm4b:s11+s5], $0x3E8, $0x38;
	[tilespmem:$0xA060] =	vst v63  }
0xfc: {  	s4 =	rddreg [dreg:$0xb]  }
0xfd: {  	[tilespmem:s2], [sflag:$0x3] =	stream.linear.gather [hbm4b:s4+s5], $0x3E8, $0x38;
	[tilespmem:$0xA060] =	vst v63  }
0xfe: {  	s11 =	rddreg [dreg:$0xc]  }
0xff: {  	[tilespmem:s28], [sflag:$0x3] =	stream.linear.gather [hbm4b:s11+s5], $0x3E8, $0x38;
	[tilespmem:$0xA060] =	vst v63  }
0x100: {  	s4 =	rddreg [dreg:$0xd]  }
0x101: {  	[tilespmem:s29], [sflag:$0x3] =	stream.linear.gather [hbm4b:s4+s5], $0x3E8, $0x38;
	[tilespmem:$0xA060] =	vst v63  }
0x102: {  	s11 =	rddreg [dreg:$0xe]  }
0x103: {  	[tilespmem:s25], [sflag:$0x3] =	stream.linear.gather [hbm4b:s11+s5], $0x3E8, $0x38;
	[tilespmem:$0xA060] =	vst v63  }
0x104: {  	s4 =	rddreg [dreg:$0xf]  }
0x105: {  	[tilespmem:s26], [sflag:$0x3] =	stream.linear.gather [hbm4b:s4+s5], $0x3E8, $0x38;
	[tilespmem:$0xA060] =	vst v63  }
0x106: {  	s11 =	rddreg [dreg:$0x10]  }
0x107: {  	[tilespmem:s22], [sflag:$0x3] =	stream.linear.gather [hbm4b:s11+s5], $0x3E8, $0x38;
	[tilespmem:$0xA060] =	vst v63  }
0x108: {  	s4 =	rddreg [dreg:$0x11]  }
0x109: {  	[tilespmem:s24], [sflag:$0x3] =	stream.linear.gather [hbm4b:s4+s5], $0x3E8, $0x38;
	[tilespmem:$0xA060] =	vst v63  }
0x10a: {  	s11 =	rddreg [dreg:$0x12]  }
0x10b: {  	[tilespmem:s23], [sflag:$0x3] =	stream.linear.gather [hbm4b:s11+s5], $0x3E8, $0x38;
	[tilespmem:$0xA060] =	vst v63  }
0x10c: {  	s4 =	rddreg [dreg:$0x13]  }
0x10d: {  	[tilespmem:s15], [sflag:$0x3] =	stream.linear.gather [hbm4b:s4+s5], $0x3E8, $0x38;
	[tilespmem:$0xA060] =	vst v63  }
0x10e: {  	s11 =	rddreg [dreg:$0x14];
	s4 =	simm.s32 $0x4650  }
0x10f: {  	[tilespmem:s4], [sflag:$0x3] =	stream.linear.gather [hbm4b:s11+s5], $0x3E8, $0x38;
	[tilespmem:$0xA060] =	vst v63  }
0x110: {  	s13 =	rddreg [dreg:$0x15];
	s4 =	simm.s32 $0x2328  }
0x111: {  	[tilespmem:s4], [sflag:$0x3] =	stream.linear.gather [hbm4b:s13+s5], $0x3E8, $0x38;
	[tilespmem:$0xA060] =	vst v63  }
0x112: {  	s11 =	rddreg [dreg:$0x16];
	s13 =	simm.s32 $0x4A38  }
0x113: {  	[tilespmem:s13], [sflag:$0x3] =	stream.linear.gather [hbm4b:s11+s5], $0x3E8, $0x38;
	[tilespmem:$0xA060] =	vst v63  }
0x114: {  	_ =	swait.ge [sflag:s0], $0x3E8  }
0x115: {  	[sflag:s0] =	ssyncset.done $0x0  }
0x116: {  	[sflag:s0] =	ssyncadd.s32 $0xFFFFFC18  }
0x117: {  	_ =	swait.ge [sflag:s0], $0x3E8  }
0x118: {  	[sflag:s0] =	ssyncset.done $0x0  }
0x119: {  	[sflag:s0] =	ssyncadd.s32 $0xFFFFFC18  }
0x11a: {  	_ =	swait.ge [sflag:s0], $0x3E8  }
0x11b: {  	[sflag:s0] =	ssyncset.done $0x0  }
0x11c: {  	[sflag:s0] =	ssyncadd.s32 $0xFFFFFC18  }
0x11d: {  	_ =	swait.ge [sflag:s0], $0x3E8  }
0x11e: {  	[sflag:s0] =	ssyncset.done $0x0  }
0x11f: {  	[sflag:s0] =	ssyncadd.s32 $0xFFFFFC18  }
0x120: {  	_ =	swait.ge [sflag:s0], $0x3E8  }
0x121: {  	[sflag:s0] =	ssyncset.done $0x0  }
0x122: {  	[sflag:s0] =	ssyncadd.s32 $0xFFFFFC18  }
0x123: {  	_ =	swait.ge [sflag:s0], $0x3E8  }
0x124: {  	[sflag:s0] =	ssyncset.done $0x0  }
0x125: {  	[sflag:s0] =	ssyncadd.s32 $0xFFFFFC18  }
0x126: {  	_ =	swait.ge [sflag:s0], $0x3E8  }
0x127: {  	[sflag:s0] =	ssyncset.done $0x0  }
0x128: {  	[sflag:s0] =	ssyncadd.s32 $0xFFFFFC18  }
0x129: {  	_ =	swait.ge [sflag:s0], $0x3E8  }
0x12a: {  	[sflag:s0] =	ssyncset.done $0x0  }
0x12b: {  	[sflag:s0] =	ssyncadd.s32 $0xFFFFFC18  }
0x12c: {  	_ =	swait.ge [sflag:s0], $0x3E8  }
0x12d: {  	[sflag:s0] =	ssyncset.done $0x0  }
0x12e: {  	[sflag:s0] =	ssyncadd.s32 $0xFFFFFC18  }
0x12f: {  	_ =	swait.ge [sflag:s0], $0x3E8  }
0x130: {  	[sflag:s0] =	ssyncset.done $0x0  }
0x131: {  	[sflag:s0] =	ssyncadd.s32 $0xFFFFFC18  }
0x132: {  	_ =	swait.ge [sflag:s0], $0x3E8  }
0x133: {  	[sflag:s0] =	ssyncset.done $0x0  }
0x134: {  	[sflag:s0] =	ssyncadd.s32 $0xFFFFFC18  }
0x135: {  	_ =	swait.ge [sflag:s0], $0x3E8  }
0x136: {  	[sflag:s0] =	ssyncset.done $0x0  }
0x137: {  	[sflag:s0] =	ssyncadd.s32 $0xFFFFFC18  }
0x138: {  	_ =	swait.ge [sflag:s0], $0x3E8  }
0x139: {  	[sflag:s0] =	ssyncset.done $0x0  }
0x13a: {  	[sflag:s0] =	ssyncadd.s32 $0xFFFFFC18  }
0x13b: {  	_ =	swait.ge [sflag:s0], $0x3E8  }
0x13c: {  	[sflag:s0] =	ssyncset.done $0x0  }
0x13d: {  	[sflag:s0] =	ssyncadd.s32 $0xFFFFFC18  }
0x13e: {  	_ =	swait.ge [sflag:s0], $0x3E8  }
0x13f: {  	[sflag:s0] =	ssyncset.done $0x0  }
0x140: {  	[sflag:s0] =	ssyncadd.s32 $0xFFFFFC18  }
0x141: {  	_ =	swait.ge [sflag:s0], $0x3E8  }
0x142: {  	[sflag:s0] =	ssyncset.done $0x0  }
0x143: {  	[sflag:s0] =	ssyncadd.s32 $0xFFFFFC18  }
0x144: {  	_ =	swait.ge [sflag:s0], $0x3E8  }
0x145: {  	[sflag:s0] =	ssyncset.done $0x0  }
0x146: {  	[sflag:s0] =	ssyncadd.s32 $0xFFFFFC18  }
0x147: {  	_ =	swait.ge [sflag:s0], $0x3E8  }
0x148: {  	[sflag:s0] =	ssyncset.done $0x0  }
0x149: {  	[sflag:s0] =	ssyncadd.s32 $0xFFFFFC18  }
0x14a: {  	_ =	swait.ge [sflag:s0], $0x3E8  }
0x14b: {  	[sflag:s0] =	ssyncset.done $0x0  }
0x14c: {  	[sflag:s0] =	ssyncadd.s32 $0xFFFFFC18  }
0x14d: {  	_ =	swait.ge [sflag:s0], $0x3E8  }
0x14e: {  	[sflag:s0] =	ssyncset.done $0x0  }
0x14f: {  	[sflag:s0] =	ssyncadd.s32 $0xFFFFFC18  }
0x150: {  	[bflag:$0x0] =	sbarrier.arrive $0xFFFF  }
0x151: {  	[tilespmem:s14], [sflag:$0x1] =	stream.indirect.gather [hbm4b:s3+s8], $0x8, s5, s8, $0xb8;
	[tilespmem:$0xA060] =	vst v63  }
0x152: {  	_ = 	snop  }
0x153: {  	[tilespmem:s10], [sflag:$0x2] =	stream.indirect.gather [hbm4b:s3+s8], $0x8, s8, s8, $0xb8;
	[tilespmem:$0xA060] =	vst v63  }
0x154: {  	_ =	swait.ge [sflag:s16], $0x1F40  }
0x155: {  	[sflag:s16] =	ssyncset.done $0x0  }
0x156: {  	[sflag:s16] =	ssyncadd.s32 $0xFFFFE0C0  }
0x157: {  	[spmem:s19] =	stream.indirect.scatter.add.f32 [tilespmem:s14], [sflag:$0x4], $0x8, s1, s8, $0xb8;
	[tilespmem:$0xA060] =	vst v63  }
0x158: {  	_ =	swait.ge [sflag:s6], $0x1F40  }
0x159: {  	[sflag:s6] =	ssyncset.done $0x0  }
0x15a: {  	[sflag:s6] =	ssyncadd.s32 $0xFFFFE0C0  }
0x15b: {  	[tilespmem:s14], [sflag:$0x1] =	stream.indirect.gather [hbm4b:s3+s8], $0x8, s20, s8, $0xb8;
	[tilespmem:$0xA060] =	vst v63  }
0x15c: {  	_ =	swait.ge [sflag:s12], $0x1F40  }
0x15d: {  	[sflag:s12] =	ssyncset.done $0x0  }
0x15e: {  	[sflag:s12] =	ssyncadd.s32 $0xFFFFE0C0  }
0x15f: {  	[spmem:s19] =	stream.indirect.scatter.add.f32 [tilespmem:s10], [sflag:$0x4], $0x8, s21, s8, $0xb8;
	[tilespmem:$0xA060] =	vst v63  }
0x160: {  	_ =	swait.ge [sflag:s6], $0x1F40  }
0x161: {  	[sflag:s6] =	ssyncset.done $0x0  }
0x162: {  	[sflag:s6] =	ssyncadd.s32 $0xFFFFE0C0  }
0x163: {  	[tilespmem:s10], [sflag:$0x2] =	stream.indirect.gather [hbm4b:s3+s8], $0x8, s17, s8, $0xb8;
	[tilespmem:$0xA060] =	vst v63  }
0x164: {  	_ =	swait.ge [sflag:s16], $0x1F40  }
0x165: {  	[sflag:s16] =	ssyncset.done $0x0  }
0x166: {  	[sflag:s16] =	ssyncadd.s32 $0xFFFFE0C0  }
0x167: {  	[spmem:s19] =	stream.indirect.scatter.add.f32 [tilespmem:s14], [sflag:$0x4], $0x8, s18, s8, $0xb8;
	[tilespmem:$0xA060] =	vst v63  }
0x168: {  	_ =	swait.ge [sflag:s6], $0x1F40  }
0x169: {  	[sflag:s6] =	ssyncset.done $0x0  }
0x16a: {  	[sflag:s6] =	ssyncadd.s32 $0xFFFFE0C0  }
0x16b: {  	[tilespmem:s14], [sflag:$0x1] =	stream.indirect.gather [hbm4b:s3+s8], $0x8, s2, s8, $0xb8;
	[tilespmem:$0xA060] =	vst v63  }
0x16c: {  	_ =	swait.ge [sflag:s12], $0x1F40  }
0x16d: {  	[sflag:s12] =	ssyncset.done $0x0  }
0x16e: {  	[sflag:s12] =	ssyncadd.s32 $0xFFFFE0C0  }
0x16f: {  	[spmem:s19] =	stream.indirect.scatter.add.f32 [tilespmem:s10], [sflag:$0x4], $0x8, s30, s8, $0xb8;
	[tilespmem:$0xA060] =	vst v63  }
0x170: {  	_ =	swait.ge [sflag:s6], $0x1F40  }
0x171: {  	[sflag:s6] =	ssyncset.done $0x0  }
0x172: {  	[sflag:s6] =	ssyncadd.s32 $0xFFFFE0C0  }
0x173: {  	[tilespmem:s10], [sflag:$0x2] =	stream.indirect.gather [hbm4b:s3+s8], $0x8, s29, s8, $0xb8;
	[tilespmem:$0xA060] =	vst v63  }
0x174: {  	_ =	swait.ge [sflag:s16], $0x1F40  }
0x175: {  	[sflag:s16] =	ssyncset.done $0x0  }
0x176: {  	[sflag:s16] =	ssyncadd.s32 $0xFFFFE0C0  }
0x177: {  	[spmem:s19] =	stream.indirect.scatter.add.f32 [tilespmem:s14], [sflag:$0x4], $0x8, s28, s8, $0xb8;
	[tilespmem:$0xA060] =	vst v63  }
0x178: {  	_ =	swait.ge [sflag:s6], $0x1F40  }
0x179: {  	[sflag:s6] =	ssyncset.done $0x0  }
0x17a: {  	[sflag:s6] =	ssyncadd.s32 $0xFFFFE0C0  }
0x17b: {  	[tilespmem:s14], [sflag:$0x1] =	stream.indirect.gather [hbm4b:s3+s8], $0x8, s26, s8, $0xb8;
	[tilespmem:$0xA060] =	vst v63  }
0x17c: {  	_ =	swait.ge [sflag:s12], $0x1F40  }
0x17d: {  	[sflag:s12] =	ssyncset.done $0x0  }
0x17e: {  	[sflag:s12] =	ssyncadd.s32 $0xFFFFE0C0  }
0x17f: {  	[spmem:s19] =	stream.indirect.scatter.add.f32 [tilespmem:s10], [sflag:$0x4], $0x8, s25, s8, $0xb8;
	[tilespmem:$0xA060] =	vst v63  }
0x180: {  	_ =	swait.ge [sflag:s6], $0x1F40  }
0x181: {  	[sflag:s6] =	ssyncset.done $0x0  }
0x182: {  	[sflag:s6] =	ssyncadd.s32 $0xFFFFE0C0  }
0x183: {  	[tilespmem:s10], [sflag:$0x2] =	stream.indirect.gather [hbm4b:s3+s8], $0x8, s24, s8, $0xb8;
	[tilespmem:$0xA060] =	vst v63  }
0x184: {  	_ =	swait.ge [sflag:s16], $0x1F40  }
0x185: {  	[sflag:s16] =	ssyncset.done $0x0  }
0x186: {  	[sflag:s16] =	ssyncadd.s32 $0xFFFFE0C0  }
0x187: {  	[spmem:s19] =	stream.indirect.scatter.add.f32 [tilespmem:s14], [sflag:$0x4], $0x8, s22, s8, $0xb8;
	[tilespmem:$0xA060] =	vst v63  }
0x188: {  	_ =	swait.ge [sflag:s6], $0x1F40  }
0x189: {  	[sflag:s6] =	ssyncset.done $0x0  }
0x18a: {  	[sflag:s6] =	ssyncadd.s32 $0xFFFFE0C0  }
0x18b: {  	[tilespmem:s14], [sflag:$0x1] =	stream.indirect.gather [hbm4b:s3+s8], $0x8, s15, s8, $0xb8;
	[tilespmem:$0xA060] =	vst v63  }
0x18c: {  	_ =	swait.ge [sflag:s12], $0x1F40  }
0x18d: {  	[sflag:s12] =	ssyncset.done $0x0  }
0x18e: {  	[sflag:s12] =	ssyncadd.s32 $0xFFFFE0C0  }
0x18f: {  	[spmem:s19] =	stream.indirect.scatter.add.f32 [tilespmem:s10], [sflag:$0x4], $0x8, s23, s8, $0xb8;
	[tilespmem:$0xA060] =	vst v63  }
0x190: {  	_ =	swait.ge [sflag:s6], $0x1F40  }
0x191: {  	[sflag:s6] =	ssyncset.done $0x0  }
0x192: {  	[sflag:s6] =	ssyncadd.s32 $0xFFFFE0C0  }
0x193: {  	[tilespmem:s10], [sflag:$0x2] =	stream.indirect.gather [hbm4b:s3+s8], $0x8, s4, s8, $0xb8;
	[tilespmem:$0xA060] =	vst v63  }
0x194: {  	_ =	swait.ge [sflag:s16], $0x1F40  }
0x195: {  	[sflag:s16] =	ssyncset.done $0x0  }
0x196: {  	s11 =	simm.s32 $0x4650;
	[sflag:s16] =	ssyncadd.s32 $0xFFFFE0C0  }
0x197: {  	[spmem:s19] =	stream.indirect.scatter.add.f32 [tilespmem:s14], [sflag:$0x4], $0x8, s11, s8, $0xb8;
	[tilespmem:$0xA060] =	vst v63  }
0x198: {  	_ =	swait.ge [sflag:s6], $0x1F40  }
0x199: {  	[sflag:s6] =	ssyncset.done $0x0  }
0x19a: {  	[sflag:s6] =	ssyncadd.s32 $0xFFFFE0C0  }
0x19b: {  	_ =	swait.ge [sflag:s12], $0x1F40  }
0x19c: {  	[sflag:s12] =	ssyncset.done $0x0  }
0x19d: {  	[sflag:s12] =	ssyncadd.s32 $0xFFFFE0C0  }
0x19e: {  	[spmem:s19] =	stream.indirect.scatter.add.f32 [tilespmem:s10], [sflag:$0x4], $0x8, s13, s8, $0xb8;
	[tilespmem:$0xA060] =	vst v63  }
0x19f: {  	_ =	swait.ge [sflag:s6], $0x1F40  }
0x1a0: {  	[sflag:s6] =	ssyncset.done $0x0  }
0x1a1: {  	p1 =	sne.s32 s9, $0x1;
	[sflag:s6] =	ssyncadd.s32 $0xFFFFE0C0  }
.Ltmp2:
0x1a2: {  	[bflag:$0x0] =	sbarrier.arrive $0xFFFF;
	(pc) =	sbr.rel @p1 .LBB2_4-.Ltmp2, $4  }
0x1a3: {  	s13 =	rddreg [dreg:$0x17]  }
0x1a4: {  	[hbm:s13], [sflag:s31] =	dma.local [spmem:s7], $0x278  }
0x1a5: {  	_ =	swait.ge [sflag:s6], $0x278  }
0x1a6: {  	s9 =	sadd.s32 $0xFFFFFFFF, s9;
	s11 =	rddreg [dreg:$0x3];
	[sflag:s6] =	ssyncset.done $0x0  }
0x1a7: {  	s1 =	rddreg [dreg:$0x18];
	s13 =	stileid.u32  }
.LBB2_6:
0x1a8: {  	[sflag:s6] =	ssyncadd.s32 @p0 $0xFFFFFD88  }
0x1a9: {  	[spmem:s7], [sflag:s31] =	dma.local [hbm:s11], $0x278  }
0x1aa: {  	_ =	swait.ge [sflag:s6], $0x278  }
0x1ab: {  	[sflag:s6] =	ssyncset.done $0x0  }
0x1ac: {  	[sflag:s6] =	ssyncadd.s32 $0xFFFFFD88  }
0x1ad: {  	[tilespmem:s5], [sflag:$0x3] =	stream.linear.gather [hbm4b:s1+s5], $0x3E8, $0x38;
	[tilespmem:$0xA060] =	vst v63  }
0x1ae: {  	s11 =	simm.s32 $0x2710;
	s9 =	rddreg [dreg:$0x4]  }
0x1af: {  	[tilespmem:s11], [sflag:$0x3] =	stream.linear.gather [hbm4b:s9+s5], $0x3E8, $0x38;
	[tilespmem:$0xA060] =	vst v63  }
0x1b0: {  	s26 =	rddreg [dreg:$0x5]  }
0x1b1: {  	[tilespmem:s8], [sflag:$0x3] =	stream.linear.gather [hbm4b:s26+s5], $0x3E8, $0x38;
	[tilespmem:$0xA060] =	vst v63  }
0x1b2: {  	s30 =	simm.s32 $0x2AF8;
	s28 =	rddreg [dreg:$0x6]  }
0x1b3: {  	[tilespmem:s30], [sflag:$0x3] =	stream.linear.gather [hbm4b:s28+s5], $0x3E8, $0x38;
	[tilespmem:$0xA060] =	vst v63  }
0x1b4: {  	s4 =	smov.u32 s31;
	s31 =	simm.s32 $0x7D0;
	s29 =	rddreg [dreg:$0x7]  }
0x1b5: {  	[tilespmem:s31], [sflag:$0x3] =	stream.linear.gather [hbm4b:s29+s5], $0x3E8, $0x38;
	[tilespmem:$0xA060] =	vst v63  }
0x1b6: {  	s2 =	rddreg [dreg:$0x8];
	s28 =	simm.s32 $0x2EE0  }
0x1b7: {  	[tilespmem:s28], [sflag:$0x3] =	stream.linear.gather [hbm4b:s2+s5], $0x3E8, $0x38;
	[tilespmem:$0xA060] =	vst v63  }
0x1b8: {  	s15 =	rddreg [dreg:$0x9];
	s29 =	simm.s32 $0xBB8  }
0x1b9: {  	[tilespmem:s29], [sflag:$0x3] =	stream.linear.gather [hbm4b:s15+s5], $0x3E8, $0x38;
	[tilespmem:$0xA060] =	vst v63  }
0x1ba: {  	s25 =	simm.s32 $0x32C8;
	s17 =	rddreg [dreg:$0xa]  }
0x1bb: {  	[tilespmem:s25], [sflag:$0x3] =	stream.linear.gather [hbm4b:s17+s5], $0x3E8, $0x38;
	[tilespmem:$0xA060] =	vst v63  }
0x1bc: {  	s18 =	rddreg [dreg:$0xb];
	s26 =	simm.s32 $0xFA0  }
0x1bd: {  	[tilespmem:s26], [sflag:$0x3] =	stream.linear.gather [hbm4b:s18+s5], $0x3E8, $0x38;
	[tilespmem:$0xA060] =	vst v63  }
0x1be: {  	s23 =	simm.s32 $0x36B0;
	s20 =	rddreg [dreg:$0xc]  }
0x1bf: {  	[tilespmem:s23], [sflag:$0x3] =	stream.linear.gather [hbm4b:s20+s5], $0x3E8, $0x38;
	[tilespmem:$0xA060] =	vst v63  }
0x1c0: {  	s24 =	simm.s32 $0x1388;
	s21 =	rddreg [dreg:$0xd]  }
0x1c1: {  	[tilespmem:s24], [sflag:$0x3] =	stream.linear.gather [hbm4b:s21+s5], $0x3E8, $0x38;
	[tilespmem:$0xA060] =	vst v63  }
0x1c2: {  	s22 =	rddreg [dreg:$0xe];
	s21 =	simm.s32 $0x3A98  }
0x1c3: {  	[tilespmem:s21], [sflag:$0x3] =	stream.linear.gather [hbm4b:s22+s5], $0x3E8, $0x38;
	[tilespmem:$0xA060] =	vst v63  }
0x1c4: {  	s2 =	rddreg [dreg:$0xf];
	s22 =	simm.s32 $0x1770  }
0x1c5: {  	[tilespmem:s22], [sflag:$0x3] =	stream.linear.gather [hbm4b:s2+s5], $0x3E8, $0x38;
	[tilespmem:$0xA060] =	vst v63  }
0x1c6: {  	s15 =	rddreg [dreg:$0x10];
	s2 =	simm.s32 $0x3E80  }
0x1c7: {  	[tilespmem:s2], [sflag:$0x3] =	stream.linear.gather [hbm4b:s15+s5], $0x3E8, $0x38;
	[tilespmem:$0xA060] =	vst v63  }
0x1c8: {  	s17 =	rddreg [dreg:$0x11];
	s20 =	simm.s32 $0x1B58  }
0x1c9: {  	[tilespmem:s20], [sflag:$0x3] =	stream.linear.gather [hbm4b:s17+s5], $0x3E8, $0x38;
	[tilespmem:$0xA060] =	vst v63  }
0x1ca: {  	s18 =	rddreg [dreg:$0x12];
	s15 =	simm.s32 $0x4268  }
0x1cb: {  	[tilespmem:s15], [sflag:$0x3] =	stream.linear.gather [hbm4b:s18+s5], $0x3E8, $0x38;
	[tilespmem:$0xA060] =	vst v63  }
0x1cc: {  	s17 =	rddreg [dreg:$0x13];
	s18 =	simm.s32 $0x1F40  }
0x1cd: {  	[tilespmem:s18], [sflag:$0x3] =	stream.linear.gather [hbm4b:s17+s5], $0x3E8, $0x38;
	[tilespmem:$0xA060] =	vst v63  }
0x1ce: {  	s9 =	rddreg [dreg:$0x14];
	s17 =	simm.s32 $0x4650  }
0x1cf: {  	[tilespmem:s17], [sflag:$0x3] =	stream.linear.gather [hbm4b:s9+s5], $0x3E8, $0x38;
	[tilespmem:$0xA060] =	vst v63  }
0x1d0: {  	s1 =	rddreg [dreg:$0x15];
	s17 =	simm.s32 $0x2328  }
0x1d1: {  	[tilespmem:s17], [sflag:$0x3] =	stream.linear.gather [hbm4b:s1+s5], $0x3E8, $0x38;
	[tilespmem:$0xA060] =	vst v63  }
0x1d2: {  	s9 =	rddreg [dreg:$0x16];
	s1 =	simm.s32 $0x4A38  }
0x1d3: {  	[tilespmem:s1], [sflag:$0x3] =	stream.linear.gather [hbm4b:s9+s5], $0x3E8, $0x38;
	[tilespmem:$0xA060] =	vst v63  }
0x1d4: {  	_ =	swait.ge [sflag:s0], $0x3E8  }
0x1d5: {  	[sflag:s0] =	ssyncset.done $0x0  }
0x1d6: {  	[sflag:s0] =	ssyncadd.s32 $0xFFFFFC18  }
0x1d7: {  	_ =	swait.ge [sflag:s0], $0x3E8  }
0x1d8: {  	[sflag:s0] =	ssyncset.done $0x0  }
0x1d9: {  	[sflag:s0] =	ssyncadd.s32 $0xFFFFFC18  }
0x1da: {  	_ =	swait.ge [sflag:s0], $0x3E8  }
0x1db: {  	[sflag:s0] =	ssyncset.done $0x0  }
0x1dc: {  	[sflag:s0] =	ssyncadd.s32 $0xFFFFFC18  }
0x1dd: {  	_ =	swait.ge [sflag:s0], $0x3E8  }
0x1de: {  	[sflag:s0] =	ssyncset.done $0x0  }
0x1df: {  	[sflag:s0] =	ssyncadd.s32 $0xFFFFFC18  }
0x1e0: {  	_ =	swait.ge [sflag:s0], $0x3E8  }
0x1e1: {  	[sflag:s0] =	ssyncset.done $0x0  }
0x1e2: {  	[sflag:s0] =	ssyncadd.s32 $0xFFFFFC18  }
0x1e3: {  	_ =	swait.ge [sflag:s0], $0x3E8  }
0x1e4: {  	[sflag:s0] =	ssyncset.done $0x0  }
0x1e5: {  	[sflag:s0] =	ssyncadd.s32 $0xFFFFFC18  }
0x1e6: {  	_ =	swait.ge [sflag:s0], $0x3E8  }
0x1e7: {  	[sflag:s0] =	ssyncset.done $0x0  }
0x1e8: {  	[sflag:s0] =	ssyncadd.s32 $0xFFFFFC18  }
0x1e9: {  	_ =	swait.ge [sflag:s0], $0x3E8  }
0x1ea: {  	[sflag:s0] =	ssyncset.done $0x0  }
0x1eb: {  	[sflag:s0] =	ssyncadd.s32 $0xFFFFFC18  }
0x1ec: {  	_ =	swait.ge [sflag:s0], $0x3E8  }
0x1ed: {  	[sflag:s0] =	ssyncset.done $0x0  }
0x1ee: {  	[sflag:s0] =	ssyncadd.s32 $0xFFFFFC18  }
0x1ef: {  	_ =	swait.ge [sflag:s0], $0x3E8  }
0x1f0: {  	[sflag:s0] =	ssyncset.done $0x0  }
0x1f1: {  	[sflag:s0] =	ssyncadd.s32 $0xFFFFFC18  }
0x1f2: {  	_ =	swait.ge [sflag:s0], $0x3E8  }
0x1f3: {  	[sflag:s0] =	ssyncset.done $0x0  }
0x1f4: {  	[sflag:s0] =	ssyncadd.s32 $0xFFFFFC18  }
0x1f5: {  	_ =	swait.ge [sflag:s0], $0x3E8  }
0x1f6: {  	[sflag:s0] =	ssyncset.done $0x0  }
0x1f7: {  	[sflag:s0] =	ssyncadd.s32 $0xFFFFFC18  }
0x1f8: {  	_ =	swait.ge [sflag:s0], $0x3E8  }
0x1f9: {  	[sflag:s0] =	ssyncset.done $0x0  }
0x1fa: {  	[sflag:s0] =	ssyncadd.s32 $0xFFFFFC18  }
0x1fb: {  	_ =	swait.ge [sflag:s0], $0x3E8  }
0x1fc: {  	[sflag:s0] =	ssyncset.done $0x0  }
0x1fd: {  	[sflag:s0] =	ssyncadd.s32 $0xFFFFFC18  }
0x1fe: {  	_ =	swait.ge [sflag:s0], $0x3E8  }
0x1ff: {  	[sflag:s0] =	ssyncset.done $0x0  }
0x200: {  	[sflag:s0] =	ssyncadd.s32 $0xFFFFFC18  }
0x201: {  	_ =	swait.ge [sflag:s0], $0x3E8  }
0x202: {  	[sflag:s0] =	ssyncset.done $0x0  }
0x203: {  	[sflag:s0] =	ssyncadd.s32 $0xFFFFFC18  }
0x204: {  	_ =	swait.ge [sflag:s0], $0x3E8  }
0x205: {  	[sflag:s0] =	ssyncset.done $0x0  }
0x206: {  	[sflag:s0] =	ssyncadd.s32 $0xFFFFFC18  }
0x207: {  	_ =	swait.ge [sflag:s0], $0x3E8  }
0x208: {  	[sflag:s0] =	ssyncset.done $0x0  }
0x209: {  	[sflag:s0] =	ssyncadd.s32 $0xFFFFFC18  }
0x20a: {  	_ =	swait.ge [sflag:s0], $0x3E8  }
0x20b: {  	[sflag:s0] =	ssyncset.done $0x0  }
0x20c: {  	[sflag:s0] =	ssyncadd.s32 $0xFFFFFC18  }
0x20d: {  	_ =	swait.ge [sflag:s0], $0x3E8  }
0x20e: {  	[sflag:s0] =	ssyncset.done $0x0  }
0x20f: {  	[sflag:s0] =	ssyncadd.s32 $0xFFFFFC18  }
0x210: {  	[bflag:$0x0] =	sbarrier.arrive $0xFFFF  }
0x211: {  	[tilespmem:s14], [sflag:$0x1] =	stream.indirect.gather [hbm4b:s3+s8], $0x8, s5, s8, $0xb8;
	[tilespmem:$0xA060] =	vst v63  }
0x212: {  	_ = 	snop  }
0x213: {  	[tilespmem:s10], [sflag:$0x2] =	stream.indirect.gather [hbm4b:s3+s8], $0x8, s8, s8, $0xb8;
	[tilespmem:$0xA060] =	vst v63  }
0x214: {  	_ =	swait.ge [sflag:s16], $0x1F40  }
0x215: {  	[sflag:s16] =	ssyncset.done $0x0  }
0x216: {  	[sflag:s16] =	ssyncadd.s32 $0xFFFFE0C0  }
0x217: {  	[spmem:s19] =	stream.indirect.scatter.add.f32 [tilespmem:s14], [sflag:$0x4], $0x8, s11, s8, $0xb8;
	[tilespmem:$0xA060] =	vst v63  }
0x218: {  	_ =	swait.ge [sflag:s6], $0x1F40  }
0x219: {  	[sflag:s6] =	ssyncset.done $0x0  }
0x21a: {  	[sflag:s6] =	ssyncadd.s32 $0xFFFFE0C0  }
0x21b: {  	[tilespmem:s14], [sflag:$0x1] =	stream.indirect.gather [hbm4b:s3+s8], $0x8, s31, s8, $0xb8;
	[tilespmem:$0xA060] =	vst v63  }
0x21c: {  	_ =	swait.ge [sflag:s12], $0x1F40  }
0x21d: {  	[sflag:s12] =	ssyncset.done $0x0  }
0x21e: {  	[sflag:s12] =	ssyncadd.s32 $0xFFFFE0C0  }
0x21f: {  	[spmem:s19] =	stream.indirect.scatter.add.f32 [tilespmem:s10], [sflag:$0x4], $0x8, s30, s8, $0xb8;
	[tilespmem:$0xA060] =	vst v63  }
0x220: {  	_ =	swait.ge [sflag:s6], $0x1F40  }
0x221: {  	[sflag:s6] =	ssyncset.done $0x0  }
0x222: {  	[sflag:s6] =	ssyncadd.s32 $0xFFFFE0C0  }
0x223: {  	[tilespmem:s10], [sflag:$0x2] =	stream.indirect.gather [hbm4b:s3+s8], $0x8, s29, s8, $0xb8;
	[tilespmem:$0xA060] =	vst v63  }
0x224: {  	_ =	swait.ge [sflag:s16], $0x1F40  }
0x225: {  	[sflag:s16] =	ssyncset.done $0x0  }
0x226: {  	[sflag:s16] =	ssyncadd.s32 $0xFFFFE0C0  }
0x227: {  	[spmem:s19] =	stream.indirect.scatter.add.f32 [tilespmem:s14], [sflag:$0x4], $0x8, s28, s8, $0xb8;
	[tilespmem:$0xA060] =	vst v63  }
0x228: {  	_ =	swait.ge [sflag:s6], $0x1F40  }
0x229: {  	[sflag:s6] =	ssyncset.done $0x0  }
0x22a: {  	[sflag:s6] =	ssyncadd.s32 $0xFFFFE0C0  }
0x22b: {  	[tilespmem:s14], [sflag:$0x1] =	stream.indirect.gather [hbm4b:s3+s8], $0x8, s26, s8, $0xb8;
	[tilespmem:$0xA060] =	vst v63  }
0x22c: {  	_ =	swait.ge [sflag:s12], $0x1F40  }
0x22d: {  	[sflag:s12] =	ssyncset.done $0x0  }
0x22e: {  	[sflag:s12] =	ssyncadd.s32 $0xFFFFE0C0  }
0x22f: {  	[spmem:s19] =	stream.indirect.scatter.add.f32 [tilespmem:s10], [sflag:$0x4], $0x8, s25, s8, $0xb8;
	[tilespmem:$0xA060] =	vst v63  }
0x230: {  	_ =	swait.ge [sflag:s6], $0x1F40  }
0x231: {  	[sflag:s6] =	ssyncset.done $0x0  }
0x232: {  	[sflag:s6] =	ssyncadd.s32 $0xFFFFE0C0  }
0x233: {  	[tilespmem:s10], [sflag:$0x2] =	stream.indirect.gather [hbm4b:s3+s8], $0x8, s24, s8, $0xb8;
	[tilespmem:$0xA060] =	vst v63  }
0x234: {  	_ =	swait.ge [sflag:s16], $0x1F40  }
0x235: {  	[sflag:s16] =	ssyncset.done $0x0  }
0x236: {  	[sflag:s16] =	ssyncadd.s32 $0xFFFFE0C0  }
0x237: {  	[spmem:s19] =	stream.indirect.scatter.add.f32 [tilespmem:s14], [sflag:$0x4], $0x8, s23, s8, $0xb8;
	[tilespmem:$0xA060] =	vst v63  }
0x238: {  	_ =	swait.ge [sflag:s6], $0x1F40  }
0x239: {  	[sflag:s6] =	ssyncset.done $0x0  }
0x23a: {  	[sflag:s6] =	ssyncadd.s32 $0xFFFFE0C0  }
0x23b: {  	[tilespmem:s14], [sflag:$0x1] =	stream.indirect.gather [hbm4b:s3+s8], $0x8, s22, s8, $0xb8;
	[tilespmem:$0xA060] =	vst v63  }
0x23c: {  	_ =	swait.ge [sflag:s12], $0x1F40  }
0x23d: {  	[sflag:s12] =	ssyncset.done $0x0  }
0x23e: {  	[sflag:s12] =	ssyncadd.s32 $0xFFFFE0C0  }
0x23f: {  	[spmem:s19] =	stream.indirect.scatter.add.f32 [tilespmem:s10], [sflag:$0x4], $0x8, s21, s8, $0xb8;
	[tilespmem:$0xA060] =	vst v63  }
0x240: {  	_ =	swait.ge [sflag:s6], $0x1F40  }
0x241: {  	[sflag:s6] =	ssyncset.done $0x0  }
0x242: {  	[sflag:s6] =	ssyncadd.s32 $0xFFFFE0C0  }
0x243: {  	[tilespmem:s10], [sflag:$0x2] =	stream.indirect.gather [hbm4b:s3+s8], $0x8, s20, s8, $0xb8;
	[tilespmem:$0xA060] =	vst v63  }
0x244: {  	_ =	swait.ge [sflag:s16], $0x1F40  }
0x245: {  	[sflag:s16] =	ssyncset.done $0x0  }
0x246: {  	[sflag:s16] =	ssyncadd.s32 $0xFFFFE0C0  }
0x247: {  	[spmem:s19] =	stream.indirect.scatter.add.f32 [tilespmem:s14], [sflag:$0x4], $0x8, s2, s8, $0xb8;
	[tilespmem:$0xA060] =	vst v63  }
0x248: {  	_ =	swait.ge [sflag:s6], $0x1F40  }
0x249: {  	[sflag:s6] =	ssyncset.done $0x0  }
0x24a: {  	[sflag:s6] =	ssyncadd.s32 $0xFFFFE0C0  }
0x24b: {  	[tilespmem:s14], [sflag:$0x1] =	stream.indirect.gather [hbm4b:s3+s8], $0x8, s18, s8, $0xb8;
	[tilespmem:$0xA060] =	vst v63  }
0x24c: {  	_ =	swait.ge [sflag:s12], $0x1F40  }
0x24d: {  	[sflag:s12] =	ssyncset.done $0x0  }
0x24e: {  	[sflag:s12] =	ssyncadd.s32 $0xFFFFE0C0  }
0x24f: {  	[spmem:s19] =	stream.indirect.scatter.add.f32 [tilespmem:s10], [sflag:$0x4], $0x8, s15, s8, $0xb8;
	[tilespmem:$0xA060] =	vst v63  }
0x250: {  	_ =	swait.ge [sflag:s6], $0x1F40  }
0x251: {  	[sflag:s6] =	ssyncset.done $0x0  }
0x252: {  	[sflag:s6] =	ssyncadd.s32 $0xFFFFE0C0  }
0x253: {  	[tilespmem:s10], [sflag:$0x2] =	stream.indirect.gather [hbm4b:s3+s8], $0x8, s17, s8, $0xb8;
	[tilespmem:$0xA060] =	vst v63  }
0x254: {  	_ =	swait.ge [sflag:s16], $0x1F40  }
0x255: {  	[sflag:s16] =	ssyncset.done $0x0  }
0x256: {  	s30 =	simm.s32 $0x4650;
	[sflag:s16] =	ssyncadd.s32 $0xFFFFE0C0  }
0x257: {  	[spmem:s19] =	stream.indirect.scatter.add.f32 [tilespmem:s14], [sflag:$0x4], $0x8, s30, s8, $0xb8;
	[tilespmem:$0xA060] =	vst v63  }
0x258: {  	_ =	swait.ge [sflag:s6], $0x1F40  }
0x259: {  	[sflag:s6] =	ssyncset.done $0x0  }
0x25a: {  	[sflag:s6] =	ssyncadd.s32 $0xFFFFE0C0  }
0x25b: {  	_ =	swait.ge [sflag:s12], $0x1F40  }
0x25c: {  	[sflag:s12] =	ssyncset.done $0x0  }
0x25d: {  	[sflag:s12] =	ssyncadd.s32 $0xFFFFE0C0  }
0x25e: {  	[spmem:s19] =	stream.indirect.scatter.add.f32 [tilespmem:s10], [sflag:$0x4], $0x8, s1, s8, $0xb8;
	[tilespmem:$0xA060] =	vst v63  }
0x25f: {  	_ =	swait.ge [sflag:s6], $0x1F40  }
0x260: {  	[sflag:s6] =	ssyncset.done $0x0  }
0x261: {  	[sflag:s6] =	ssyncadd.s32 $0xFFFFE0C0  }
0x262: {  	[bflag:$0x0] =	sbarrier.arrive $0xFFFF  }
0x263: {  	s31 =	rddreg [dreg:$0x17]  }
0x264: {  	[hbm:s31], [sflag:s4] =	dma.local [spmem:s7], $0x278  }
0x265: {  	_ =	swait.ge [sflag:s6], $0x278  }
0x266: {  	[sflag:s6] =	ssyncset.done $0x0  }
0x267: {  	[sflag:s6] =	ssyncadd.s32 $0xFFFFFD88  }
0x268: {  	_ =	sfence.sel $0x180000  }
0x269: {  	[bflag:$0x0] =	sbarrier.arrive $0xFFFF  }
0x26a: {  	_ =	strace $0x9000004D  }
0x26b: {  	[bflag:$0x2] =	sbarrier.arrive $0xFFFF  }
0x26c: {  	p0 =	sne.s32 s13, $0x0;
	s0 =	rddreg [dreg:$0x2]  }
0x26d: {  	s0 =	sadd.s32 @!p0 $0x100000, s0  }
0x26e: {  	[sflag:s0] =	ssyncadd.tile.s32 @!p0 $0x1;
	_ =	shalt  }
.LBB2_1:
.Ltmp3:
0x26f: {  	(pc) =	sbr.rel .LBB2_6-.Ltmp3, $2  }
0x270: {  	_ =	sdelay $0x2  }
0x271: {  	s1 =	rddreg [dreg:$0x18]  }
.LBB2_7:
.Ltmp4:
0x272: {  	(pc) =	sbr.rel .LBB2_6-.Ltmp4, $2  }
0x273: {  	_ =	sdelay $0x2  }
0x274: {  	s1 =	rddreg [dreg:$0x18];
	s13 =	stileid.u32  }
.Lfunc_end2:
_tile_overlayer_lowered:
.L_overlay_start_2:
0x275: {  	(tag) =	ssettag $0x2  }
0x276: {  	s0 =	rddreg [dreg:$0x0];
	s2 =	stileid.u32  }
0x277: {  	s1 =	rddreg [dreg:$0x1];
	p0 =	sne.s32 s2, $0x0  }
0x278: {  	s3 =	rddreg [dreg:$0x2];
	[bflag:$0x3] =	sbarrier.arrive $0xFFFF;
	s2 =	simm.s32 @!p0 $0x1C04  }
0x279: {  	[timem:s3], [sflag:s2] =	dma.local @!p0 [hbm:s0], s1  }
0x27a: {  	s0 =	simm.s32 @!p0 $0x4  }
0x27b: {  	_ =	swait.ge @!p0 [sflag:s0], s1  }
0x27c: {  	s1 =	ssub.s32 @!p0 $0x0, s1;
	[sflag:s0] =	ssyncset.done @!p0 $0x0  }
0x27d: {  	[sflag:s0] =	ssyncadd.s32 @!p0 s1  }
0x27e: {  	[bflag:$0x3] =	sbarrier.arrive $0xFFFF  }
0x27f: {  	_ =	shalt  }

// kernel: kernel.8.cloned.1.call-start
scs
__scs_entry_jumppad:
0x0: {  	(pc) =	sbr.rel $0x88, $3  }
0x1: {  	(tag) =	ssettag $0x0;
	lr =	simm.s32 $0x1  }
0x2: {  	[smem:$0x3F9B] =	sst lr;
	_ =	strace $0xD0000000  }
0x3: {  	_ = 	snop  }
0x4: {  	_ = 	snop  }
0x5: {  	_ = 	snop  }
0x6: {  	_ = 	snop  }
0x7: {  	_ = 	snop  }
__scs_overlays_trampoline_lowered:
0x8: {  	[smem:$0x3FAA] =	sst s0  }
0x9: {  	[smem:$0x3FAB] =	sst s1  }
0xa: {  	[smem:$0x3FAC] =	sst s2  }
0xb: {  	[smem:$0x3FAD] =	sst s3  }
0xc: {  	[smem:$0x3FAE] =	sst s4  }
0xd: {  	[smem:$0x3FAF] =	sst s5  }
0xe: {  	[smem:$0x3FB0] =	sst s6  }
0xf: {  	[smem:$0x3FB1] =	sst s7  }
0x10: {  	[smem:$0x3FB2] =	sst s8  }
0x11: {  	[smem:$0x3FB3] =	sst s9;
	s0 =	simm.s32 @!p0 $0x0  }
0x12: {  	s1 =	sld [smem:$0x3F99];
	s0 =	simm.s32 @p0 $0x1  }
0x13: {  	[smem:$0x3FB4] =	sst s0;
	s0 =	simm.s32 @!p1 $0x0  }
0x14: {  	s2 =	sld [smem:$0x3F98];
	s0 =	simm.s32 @p1 $0x1  }
0x15: {  	[smem:$0x3FB5] =	sst s0;
	s0 =	simm.s32 @!p2 $0x0  }
0x16: {  	s3 =	sld [smem:$0x3FDB];
	s0 =	simm.s32 @p2 $0x1  }
0x17: {  	s4 =	simm.s32 $0x1BF5;
	[smem:$0x3FB7] =	sst s0  }
0x18: {  	s0 =	sld [smem:$0x3F9A];
	_ =	swait.ge [sflag:s4], $0x0  }
0x19: {  	s7 =	sld [smem:$0x3F9B]  }
0x1a: {  	s8 =	sadd.s32 $0xFFFFE003, lr  }
0x1b: {  	s9 =	sadd.s32 $0xFFFFFEF7, lr;
	s5 =	simm.s32 $0xFFFFFFFF;
	p2 =	slt.u32 s8, $0xFFFFF086  }
0x1c: {  	p1 =	slt.u32 s9, $0xF7A;
	s5 =	simm.s32 @!p2 $0x0  }
0x1d: {  	s5 =	simm.s32 @p1 $0x1;
	p0 =	seq.s32 s7, s2  }
0x1e: {  	s7 =	smul.u32 @!p0 $0xF7A, s2;
	p2 =	seq.s32 @!p0 s5, $0x0  }
0x1f: {  	s9 =	smul.u32 $0xF7A, s1;
	s8 =	simm.s32 @!p0 $0x1BF5;
	p2 =	por !p2, p0  }
0x20: {  	[sflag:s8] =	ssyncset.s32 @!p0 $0xFFFFF086;
	s6 =	sadd.s32 @!p0 s3, s7;
	s7 =	simm.s32 @!p0 $0x108  }
0x21: {  	s3 =	sadd.s32 s3, s9;
	s6 =	sadd.s32 @!p0 $0x88, s6;
	s7 =	simm.s32 @p2 $0x1082  }
0x22: {  	[simem:s7], [sflag:s8] =	dma.local @!p0 [hbm:s6], $0xF7A  }
0x23: {  	s9 =	sor.u32 $0xD0000000, s2;
	s6 =	simm.s32 $0x108;
	_ =	swait.ge @!p0 [sflag:s8], $0x0  }
0x24: {  	s3 =	sadd.s32 $0x88, s3;
	s6 =	simm.s32 @!p1 $0x1082;
	[sflag:s4] =	ssyncset.s32 $0xFFFFF086  }
0x25: {  	[simem:s6], [sflag:s4] =	dma.local [hbm:s3], $0xF7A  }
0x26: {  	[smem:$0x3F9B] =	sst s1;
	(tag) =	ssettag s2;
	_ =	strace s9  }
0x27: {  	s1 =	sld [smem:$0x3FAB]  }
0x28: {  	s2 =	sld [smem:$0x3FAC]  }
0x29: {  	s4 =	sld [smem:$0x3FAE]  }
0x2a: {  	p0 =	seq.s32 s5, $0x0;
	s5 =	sld [smem:$0x3FAF]  }
0x2b: {  	s6 =	sld [smem:$0x3FB0]  }
0x2c: {  	s7 =	sld [smem:$0x3FB1]  }
0x2d: {  	s3 =	simm.s32 $0x108;
	s8 =	sld [smem:$0x3FB2]  }
0x2e: {  	s3 =	simm.s32 @!p0 $0x1082;
	s9 =	sld [smem:$0x3FB3]  }
0x2f: {  	lr =	sadd.s32 s0, s3;
	s0 =	sld [smem:$0x3FAA]  }
0x30: {  	s3 =	sld [smem:$0x3FAD]  }
0x31: {  	[smem:$0x3FB6] =	sst s10  }
0x32: {  	s10 =	sld [smem:$0x3FB4];
	_ =	sdelay $0x3  }
0x33: {  	p0 =	seq.s32 s10, $0x1;
	s10 =	sld [smem:$0x3FB6];
	_ =	sdelay $0x3  }
0x34: {  	[smem:$0x3FB6] =	sst s10  }
0x35: {  	s10 =	sld [smem:$0x3FB5];
	_ =	sdelay $0x3  }
0x36: {  	p1 =	seq.s32 s10, $0x1;
	s10 =	sld [smem:$0x3FB6];
	_ =	sdelay $0x3  }
0x37: {  	[smem:$0x3FB6] =	sst s10  }
0x38: {  	s10 =	sld [smem:$0x3FB7]  }
0x39: {  	_ = 	snop;
	(pc) =	sbr.ind lr, $3  }
0x3a: {  	_ = 	snop  }
0x3b: {  	_ = 	snop  }
0x3c: {  	p2 =	seq.s32 s10, $0x1;
	s10 =	sld [smem:$0x3FB6]  }
0x3d: {  	_ =	shalt  }
0x3e: {  	_ =	shalt  }
0x3f: {  	_ =	shalt  }
0x40: {  	_ =	shalt  }
0x41: {  	_ =	shalt  }
0x42: {  	_ =	shalt  }
0x43: {  	_ =	shalt  }
0x44: {  	_ =	shalt  }
0x45: {  	_ =	shalt  }
0x46: {  	_ =	shalt  }
0x47: {  	_ =	shalt  }
0x48: {  	_ =	shalt  }
0x49: {  	_ =	shalt  }
0x4a: {  	_ =	shalt  }
0x4b: {  	_ =	shalt  }
0x4c: {  	_ =	shalt  }
0x4d: {  	_ =	shalt  }
0x4e: {  	_ =	shalt  }
0x4f: {  	_ =	shalt  }
0x50: {  	_ =	shalt  }
0x51: {  	_ =	shalt  }
0x52: {  	_ =	shalt  }
0x53: {  	_ =	shalt  }
0x54: {  	_ =	shalt  }
0x55: {  	_ =	shalt  }
0x56: {  	_ =	shalt  }
0x57: {  	_ =	shalt  }
0x58: {  	_ =	shalt  }
0x59: {  	_ =	shalt  }
0x5a: {  	_ =	shalt  }
0x5b: {  	_ =	shalt  }
0x5c: {  	_ =	shalt  }
0x5d: {  	_ =	shalt  }
0x5e: {  	_ =	shalt  }
0x5f: {  	_ =	shalt  }
0x60: {  	_ =	shalt  }
0x61: {  	_ =	shalt  }
0x62: {  	_ =	shalt  }
0x63: {  	_ =	shalt  }
0x64: {  	_ =	shalt  }
0x65: {  	_ =	shalt  }
0x66: {  	_ =	shalt  }
0x67: {  	_ =	shalt  }
0x68: {  	_ =	shalt  }
0x69: {  	_ =	shalt  }
0x6a: {  	_ =	shalt  }
0x6b: {  	_ =	shalt  }
0x6c: {  	_ =	shalt  }
0x6d: {  	_ =	shalt  }
0x6e: {  	_ =	shalt  }
0x6f: {  	_ =	shalt  }
0x70: {  	_ =	shalt  }
0x71: {  	_ =	shalt  }
0x72: {  	_ =	shalt  }
0x73: {  	_ =	shalt  }
0x74: {  	_ =	shalt  }
0x75: {  	_ =	shalt  }
0x76: {  	_ =	shalt  }
0x77: {  	_ =	shalt  }
0x78: {  	_ =	shalt  }
0x79: {  	_ =	shalt  }
0x7a: {  	_ =	shalt  }
0x7b: {  	_ =	shalt  }
0x7c: {  	_ =	shalt  }
0x7d: {  	_ =	shalt  }
0x7e: {  	_ =	shalt  }
0x7f: {  	_ =	shalt  }
0x80: {  	_ =	shalt  }
0x81: {  	_ =	shalt  }
0x82: {  	_ =	shalt  }
0x83: {  	_ =	shalt  }
0x84: {  	_ =	shalt  }
0x85: {  	_ =	shalt  }
0x86: {  	_ =	shalt  }
0x87: {  	_ =	shalt  }
.Lfunc_end0:
.L_simem_size_0:
called_computation_lowered:
.L_overlay_start_0:
0x88: {  	s2 =	sld [smem:$0x3FD9]  }
0x89: {  	s3 =	sld [smem:$0x3FFE];
	_ =	sdelay $0x1  }
0x8a: {  	s1 =	srdreg.scid  }
0x8b: {  	s0 =	sand.u32 $0x1, s1  }
0x8c: {  	s17 =	sshll.u32 s0, $0xA;
	s2 =	sadd.s32 s3, s2  }
0x8d: {  	s2 =	sadd.s32 s2, s17  }
0x8e: {  	[smem:$0x3FC2] =	sst s2  }
0x8f: {  	_ = 	snop  }
0x90: {  	s2 =	sld [smem:$0x3FD0];
	(tm) =	ssettm $0x1  }
0x91: {  	s18 =	sld [smem:$0x3FFB];
	_ =	sdelay $0x3  }
0x92: {  	_ =	strace s18  }
0x93: {  	s3 =	sld [smem:$0x3FFC];
	_ =	sdelay $0x3  }
0x94: {  	_ =	strace s3  }
0x95: {  	s3 =	sld [smem:$0x3FFD];
	_ =	sdelay $0x3  }
0x96: {  	_ =	strace s3  }
0x97: {  	_ =	strace $0x8FFFFFFF  }
0x98: {  	s19 =	sld [smem:$0x3FDB];
	_ =	sdelay $0x1  }
0x99: {  	s4 =	simm.s32 $_scs_section_size  }
0x9a: {  	s5 =	simm.s32 $_size__tile_overlayer_lowered;
	s6 =	simm.s32 $_tile_overlayer_lowered  }
0x9b: {  	s22 =	simm.s32 $0x1BFF;
	s21 =	sshll.u32 s6, $0x1;
	s3 =	sadd.s32 s4, s19  }
0x9c: {  	s7 =	simm.s32 $0x0;
	s20 =	sshll.u32 s5, $0x1;
	s5 =	sadd.s32 s21, s3  }
0x9d: {  	[timem:s7], [sflag:s22] =	dma.local [hbm:s5], s20  }
0x9e: {  	_ =	swait.ge [sflag:s22], s20  }
0x9f: {  	s4 =	ssub.s32 $0x0, s20;
	[sflag:s22] =	ssyncset.done $0x0  }
0xa0: {  	[sflag:s22] =	ssyncadd.s32 s4;
	_ =	sdelay $0x1  }
0xa1: {  	s23 =	simm.s32 $0x1B8B  }
0xa2: {  	_ =	swait.ge [sflag:s23], $0x1  }
0xa3: {  	[sflag:s23] =	ssyncset.done $0x0  }
0xa4: {  	s25 =	simm.s32 $0x1B8E;
	s24 =	sld [smem:$0x3FFE];
	[sflag:s23] =	ssyncadd.s32 $0xFFFFFFFF  }
0xa5: {  	s26 =	simm.s32 $execute0_lowered;
	[smem:$0x3FD2] =	sst s25  }
0xa6: {  	s5 =	sshll.u32 s26, $0x1;
	_ =	strace $0x80000046;
	[dreg:$0x1] =	wrdreg $0xFFFFFFFF  }
0xa7: {  	s28 =	simm.s32 $_size_execute0_lowered;
	s3 =	sadd.s32 s3, s5;
	[dreg:$0x0] =	wrdreg $0x0  }
0xa8: {  	s5 =	sshll.u32 s28, $0x1;
	[dreg:$0x2] =	wrdreg s3  }
0xa9: {  	[dreg:$0x3] =	wrdreg s5  }
0xaa: {  	[dreg:$0x4] =	wrdreg $0xC0  }
0xab: {  	_ =	task [dreg:s7], $0x5FFFF  }
0xac: {  	[dreg:$0x1] =	wrdreg $0xFFFFFFFF  }
0xad: {  	[dreg:$0x0] =	wrdreg $0x60  }
0xae: {  	[dreg:$0x2] =	wrdreg s24  }
0xaf: {  	[dreg:$0x3] =	wrdreg s2  }
0xb0: {  	[dreg:$0x4] =	wrdreg $0x6D600  }
0xb1: {  	[dreg:$0x5] =	wrdreg $0x9  }
0xb2: {  	_ =	task.clear_ibuf [dreg:s7], $0x6FFFF;
	_ =	strace $0x90000046  }
0xb3: {  	s29 =	simm.s32 $0x9;
	_ =	strace $0x80000048  }
0xb4: {  	_ =	swait.ge [sflag:s29], $0x1  }
0xb5: {  	[sflag:s29] =	ssyncadd.s32 $0xFFFFFFFF  }
0xb6: {  	_ =	strace $0x90000048  }
0xb7: {  	_ =	sfence  }
0xb8: {  	s30 =	sld [smem:$0x0];
	_ =	sdelay $0x2  }
0xb9: {  	s31 =	sshll.u32 s1, $0xD;
	s1 =	sshrl.u32 s1, $0x2  }
0xba: {  	s3 =	sand.u32 $0x4000, s31;
	s1 =	sadd.s32 s1, s30  }
0xbb: {  	s0 =	sor.u32 s3, s0;
	s1 =	sshll.u32 s1, $0x11  }
0xbc: {  	s0 =	sor.u32 s1, s0  }
0xbd: {  	s0 =	sadd.s32 $0x8F2B, s0  }
0xbe: {  	[sflag:s0] =	ssyncadd.remote.s32 $0x1  }
0xbf: {  	_ =	sfence.sel $0xFFFF  }
0xc0: {  	[dreg:$0x0] =	wrdreg $0xFFFFFFFF;
	(pc) =	sbr.abs _section_cstart, $3  }
0xc1: {  	[dreg:$0x1] =	wrdreg $0xFFFFFFFF  }
0xc2: {  	_ =	task.clear_ibuf [dreg:s7], $0x2FFFF;
	_ =	strace $0x9FFFFFFF  }
0xc3: {  	(tm) =	ssettm $0x7FFFFFFF  }
tec
execute0_lowered:
.L_overlay_start_1:
0x0: {  	(tag) =	ssettag $0x1  }
0x1: {  	s0 =	rddreg [dreg:$0x0]  }
0x2: {  	s1 =	rddreg [dreg:$0x1]  }
0x3: {  	s2 =	rddreg [dreg:$0x2]  }
0x4: {  	s11 =	stileid.u32;
	s7 =	srdreg.scid  }
0x5: {  	s3 =	simm.s32 $0x0;
	s30 =	simm.s32 $0xFA0;
	s29 =	simm.s32 $0x1388  }
0x6: {  	s28 =	simm.s32 $0x1770;
	[dreg:$0x4] =	wrdreg s1;
	s5 =	smul.u32 $0x13C0, s11  }
0x7: {  	s6 =	sand.u32 $0x1, s7;
	s8 =	sshll.u32 s11, $0x1;
	[smem:$0x7FF] =	sst s3  }
0x8: {  	p0 =	por $0x0, $0x0;
	s1 =	sor.u32 s6, s8;
	_ =	strace $0x80000047  }
0x9: {  	s12 =	smul.u32 $0x13C00, s6;
	s6 =	ssub.s32 $0x2, s6;
	s7 =	sshrl.u32 s5, $0x3  }
0xa: {  	s4 =	smul.u32 $0x2710, s1;
	s1 =	sadd.s32 $0x2800, s0;
	s26 =	sshrl.u32 s6, $0x1  }
0xb: {  	s7 =	sadd.s32 s7, s0;
	s15 =	sadd.s32 s5, s12;
	s6 =	ssub.s32 s6, s26  }
0xc: {  	s12 =	sadd.s32 s5, s2;
	s7 =	sadd.s32 $0x16200, s7;
	s8 =	sshrl.u32 s4, $0x3  }
0xd: {  	s9 =	sadd.s32 $0x3E8, s4;
	s16 =	sadd.s32 $0xBB8, s4;
	s22 =	sadd.s32 $0x1388, s4  }
0xe: {  	s24 =	sadd.s32 $0x4F588, s4;
	s26 =	smax.u32 s6, $0x1;
	s6 =	simm.s32 $0x2  }
0xf: {  	[dreg:$0x5] =	wrdreg s7;
	s21 =	sadd.s32 s1, s8;
	s7 =	sshrl.u32 s9, $0x3  }
0x10: {  	s9 =	sadd.s32 $0x4E5E8, s4;
	s25 =	sshrl.u32 s24, $0x3;
	s24 =	sadd.s32 $0x50528, s4  }
0x11: {  	p1 =	sne.s32 s26, $0x1;
	s31 =	sadd.s32 $0xFFFFFFFF, s26;
	s8 =	sadd.s32 $0x9C40, s21  }
0x12: {  	s26 =	simm.s32 $0x1F40;
	s7 =	sadd.s32 s1, s7;
	[dreg:$0x6] =	wrdreg s8  }
0x13: {  	s10 =	sshrl.u32 s9, $0x3;
	s14 =	sadd.s32 $0xFA, s21;
	[dreg:$0x7] =	wrdreg s7  }
0x14: {  	s17 =	sadd.s32 $0x9D3A, s21;
	s20 =	sadd.s32 $0x1F4, s21;
	[dreg:$0x9] =	wrdreg s14  }
0x15: {  	s23 =	sadd.s32 $0x9E34, s21;
	s9 =	simm.s32 $0x4A38;
	[dreg:$0xa] =	wrdreg s17  }
0x16: {  	s13 =	sadd.s32 s1, s10;
	s7 =	sshrl.u32 s16, $0x3;
	[dreg:$0xd] =	wrdreg s20  }
0x17: {  	s10 =	sadd.s32 $0x4EDB8, s4;
	s8 =	sshrl.u32 s15, $0x3;
	[dreg:$0xe] =	wrdreg s23  }
0x18: {  	s14 =	sadd.s32 $0x9F2E, s21;
	s15 =	sadd.s32 $0x4FD58, s4;
	s17 =	sshll.u32 s11, $0x6  }
0x19: {  	s20 =	sadd.s32 $0x2328, s4;
	s11 =	simm.s32 $0x4650;
	[dreg:$0x8] =	wrdreg s13  }
0x1a: {  	s7 =	sadd.s32 s1, s7;
	s18 =	sshrl.u32 s10, $0x3;
	s0 =	sadd.s32 s8, s0  }
0x1b: {  	s8 =	sadd.s32 s1, s25;
	s10 =	sadd.s32 $0x2EE, s21;
	s13 =	sadd.s32 $0x1B58, s4  }
0x1c: {  	[dreg:$0x12] =	wrdreg s14;
	s16 =	sshrl.u32 s15, $0x3;
	s4 =	sor.u32 $0x1C02, s17  }
0x1d: {  	s25 =	sshrl.u32 s24, $0x3;
	s17 =	simm.s32 $0x2EE0;
	s15 =	simm.s32 $0x36B0  }
0x1e: {  	s14 =	simm.s32 $0x3A98;
	s24 =	simm.s32 $0x1B58;
	[dreg:$0xb] =	wrdreg s7  }
0x1f: {  	s19 =	sadd.s32 s1, s18;
	s7 =	sshrl.u32 s22, $0x3;
	[dreg:$0x10] =	wrdreg s8  }
0x20: {  	[dreg:$0x11] =	wrdreg s10;
	s5 =	sshrl.u32 s13, $0x3;
	s18 =	sadd.s32 s1, s16  }
0x21: {  	s22 =	sadd.s32 $0xA028, s21;
	s8 =	simm.s32 $0x3E8;
	[dreg:$0xc] =	wrdreg s19  }
0x22: {  	s16 =	simm.s32 $0x32C8;
	s13 =	simm.s32 $0x3E80;
	[dreg:$0x14] =	wrdreg s18  }
0x23: {  	s10 =	simm.s32 $0x4268;
	s7 =	sadd.s32 s1, s7;
	[dreg:$0x16] =	wrdreg s22  }
0x24: {  	s5 =	sadd.s32 s1, s5;
	s19 =	sadd.s32 $0x3E8, s21;
	[dreg:$0xf] =	wrdreg s7  }
.Ltmp0:
0x25: {  	s22 =	sadd.s32 s1, s25;
	[dreg:$0x13] =	wrdreg s5;
	(pc) =	sbr.rel @!p1 .LBB2_1-.Ltmp0, $4  }
0x26: {  	s18 =	simm.s32 $0x2AF8;
	s25 =	simm.s32 $0x2328;
	[dreg:$0x15] =	wrdreg s19  }
0x27: {  	s7 =	sshrl.u32 s20, $0x3;
	s5 =	sadd.s32 $0x18A00, s0;
	s19 =	simm.s32 $0x2710  }
0x28: {  	s20 =	simm.s32 $0x1;
	s0 =	rddreg [dreg:$0x5];
	s23 =	sadd.s32 s1, s7  }
0x29: {  	s7 =	sshrl.u32 s12, $0x3;
	s12 =	simm.s32 $0x4E20;
	[dreg:$0x17] =	wrdreg s23  }
0x2a: {  	[spmem:s7], [sflag:s4] =	dma.local [hbm:s0], $0x278  }
0x2b: {  	_ =	swait.ge [sflag:s6], $0x278  }
0x2c: {  	[sflag:s6] =	ssyncset.done $0x0  }
0x2d: {  	[sflag:s6] =	ssyncadd.s32 $0xFFFFFD88  }
0x2e: {  	[tilespmem:s3], [sflag:$0x1] =	stream.linear.gather [hbm4b:s21+s3], $0x3E8, $0x38;
	[tilespmem:$0x8120] =	vst v63  }
0x2f: {  	s23 =	rddreg [dreg:$0x6]  }
0x30: {  	[tilespmem:s19], [sflag:$0x1] =	stream.linear.gather [hbm4b:s23+s3], $0x3E8, $0x38;
	[tilespmem:$0x8120] =	vst v63  }
0x31: {  	s1 =	rddreg [dreg:$0x7]  }
0x32: {  	[tilespmem:s8], [sflag:$0x1] =	stream.linear.gather [hbm4b:s1+s3], $0x3E8, $0x38;
	[tilespmem:$0x8120] =	vst v63  }
0x33: {  	s23 =	rddreg [dreg:$0x8]  }
0x34: {  	[tilespmem:s18], [sflag:$0x1] =	stream.linear.gather [hbm4b:s23+s3], $0x3E8, $0x38;
	[tilespmem:$0x8120] =	vst v63  }
0x35: {  	s1 =	rddreg [dreg:$0x9];
	s23 =	simm.s32 $0x7D0  }
0x36: {  	[tilespmem:s23], [sflag:$0x1] =	stream.linear.gather [hbm4b:s1+s3], $0x3E8, $0x38;
	[tilespmem:$0x8120] =	vst v63  }
0x37: {  	s0 =	rddreg [dreg:$0xa]  }
0x38: {  	[tilespmem:s17], [sflag:$0x1] =	stream.linear.gather [hbm4b:s0+s3], $0x3E8, $0x38;
	[tilespmem:$0x8120] =	vst v63  }
0x39: {  	s1 =	rddreg [dreg:$0xb];
	s23 =	simm.s32 $0xBB8  }
0x3a: {  	[tilespmem:s23], [sflag:$0x1] =	stream.linear.gather [hbm4b:s1+s3], $0x3E8, $0x38;
	[tilespmem:$0x8120] =	vst v63  }
0x3b: {  	s0 =	rddreg [dreg:$0xc]  }
0x3c: {  	[tilespmem:s16], [sflag:$0x1] =	stream.linear.gather [hbm4b:s0+s3], $0x3E8, $0x38;
	[tilespmem:$0x8120] =	vst v63  }
0x3d: {  	s23 =	rddreg [dreg:$0xd]  }
0x3e: {  	[tilespmem:s30], [sflag:$0x1] =	stream.linear.gather [hbm4b:s23+s3], $0x3E8, $0x38;
	[tilespmem:$0x8120] =	vst v63  }
0x3f: {  	s0 =	rddreg [dreg:$0xe]  }
0x40: {  	[tilespmem:s15], [sflag:$0x1] =	stream.linear.gather [hbm4b:s0+s3], $0x3E8, $0x38;
	[tilespmem:$0x8120] =	vst v63  }
0x41: {  	s23 =	rddreg [dreg:$0xf]  }
0x42: {  	[tilespmem:s29], [sflag:$0x1] =	stream.linear.gather [hbm4b:s23+s3], $0x3E8, $0x38;
	[tilespmem:$0x8120] =	vst v63  }
0x43: {  	s0 =	rddreg [dreg:$0x10]  }
0x44: {  	[tilespmem:s14], [sflag:$0x1] =	stream.linear.gather [hbm4b:s0+s3], $0x3E8, $0x38;
	[tilespmem:$0x8120] =	vst v63  }
0x45: {  	s23 =	rddreg [dreg:$0x11]  }
0x46: {  	[tilespmem:s28], [sflag:$0x1] =	stream.linear.gather [hbm4b:s23+s3], $0x3E8, $0x38;
	[tilespmem:$0x8120] =	vst v63  }
0x47: {  	s0 =	rddreg [dreg:$0x12]  }
0x48: {  	[tilespmem:s13], [sflag:$0x1] =	stream.linear.gather [hbm4b:s0+s3], $0x3E8, $0x38;
	[tilespmem:$0x8120] =	vst v63  }
0x49: {  	s23 =	rddreg [dreg:$0x13]  }
0x4a: {  	[tilespmem:s24], [sflag:$0x1] =	stream.linear.gather [hbm4b:s23+s3], $0x3E8, $0x38;
	[tilespmem:$0x8120] =	vst v63  }
0x4b: {  	s0 =	rddreg [dreg:$0x14]  }
0x4c: {  	[tilespmem:s10], [sflag:$0x1] =	stream.linear.gather [hbm4b:s0+s3], $0x3E8, $0x38;
	[tilespmem:$0x8120] =	vst v63  }
0x4d: {  	s23 =	rddreg [dreg:$0x15]  }
0x4e: {  	[tilespmem:s26], [sflag:$0x1] =	stream.linear.gather [hbm4b:s23+s3], $0x3E8, $0x38;
	[tilespmem:$0x8120] =	vst v63  }
0x4f: {  	s0 =	rddreg [dreg:$0x16]  }
0x50: {  	[tilespmem:s11], [sflag:$0x1] =	stream.linear.gather [hbm4b:s0+s3], $0x3E8, $0x38;
	[tilespmem:$0x8120] =	vst v63  }
0x51: {  	s23 =	rddreg [dreg:$0x17]  }
0x52: {  	[tilespmem:s25], [sflag:$0x1] =	stream.linear.gather [hbm4b:s23+s3], $0x3E8, $0x38;
	[tilespmem:$0x8120] =	vst v63  }
0x53: {  	_ = 	snop  }
0x54: {  	[tilespmem:s9], [sflag:$0x1] =	stream.linear.gather [hbm4b:s22+s3], $0x3E8, $0x38;
	[tilespmem:$0x8120] =	vst v63  }
0x55: {  	_ =	swait.ge [sflag:s20], $0x3E8  }
0x56: {  	[sflag:s20] =	ssyncset.done $0x0  }
0x57: {  	[sflag:s20] =	ssyncadd.s32 $0xFFFFFC18  }
0x58: {  	_ =	swait.ge [sflag:s20], $0x3E8  }
0x59: {  	[sflag:s20] =	ssyncset.done $0x0  }
0x5a: {  	[sflag:s20] =	ssyncadd.s32 $0xFFFFFC18  }
0x5b: {  	_ =	swait.ge [sflag:s20], $0x3E8  }
0x5c: {  	[sflag:s20] =	ssyncset.done $0x0  }
0x5d: {  	[sflag:s20] =	ssyncadd.s32 $0xFFFFFC18  }
0x5e: {  	_ =	swait.ge [sflag:s20], $0x3E8  }
0x5f: {  	[sflag:s20] =	ssyncset.done $0x0  }
0x60: {  	[sflag:s20] =	ssyncadd.s32 $0xFFFFFC18  }
0x61: {  	_ =	swait.ge [sflag:s20], $0x3E8  }
0x62: {  	[sflag:s20] =	ssyncset.done $0x0  }
0x63: {  	[sflag:s20] =	ssyncadd.s32 $0xFFFFFC18  }
0x64: {  	_ =	swait.ge [sflag:s20], $0x3E8  }
0x65: {  	[sflag:s20] =	ssyncset.done $0x0  }
0x66: {  	[sflag:s20] =	ssyncadd.s32 $0xFFFFFC18  }
0x67: {  	_ =	swait.ge [sflag:s20], $0x3E8  }
0x68: {  	[sflag:s20] =	ssyncset.done $0x0  }
0x69: {  	[sflag:s20] =	ssyncadd.s32 $0xFFFFFC18  }
0x6a: {  	_ =	swait.ge [sflag:s20], $0x3E8  }
0x6b: {  	[sflag:s20] =	ssyncset.done $0x0  }
0x6c: {  	[sflag:s20] =	ssyncadd.s32 $0xFFFFFC18  }
0x6d: {  	_ =	swait.ge [sflag:s20], $0x3E8  }
0x6e: {  	[sflag:s20] =	ssyncset.done $0x0  }
0x6f: {  	[sflag:s20] =	ssyncadd.s32 $0xFFFFFC18  }
0x70: {  	_ =	swait.ge [sflag:s20], $0x3E8  }
0x71: {  	[sflag:s20] =	ssyncset.done $0x0  }
0x72: {  	[sflag:s20] =	ssyncadd.s32 $0xFFFFFC18  }
0x73: {  	_ =	swait.ge [sflag:s20], $0x3E8  }
0x74: {  	[sflag:s20] =	ssyncset.done $0x0  }
0x75: {  	[sflag:s20] =	ssyncadd.s32 $0xFFFFFC18  }
0x76: {  	_ =	swait.ge [sflag:s20], $0x3E8  }
0x77: {  	[sflag:s20] =	ssyncset.done $0x0  }
0x78: {  	[sflag:s20] =	ssyncadd.s32 $0xFFFFFC18  }
0x79: {  	_ =	swait.ge [sflag:s20], $0x3E8  }
0x7a: {  	[sflag:s20] =	ssyncset.done $0x0  }
0x7b: {  	[sflag:s20] =	ssyncadd.s32 $0xFFFFFC18  }
0x7c: {  	_ =	swait.ge [sflag:s20], $0x3E8  }
0x7d: {  	[sflag:s20] =	ssyncset.done $0x0  }
0x7e: {  	[sflag:s20] =	ssyncadd.s32 $0xFFFFFC18  }
0x7f: {  	_ =	swait.ge [sflag:s20], $0x3E8  }
0x80: {  	[sflag:s20] =	ssyncset.done $0x0  }
0x81: {  	[sflag:s20] =	ssyncadd.s32 $0xFFFFFC18  }
0x82: {  	_ =	swait.ge [sflag:s20], $0x3E8  }
0x83: {  	[sflag:s20] =	ssyncset.done $0x0  }
0x84: {  	[sflag:s20] =	ssyncadd.s32 $0xFFFFFC18  }
0x85: {  	_ =	swait.ge [sflag:s20], $0x3E8  }
0x86: {  	[sflag:s20] =	ssyncset.done $0x0  }
0x87: {  	[sflag:s20] =	ssyncadd.s32 $0xFFFFFC18  }
0x88: {  	_ =	swait.ge [sflag:s20], $0x3E8  }
0x89: {  	[sflag:s20] =	ssyncset.done $0x0  }
0x8a: {  	[sflag:s20] =	ssyncadd.s32 $0xFFFFFC18  }
0x8b: {  	_ =	swait.ge [sflag:s20], $0x3E8  }
0x8c: {  	[sflag:s20] =	ssyncset.done $0x0  }
0x8d: {  	[sflag:s20] =	ssyncadd.s32 $0xFFFFFC18  }
0x8e: {  	_ =	swait.ge [sflag:s20], $0x3E8  }
0x8f: {  	[sflag:s20] =	ssyncset.done $0x0  }
0x90: {  	s23 =	rddreg [dreg:$0x4];
	[sflag:s20] =	ssyncadd.s32 $0xFFFFFC18  }
0x91: {  	[tilespmem:s12], [sflag:$0x2] =	stream.linear.gather [hbm4b:s23+s3], $0x1F40, $0x38;
	[tilespmem:$0x8120] =	vst v63  }
0x92: {  	_ =	swait.ge [sflag:s6], $0x1F40  }
0x93: {  	[sflag:s6] =	ssyncset.done $0x0  }
0x94: {  	[sflag:s6] =	ssyncadd.s32 $0xFFFFE0C0  }
0x95: {  	[bflag:$0x0] =	sbarrier.arrive $0xFFFF  }
0x96: {  	[spmem:s2] =	stream.indirect.scatter.add.f32 [tilespmem:s12], [sflag:$0x2], $0x8, s19, s8, $0xb8;
	[tilespmem:$0x8120] =	vst v63  }
0x97: {  	_ =	swait.ge [sflag:s6], $0x1F40  }
0x98: {  	[sflag:s6] =	ssyncset.done $0x0  }
0x99: {  	[sflag:s6] =	ssyncadd.s32 $0xFFFFE0C0  }
0x9a: {  	[spmem:s2] =	stream.indirect.scatter.add.f32 [tilespmem:s12], [sflag:$0x2], $0x8, s18, s8, $0xb8;
	[tilespmem:$0x8120] =	vst v63  }
0x9b: {  	_ =	swait.ge [sflag:s6], $0x1F40  }
0x9c: {  	[sflag:s6] =	ssyncset.done $0x0  }
0x9d: {  	[sflag:s6] =	ssyncadd.s32 $0xFFFFE0C0  }
0x9e: {  	[spmem:s2] =	stream.indirect.scatter.add.f32 [tilespmem:s12], [sflag:$0x2], $0x8, s17, s8, $0xb8;
	[tilespmem:$0x8120] =	vst v63  }
0x9f: {  	_ =	swait.ge [sflag:s6], $0x1F40  }
0xa0: {  	[sflag:s6] =	ssyncset.done $0x0  }
0xa1: {  	[sflag:s6] =	ssyncadd.s32 $0xFFFFE0C0  }
0xa2: {  	[spmem:s2] =	stream.indirect.scatter.add.f32 [tilespmem:s12], [sflag:$0x2], $0x8, s16, s8, $0xb8;
	[tilespmem:$0x8120] =	vst v63  }
0xa3: {  	_ =	swait.ge [sflag:s6], $0x1F40  }
0xa4: {  	[sflag:s6] =	ssyncset.done $0x0  }
0xa5: {  	[sflag:s6] =	ssyncadd.s32 $0xFFFFE0C0  }
0xa6: {  	[spmem:s2] =	stream.indirect.scatter.add.f32 [tilespmem:s12], [sflag:$0x2], $0x8, s15, s8, $0xb8;
	[tilespmem:$0x8120] =	vst v63  }
0xa7: {  	_ =	swait.ge [sflag:s6], $0x1F40  }
0xa8: {  	[sflag:s6] =	ssyncset.done $0x0  }
0xa9: {  	[sflag:s6] =	ssyncadd.s32 $0xFFFFE0C0  }
0xaa: {  	[spmem:s2] =	stream.indirect.scatter.add.f32 [tilespmem:s12], [sflag:$0x2], $0x8, s14, s8, $0xb8;
	[tilespmem:$0x8120] =	vst v63  }
0xab: {  	_ =	swait.ge [sflag:s6], $0x1F40  }
0xac: {  	[sflag:s6] =	ssyncset.done $0x0  }
0xad: {  	[sflag:s6] =	ssyncadd.s32 $0xFFFFE0C0  }
0xae: {  	[spmem:s2] =	stream.indirect.scatter.add.f32 [tilespmem:s12], [sflag:$0x2], $0x8, s13, s8, $0xb8;
	[tilespmem:$0x8120] =	vst v63  }
0xaf: {  	_ =	swait.ge [sflag:s6], $0x1F40  }
0xb0: {  	[sflag:s6] =	ssyncset.done $0x0  }
0xb1: {  	[sflag:s6] =	ssyncadd.s32 $0xFFFFE0C0  }
0xb2: {  	[spmem:s2] =	stream.indirect.scatter.add.f32 [tilespmem:s12], [sflag:$0x2], $0x8, s10, s8, $0xb8;
	[tilespmem:$0x8120] =	vst v63  }
0xb3: {  	_ =	swait.ge [sflag:s6], $0x1F40  }
0xb4: {  	[sflag:s6] =	ssyncset.done $0x0  }
0xb5: {  	[sflag:s6] =	ssyncadd.s32 $0xFFFFE0C0  }
0xb6: {  	[spmem:s2] =	stream.indirect.scatter.add.f32 [tilespmem:s12], [sflag:$0x2], $0x8, s11, s8, $0xb8;
	[tilespmem:$0x8120] =	vst v63  }
0xb7: {  	_ =	swait.ge [sflag:s6], $0x1F40  }
0xb8: {  	[sflag:s6] =	ssyncset.done $0x0  }
0xb9: {  	[sflag:s6] =	ssyncadd.s32 $0xFFFFE0C0  }
0xba: {  	[spmem:s2] =	stream.indirect.scatter.add.f32 [tilespmem:s12], [sflag:$0x2], $0x8, s9, s8, $0xb8;
	[tilespmem:$0x8120] =	vst v63  }
0xbb: {  	_ =	swait.ge [sflag:s6], $0x1F40  }
0xbc: {  	p1 =	sne.s32 s31, $0x1;
	[sflag:s6] =	ssyncset.done $0x0  }
.Ltmp1:
0xbd: {  	[sflag:s6] =	ssyncadd.s32 $0xFFFFE0C0;
	(pc) =	sbr.rel @!p1 .LBB2_3-.Ltmp1, $4  }
0xbe: {  	[bflag:$0x0] =	sbarrier.arrive $0xFFFF  }
0xbf: {  	[hbm:s5], [sflag:s4] =	dma.local [spmem:s7], $0x278  }
0xc0: {  	p0 =	por $0x1, $0x1;
	_ =	swait.ge [sflag:s6], $0x278  }
0xc1: {  	s1 =	sadd.s32 $0xFFFFFFFF, s31;
	s0 =	rddreg [dreg:$0x5];
	[sflag:s6] =	ssyncset.done $0x0  }
.LBB2_4:
0xc2: {  	[sflag:s6] =	ssyncadd.s32 $0xFFFFFD88  }
0xc3: {  	[spmem:s7], [sflag:s4] =	dma.local [hbm:s0], $0x278  }
0xc4: {  	_ =	swait.ge [sflag:s6], $0x278  }
0xc5: {  	[sflag:s6] =	ssyncset.done $0x0  }
0xc6: {  	[sflag:s6] =	ssyncadd.s32 $0xFFFFFD88  }
0xc7: {  	[tilespmem:s3], [sflag:$0x1] =	stream.linear.gather [hbm4b:s21+s3], $0x3E8, $0x38;
	[tilespmem:$0x8120] =	vst v63  }
0xc8: {  	s31 =	rddreg [dreg:$0x6]  }
0xc9: {  	[tilespmem:s19], [sflag:$0x1] =	stream.linear.gather [hbm4b:s31+s3], $0x3E8, $0x38;
	[tilespmem:$0x8120] =	vst v63  }
0xca: {  	s23 =	rddreg [dreg:$0x7]  }
0xcb: {  	[tilespmem:s8], [sflag:$0x1] =	stream.linear.gather [hbm4b:s23+s3], $0x3E8, $0x38;
	[tilespmem:$0x8120] =	vst v63  }
0xcc: {  	s31 =	rddreg [dreg:$0x8]  }
0xcd: {  	[tilespmem:s18], [sflag:$0x1] =	stream.linear.gather [hbm4b:s31+s3], $0x3E8, $0x38;
	[tilespmem:$0x8120] =	vst v63  }
0xce: {  	s23 =	rddreg [dreg:$0x9];
	s31 =	simm.s32 $0x7D0  }
0xcf: {  	[tilespmem:s31], [sflag:$0x1] =	stream.linear.gather [hbm4b:s23+s3], $0x3E8, $0x38;
	[tilespmem:$0x8120] =	vst v63  }
0xd0: {  	s0 =	rddreg [dreg:$0xa]  }
0xd1: {  	[tilespmem:s17], [sflag:$0x1] =	stream.linear.gather [hbm4b:s0+s3], $0x3E8, $0x38;
	[tilespmem:$0x8120] =	vst v63  }
0xd2: {  	s23 =	rddreg [dreg:$0xb];
	s31 =	simm.s32 $0xBB8  }
0xd3: {  	[tilespmem:s31], [sflag:$0x1] =	stream.linear.gather [hbm4b:s23+s3], $0x3E8, $0x38;
	[tilespmem:$0x8120] =	vst v63  }
0xd4: {  	s0 =	rddreg [dreg:$0xc]  }
0xd5: {  	[tilespmem:s16], [sflag:$0x1] =	stream.linear.gather [hbm4b:s0+s3], $0x3E8, $0x38;
	[tilespmem:$0x8120] =	vst v63  }
0xd6: {  	s31 =	rddreg [dreg:$0xd]  }
0xd7: {  	[tilespmem:s30], [sflag:$0x1] =	stream.linear.gather [hbm4b:s31+s3], $0x3E8, $0x38;
	[tilespmem:$0x8120] =	vst v63  }
0xd8: {  	s0 =	rddreg [dreg:$0xe]  }
0xd9: {  	[tilespmem:s15], [sflag:$0x1] =	stream.linear.gather [hbm4b:s0+s3], $0x3E8, $0x38;
	[tilespmem:$0x8120] =	vst v63  }
0xda: {  	s31 =	rddreg [dreg:$0xf]  }
0xdb: {  	[tilespmem:s29], [sflag:$0x1] =	stream.linear.gather [hbm4b:s31+s3], $0x3E8, $0x38;
	[tilespmem:$0x8120] =	vst v63  }
0xdc: {  	s0 =	rddreg [dreg:$0x10]  }
0xdd: {  	[tilespmem:s14], [sflag:$0x1] =	stream.linear.gather [hbm4b:s0+s3], $0x3E8, $0x38;
	[tilespmem:$0x8120] =	vst v63  }
0xde: {  	s31 =	rddreg [dreg:$0x11]  }
0xdf: {  	[tilespmem:s28], [sflag:$0x1] =	stream.linear.gather [hbm4b:s31+s3], $0x3E8, $0x38;
	[tilespmem:$0x8120] =	vst v63  }
0xe0: {  	s0 =	rddreg [dreg:$0x12]  }
0xe1: {  	[tilespmem:s13], [sflag:$0x1] =	stream.linear.gather [hbm4b:s0+s3], $0x3E8, $0x38;
	[tilespmem:$0x8120] =	vst v63  }
0xe2: {  	s31 =	rddreg [dreg:$0x13]  }
0xe3: {  	[tilespmem:s24], [sflag:$0x1] =	stream.linear.gather [hbm4b:s31+s3], $0x3E8, $0x38;
	[tilespmem:$0x8120] =	vst v63  }
0xe4: {  	s0 =	rddreg [dreg:$0x14]  }
0xe5: {  	[tilespmem:s10], [sflag:$0x1] =	stream.linear.gather [hbm4b:s0+s3], $0x3E8, $0x38;
	[tilespmem:$0x8120] =	vst v63  }
0xe6: {  	s31 =	rddreg [dreg:$0x15]  }
0xe7: {  	[tilespmem:s26], [sflag:$0x1] =	stream.linear.gather [hbm4b:s31+s3], $0x3E8, $0x38;
	[tilespmem:$0x8120] =	vst v63  }
0xe8: {  	s0 =	rddreg [dreg:$0x16]  }
0xe9: {  	[tilespmem:s11], [sflag:$0x1] =	stream.linear.gather [hbm4b:s0+s3], $0x3E8, $0x38;
	[tilespmem:$0x8120] =	vst v63  }
0xea: {  	s31 =	rddreg [dreg:$0x17]  }
0xeb: {  	[tilespmem:s25], [sflag:$0x1] =	stream.linear.gather [hbm4b:s31+s3], $0x3E8, $0x38;
	[tilespmem:$0x8120] =	vst v63  }
0xec: {  	_ = 	snop  }
0xed: {  	[tilespmem:s9], [sflag:$0x1] =	stream.linear.gather [hbm4b:s22+s3], $0x3E8, $0x38;
	[tilespmem:$0x8120] =	vst v63  }
0xee: {  	_ =	swait.ge [sflag:s20], $0x3E8  }
0xef: {  	[sflag:s20] =	ssyncset.done $0x0  }
0xf0: {  	[sflag:s20] =	ssyncadd.s32 $0xFFFFFC18  }
0xf1: {  	_ =	swait.ge [sflag:s20], $0x3E8  }
0xf2: {  	[sflag:s20] =	ssyncset.done $0x0  }
0xf3: {  	[sflag:s20] =	ssyncadd.s32 $0xFFFFFC18  }
0xf4: {  	_ =	swait.ge [sflag:s20], $0x3E8  }
0xf5: {  	[sflag:s20] =	ssyncset.done $0x0  }
0xf6: {  	[sflag:s20] =	ssyncadd.s32 $0xFFFFFC18  }
0xf7: {  	_ =	swait.ge [sflag:s20], $0x3E8  }
0xf8: {  	[sflag:s20] =	ssyncset.done $0x0  }
0xf9: {  	[sflag:s20] =	ssyncadd.s32 $0xFFFFFC18  }
0xfa: {  	_ =	swait.ge [sflag:s20], $0x3E8  }
0xfb: {  	[sflag:s20] =	ssyncset.done $0x0  }
0xfc: {  	[sflag:s20] =	ssyncadd.s32 $0xFFFFFC18  }
0xfd: {  	_ =	swait.ge [sflag:s20], $0x3E8  }
0xfe: {  	[sflag:s20] =	ssyncset.done $0x0  }
0xff: {  	[sflag:s20] =	ssyncadd.s32 $0xFFFFFC18  }
0x100: {  	_ =	swait.ge [sflag:s20], $0x3E8  }
0x101: {  	[sflag:s20] =	ssyncset.done $0x0  }
0x102: {  	[sflag:s20] =	ssyncadd.s32 $0xFFFFFC18  }
0x103: {  	_ =	swait.ge [sflag:s20], $0x3E8  }
0x104: {  	[sflag:s20] =	ssyncset.done $0x0  }
0x105: {  	[sflag:s20] =	ssyncadd.s32 $0xFFFFFC18  }
0x106: {  	_ =	swait.ge [sflag:s20], $0x3E8  }
0x107: {  	[sflag:s20] =	ssyncset.done $0x0  }
0x108: {  	[sflag:s20] =	ssyncadd.s32 $0xFFFFFC18  }
0x109: {  	_ =	swait.ge [sflag:s20], $0x3E8  }
0x10a: {  	[sflag:s20] =	ssyncset.done $0x0  }
0x10b: {  	[sflag:s20] =	ssyncadd.s32 $0xFFFFFC18  }
0x10c: {  	_ =	swait.ge [sflag:s20], $0x3E8  }
0x10d: {  	[sflag:s20] =	ssyncset.done $0x0  }
0x10e: {  	[sflag:s20] =	ssyncadd.s32 $0xFFFFFC18  }
0x10f: {  	_ =	swait.ge [sflag:s20], $0x3E8  }
0x110: {  	[sflag:s20] =	ssyncset.done $0x0  }
0x111: {  	[sflag:s20] =	ssyncadd.s32 $0xFFFFFC18  }
0x112: {  	_ =	swait.ge [sflag:s20], $0x3E8  }
0x113: {  	[sflag:s20] =	ssyncset.done $0x0  }
0x114: {  	[sflag:s20] =	ssyncadd.s32 $0xFFFFFC18  }
0x115: {  	_ =	swait.ge [sflag:s20], $0x3E8  }
0x116: {  	[sflag:s20] =	ssyncset.done $0x0  }
0x117: {  	[sflag:s20] =	ssyncadd.s32 $0xFFFFFC18  }
0x118: {  	_ =	swait.ge [sflag:s20], $0x3E8  }
0x119: {  	[sflag:s20] =	ssyncset.done $0x0  }
0x11a: {  	[sflag:s20] =	ssyncadd.s32 $0xFFFFFC18  }
0x11b: {  	_ =	swait.ge [sflag:s20], $0x3E8  }
0x11c: {  	[sflag:s20] =	ssyncset.done $0x0  }
0x11d: {  	[sflag:s20] =	ssyncadd.s32 $0xFFFFFC18  }
0x11e: {  	_ =	swait.ge [sflag:s20], $0x3E8  }
0x11f: {  	[sflag:s20] =	ssyncset.done $0x0  }
0x120: {  	[sflag:s20] =	ssyncadd.s32 $0xFFFFFC18  }
0x121: {  	_ =	swait.ge [sflag:s20], $0x3E8  }
0x122: {  	[sflag:s20] =	ssyncset.done $0x0  }
0x123: {  	[sflag:s20] =	ssyncadd.s32 $0xFFFFFC18  }
0x124: {  	_ =	swait.ge [sflag:s20], $0x3E8  }
0x125: {  	[sflag:s20] =	ssyncset.done $0x0  }
0x126: {  	[sflag:s20] =	ssyncadd.s32 $0xFFFFFC18  }
0x127: {  	_ =	swait.ge [sflag:s20], $0x3E8  }
0x128: {  	[sflag:s20] =	ssyncset.done $0x0  }
0x129: {  	s31 =	rddreg [dreg:$0x4];
	[sflag:s20] =	ssyncadd.s32 $0xFFFFFC18  }
0x12a: {  	[tilespmem:s12], [sflag:$0x2] =	stream.linear.gather [hbm4b:s31+s3], $0x1F40, $0x38;
	[tilespmem:$0x8120] =	vst v63  }
0x12b: {  	_ =	swait.ge [sflag:s6], $0x1F40  }
0x12c: {  	[sflag:s6] =	ssyncset.done $0x0  }
0x12d: {  	[sflag:s6] =	ssyncadd.s32 $0xFFFFE0C0  }
0x12e: {  	[bflag:$0x0] =	sbarrier.arrive $0xFFFF  }
0x12f: {  	[spmem:s2] =	stream.indirect.scatter.add.f32 [tilespmem:s12], [sflag:$0x2], $0x8, s19, s8, $0xb8;
	[tilespmem:$0x8120] =	vst v63  }
0x130: {  	_ =	swait.ge [sflag:s6], $0x1F40  }
0x131: {  	[sflag:s6] =	ssyncset.done $0x0  }
0x132: {  	[sflag:s6] =	ssyncadd.s32 $0xFFFFE0C0  }
0x133: {  	[spmem:s2] =	stream.indirect.scatter.add.f32 [tilespmem:s12], [sflag:$0x2], $0x8, s18, s8, $0xb8;
	[tilespmem:$0x8120] =	vst v63  }
0x134: {  	_ =	swait.ge [sflag:s6], $0x1F40  }
0x135: {  	[sflag:s6] =	ssyncset.done $0x0  }
0x136: {  	[sflag:s6] =	ssyncadd.s32 $0xFFFFE0C0  }
0x137: {  	[spmem:s2] =	stream.indirect.scatter.add.f32 [tilespmem:s12], [sflag:$0x2], $0x8, s17, s8, $0xb8;
	[tilespmem:$0x8120] =	vst v63  }
0x138: {  	_ =	swait.ge [sflag:s6], $0x1F40  }
0x139: {  	[sflag:s6] =	ssyncset.done $0x0  }
0x13a: {  	[sflag:s6] =	ssyncadd.s32 $0xFFFFE0C0  }
0x13b: {  	[spmem:s2] =	stream.indirect.scatter.add.f32 [tilespmem:s12], [sflag:$0x2], $0x8, s16, s8, $0xb8;
	[tilespmem:$0x8120] =	vst v63  }
0x13c: {  	_ =	swait.ge [sflag:s6], $0x1F40  }
0x13d: {  	[sflag:s6] =	ssyncset.done $0x0  }
0x13e: {  	[sflag:s6] =	ssyncadd.s32 $0xFFFFE0C0  }
0x13f: {  	[spmem:s2] =	stream.indirect.scatter.add.f32 [tilespmem:s12], [sflag:$0x2], $0x8, s15, s8, $0xb8;
	[tilespmem:$0x8120] =	vst v63  }
0x140: {  	_ =	swait.ge [sflag:s6], $0x1F40  }
0x141: {  	[sflag:s6] =	ssyncset.done $0x0  }
0x142: {  	[sflag:s6] =	ssyncadd.s32 $0xFFFFE0C0  }
0x143: {  	[spmem:s2] =	stream.indirect.scatter.add.f32 [tilespmem:s12], [sflag:$0x2], $0x8, s14, s8, $0xb8;
	[tilespmem:$0x8120] =	vst v63  }
0x144: {  	_ =	swait.ge [sflag:s6], $0x1F40  }
0x145: {  	[sflag:s6] =	ssyncset.done $0x0  }
0x146: {  	[sflag:s6] =	ssyncadd.s32 $0xFFFFE0C0  }
0x147: {  	[spmem:s2] =	stream.indirect.scatter.add.f32 [tilespmem:s12], [sflag:$0x2], $0x8, s13, s8, $0xb8;
	[tilespmem:$0x8120] =	vst v63  }
0x148: {  	_ =	swait.ge [sflag:s6], $0x1F40  }
0x149: {  	[sflag:s6] =	ssyncset.done $0x0  }
0x14a: {  	[sflag:s6] =	ssyncadd.s32 $0xFFFFE0C0  }
0x14b: {  	[spmem:s2] =	stream.indirect.scatter.add.f32 [tilespmem:s12], [sflag:$0x2], $0x8, s10, s8, $0xb8;
	[tilespmem:$0x8120] =	vst v63  }
0x14c: {  	_ =	swait.ge [sflag:s6], $0x1F40  }
0x14d: {  	[sflag:s6] =	ssyncset.done $0x0  }
0x14e: {  	[sflag:s6] =	ssyncadd.s32 $0xFFFFE0C0  }
0x14f: {  	[spmem:s2] =	stream.indirect.scatter.add.f32 [tilespmem:s12], [sflag:$0x2], $0x8, s11, s8, $0xb8;
	[tilespmem:$0x8120] =	vst v63  }
0x150: {  	_ =	swait.ge [sflag:s6], $0x1F40  }
0x151: {  	[sflag:s6] =	ssyncset.done $0x0  }
0x152: {  	[sflag:s6] =	ssyncadd.s32 $0xFFFFE0C0  }
0x153: {  	[spmem:s2] =	stream.indirect.scatter.add.f32 [tilespmem:s12], [sflag:$0x2], $0x8, s9, s8, $0xb8;
	[tilespmem:$0x8120] =	vst v63  }
0x154: {  	_ =	swait.ge [sflag:s6], $0x1F40  }
0x155: {  	p1 =	sne.s32 s1, $0x1;
	[sflag:s6] =	ssyncset.done $0x0  }
.Ltmp2:
0x156: {  	[sflag:s6] =	ssyncadd.s32 $0xFFFFE0C0;
	(pc) =	sbr.rel @p1 .LBB2_4-.Ltmp2, $4  }
0x157: {  	[bflag:$0x0] =	sbarrier.arrive $0xFFFF  }
0x158: {  	[hbm:s5], [sflag:s4] =	dma.local [spmem:s7], $0x278  }
0x159: {  	_ =	swait.ge [sflag:s6], $0x278  }
0x15a: {  	s1 =	sadd.s32 $0xFFFFFFFF, s1;
	s0 =	rddreg [dreg:$0x5];
	[sflag:s6] =	ssyncset.done $0x0  }
0x15b: {  	s23 =	simm.s32 $0x7D0;
	s31 =	simm.s32 $0xBB8  }
0x15c: {  	s30 =	simm.s32 $0xFA0;
	s29 =	simm.s32 $0x1388;
	s28 =	simm.s32 $0x1770  }
0x15d: {  	s26 =	simm.s32 $0x1F40;
	s25 =	simm.s32 $0x2328;
	s24 =	simm.s32 $0x1B58  }
.LBB2_6:
0x15e: {  	[sflag:s6] =	ssyncadd.s32 @p0 $0xFFFFFD88  }
0x15f: {  	[spmem:s7], [sflag:s4] =	dma.local [hbm:s0], $0x278  }
0x160: {  	_ =	swait.ge [sflag:s6], $0x278  }
0x161: {  	[sflag:s6] =	ssyncset.done $0x0  }
0x162: {  	[sflag:s6] =	ssyncadd.s32 $0xFFFFFD88  }
0x163: {  	[tilespmem:s3], [sflag:$0x1] =	stream.linear.gather [hbm4b:s21+s3], $0x3E8, $0x38;
	[tilespmem:$0x8120] =	vst v63  }
0x164: {  	s0 =	rddreg [dreg:$0x6]  }
0x165: {  	[tilespmem:s19], [sflag:$0x1] =	stream.linear.gather [hbm4b:s0+s3], $0x3E8, $0x38;
	[tilespmem:$0x8120] =	vst v63  }
0x166: {  	s1 =	rddreg [dreg:$0x7]  }
0x167: {  	[tilespmem:s8], [sflag:$0x1] =	stream.linear.gather [hbm4b:s1+s3], $0x3E8, $0x38;
	[tilespmem:$0x8120] =	vst v63  }
0x168: {  	s21 =	rddreg [dreg:$0x8]  }
0x169: {  	[tilespmem:s18], [sflag:$0x1] =	stream.linear.gather [hbm4b:s21+s3], $0x3E8, $0x38;
	[tilespmem:$0x8120] =	vst v63  }
0x16a: {  	s1 =	rddreg [dreg:$0x9]  }
0x16b: {  	[tilespmem:s23], [sflag:$0x1] =	stream.linear.gather [hbm4b:s1+s3], $0x3E8, $0x38;
	[tilespmem:$0x8120] =	vst v63  }
0x16c: {  	s21 =	rddreg [dreg:$0xa]  }
0x16d: {  	[tilespmem:s17], [sflag:$0x1] =	stream.linear.gather [hbm4b:s21+s3], $0x3E8, $0x38;
	[tilespmem:$0x8120] =	vst v63  }
0x16e: {  	s23 =	rddreg [dreg:$0xb]  }
0x16f: {  	[tilespmem:s31], [sflag:$0x1] =	stream.linear.gather [hbm4b:s23+s3], $0x3E8, $0x38;
	[tilespmem:$0x8120] =	vst v63  }
0x170: {  	s21 =	rddreg [dreg:$0xc]  }
0x171: {  	[tilespmem:s16], [sflag:$0x1] =	stream.linear.gather [hbm4b:s21+s3], $0x3E8, $0x38;
	[tilespmem:$0x8120] =	vst v63  }
0x172: {  	s23 =	rddreg [dreg:$0xd]  }
0x173: {  	[tilespmem:s30], [sflag:$0x1] =	stream.linear.gather [hbm4b:s23+s3], $0x3E8, $0x38;
	[tilespmem:$0x8120] =	vst v63  }
0x174: {  	s31 =	rddreg [dreg:$0xe]  }
0x175: {  	[tilespmem:s15], [sflag:$0x1] =	stream.linear.gather [hbm4b:s31+s3], $0x3E8, $0x38;
	[tilespmem:$0x8120] =	vst v63  }
0x176: {  	s21 =	rddreg [dreg:$0xf]  }
0x177: {  	[tilespmem:s29], [sflag:$0x1] =	stream.linear.gather [hbm4b:s21+s3], $0x3E8, $0x38;
	[tilespmem:$0x8120] =	vst v63  }
0x178: {  	s23 =	rddreg [dreg:$0x10]  }
0x179: {  	[tilespmem:s14], [sflag:$0x1] =	stream.linear.gather [hbm4b:s23+s3], $0x3E8, $0x38;
	[tilespmem:$0x8120] =	vst v63  }
0x17a: {  	s30 =	rddreg [dreg:$0x11]  }
0x17b: {  	[tilespmem:s28], [sflag:$0x1] =	stream.linear.gather [hbm4b:s30+s3], $0x3E8, $0x38;
	[tilespmem:$0x8120] =	vst v63  }
0x17c: {  	s31 =	rddreg [dreg:$0x12]  }
0x17d: {  	[tilespmem:s13], [sflag:$0x1] =	stream.linear.gather [hbm4b:s31+s3], $0x3E8, $0x38;
	[tilespmem:$0x8120] =	vst v63  }
0x17e: {  	s21 =	rddreg [dreg:$0x13]  }
0x17f: {  	[tilespmem:s24], [sflag:$0x1] =	stream.linear.gather [hbm4b:s21+s3], $0x3E8, $0x38;
	[tilespmem:$0x8120] =	vst v63  }
0x180: {  	s23 =	rddreg [dreg:$0x14]  }
0x181: {  	[tilespmem:s10], [sflag:$0x1] =	stream.linear.gather [hbm4b:s23+s3], $0x3E8, $0x38;
	[tilespmem:$0x8120] =	vst v63  }
0x182: {  	s24 =	rddreg [dreg:$0x15]  }
0x183: {  	[tilespmem:s26], [sflag:$0x1] =	stream.linear.gather [hbm4b:s24+s3], $0x3E8, $0x38;
	[tilespmem:$0x8120] =	vst v63  }
0x184: {  	s28 =	rddreg [dreg:$0x16]  }
0x185: {  	[tilespmem:s11], [sflag:$0x1] =	stream.linear.gather [hbm4b:s28+s3], $0x3E8, $0x38;
	[tilespmem:$0x8120] =	vst v63  }
0x186: {  	s29 =	rddreg [dreg:$0x17]  }
0x187: {  	[tilespmem:s25], [sflag:$0x1] =	stream.linear.gather [hbm4b:s29+s3], $0x3E8, $0x38;
	[tilespmem:$0x8120] =	vst v63  }
0x188: {  	_ = 	snop  }
0x189: {  	[tilespmem:s9], [sflag:$0x1] =	stream.linear.gather [hbm4b:s22+s3], $0x3E8, $0x38;
	[tilespmem:$0x8120] =	vst v63  }
0x18a: {  	_ =	swait.ge [sflag:s20], $0x3E8  }
0x18b: {  	[sflag:s20] =	ssyncset.done $0x0  }
0x18c: {  	[sflag:s20] =	ssyncadd.s32 $0xFFFFFC18  }
0x18d: {  	_ =	swait.ge [sflag:s20], $0x3E8  }
0x18e: {  	[sflag:s20] =	ssyncset.done $0x0  }
0x18f: {  	[sflag:s20] =	ssyncadd.s32 $0xFFFFFC18  }
0x190: {  	_ =	swait.ge [sflag:s20], $0x3E8  }
0x191: {  	[sflag:s20] =	ssyncset.done $0x0  }
0x192: {  	[sflag:s20] =	ssyncadd.s32 $0xFFFFFC18  }
0x193: {  	_ =	swait.ge [sflag:s20], $0x3E8  }
0x194: {  	[sflag:s20] =	ssyncset.done $0x0  }
0x195: {  	[sflag:s20] =	ssyncadd.s32 $0xFFFFFC18  }
0x196: {  	_ =	swait.ge [sflag:s20], $0x3E8  }
0x197: {  	[sflag:s20] =	ssyncset.done $0x0  }
0x198: {  	[sflag:s20] =	ssyncadd.s32 $0xFFFFFC18  }
0x199: {  	_ =	swait.ge [sflag:s20], $0x3E8  }
0x19a: {  	[sflag:s20] =	ssyncset.done $0x0  }
0x19b: {  	[sflag:s20] =	ssyncadd.s32 $0xFFFFFC18  }
0x19c: {  	_ =	swait.ge [sflag:s20], $0x3E8  }
0x19d: {  	[sflag:s20] =	ssyncset.done $0x0  }
0x19e: {  	[sflag:s20] =	ssyncadd.s32 $0xFFFFFC18  }
0x19f: {  	_ =	swait.ge [sflag:s20], $0x3E8  }
0x1a0: {  	[sflag:s20] =	ssyncset.done $0x0  }
0x1a1: {  	[sflag:s20] =	ssyncadd.s32 $0xFFFFFC18  }
0x1a2: {  	_ =	swait.ge [sflag:s20], $0x3E8  }
0x1a3: {  	[sflag:s20] =	ssyncset.done $0x0  }
0x1a4: {  	[sflag:s20] =	ssyncadd.s32 $0xFFFFFC18  }
0x1a5: {  	_ =	swait.ge [sflag:s20], $0x3E8  }
0x1a6: {  	[sflag:s20] =	ssyncset.done $0x0  }
0x1a7: {  	[sflag:s20] =	ssyncadd.s32 $0xFFFFFC18  }
0x1a8: {  	_ =	swait.ge [sflag:s20], $0x3E8  }
0x1a9: {  	[sflag:s20] =	ssyncset.done $0x0  }
0x1aa: {  	[sflag:s20] =	ssyncadd.s32 $0xFFFFFC18  }
0x1ab: {  	_ =	swait.ge [sflag:s20], $0x3E8  }
0x1ac: {  	[sflag:s20] =	ssyncset.done $0x0  }
0x1ad: {  	[sflag:s20] =	ssyncadd.s32 $0xFFFFFC18  }
0x1ae: {  	_ =	swait.ge [sflag:s20], $0x3E8  }
0x1af: {  	[sflag:s20] =	ssyncset.done $0x0  }
0x1b0: {  	[sflag:s20] =	ssyncadd.s32 $0xFFFFFC18  }
0x1b1: {  	_ =	swait.ge [sflag:s20], $0x3E8  }
0x1b2: {  	[sflag:s20] =	ssyncset.done $0x0  }
0x1b3: {  	[sflag:s20] =	ssyncadd.s32 $0xFFFFFC18  }
0x1b4: {  	_ =	swait.ge [sflag:s20], $0x3E8  }
0x1b5: {  	[sflag:s20] =	ssyncset.done $0x0  }
0x1b6: {  	[sflag:s20] =	ssyncadd.s32 $0xFFFFFC18  }
0x1b7: {  	_ =	swait.ge [sflag:s20], $0x3E8  }
0x1b8: {  	[sflag:s20] =	ssyncset.done $0x0  }
0x1b9: {  	[sflag:s20] =	ssyncadd.s32 $0xFFFFFC18  }
0x1ba: {  	_ =	swait.ge [sflag:s20], $0x3E8  }
0x1bb: {  	[sflag:s20] =	ssyncset.done $0x0  }
0x1bc: {  	[sflag:s20] =	ssyncadd.s32 $0xFFFFFC18  }
0x1bd: {  	_ =	swait.ge [sflag:s20], $0x3E8  }
0x1be: {  	[sflag:s20] =	ssyncset.done $0x0  }
0x1bf: {  	[sflag:s20] =	ssyncadd.s32 $0xFFFFFC18  }
0x1c0: {  	_ =	swait.ge [sflag:s20], $0x3E8  }
0x1c1: {  	[sflag:s20] =	ssyncset.done $0x0  }
0x1c2: {  	[sflag:s20] =	ssyncadd.s32 $0xFFFFFC18  }
0x1c3: {  	_ =	swait.ge [sflag:s20], $0x3E8  }
0x1c4: {  	[sflag:s20] =	ssyncset.done $0x0  }
0x1c5: {  	s30 =	rddreg [dreg:$0x4];
	[sflag:s20] =	ssyncadd.s32 $0xFFFFFC18  }
0x1c6: {  	[tilespmem:s12], [sflag:$0x2] =	stream.linear.gather [hbm4b:s30+s3], $0x1F40, $0x38;
	[tilespmem:$0x8120] =	vst v63  }
0x1c7: {  	_ =	swait.ge [sflag:s6], $0x1F40  }
0x1c8: {  	[sflag:s6] =	ssyncset.done $0x0  }
0x1c9: {  	[sflag:s6] =	ssyncadd.s32 $0xFFFFE0C0  }
0x1ca: {  	[bflag:$0x0] =	sbarrier.arrive $0xFFFF  }
0x1cb: {  	[spmem:s2] =	stream.indirect.scatter.add.f32 [tilespmem:s12], [sflag:$0x2], $0x8, s19, s8, $0xb8;
	[tilespmem:$0x8120] =	vst v63  }
0x1cc: {  	_ =	swait.ge [sflag:s6], $0x1F40  }
0x1cd: {  	[sflag:s6] =	ssyncset.done $0x0  }
0x1ce: {  	[sflag:s6] =	ssyncadd.s32 $0xFFFFE0C0  }
0x1cf: {  	[spmem:s2] =	stream.indirect.scatter.add.f32 [tilespmem:s12], [sflag:$0x2], $0x8, s18, s8, $0xb8;
	[tilespmem:$0x8120] =	vst v63  }
0x1d0: {  	_ =	swait.ge [sflag:s6], $0x1F40  }
0x1d1: {  	[sflag:s6] =	ssyncset.done $0x0  }
0x1d2: {  	[sflag:s6] =	ssyncadd.s32 $0xFFFFE0C0  }
0x1d3: {  	[spmem:s2] =	stream.indirect.scatter.add.f32 [tilespmem:s12], [sflag:$0x2], $0x8, s17, s8, $0xb8;
	[tilespmem:$0x8120] =	vst v63  }
0x1d4: {  	_ =	swait.ge [sflag:s6], $0x1F40  }
0x1d5: {  	[sflag:s6] =	ssyncset.done $0x0  }
0x1d6: {  	[sflag:s6] =	ssyncadd.s32 $0xFFFFE0C0  }
0x1d7: {  	[spmem:s2] =	stream.indirect.scatter.add.f32 [tilespmem:s12], [sflag:$0x2], $0x8, s16, s8, $0xb8;
	[tilespmem:$0x8120] =	vst v63  }
0x1d8: {  	_ =	swait.ge [sflag:s6], $0x1F40  }
0x1d9: {  	[sflag:s6] =	ssyncset.done $0x0  }
0x1da: {  	[sflag:s6] =	ssyncadd.s32 $0xFFFFE0C0  }
0x1db: {  	[spmem:s2] =	stream.indirect.scatter.add.f32 [tilespmem:s12], [sflag:$0x2], $0x8, s15, s8, $0xb8;
	[tilespmem:$0x8120] =	vst v63  }
0x1dc: {  	_ =	swait.ge [sflag:s6], $0x1F40  }
0x1dd: {  	[sflag:s6] =	ssyncset.done $0x0  }
0x1de: {  	[sflag:s6] =	ssyncadd.s32 $0xFFFFE0C0  }
0x1df: {  	[spmem:s2] =	stream.indirect.scatter.add.f32 [tilespmem:s12], [sflag:$0x2], $0x8, s14, s8, $0xb8;
	[tilespmem:$0x8120] =	vst v63  }
0x1e0: {  	_ =	swait.ge [sflag:s6], $0x1F40  }
0x1e1: {  	[sflag:s6] =	ssyncset.done $0x0  }
0x1e2: {  	[sflag:s6] =	ssyncadd.s32 $0xFFFFE0C0  }
0x1e3: {  	[spmem:s2] =	stream.indirect.scatter.add.f32 [tilespmem:s12], [sflag:$0x2], $0x8, s13, s8, $0xb8;
	[tilespmem:$0x8120] =	vst v63  }
0x1e4: {  	_ =	swait.ge [sflag:s6], $0x1F40  }
0x1e5: {  	[sflag:s6] =	ssyncset.done $0x0  }
0x1e6: {  	[sflag:s6] =	ssyncadd.s32 $0xFFFFE0C0  }
0x1e7: {  	[spmem:s2] =	stream.indirect.scatter.add.f32 [tilespmem:s12], [sflag:$0x2], $0x8, s10, s8, $0xb8;
	[tilespmem:$0x8120] =	vst v63  }
0x1e8: {  	_ =	swait.ge [sflag:s6], $0x1F40  }
0x1e9: {  	[sflag:s6] =	ssyncset.done $0x0  }
0x1ea: {  	[sflag:s6] =	ssyncadd.s32 $0xFFFFE0C0  }
0x1eb: {  	[spmem:s2] =	stream.indirect.scatter.add.f32 [tilespmem:s12], [sflag:$0x2], $0x8, s11, s8, $0xb8;
	[tilespmem:$0x8120] =	vst v63  }
0x1ec: {  	_ =	swait.ge [sflag:s6], $0x1F40  }
0x1ed: {  	[sflag:s6] =	ssyncset.done $0x0  }
0x1ee: {  	[sflag:s6] =	ssyncadd.s32 $0xFFFFE0C0  }
0x1ef: {  	[spmem:s2] =	stream.indirect.scatter.add.f32 [tilespmem:s12], [sflag:$0x2], $0x8, s9, s8, $0xb8;
	[tilespmem:$0x8120] =	vst v63  }
0x1f0: {  	_ =	swait.ge [sflag:s6], $0x1F40  }
0x1f1: {  	[sflag:s6] =	ssyncset.done $0x0  }
0x1f2: {  	[sflag:s6] =	ssyncadd.s32 $0xFFFFE0C0  }
0x1f3: {  	[bflag:$0x0] =	sbarrier.arrive $0xFFFF  }
0x1f4: {  	[hbm:s5], [sflag:s4] =	dma.local [spmem:s7], $0x278  }
0x1f5: {  	_ =	swait.ge [sflag:s6], $0x278  }
0x1f6: {  	[sflag:s6] =	ssyncset.done $0x0  }
0x1f7: {  	[sflag:s6] =	ssyncadd.s32 $0xFFFFFD88  }
0x1f8: {  	_ =	sfence.sel $0x180000  }
0x1f9: {  	[bflag:$0x0] =	sbarrier.arrive $0xFFFF  }
0x1fa: {  	_ =	strace $0x90000047  }
0x1fb: {  	s31 =	stileid.u32;
	[bflag:$0x2] =	sbarrier.arrive $0xFFFF  }
0x1fc: {  	p0 =	sne.s32 s31, $0x0;
	s0 =	rddreg [dreg:$0x3]  }
0x1fd: {  	s0 =	sadd.s32 @!p0 $0x100000, s0  }
0x1fe: {  	[sflag:s0] =	ssyncadd.tile.s32 @!p0 $0x1;
	_ =	shalt  }
.LBB2_1:
.Ltmp3:
0x1ff: {  	(pc) =	sbr.rel .LBB2_6-.Ltmp3, $4  }
0x200: {  	_ = 	snop  }
0x201: {  	s23 =	simm.s32 $0x7D0;
	s31 =	simm.s32 $0xBB8  }
0x202: {  	s30 =	simm.s32 $0xFA0;
	s29 =	simm.s32 $0x1388;
	s28 =	simm.s32 $0x1770  }
0x203: {  	s26 =	simm.s32 $0x1F40;
	s25 =	simm.s32 $0x2328;
	s24 =	simm.s32 $0x1B58  }
.LBB2_3:
.Ltmp4:
0x204: {  	(pc) =	sbr.rel .LBB2_6-.Ltmp4, $4  }
0x205: {  	_ = 	snop  }
0x206: {  	s23 =	simm.s32 $0x7D0;
	s31 =	simm.s32 $0xBB8  }
0x207: {  	s30 =	simm.s32 $0xFA0;
	s29 =	simm.s32 $0x1388;
	s28 =	simm.s32 $0x1770  }
0x208: {  	s26 =	simm.s32 $0x1F40;
	s25 =	simm.s32 $0x2328;
	s24 =	simm.s32 $0x1B58  }
.Lfunc_end2:
_tile_overlayer_lowered:
.L_overlay_start_2:
0x209: {  	(tag) =	ssettag $0x2  }
0x20a: {  	s0 =	rddreg [dreg:$0x0];
	s2 =	stileid.u32  }
0x20b: {  	s1 =	rddreg [dreg:$0x1];
	p0 =	sne.s32 s2, $0x0  }
0x20c: {  	s3 =	rddreg [dreg:$0x2];
	[bflag:$0x3] =	sbarrier.arrive $0xFFFF;
	s2 =	simm.s32 @!p0 $0x1C02  }
0x20d: {  	[timem:s3], [sflag:s2] =	dma.local @!p0 [hbm:s0], s1  }
0x20e: {  	s0 =	simm.s32 @!p0 $0x2  }
0x20f: {  	_ =	swait.ge @!p0 [sflag:s0], s1  }
0x210: {  	s1 =	ssub.s32 @!p0 $0x0, s1;
	[sflag:s0] =	ssyncset.done @!p0 $0x0  }
0x211: {  	[sflag:s0] =	ssyncadd.s32 @!p0 s1  }
0x212: {  	[bflag:$0x3] =	sbarrier.arrive $0xFFFF  }
0x213: {  	_ =	shalt  }

</sc_bundles>
